<compile_context>
chip_gen: v7x
topology: tpu7x:2x2x1
jax: 0.10.2.dev20260603
libtpu: 0.0.44.dev20260713+nightly
codegen_flags: <defaults>
</compile_context>

<pallas_src>
import functools

import jax
import jax.numpy as jnp
from jax import lax
from jax.experimental import pallas as pl
from jax.experimental.pallas import tpu as pltpu
from jax.experimental.pallas import tpu_sc as plsc

L = 16


def _rsqrt_pos(d):
    di = plsc.bitcast(d, jnp.int32)
    y = plsc.bitcast(jnp.int32(0x5F3759DF) - (di >> 1), jnp.float32)
    for _ in range(3):
        y = y * (1.5 - 0.5 * d * y * y)
    return jnp.where(d > 0.5, y, 0.0)


def _make_sc_energy(E, N, D):
    EPT = E // 16
    NCH = EPT // L
    NP = ((N + 255) // 256) * 256
    STRIPE = NP // 16
    SURV = EPT + L
    mesh = plsc.VectorSubcoreMesh(core_axis_name="c", subcore_axis_name="s")

    @functools.partial(
        pl.kernel,
        out_type=jax.ShapeDtypeStruct((32, L), jnp.float32),
        mesh=mesh,
        scratch_types=[
            pltpu.VMEM((EPT,), jnp.int32),
            pltpu.VMEM((EPT,), jnp.int32),
            pltpu.VMEM((N,), jnp.int32),
            pltpu.VMEM((NP,), jnp.float32),
            pltpu.VMEM((SURV,), jnp.int32),
            pltpu.VMEM((SURV,), jnp.int32),
            pltpu.VMEM((L, D), jnp.float32),
            pltpu.VMEM((L, D), jnp.float32),
            pltpu.VMEM((STRIPE,), jnp.float32),
            pltpu.VMEM((STRIPE,), jnp.float32),
            pltpu.VMEM((L,), jnp.float32),
            pltpu.VMEM_SHARED((17 * NP,), jnp.float32),
            pltpu.SemaphoreType.DMA,
            pltpu.SemaphoreType.DMA,
        ],
        compiler_params=pltpu.CompilerParams(needs_layout_passes=False),
    )
    def sc_energy(row_hbm, col_hbm, batch_hbm, x_hbm, out_hbm,
                  row_v, col_v, batch_v, deg_v, surv_r, surv_c,
                  xr_v, xc_v, tmp_v, acc_v, res_v,
                  sdeg, sem_r, sem_c):
        c = lax.axis_index("c")
        s = lax.axis_index("s")
        wid = s * 2 + c
        lane = lax.broadcasted_iota(jnp.int32, (L,), 0)
        zeros = jnp.zeros((L,), jnp.float32)
        ones = jnp.ones((L,), jnp.float32)
        izeros = jnp.zeros((L,), jnp.int32)

        cp0 = pltpu.async_copy(row_hbm.at[pl.ds(s * EPT, EPT)], row_v, sem_r)
        cp1 = pltpu.async_copy(col_hbm.at[pl.ds(s * EPT, EPT)], col_v, sem_c)
        cp0.wait()
        cp1.wait()
        pltpu.sync_copy(batch_hbm, batch_v)

        def zbody(i, _):
            deg_v[pl.ds(i * L, L)] = zeros
            return 0
        lax.fori_loop(0, NP // L, zbody, 0)

        def scan_body(i, cnt):
            rv = row_v[pl.ds(i * L, L)]
            cv = col_v[pl.ds(i * L, L)]
            br = plsc.load_gather(batch_v, [rv])
            bc = plsc.load_gather(batch_v, [cv])
            m = br == bc
            m32 = m.astype(jnp.int32)
            incl = jnp.cumsum(m32)
            pos = cnt + incl - m32
            plsc.store_scatter(surv_r, [pos], rv, mask=m)
            plsc.store_scatter(surv_c, [pos], cv, mask=m)
            return cnt + jnp.sum(m32)
        cnt = lax.fori_loop(0, NCH, scan_body, jnp.int32(0))
        plsc.store_scatter(surv_r, [cnt + lane], izeros)
        plsc.store_scatter(surv_c, [cnt + lane], izeros)
        nchunks = (cnt + (L - 1)) // L

        def deg_body(i, _):
            rv = surv_r[pl.ds(i * L, L)]
            valid = lane < (cnt - i * L)
            for l in range(L):
                plsc.addupdate_scatter(deg_v, [rv], ones,
                                       mask=valid & (lane == l))
            return 0
        lax.fori_loop(0, nchunks, deg_body, 0)

        pltpu.sync_copy(deg_v, sdeg.at[pl.ds(s * NP, NP)])
        plsc.subcore_barrier()
        for k in range(16):
            pltpu.sync_copy(sdeg.at[pl.ds(k * NP + s * STRIPE, STRIPE)], tmp_v)
            if k == 0:
                def cpy(j, _):
                    acc_v[pl.ds(j * L, L)] = tmp_v[pl.ds(j * L, L)]
                    return 0
                lax.fori_loop(0, STRIPE // L, cpy, 0)
            else:
                def addb(j, _):
                    acc_v[pl.ds(j * L, L)] = (acc_v[pl.ds(j * L, L)]
                                              + tmp_v[pl.ds(j * L, L)])
                    return 0
                lax.fori_loop(0, STRIPE // L, addb, 0)
        pltpu.sync_copy(acc_v, sdeg.at[pl.ds(16 * NP + s * STRIPE, STRIPE)])
        plsc.subcore_barrier()
        pltpu.sync_copy(sdeg.at[pl.ds(16 * NP, NP)], deg_v)

        n_my = (nchunks - c + 1) // 2
        res_v[...] = zeros

        def chunk_body(k, eacc):
            i = 2 * k + c
            rv = surv_r[pl.ds(i * L, L)]
            cv = surv_c[pl.ds(i * L, L)]
            gr = pltpu.async_copy(x_hbm.at[rv], xr_v, sem_r)
            gc = pltpu.async_copy(x_hbm.at[cv], xc_v, sem_c)
            gr.wait()
            gc.wait()

            izero = jnp.zeros((L,), jnp.int32)
            for r in range(L):
                eidx = izero + (i * L + r)
                r_u = plsc.load_gather(surv_r, [eidx])
                c_u = plsc.load_gather(surv_c, [eidx])
                dr_u = plsc.load_gather(deg_v, [r_u])
                dc_u = plsc.load_gather(deg_v, [c_u])
                nrm_r = _rsqrt_pos(dr_u) * _rsqrt_pos(dc_u)

                def fbody(fb, vacc):
                    a = xr_v[r, pl.ds(fb * L, L)]
                    b = xc_v[r, pl.ds(fb * L, L)]
                    d = a - b
                    return vacc + d * d
                vacc = lax.fori_loop(0, D // L, fbody, zeros)
                res_v[...] = res_v[...] + nrm_r * vacc
            return eacc

        lax.fori_loop(0, n_my, chunk_body, zeros)
        pltpu.sync_copy(res_v, out_hbm.at[wid])

    return sc_energy


def _combine_body(logits_ref, labels_ref, parts_ref, ng_ref, out_ref):
    lg = logits_ref[:, :]
    m = jnp.max(lg, axis=1, keepdims=True)
    lse = jnp.log(jnp.sum(jnp.exp(lg - m), axis=1, keepdims=True)) + m
    cols = lax.broadcasted_iota(jnp.int32, lg.shape, 1)
    pick = jnp.sum(jnp.where(cols == labels_ref[:, :], lg, 0.0), axis=1,
                   keepdims=True)
    ce = jnp.mean(lse - pick)
    energy = jnp.sum(parts_ref[:, :])
    ng = (ng_ref[0, 0] + 1).astype(jnp.float32)
    out_ref[0, 0] = ce + energy / ng


def kernel(logits, labels, x, edge_index, batch):
    E = edge_index.shape[1]
    N, D = x.shape
    row = edge_index[0].astype(jnp.int32)
    col = edge_index[1].astype(jnp.int32)
    b32 = batch.astype(jnp.int32)
    parts = _make_sc_energy(E, N, D)(row, col, b32, x)
    lab2 = labels.astype(jnp.int32).reshape(-1, 1)
    ngt = b32[-1:].reshape(1, 1)
    res = pl.pallas_call(
        _combine_body,
        out_shape=jax.ShapeDtypeStruct((1, 1), jnp.float32),
        in_specs=[
            pl.BlockSpec(memory_space=pltpu.VMEM),
            pl.BlockSpec(memory_space=pltpu.VMEM),
            pl.BlockSpec(memory_space=pltpu.VMEM),
            pl.BlockSpec(memory_space=pltpu.SMEM),
        ],
        out_specs=pl.BlockSpec(memory_space=pltpu.SMEM),
    )(logits, lab2, parts, ngt)
    return res[0, 0]

# --- scband reference (transcript-rebuilt; emitter-appended) ---
"""Pipeline reference for scband-gcodloss-4930622455851 (READ-ONLY COPY).

The authoritative reference and input builder live on the scoring server;
editing this copy changes nothing except your own understanding.
"""

import jax, jax.numpy as jnp
import numpy as np

LAMBDA_SMOOTHNESS = 1.0

def setup_inputs(seed: int = 0) -> dict:
    key = jax.random.key(seed)
    k1, k2, k3, k4, k5 = jax.random.split(key, 5)
    logits = jax.random.normal(k1, (128, 10), dtype=jnp.float32)
    labels = jax.random.randint(k2, (128,), 0, 10, dtype=jnp.int64)
    x = jax.random.normal(k3, (10000, 256), dtype=jnp.float32)
    edge_index = jax.random.randint(k4, (2, 160000), 0, 10000, dtype=jnp.int64)
    batch = jnp.sort(jax.random.randint(k5, (10000,), 0, 128, dtype=jnp.int64))
    return {"logits": logits, "labels": labels, "x": x, "edge_index": edge_index, "batch": batch}


def _cross_entropy(logits, labels):
    logp = jax.nn.log_softmax(logits, axis=-1)
    nll = -jnp.take_along_axis(logp, labels[:, None], axis=1)[:, 0]
    return jnp.mean(nll)


def _dirichlet_energy(x, edge_index, batch):
    # Vectorized equivalent of the per-graph loop: edges whose endpoints lie in
    # different graphs are masked out; per-graph local degrees equal global
    # degrees computed over the masked edge set.
    row = edge_index[0]
    col = edge_index[1]
    mask = (batch[row] == batch[col]).astype(x.dtype)
    n = x.shape[0]
    deg = jnp.zeros((n,), dtype=x.dtype).at[row].add(mask)
    deg_safe = jnp.where(deg > 0, deg, 1.0)
    deg_inv_sqrt = jnp.where(deg > 0, deg_safe ** -0.5, 0.0)
    norm = deg_inv_sqrt[row] * deg_inv_sqrt[col] * mask
    diff = x[row] - x[col]
    energy = jnp.sum(norm * jnp.sum(diff ** 2, axis=1))
    num_graphs = batch.max() + 1
    return energy / num_graphs.astype(x.dtype)


def reference(logits, labels, x, edge_index, batch):
    ce_loss = _cross_entropy(logits, labels)
    smoothness_loss = _dirichlet_energy(x, edge_index, batch)
    return ce_loss + LAMBDA_SMOOTHNESS * smoothness_loss

if __name__ == "__main__":
    import jax
    _d = setup_inputs()
    print(jax.jit(kernel)(*tuple(_d.values())))

</pallas_src>

<mosaic_0001>
#map = affine_map<(d0, d1) -> (0)>
#map1 = affine_map<(d0, d1) -> (0, 0)>
module attributes {stable_mosaic.version = 14 : i64} {
  func.func @sc_energy(%arg0: i32, %arg1: i32, %arg2: memref<160000xi32, #tpu.memory_space<hbm>>, %arg3: memref<160000xi32, #tpu.memory_space<hbm>>, %arg4: memref<10000xi32, #tpu.memory_space<hbm>>, %arg5: memref<10000x256xf32, #tpu.memory_space<hbm>>, %arg6: memref<32x16xf32, #tpu.memory_space<hbm>>, %arg7: memref<10000xi32, #tpu.memory_space<vmem>>, %arg8: memref<10000xi32, #tpu.memory_space<vmem>>, %arg9: memref<10000xi32, #tpu.memory_space<vmem>>, %arg10: memref<10240xf32, #tpu.memory_space<vmem>>, %arg11: memref<10016xi32, #tpu.memory_space<vmem>>, %arg12: memref<10016xi32, #tpu.memory_space<vmem>>, %arg13: memref<16x256xf32, #tpu.memory_space<vmem>>, %arg14: memref<16x256xf32, #tpu.memory_space<vmem>>, %arg15: memref<640xf32, #tpu.memory_space<vmem>>, %arg16: memref<640xf32, #tpu.memory_space<vmem>>, %arg17: memref<16xf32, #tpu.memory_space<vmem>>, %arg18: memref<174080xf32, #tpu.memory_space<vmem_shared>>, %arg19: memref<!tpu.dma_semaphore, #tpu.memory_space<semaphore_mem>>, %arg20: memref<!tpu.dma_semaphore, #tpu.memory_space<semaphore_mem>>) attributes {dimension_semantics = [#tpu.dimension_semantics<core_parallel>, #tpu.dimension_semantics<subcore_parallel>], iteration_bounds = array<i64: 2, 16>, scalar_prefetch = 0 : i64, scratch_operands = 14 : i64, tpu.core_type = #tpu.core_type<sc_vector_subcore>, window_params = [{transform_indices = #map}, {transform_indices = #map}, {transform_indices = #map}, {transform_indices = #map1}, {transform_indices = #map1}]} {
    %mul3A = arith.constant 2 : i32
    %mul3A_0 = arith.muli %arg1, %mul3A : i32
    %add3A = arith.addi %mul3A_0, %arg0 : i32
    %iota3A = tpu.iota {dimensions = array<i32: 0>} : vector<16xi32>
    %broadcast_in_dim3A = arith.constant 0.000000e+00 : f32
    %broadcast_in_dim3A_1 = vector.broadcast %broadcast_in_dim3A : f32 to vector<16xf32>
    %broadcast_in_dim3A_2 = arith.constant 1.000000e+00 : f32
    %broadcast_in_dim3A_3 = vector.broadcast %broadcast_in_dim3A_2 : f32 to vector<16xf32>
    %broadcast_in_dim3A_4 = arith.constant 0 : i32
    %broadcast_in_dim3A_5 = vector.broadcast %broadcast_in_dim3A_4 : i32 to vector<16xi32>
    %mul3A_6 = arith.constant 10000 : i32
    %mul3A_7 = arith.muli %arg1, %mul3A_6 : i32
    %dma_start3A = tpu.memref_slice %arg2[%mul3A_7] : memref<160000xi32, #tpu.memory_space<hbm>> -> memref<10000xi32, #tpu.memory_space<hbm>>
    %dma_start3A_8 = tpu.memref_slice %arg2[%mul3A_7] : memref<160000xi32, #tpu.memory_space<hbm>> -> memref<10000xi32, #tpu.memory_space<hbm>>
    tpu.enqueue_dma source(%dma_start3A_8 : memref<10000xi32, #tpu.memory_space<hbm>>) target(%arg7 : memref<10000xi32, #tpu.memory_space<vmem>>) target_semaphore(%arg19 : memref<!tpu.dma_semaphore, #tpu.memory_space<semaphore_mem>>)
    %mul3A_9 = arith.constant 10000 : i32
    %mul3A_10 = arith.muli %arg1, %mul3A_9 : i32
    %dma_start3A_11 = tpu.memref_slice %arg3[%mul3A_10] : memref<160000xi32, #tpu.memory_space<hbm>> -> memref<10000xi32, #tpu.memory_space<hbm>>
    %dma_start3A_12 = tpu.memref_slice %arg3[%mul3A_10] : memref<160000xi32, #tpu.memory_space<hbm>> -> memref<10000xi32, #tpu.memory_space<hbm>>
    tpu.enqueue_dma source(%dma_start3A_12 : memref<10000xi32, #tpu.memory_space<hbm>>) target(%arg8 : memref<10000xi32, #tpu.memory_space<vmem>>) target_semaphore(%arg20 : memref<!tpu.dma_semaphore, #tpu.memory_space<semaphore_mem>>)
    %dma_wait3A = tpu.memref_slice %arg2[%mul3A_7] : memref<160000xi32, #tpu.memory_space<hbm>> -> memref<10000xi32, #tpu.memory_space<hbm>>
    %dma_wait3A_13 = tpu.memref_slice %arg2[%mul3A_7] : memref<160000xi32, #tpu.memory_space<hbm>> -> memref<10000xi32, #tpu.memory_space<hbm>>
    tpu.wait_dma2 semaphore(%arg19 : memref<!tpu.dma_semaphore, #tpu.memory_space<semaphore_mem>>) src(%dma_wait3A_13 : memref<10000xi32, #tpu.memory_space<hbm>>) dst(%arg7 : memref<10000xi32, #tpu.memory_space<vmem>>)
    %dma_wait3A_14 = tpu.memref_slice %arg3[%mul3A_10] : memref<160000xi32, #tpu.memory_space<hbm>> -> memref<10000xi32, #tpu.memory_space<hbm>>
    %dma_wait3A_15 = tpu.memref_slice %arg3[%mul3A_10] : memref<160000xi32, #tpu.memory_space<hbm>> -> memref<10000xi32, #tpu.memory_space<hbm>>
    tpu.wait_dma2 semaphore(%arg20 : memref<!tpu.dma_semaphore, #tpu.memory_space<semaphore_mem>>) src(%dma_wait3A_15 : memref<10000xi32, #tpu.memory_space<hbm>>) dst(%arg8 : memref<10000xi32, #tpu.memory_space<vmem>>)
    "tpu.region"() ({
      %run_scoped3A = tpu.sem_alloc : memref<!tpu.dma_semaphore, #tpu.memory_space<semaphore_mem>>
      tpu.enqueue_dma source(%arg4 : memref<10000xi32, #tpu.memory_space<hbm>>) target(%arg9 : memref<10000xi32, #tpu.memory_space<vmem>>) target_semaphore(%run_scoped3A : memref<!tpu.dma_semaphore, #tpu.memory_space<semaphore_mem>>)
      tpu.wait_dma2 semaphore(%run_scoped3A : memref<!tpu.dma_semaphore, #tpu.memory_space<semaphore_mem>>) src(%arg4 : memref<10000xi32, #tpu.memory_space<hbm>>) dst(%arg9 : memref<10000xi32, #tpu.memory_space<vmem>>)
      tpu.yield
    }) : () -> ()
    %scan3A = arith.constant 0 : i32
    %scan3A_16 = arith.constant 0 : i32
    %scan3A_17 = arith.constant 640 : i32
    %scan3A_18 = arith.addi %scan3A_16, %scan3A_17 : i32
    %scan3A_19 = arith.constant 1 : i32
    %scan3A_20 = scf.for %scan3A_282 = %scan3A_16 to %scan3A_18 step %scan3A_19 iter_args(%scan3A_283 = %scan3A) -> (i32)  : i32 {
      %mul3A_284 = arith.constant 16 : i32
      %mul3A_285 = arith.muli %scan3A_282, %mul3A_284 : i32
      %swap3A_286 = arith.index_cast %mul3A_285 : i32 to index
      %swap3A_287 = tpu.vector_load %arg10[%swap3A_286] {strides = array<i32>} : memref<10240xf32, #tpu.memory_space<vmem>>, vector<16xf32>,
      tpu.vector_store %arg10[%swap3A_286], %broadcast_in_dim3A_1 {strides = array<i32>} : memref<10240xf32, #tpu.memory_space<vmem>>, vector<16xf32>,
      %scan3A_288 = arith.constant 0 : i32
      scf.yield %scan3A_288 : i32
    }
    %scan3A_21 = arith.constant 640 : i32
    %scan3A_22 = arith.constant 0 : i32
    %scan3A_23 = arith.constant 0 : i32
    %scan3A_24 = arith.constant 625 : i32
    %scan3A_25 = arith.addi %scan3A_23, %scan3A_24 : i32
    %scan3A_26 = arith.constant 1 : i32
    %scan3A_27 = scf.for %scan3A_282 = %scan3A_23 to %scan3A_25 step %scan3A_26 iter_args(%scan3A_283 = %scan3A_22) -> (i32)  : i32 {
      %mul3A_284 = arith.constant 16 : i32
      %mul3A_285 = arith.muli %scan3A_282, %mul3A_284 : i32
      %get3A = arith.index_cast %mul3A_285 : i32 to index
      %get3A_286 = tpu.vector_load %arg7[%get3A] {strides = array<i32>} : memref<10000xi32, #tpu.memory_space<vmem>>, vector<16xi32>,
      %mul3A_287 = arith.constant 16 : i32
      %mul3A_288 = arith.muli %scan3A_282, %mul3A_287 : i32
      %get3A_289 = arith.index_cast %mul3A_288 : i32 to index
      %get3A_290 = tpu.vector_load %arg8[%get3A_289] {strides = array<i32>} : memref<10000xi32, #tpu.memory_space<vmem>>, vector<16xi32>,
      %gather3A = tpu.vector_load_idx %arg9[%get3A_286] : memref<10000xi32, #tpu.memory_space<vmem>>[vector<16xi32>], vector<16xi32>,
      %gather3A_291 = tpu.vector_load_idx %arg9[%get3A_290] : memref<10000xi32, #tpu.memory_space<vmem>>[vector<16xi32>], vector<16xi32>,
      %eq3A = arith.cmpi eq, %gather3A, %gather3A_291 : vector<16xi32>
      %convert_element_type3A = arith.extui %eq3A : vector<16xi1> to vector<16xi32>
      %cumsum3A = arith.constant true
      %cumsum3A_292 = vector.broadcast %cumsum3A : i1 to vector<16xi1>
      %cumsum3A_293 = tpu.scan <sum>, %convert_element_type3A masked %cumsum3A_292 : vector<16xi32>, vector<16xi1> -> vector<16xi32>
      %add3A_294 = vector.broadcast %scan3A_283 : i32 to vector<16xi32>
      %add3A_295 = arith.addi %add3A_294, %cumsum3A_293 : vector<16xi32>
      %sub3A_296 = arith.subi %add3A_295, %convert_element_type3A : vector<16xi32>
      tpu.vector_store_idx %arg11[%sub3A_296], %get3A_286 masked %eq3A : memref<10016xi32, #tpu.memory_space<vmem>>[vector<16xi32>], vector<16xi32>, vector<16xi1>
      tpu.vector_store_idx %arg12[%sub3A_296], %get3A_290 masked %eq3A : memref<10016xi32, #tpu.memory_space<vmem>>[vector<16xi32>], vector<16xi32>, vector<16xi1>
      %reduce_sum3A = arith.constant true
      %reduce_sum3A_297 = vector.broadcast %reduce_sum3A : i1 to vector<16xi1>
      %reduce_sum3A_298 = tpu.scan <sum>, %convert_element_type3A masked %reduce_sum3A_297 : vector<16xi32>, vector<16xi1> -> vector<16xi32>
      %reduce_sum3A_299 = vector.extract %reduce_sum3A_298[15] : i32 from vector<16xi32>
      %add3A_300 = arith.addi %scan3A_283, %reduce_sum3A_299 : i32
      scf.yield %add3A_300 : i32
    }
    %scan3A_28 = arith.constant 625 : i32
    %add3A_29 = vector.broadcast %scan3A_27 : i32 to vector<16xi32>
    %add3A_30 = arith.addi %add3A_29, %iota3A : vector<16xi32>
    tpu.vector_store_idx %arg11[%add3A_30], %broadcast_in_dim3A_5 : memref<10016xi32, #tpu.memory_space<vmem>>[vector<16xi32>], vector<16xi32>,
    %add3A_31 = vector.broadcast %scan3A_27 : i32 to vector<16xi32>
    %add3A_32 = arith.addi %add3A_31, %iota3A : vector<16xi32>
    tpu.vector_store_idx %arg12[%add3A_32], %broadcast_in_dim3A_5 : memref<10016xi32, #tpu.memory_space<vmem>>[vector<16xi32>], vector<16xi32>,
    %add3A_33 = arith.constant 15 : i32
    %add3A_34 = arith.addi %scan3A_27, %add3A_33 : i32
    %jit3A = arith.constant 16 : i32
    %div3A = arith.divsi %add3A_34, %jit3A : i32
    %sign3A = arith.constant 0 : i32
    %sign3A_35 = arith.cmpi sgt, %add3A_34, %sign3A : i32
    %sign3A_36 = arith.extui %sign3A_35 : i1 to i32
    %sign3A_37 = arith.constant 0 : i32
    %sign3A_38 = arith.cmpi slt, %add3A_34, %sign3A_37 : i32
    %sign3A_39 = arith.extui %sign3A_38 : i1 to i32
    %sign3A_40 = arith.subi %sign3A_36, %sign3A_39 : i32
    %sign3A_41 = arith.constant 0 : i32
    %sign3A_42 = arith.cmpi sgt, %jit3A, %sign3A_41 : i32
    %sign3A_43 = arith.extui %sign3A_42 : i1 to i32
    %sign3A_44 = arith.constant 0 : i32
    %sign3A_45 = arith.cmpi slt, %jit3A, %sign3A_44 : i32
    %sign3A_46 = arith.extui %sign3A_45 : i1 to i32
    %sign3A_47 = arith.subi %sign3A_43, %sign3A_46 : i32
    %ne3A = arith.cmpi ne, %sign3A_40, %sign3A_47 : i32
    %rem3A = arith.remsi %add3A_34, %jit3A : i32
    %ne3A_48 = arith.constant 0 : i32
    %ne3A_49 = arith.cmpi ne, %rem3A, %ne3A_48 : i32
    %and3A = arith.andi %ne3A, %ne3A_49 : i1
    %sub3A = arith.constant 1 : i32
    %sub3A_50 = arith.subi %div3A, %sub3A : i32
    %select_n3A = arith.select %and3A, %sub3A_50, %div3A : i32
    %while3A = arith.constant 0 : i32
    %while3A_51 = arith.constant 0 : i32
    %while3A_52 = arith.subi %select_n3A, %while3A : i32
    %while3A_53 = arith.addi %while3A, %while3A_52 : i32
    %while3A_54 = arith.constant 1 : i32
    %while3A_55 = arith.divsi %while3A_52, %while3A_54 : i32
    %while3A_56 = arith.muli %while3A_55, %while3A_54 : i32
    %while3A_57 = arith.addi %while3A, %while3A_56 : i32
    %while3A_58 = arith.constant 1 : i32
    %while3A_59 = scf.for %while3A_282 = %while3A to %while3A_57 step %while3A_58 iter_args(%while3A_283 = %while3A_51) -> (i32)  : i32 {
      %mul3A_284 = arith.constant 16 : i32
      %mul3A_285 = arith.muli %while3A_282, %mul3A_284 : i32
      %get3A = arith.index_cast %mul3A_285 : i32 to index
      %get3A_286 = tpu.vector_load %arg11[%get3A] {strides = array<i32>} : memref<10016xi32, #tpu.memory_space<vmem>>, vector<16xi32>,
      %mul3A_287 = arith.constant 16 : i32
      %mul3A_288 = arith.muli %while3A_282, %mul3A_287 : i32
      %sub3A_289 = arith.subi %scan3A_27, %mul3A_288 : i32
      %lt3A = vector.broadcast %sub3A_289 : i32 to vector<16xi32>
      %lt3A_290 = arith.cmpi slt, %iota3A, %lt3A : vector<16xi32>
      %eq3A = arith.constant 0 : i32
      %eq3A_291 = vector.broadcast %eq3A : i32 to vector<16xi32>
      %eq3A_292 = arith.cmpi eq, %iota3A, %eq3A_291 : vector<16xi32>
      %and3A_293 = arith.andi %lt3A_290, %eq3A_292 : vector<16xi1>
      tpu.vector_store_idx %arg10[%get3A_286], %broadcast_in_dim3A_3 masked %and3A_293 {add = true} : memref<10240xf32, #tpu.memory_space<vmem>>[vector<16xi32>], vector<16xf32>, vector<16xi1>
      %eq3A_294 = arith.constant 1 : i32
      %eq3A_295 = vector.broadcast %eq3A_294 : i32 to vector<16xi32>
      %eq3A_296 = arith.cmpi eq, %iota3A, %eq3A_295 : vector<16xi32>
      %and3A_297 = arith.andi %lt3A_290, %eq3A_296 : vector<16xi1>
      tpu.vector_store_idx %arg10[%get3A_286], %broadcast_in_dim3A_3 masked %and3A_297 {add = true} : memref<10240xf32, #tpu.memory_space<vmem>>[vector<16xi32>], vector<16xf32>, vector<16xi1>
      %eq3A_298 = arith.constant 2 : i32
      %eq3A_299 = vector.broadcast %eq3A_298 : i32 to vector<16xi32>
      %eq3A_300 = arith.cmpi eq, %iota3A, %eq3A_299 : vector<16xi32>
      %and3A_301 = arith.andi %lt3A_290, %eq3A_300 : vector<16xi1>
      tpu.vector_store_idx %arg10[%get3A_286], %broadcast_in_dim3A_3 masked %and3A_301 {add = true} : memref<10240xf32, #tpu.memory_space<vmem>>[vector<16xi32>], vector<16xf32>, vector<16xi1>
      %eq3A_302 = arith.constant 3 : i32
      %eq3A_303 = vector.broadcast %eq3A_302 : i32 to vector<16xi32>
      %eq3A_304 = arith.cmpi eq, %iota3A, %eq3A_303 : vector<16xi32>
      %and3A_305 = arith.andi %lt3A_290, %eq3A_304 : vector<16xi1>
      tpu.vector_store_idx %arg10[%get3A_286], %broadcast_in_dim3A_3 masked %and3A_305 {add = true} : memref<10240xf32, #tpu.memory_space<vmem>>[vector<16xi32>], vector<16xf32>, vector<16xi1>
      %eq3A_306 = arith.constant 4 : i32
      %eq3A_307 = vector.broadcast %eq3A_306 : i32 to vector<16xi32>
      %eq3A_308 = arith.cmpi eq, %iota3A, %eq3A_307 : vector<16xi32>
      %and3A_309 = arith.andi %lt3A_290, %eq3A_308 : vector<16xi1>
      tpu.vector_store_idx %arg10[%get3A_286], %broadcast_in_dim3A_3 masked %and3A_309 {add = true} : memref<10240xf32, #tpu.memory_space<vmem>>[vector<16xi32>], vector<16xf32>, vector<16xi1>
      %eq3A_310 = arith.constant 5 : i32
      %eq3A_311 = vector.broadcast %eq3A_310 : i32 to vector<16xi32>
      %eq3A_312 = arith.cmpi eq, %iota3A, %eq3A_311 : vector<16xi32>
      %and3A_313 = arith.andi %lt3A_290, %eq3A_312 : vector<16xi1>
      tpu.vector_store_idx %arg10[%get3A_286], %broadcast_in_dim3A_3 masked %and3A_313 {add = true} : memref<10240xf32, #tpu.memory_space<vmem>>[vector<16xi32>], vector<16xf32>, vector<16xi1>
      %eq3A_314 = arith.constant 6 : i32
      %eq3A_315 = vector.broadcast %eq3A_314 : i32 to vector<16xi32>
      %eq3A_316 = arith.cmpi eq, %iota3A, %eq3A_315 : vector<16xi32>
      %and3A_317 = arith.andi %lt3A_290, %eq3A_316 : vector<16xi1>
      tpu.vector_store_idx %arg10[%get3A_286], %broadcast_in_dim3A_3 masked %and3A_317 {add = true} : memref<10240xf32, #tpu.memory_space<vmem>>[vector<16xi32>], vector<16xf32>, vector<16xi1>
      %eq3A_318 = arith.constant 7 : i32
      %eq3A_319 = vector.broadcast %eq3A_318 : i32 to vector<16xi32>
      %eq3A_320 = arith.cmpi eq, %iota3A, %eq3A_319 : vector<16xi32>
      %and3A_321 = arith.andi %lt3A_290, %eq3A_320 : vector<16xi1>
      tpu.vector_store_idx %arg10[%get3A_286], %broadcast_in_dim3A_3 masked %and3A_321 {add = true} : memref<10240xf32, #tpu.memory_space<vmem>>[vector<16xi32>], vector<16xf32>, vector<16xi1>
      %eq3A_322 = arith.constant 8 : i32
      %eq3A_323 = vector.broadcast %eq3A_322 : i32 to vector<16xi32>
      %eq3A_324 = arith.cmpi eq, %iota3A, %eq3A_323 : vector<16xi32>
      %and3A_325 = arith.andi %lt3A_290, %eq3A_324 : vector<16xi1>
      tpu.vector_store_idx %arg10[%get3A_286], %broadcast_in_dim3A_3 masked %and3A_325 {add = true} : memref<10240xf32, #tpu.memory_space<vmem>>[vector<16xi32>], vector<16xf32>, vector<16xi1>
      %eq3A_326 = arith.constant 9 : i32
      %eq3A_327 = vector.broadcast %eq3A_326 : i32 to vector<16xi32>
      %eq3A_328 = arith.cmpi eq, %iota3A, %eq3A_327 : vector<16xi32>
      %and3A_329 = arith.andi %lt3A_290, %eq3A_328 : vector<16xi1>
      tpu.vector_store_idx %arg10[%get3A_286], %broadcast_in_dim3A_3 masked %and3A_329 {add = true} : memref<10240xf32, #tpu.memory_space<vmem>>[vector<16xi32>], vector<16xf32>, vector<16xi1>
      %eq3A_330 = arith.constant 10 : i32
      %eq3A_331 = vector.broadcast %eq3A_330 : i32 to vector<16xi32>
      %eq3A_332 = arith.cmpi eq, %iota3A, %eq3A_331 : vector<16xi32>
      %and3A_333 = arith.andi %lt3A_290, %eq3A_332 : vector<16xi1>
      tpu.vector_store_idx %arg10[%get3A_286], %broadcast_in_dim3A_3 masked %and3A_333 {add = true} : memref<10240xf32, #tpu.memory_space<vmem>>[vector<16xi32>], vector<16xf32>, vector<16xi1>
      %eq3A_334 = arith.constant 11 : i32
      %eq3A_335 = vector.broadcast %eq3A_334 : i32 to vector<16xi32>
      %eq3A_336 = arith.cmpi eq, %iota3A, %eq3A_335 : vector<16xi32>
      %and3A_337 = arith.andi %lt3A_290, %eq3A_336 : vector<16xi1>
      tpu.vector_store_idx %arg10[%get3A_286], %broadcast_in_dim3A_3 masked %and3A_337 {add = true} : memref<10240xf32, #tpu.memory_space<vmem>>[vector<16xi32>], vector<16xf32>, vector<16xi1>
      %eq3A_338 = arith.constant 12 : i32
      %eq3A_339 = vector.broadcast %eq3A_338 : i32 to vector<16xi32>
      %eq3A_340 = arith.cmpi eq, %iota3A, %eq3A_339 : vector<16xi32>
      %and3A_341 = arith.andi %lt3A_290, %eq3A_340 : vector<16xi1>
      tpu.vector_store_idx %arg10[%get3A_286], %broadcast_in_dim3A_3 masked %and3A_341 {add = true} : memref<10240xf32, #tpu.memory_space<vmem>>[vector<16xi32>], vector<16xf32>, vector<16xi1>
      %eq3A_342 = arith.constant 13 : i32
      %eq3A_343 = vector.broadcast %eq3A_342 : i32 to vector<16xi32>
      %eq3A_344 = arith.cmpi eq, %iota3A, %eq3A_343 : vector<16xi32>
      %and3A_345 = arith.andi %lt3A_290, %eq3A_344 : vector<16xi1>
      tpu.vector_store_idx %arg10[%get3A_286], %broadcast_in_dim3A_3 masked %and3A_345 {add = true} : memref<10240xf32, #tpu.memory_space<vmem>>[vector<16xi32>], vector<16xf32>, vector<16xi1>
      %eq3A_346 = arith.constant 14 : i32
      %eq3A_347 = vector.broadcast %eq3A_346 : i32 to vector<16xi32>
      %eq3A_348 = arith.cmpi eq, %iota3A, %eq3A_347 : vector<16xi32>
      %and3A_349 = arith.andi %lt3A_290, %eq3A_348 : vector<16xi1>
      tpu.vector_store_idx %arg10[%get3A_286], %broadcast_in_dim3A_3 masked %and3A_349 {add = true} : memref<10240xf32, #tpu.memory_space<vmem>>[vector<16xi32>], vector<16xf32>, vector<16xi1>
      %eq3A_350 = arith.constant 15 : i32
      %eq3A_351 = vector.broadcast %eq3A_350 : i32 to vector<16xi32>
      %eq3A_352 = arith.cmpi eq, %iota3A, %eq3A_351 : vector<16xi32>
      %and3A_353 = arith.andi %lt3A_290, %eq3A_352 : vector<16xi1>
      tpu.vector_store_idx %arg10[%get3A_286], %broadcast_in_dim3A_3 masked %and3A_353 {add = true} : memref<10240xf32, #tpu.memory_space<vmem>>[vector<16xi32>], vector<16xf32>, vector<16xi1>
      %while3A_354 = arith.constant 0 : i32
      scf.yield %while3A_354 : i32
    }
    %while3A_60 = arith.constant 1 : i32
    %while3A_61 = scf.for %while3A_282 = %while3A_57 to %while3A_53 step %while3A_60 iter_args(%while3A_283 = %while3A_59) -> (i32)  : i32 {
      %mul3A_284 = arith.constant 16 : i32
      %mul3A_285 = arith.muli %while3A_282, %mul3A_284 : i32
      %get3A = arith.index_cast %mul3A_285 : i32 to index
      %get3A_286 = tpu.vector_load %arg11[%get3A] {strides = array<i32>} : memref<10016xi32, #tpu.memory_space<vmem>>, vector<16xi32>,
      %mul3A_287 = arith.constant 16 : i32
      %mul3A_288 = arith.muli %while3A_282, %mul3A_287 : i32
      %sub3A_289 = arith.subi %scan3A_27, %mul3A_288 : i32
      %lt3A = vector.broadcast %sub3A_289 : i32 to vector<16xi32>
      %lt3A_290 = arith.cmpi slt, %iota3A, %lt3A : vector<16xi32>
      %eq3A = arith.constant 0 : i32
      %eq3A_291 = vector.broadcast %eq3A : i32 to vector<16xi32>
      %eq3A_292 = arith.cmpi eq, %iota3A, %eq3A_291 : vector<16xi32>
      %and3A_293 = arith.andi %lt3A_290, %eq3A_292 : vector<16xi1>
      tpu.vector_store_idx %arg10[%get3A_286], %broadcast_in_dim3A_3 masked %and3A_293 {add = true} : memref<10240xf32, #tpu.memory_space<vmem>>[vector<16xi32>], vector<16xf32>, vector<16xi1>
      %eq3A_294 = arith.constant 1 : i32
      %eq3A_295 = vector.broadcast %eq3A_294 : i32 to vector<16xi32>
      %eq3A_296 = arith.cmpi eq, %iota3A, %eq3A_295 : vector<16xi32>
      %and3A_297 = arith.andi %lt3A_290, %eq3A_296 : vector<16xi1>
      tpu.vector_store_idx %arg10[%get3A_286], %broadcast_in_dim3A_3 masked %and3A_297 {add = true} : memref<10240xf32, #tpu.memory_space<vmem>>[vector<16xi32>], vector<16xf32>, vector<16xi1>
      %eq3A_298 = arith.constant 2 : i32
      %eq3A_299 = vector.broadcast %eq3A_298 : i32 to vector<16xi32>
      %eq3A_300 = arith.cmpi eq, %iota3A, %eq3A_299 : vector<16xi32>
      %and3A_301 = arith.andi %lt3A_290, %eq3A_300 : vector<16xi1>
      tpu.vector_store_idx %arg10[%get3A_286], %broadcast_in_dim3A_3 masked %and3A_301 {add = true} : memref<10240xf32, #tpu.memory_space<vmem>>[vector<16xi32>], vector<16xf32>, vector<16xi1>
      %eq3A_302 = arith.constant 3 : i32
      %eq3A_303 = vector.broadcast %eq3A_302 : i32 to vector<16xi32>
      %eq3A_304 = arith.cmpi eq, %iota3A, %eq3A_303 : vector<16xi32>
      %and3A_305 = arith.andi %lt3A_290, %eq3A_304 : vector<16xi1>
      tpu.vector_store_idx %arg10[%get3A_286], %broadcast_in_dim3A_3 masked %and3A_305 {add = true} : memref<10240xf32, #tpu.memory_space<vmem>>[vector<16xi32>], vector<16xf32>, vector<16xi1>
      %eq3A_306 = arith.constant 4 : i32
      %eq3A_307 = vector.broadcast %eq3A_306 : i32 to vector<16xi32>
      %eq3A_308 = arith.cmpi eq, %iota3A, %eq3A_307 : vector<16xi32>
      %and3A_309 = arith.andi %lt3A_290, %eq3A_308 : vector<16xi1>
      tpu.vector_store_idx %arg10[%get3A_286], %broadcast_in_dim3A_3 masked %and3A_309 {add = true} : memref<10240xf32, #tpu.memory_space<vmem>>[vector<16xi32>], vector<16xf32>, vector<16xi1>
      %eq3A_310 = arith.constant 5 : i32
      %eq3A_311 = vector.broadcast %eq3A_310 : i32 to vector<16xi32>
      %eq3A_312 = arith.cmpi eq, %iota3A, %eq3A_311 : vector<16xi32>
      %and3A_313 = arith.andi %lt3A_290, %eq3A_312 : vector<16xi1>
      tpu.vector_store_idx %arg10[%get3A_286], %broadcast_in_dim3A_3 masked %and3A_313 {add = true} : memref<10240xf32, #tpu.memory_space<vmem>>[vector<16xi32>], vector<16xf32>, vector<16xi1>
      %eq3A_314 = arith.constant 6 : i32
      %eq3A_315 = vector.broadcast %eq3A_314 : i32 to vector<16xi32>
      %eq3A_316 = arith.cmpi eq, %iota3A, %eq3A_315 : vector<16xi32>
      %and3A_317 = arith.andi %lt3A_290, %eq3A_316 : vector<16xi1>
      tpu.vector_store_idx %arg10[%get3A_286], %broadcast_in_dim3A_3 masked %and3A_317 {add = true} : memref<10240xf32, #tpu.memory_space<vmem>>[vector<16xi32>], vector<16xf32>, vector<16xi1>
      %eq3A_318 = arith.constant 7 : i32
      %eq3A_319 = vector.broadcast %eq3A_318 : i32 to vector<16xi32>
      %eq3A_320 = arith.cmpi eq, %iota3A, %eq3A_319 : vector<16xi32>
      %and3A_321 = arith.andi %lt3A_290, %eq3A_320 : vector<16xi1>
      tpu.vector_store_idx %arg10[%get3A_286], %broadcast_in_dim3A_3 masked %and3A_321 {add = true} : memref<10240xf32, #tpu.memory_space<vmem>>[vector<16xi32>], vector<16xf32>, vector<16xi1>
      %eq3A_322 = arith.constant 8 : i32
      %eq3A_323 = vector.broadcast %eq3A_322 : i32 to vector<16xi32>
      %eq3A_324 = arith.cmpi eq, %iota3A, %eq3A_323 : vector<16xi32>
      %and3A_325 = arith.andi %lt3A_290, %eq3A_324 : vector<16xi1>
      tpu.vector_store_idx %arg10[%get3A_286], %broadcast_in_dim3A_3 masked %and3A_325 {add = true} : memref<10240xf32, #tpu.memory_space<vmem>>[vector<16xi32>], vector<16xf32>, vector<16xi1>
      %eq3A_326 = arith.constant 9 : i32
      %eq3A_327 = vector.broadcast %eq3A_326 : i32 to vector<16xi32>
      %eq3A_328 = arith.cmpi eq, %iota3A, %eq3A_327 : vector<16xi32>
      %and3A_329 = arith.andi %lt3A_290, %eq3A_328 : vector<16xi1>
      tpu.vector_store_idx %arg10[%get3A_286], %broadcast_in_dim3A_3 masked %and3A_329 {add = true} : memref<10240xf32, #tpu.memory_space<vmem>>[vector<16xi32>], vector<16xf32>, vector<16xi1>
      %eq3A_330 = arith.constant 10 : i32
      %eq3A_331 = vector.broadcast %eq3A_330 : i32 to vector<16xi32>
      %eq3A_332 = arith.cmpi eq, %iota3A, %eq3A_331 : vector<16xi32>
      %and3A_333 = arith.andi %lt3A_290, %eq3A_332 : vector<16xi1>
      tpu.vector_store_idx %arg10[%get3A_286], %broadcast_in_dim3A_3 masked %and3A_333 {add = true} : memref<10240xf32, #tpu.memory_space<vmem>>[vector<16xi32>], vector<16xf32>, vector<16xi1>
      %eq3A_334 = arith.constant 11 : i32
      %eq3A_335 = vector.broadcast %eq3A_334 : i32 to vector<16xi32>
      %eq3A_336 = arith.cmpi eq, %iota3A, %eq3A_335 : vector<16xi32>
      %and3A_337 = arith.andi %lt3A_290, %eq3A_336 : vector<16xi1>
      tpu.vector_store_idx %arg10[%get3A_286], %broadcast_in_dim3A_3 masked %and3A_337 {add = true} : memref<10240xf32, #tpu.memory_space<vmem>>[vector<16xi32>], vector<16xf32>, vector<16xi1>
      %eq3A_338 = arith.constant 12 : i32
      %eq3A_339 = vector.broadcast %eq3A_338 : i32 to vector<16xi32>
      %eq3A_340 = arith.cmpi eq, %iota3A, %eq3A_339 : vector<16xi32>
      %and3A_341 = arith.andi %lt3A_290, %eq3A_340 : vector<16xi1>
      tpu.vector_store_idx %arg10[%get3A_286], %broadcast_in_dim3A_3 masked %and3A_341 {add = true} : memref<10240xf32, #tpu.memory_space<vmem>>[vector<16xi32>], vector<16xf32>, vector<16xi1>
      %eq3A_342 = arith.constant 13 : i32
      %eq3A_343 = vector.broadcast %eq3A_342 : i32 to vector<16xi32>
      %eq3A_344 = arith.cmpi eq, %iota3A, %eq3A_343 : vector<16xi32>
      %and3A_345 = arith.andi %lt3A_290, %eq3A_344 : vector<16xi1>
      tpu.vector_store_idx %arg10[%get3A_286], %broadcast_in_dim3A_3 masked %and3A_345 {add = true} : memref<10240xf32, #tpu.memory_space<vmem>>[vector<16xi32>], vector<16xf32>, vector<16xi1>
      %eq3A_346 = arith.constant 14 : i32
      %eq3A_347 = vector.broadcast %eq3A_346 : i32 to vector<16xi32>
      %eq3A_348 = arith.cmpi eq, %iota3A, %eq3A_347 : vector<16xi32>
      %and3A_349 = arith.andi %lt3A_290, %eq3A_348 : vector<16xi1>
      tpu.vector_store_idx %arg10[%get3A_286], %broadcast_in_dim3A_3 masked %and3A_349 {add = true} : memref<10240xf32, #tpu.memory_space<vmem>>[vector<16xi32>], vector<16xf32>, vector<16xi1>
      %eq3A_350 = arith.constant 15 : i32
      %eq3A_351 = vector.broadcast %eq3A_350 : i32 to vector<16xi32>
      %eq3A_352 = arith.cmpi eq, %iota3A, %eq3A_351 : vector<16xi32>
      %and3A_353 = arith.andi %lt3A_290, %eq3A_352 : vector<16xi1>
      tpu.vector_store_idx %arg10[%get3A_286], %broadcast_in_dim3A_3 masked %and3A_353 {add = true} : memref<10240xf32, #tpu.memory_space<vmem>>[vector<16xi32>], vector<16xf32>, vector<16xi1>
      %while3A_354 = arith.constant 0 : i32
      scf.yield %while3A_354 : i32
    }
    %mul3A_62 = arith.constant 10240 : i32
    %mul3A_63 = arith.muli %arg1, %mul3A_62 : i32
    "tpu.region"() ({
      %run_scoped3A = tpu.sem_alloc : memref<!tpu.dma_semaphore, #tpu.memory_space<semaphore_mem>>
      %dma_start3A_282 = tpu.memref_slice %arg18[%mul3A_63] : memref<174080xf32, #tpu.memory_space<vmem_shared>> -> memref<10240xf32, #tpu.memory_space<vmem_shared>>
      %dma_start3A_283 = tpu.memref_slice %arg18[%mul3A_63] : memref<174080xf32, #tpu.memory_space<vmem_shared>> -> memref<10240xf32, #tpu.memory_space<vmem_shared>>
      tpu.enqueue_dma source(%arg10 : memref<10240xf32, #tpu.memory_space<vmem>>) target(%dma_start3A_283 : memref<10240xf32, #tpu.memory_space<vmem_shared>>) target_semaphore(%run_scoped3A : memref<!tpu.dma_semaphore, #tpu.memory_space<semaphore_mem>>)
      %dma_wait3A_284 = tpu.memref_slice %arg18[%mul3A_63] : memref<174080xf32, #tpu.memory_space<vmem_shared>> -> memref<10240xf32, #tpu.memory_space<vmem_shared>>
      %dma_wait3A_285 = tpu.memref_slice %arg18[%mul3A_63] : memref<174080xf32, #tpu.memory_space<vmem_shared>> -> memref<10240xf32, #tpu.memory_space<vmem_shared>>
      tpu.wait_dma2 semaphore(%run_scoped3A : memref<!tpu.dma_semaphore, #tpu.memory_space<semaphore_mem>>) src(%arg10 : memref<10240xf32, #tpu.memory_space<vmem>>) dst(%dma_wait3A_285 : memref<10240xf32, #tpu.memory_space<vmem_shared>>)
      tpu.yield
    }) : () -> ()
    %barrier3A = arith.constant 0 : index
    tpu.barrier barrier_id(%barrier3A)
    %mul3A_64 = arith.constant 640 : i32
    %mul3A_65 = arith.muli %arg1, %mul3A_64 : i32
    %add3A_66 = arith.constant 0 : i32
    %add3A_67 = arith.addi %add3A_66, %mul3A_65 : i32
    "tpu.region"() ({
      %run_scoped3A = tpu.sem_alloc : memref<!tpu.dma_semaphore, #tpu.memory_space<semaphore_mem>>
      %dma_start3A_282 = tpu.memref_slice %arg18[%add3A_67] : memref<174080xf32, #tpu.memory_space<vmem_shared>> -> memref<640xf32, #tpu.memory_space<vmem_shared>>
      %dma_start3A_283 = tpu.memref_slice %arg18[%add3A_67] : memref<174080xf32, #tpu.memory_space<vmem_shared>> -> memref<640xf32, #tpu.memory_space<vmem_shared>>
      tpu.enqueue_dma source(%dma_start3A_283 : memref<640xf32, #tpu.memory_space<vmem_shared>>) target(%arg15 : memref<640xf32, #tpu.memory_space<vmem>>) target_semaphore(%run_scoped3A : memref<!tpu.dma_semaphore, #tpu.memory_space<semaphore_mem>>)
      %dma_wait3A_284 = tpu.memref_slice %arg18[%add3A_67] : memref<174080xf32, #tpu.memory_space<vmem_shared>> -> memref<640xf32, #tpu.memory_space<vmem_shared>>
      %dma_wait3A_285 = tpu.memref_slice %arg18[%add3A_67] : memref<174080xf32, #tpu.memory_space<vmem_shared>> -> memref<640xf32, #tpu.memory_space<vmem_shared>>
      tpu.wait_dma2 semaphore(%run_scoped3A : memref<!tpu.dma_semaphore, #tpu.memory_space<semaphore_mem>>) src(%dma_wait3A_285 : memref<640xf32, #tpu.memory_space<vmem_shared>>) dst(%arg15 : memref<640xf32, #tpu.memory_space<vmem>>)
      tpu.yield
    }) : () -> ()
    %scan3A_68 = arith.constant 0 : i32
    %scan3A_69 = arith.constant 0 : i32
    %scan3A_70 = arith.constant 40 : i32
    %scan3A_71 = arith.addi %scan3A_69, %scan3A_70 : i32
    %scan3A_72 = arith.constant 1 : i32
    %scan3A_73 = scf.for %scan3A_282 = %scan3A_69 to %scan3A_71 step %scan3A_72 iter_args(%scan3A_283 = %scan3A_68) -> (i32)  : i32 {
      %mul3A_284 = arith.constant 16 : i32
      %mul3A_285 = arith.muli %scan3A_282, %mul3A_284 : i32
      %get3A = arith.index_cast %mul3A_285 : i32 to index
      %get3A_286 = tpu.vector_load %arg15[%get3A] {strides = array<i32>} : memref<640xf32, #tpu.memory_space<vmem>>, vector<16xf32>,
      %mul3A_287 = arith.constant 16 : i32
      %mul3A_288 = arith.muli %scan3A_282, %mul3A_287 : i32
      %swap3A_289 = arith.index_cast %mul3A_288 : i32 to index
      %swap3A_290 = tpu.vector_load %arg16[%swap3A_289] {strides = array<i32>} : memref<640xf32, #tpu.memory_space<vmem>>, vector<16xf32>,
      tpu.vector_store %arg16[%swap3A_289], %get3A_286 {strides = array<i32>} : memref<640xf32, #tpu.memory_space<vmem>>, vector<16xf32>,
      %scan3A_291 = arith.constant 0 : i32
      scf.yield %scan3A_291 : i32
    }
    %scan3A_74 = arith.constant 40 : i32
    %mul3A_75 = arith.constant 640 : i32
    %mul3A_76 = arith.muli %arg1, %mul3A_75 : i32
    %add3A_77 = arith.constant 10240 : i32
    %add3A_78 = arith.addi %add3A_77, %mul3A_76 : i32
    "tpu.region"() ({
      %run_scoped3A = tpu.sem_alloc : memref<!tpu.dma_semaphore, #tpu.memory_space<semaphore_mem>>
      %dma_start3A_282 = tpu.memref_slice %arg18[%add3A_78] : memref<174080xf32, #tpu.memory_space<vmem_shared>> -> memref<640xf32, #tpu.memory_space<vmem_shared>>
      %dma_start3A_283 = tpu.memref_slice %arg18[%add3A_78] : memref<174080xf32, #tpu.memory_space<vmem_shared>> -> memref<640xf32, #tpu.memory_space<vmem_shared>>
      tpu.enqueue_dma source(%dma_start3A_283 : memref<640xf32, #tpu.memory_space<vmem_shared>>) target(%arg15 : memref<640xf32, #tpu.memory_space<vmem>>) target_semaphore(%run_scoped3A : memref<!tpu.dma_semaphore, #tpu.memory_space<semaphore_mem>>)
      %dma_wait3A_284 = tpu.memref_slice %arg18[%add3A_78] : memref<174080xf32, #tpu.memory_space<vmem_shared>> -> memref<640xf32, #tpu.memory_space<vmem_shared>>
      %dma_wait3A_285 = tpu.memref_slice %arg18[%add3A_78] : memref<174080xf32, #tpu.memory_space<vmem_shared>> -> memref<640xf32, #tpu.memory_space<vmem_shared>>
      tpu.wait_dma2 semaphore(%run_scoped3A : memref<!tpu.dma_semaphore, #tpu.memory_space<semaphore_mem>>) src(%dma_wait3A_285 : memref<640xf32, #tpu.memory_space<vmem_shared>>) dst(%arg15 : memref<640xf32, #tpu.memory_space<vmem>>)
      tpu.yield
    }) : () -> ()
    %scan3A_79 = arith.constant 0 : i32
    %scan3A_80 = arith.constant 0 : i32
    %scan3A_81 = arith.constant 40 : i32
    %scan3A_82 = arith.addi %scan3A_80, %scan3A_81 : i32
    %scan3A_83 = arith.constant 1 : i32
    %scan3A_84 = scf.for %scan3A_282 = %scan3A_80 to %scan3A_82 step %scan3A_83 iter_args(%scan3A_283 = %scan3A_79) -> (i32)  : i32 {
      %mul3A_284 = arith.constant 16 : i32
      %mul3A_285 = arith.muli %scan3A_282, %mul3A_284 : i32
      %get3A = arith.index_cast %mul3A_285 : i32 to index
      %get3A_286 = tpu.vector_load %arg16[%get3A] {strides = array<i32>} : memref<640xf32, #tpu.memory_space<vmem>>, vector<16xf32>,
      %mul3A_287 = arith.constant 16 : i32
      %mul3A_288 = arith.muli %scan3A_282, %mul3A_287 : i32
      %get3A_289 = arith.index_cast %mul3A_288 : i32 to index
      %get3A_290 = tpu.vector_load %arg15[%get3A_289] {strides = array<i32>} : memref<640xf32, #tpu.memory_space<vmem>>, vector<16xf32>,
      %add3A_291 = arith.addf %get3A_286, %get3A_290 : vector<16xf32>
      %mul3A_292 = arith.constant 16 : i32
      %mul3A_293 = arith.muli %scan3A_282, %mul3A_292 : i32
      %swap3A_294 = arith.index_cast %mul3A_293 : i32 to index
      %swap3A_295 = tpu.vector_load %arg16[%swap3A_294] {strides = array<i32>} : memref<640xf32, #tpu.memory_space<vmem>>, vector<16xf32>,
      tpu.vector_store %arg16[%swap3A_294], %add3A_291 {strides = array<i32>} : memref<640xf32, #tpu.memory_space<vmem>>, vector<16xf32>,
      %scan3A_296 = arith.constant 0 : i32
      scf.yield %scan3A_296 : i32
    }
    %scan3A_85 = arith.constant 40 : i32
    %mul3A_86 = arith.constant 640 : i32
    %mul3A_87 = arith.muli %arg1, %mul3A_86 : i32
    %add3A_88 = arith.constant 20480 : i32
    %add3A_89 = arith.addi %add3A_88, %mul3A_87 : i32
    "tpu.region"() ({
      %run_scoped3A = tpu.sem_alloc : memref<!tpu.dma_semaphore, #tpu.memory_space<semaphore_mem>>
      %dma_start3A_282 = tpu.memref_slice %arg18[%add3A_89] : memref<174080xf32, #tpu.memory_space<vmem_shared>> -> memref<640xf32, #tpu.memory_space<vmem_shared>>
      %dma_start3A_283 = tpu.memref_slice %arg18[%add3A_89] : memref<174080xf32, #tpu.memory_space<vmem_shared>> -> memref<640xf32, #tpu.memory_space<vmem_shared>>
      tpu.enqueue_dma source(%dma_start3A_283 : memref<640xf32, #tpu.memory_space<vmem_shared>>) target(%arg15 : memref<640xf32, #tpu.memory_space<vmem>>) target_semaphore(%run_scoped3A : memref<!tpu.dma_semaphore, #tpu.memory_space<semaphore_mem>>)
      %dma_wait3A_284 = tpu.memref_slice %arg18[%add3A_89] : memref<174080xf32, #tpu.memory_space<vmem_shared>> -> memref<640xf32, #tpu.memory_space<vmem_shared>>
      %dma_wait3A_285 = tpu.memref_slice %arg18[%add3A_89] : memref<174080xf32, #tpu.memory_space<vmem_shared>> -> memref<640xf32, #tpu.memory_space<vmem_shared>>
      tpu.wait_dma2 semaphore(%run_scoped3A : memref<!tpu.dma_semaphore, #tpu.memory_space<semaphore_mem>>) src(%dma_wait3A_285 : memref<640xf32, #tpu.memory_space<vmem_shared>>) dst(%arg15 : memref<640xf32, #tpu.memory_space<vmem>>)
      tpu.yield
    }) : () -> ()
    %scan3A_90 = arith.constant 0 : i32
    %scan3A_91 = arith.constant 0 : i32
    %scan3A_92 = arith.constant 40 : i32
    %scan3A_93 = arith.addi %scan3A_91, %scan3A_92 : i32
    %scan3A_94 = arith.constant 1 : i32
    %scan3A_95 = scf.for %scan3A_282 = %scan3A_91 to %scan3A_93 step %scan3A_94 iter_args(%scan3A_283 = %scan3A_90) -> (i32)  : i32 {
      %mul3A_284 = arith.constant 16 : i32
      %mul3A_285 = arith.muli %scan3A_282, %mul3A_284 : i32
      %get3A = arith.index_cast %mul3A_285 : i32 to index
      %get3A_286 = tpu.vector_load %arg16[%get3A] {strides = array<i32>} : memref<640xf32, #tpu.memory_space<vmem>>, vector<16xf32>,
      %mul3A_287 = arith.constant 16 : i32
      %mul3A_288 = arith.muli %scan3A_282, %mul3A_287 : i32
      %get3A_289 = arith.index_cast %mul3A_288 : i32 to index
      %get3A_290 = tpu.vector_load %arg15[%get3A_289] {strides = array<i32>} : memref<640xf32, #tpu.memory_space<vmem>>, vector<16xf32>,
      %add3A_291 = arith.addf %get3A_286, %get3A_290 : vector<16xf32>
      %mul3A_292 = arith.constant 16 : i32
      %mul3A_293 = arith.muli %scan3A_282, %mul3A_292 : i32
      %swap3A_294 = arith.index_cast %mul3A_293 : i32 to index
      %swap3A_295 = tpu.vector_load %arg16[%swap3A_294] {strides = array<i32>} : memref<640xf32, #tpu.memory_space<vmem>>, vector<16xf32>,
      tpu.vector_store %arg16[%swap3A_294], %add3A_291 {strides = array<i32>} : memref<640xf32, #tpu.memory_space<vmem>>, vector<16xf32>,
      %scan3A_296 = arith.constant 0 : i32
      scf.yield %scan3A_296 : i32
    }
    %scan3A_96 = arith.constant 40 : i32
    %mul3A_97 = arith.constant 640 : i32
    %mul3A_98 = arith.muli %arg1, %mul3A_97 : i32
    %add3A_99 = arith.constant 30720 : i32
    %add3A_100 = arith.addi %add3A_99, %mul3A_98 : i32
    "tpu.region"() ({
      %run_scoped3A = tpu.sem_alloc : memref<!tpu.dma_semaphore, #tpu.memory_space<semaphore_mem>>
      %dma_start3A_282 = tpu.memref_slice %arg18[%add3A_100] : memref<174080xf32, #tpu.memory_space<vmem_shared>> -> memref<640xf32, #tpu.memory_space<vmem_shared>>
      %dma_start3A_283 = tpu.memref_slice %arg18[%add3A_100] : memref<174080xf32, #tpu.memory_space<vmem_shared>> -> memref<640xf32, #tpu.memory_space<vmem_shared>>
      tpu.enqueue_dma source(%dma_start3A_283 : memref<640xf32, #tpu.memory_space<vmem_shared>>) target(%arg15 : memref<640xf32, #tpu.memory_space<vmem>>) target_semaphore(%run_scoped3A : memref<!tpu.dma_semaphore, #tpu.memory_space<semaphore_mem>>)
      %dma_wait3A_284 = tpu.memref_slice %arg18[%add3A_100] : memref<174080xf32, #tpu.memory_space<vmem_shared>> -> memref<640xf32, #tpu.memory_space<vmem_shared>>
      %dma_wait3A_285 = tpu.memref_slice %arg18[%add3A_100] : memref<174080xf32, #tpu.memory_space<vmem_shared>> -> memref<640xf32, #tpu.memory_space<vmem_shared>>
      tpu.wait_dma2 semaphore(%run_scoped3A : memref<!tpu.dma_semaphore, #tpu.memory_space<semaphore_mem>>) src(%dma_wait3A_285 : memref<640xf32, #tpu.memory_space<vmem_shared>>) dst(%arg15 : memref<640xf32, #tpu.memory_space<vmem>>)
      tpu.yield
    }) : () -> ()
    %scan3A_101 = arith.constant 0 : i32
    %scan3A_102 = arith.constant 0 : i32
    %scan3A_103 = arith.constant 40 : i32
    %scan3A_104 = arith.addi %scan3A_102, %scan3A_103 : i32
    %scan3A_105 = arith.constant 1 : i32
    %scan3A_106 = scf.for %scan3A_282 = %scan3A_102 to %scan3A_104 step %scan3A_105 iter_args(%scan3A_283 = %scan3A_101) -> (i32)  : i32 {
      %mul3A_284 = arith.constant 16 : i32
      %mul3A_285 = arith.muli %scan3A_282, %mul3A_284 : i32
      %get3A = arith.index_cast %mul3A_285 : i32 to index
      %get3A_286 = tpu.vector_load %arg16[%get3A] {strides = array<i32>} : memref<640xf32, #tpu.memory_space<vmem>>, vector<16xf32>,
      %mul3A_287 = arith.constant 16 : i32
      %mul3A_288 = arith.muli %scan3A_282, %mul3A_287 : i32
      %get3A_289 = arith.index_cast %mul3A_288 : i32 to index
      %get3A_290 = tpu.vector_load %arg15[%get3A_289] {strides = array<i32>} : memref<640xf32, #tpu.memory_space<vmem>>, vector<16xf32>,
      %add3A_291 = arith.addf %get3A_286, %get3A_290 : vector<16xf32>
      %mul3A_292 = arith.constant 16 : i32
      %mul3A_293 = arith.muli %scan3A_282, %mul3A_292 : i32
      %swap3A_294 = arith.index_cast %mul3A_293 : i32 to index
      %swap3A_295 = tpu.vector_load %arg16[%swap3A_294] {strides = array<i32>} : memref<640xf32, #tpu.memory_space<vmem>>, vector<16xf32>,
      tpu.vector_store %arg16[%swap3A_294], %add3A_291 {strides = array<i32>} : memref<640xf32, #tpu.memory_space<vmem>>, vector<16xf32>,
      %scan3A_296 = arith.constant 0 : i32
      scf.yield %scan3A_296 : i32
    }
    %scan3A_107 = arith.constant 40 : i32
    %mul3A_108 = arith.constant 640 : i32
    %mul3A_109 = arith.muli %arg1, %mul3A_108 : i32
    %add3A_110 = arith.constant 40960 : i32
    %add3A_111 = arith.addi %add3A_110, %mul3A_109 : i32
    "tpu.region"() ({
      %run_scoped3A = tpu.sem_alloc : memref<!tpu.dma_semaphore, #tpu.memory_space<semaphore_mem>>
      %dma_start3A_282 = tpu.memref_slice %arg18[%add3A_111] : memref<174080xf32, #tpu.memory_space<vmem_shared>> -> memref<640xf32, #tpu.memory_space<vmem_shared>>
      %dma_start3A_283 = tpu.memref_slice %arg18[%add3A_111] : memref<174080xf32, #tpu.memory_space<vmem_shared>> -> memref<640xf32, #tpu.memory_space<vmem_shared>>
      tpu.enqueue_dma source(%dma_start3A_283 : memref<640xf32, #tpu.memory_space<vmem_shared>>) target(%arg15 : memref<640xf32, #tpu.memory_space<vmem>>) target_semaphore(%run_scoped3A : memref<!tpu.dma_semaphore, #tpu.memory_space<semaphore_mem>>)
      %dma_wait3A_284 = tpu.memref_slice %arg18[%add3A_111] : memref<174080xf32, #tpu.memory_space<vmem_shared>> -> memref<640xf32, #tpu.memory_space<vmem_shared>>
      %dma_wait3A_285 = tpu.memref_slice %arg18[%add3A_111] : memref<174080xf32, #tpu.memory_space<vmem_shared>> -> memref<640xf32, #tpu.memory_space<vmem_shared>>
      tpu.wait_dma2 semaphore(%run_scoped3A : memref<!tpu.dma_semaphore, #tpu.memory_space<semaphore_mem>>) src(%dma_wait3A_285 : memref<640xf32, #tpu.memory_space<vmem_shared>>) dst(%arg15 : memref<640xf32, #tpu.memory_space<vmem>>)
      tpu.yield
    }) : () -> ()
    %scan3A_112 = arith.constant 0 : i32
    %scan3A_113 = arith.constant 0 : i32
    %scan3A_114 = arith.constant 40 : i32
    %scan3A_115 = arith.addi %scan3A_113, %scan3A_114 : i32
    %scan3A_116 = arith.constant 1 : i32
    %scan3A_117 = scf.for %scan3A_282 = %scan3A_113 to %scan3A_115 step %scan3A_116 iter_args(%scan3A_283 = %scan3A_112) -> (i32)  : i32 {
      %mul3A_284 = arith.constant 16 : i32
      %mul3A_285 = arith.muli %scan3A_282, %mul3A_284 : i32
      %get3A = arith.index_cast %mul3A_285 : i32 to index
      %get3A_286 = tpu.vector_load %arg16[%get3A] {strides = array<i32>} : memref<640xf32, #tpu.memory_space<vmem>>, vector<16xf32>,
      %mul3A_287 = arith.constant 16 : i32
      %mul3A_288 = arith.muli %scan3A_282, %mul3A_287 : i32
      %get3A_289 = arith.index_cast %mul3A_288 : i32 to index
      %get3A_290 = tpu.vector_load %arg15[%get3A_289] {strides = array<i32>} : memref<640xf32, #tpu.memory_space<vmem>>, vector<16xf32>,
      %add3A_291 = arith.addf %get3A_286, %get3A_290 : vector<16xf32>
      %mul3A_292 = arith.constant 16 : i32
      %mul3A_293 = arith.muli %scan3A_282, %mul3A_292 : i32
      %swap3A_294 = arith.index_cast %mul3A_293 : i32 to index
      %swap3A_295 = tpu.vector_load %arg16[%swap3A_294] {strides = array<i32>} : memref<640xf32, #tpu.memory_space<vmem>>, vector<16xf32>,
      tpu.vector_store %arg16[%swap3A_294], %add3A_291 {strides = array<i32>} : memref<640xf32, #tpu.memory_space<vmem>>, vector<16xf32>,
      %scan3A_296 = arith.constant 0 : i32
      scf.yield %scan3A_296 : i32
    }
    %scan3A_118 = arith.constant 40 : i32
    %mul3A_119 = arith.constant 640 : i32
    %mul3A_120 = arith.muli %arg1, %mul3A_119 : i32
    %add3A_121 = arith.constant 51200 : i32
    %add3A_122 = arith.addi %add3A_121, %mul3A_120 : i32
    "tpu.region"() ({
      %run_scoped3A = tpu.sem_alloc : memref<!tpu.dma_semaphore, #tpu.memory_space<semaphore_mem>>
      %dma_start3A_282 = tpu.memref_slice %arg18[%add3A_122] : memref<174080xf32, #tpu.memory_space<vmem_shared>> -> memref<640xf32, #tpu.memory_space<vmem_shared>>
      %dma_start3A_283 = tpu.memref_slice %arg18[%add3A_122] : memref<174080xf32, #tpu.memory_space<vmem_shared>> -> memref<640xf32, #tpu.memory_space<vmem_shared>>
      tpu.enqueue_dma source(%dma_start3A_283 : memref<640xf32, #tpu.memory_space<vmem_shared>>) target(%arg15 : memref<640xf32, #tpu.memory_space<vmem>>) target_semaphore(%run_scoped3A : memref<!tpu.dma_semaphore, #tpu.memory_space<semaphore_mem>>)
      %dma_wait3A_284 = tpu.memref_slice %arg18[%add3A_122] : memref<174080xf32, #tpu.memory_space<vmem_shared>> -> memref<640xf32, #tpu.memory_space<vmem_shared>>
      %dma_wait3A_285 = tpu.memref_slice %arg18[%add3A_122] : memref<174080xf32, #tpu.memory_space<vmem_shared>> -> memref<640xf32, #tpu.memory_space<vmem_shared>>
      tpu.wait_dma2 semaphore(%run_scoped3A : memref<!tpu.dma_semaphore, #tpu.memory_space<semaphore_mem>>) src(%dma_wait3A_285 : memref<640xf32, #tpu.memory_space<vmem_shared>>) dst(%arg15 : memref<640xf32, #tpu.memory_space<vmem>>)
      tpu.yield
    }) : () -> ()
    %scan3A_123 = arith.constant 0 : i32
    %scan3A_124 = arith.constant 0 : i32
    %scan3A_125 = arith.constant 40 : i32
    %scan3A_126 = arith.addi %scan3A_124, %scan3A_125 : i32
    %scan3A_127 = arith.constant 1 : i32
    %scan3A_128 = scf.for %scan3A_282 = %scan3A_124 to %scan3A_126 step %scan3A_127 iter_args(%scan3A_283 = %scan3A_123) -> (i32)  : i32 {
      %mul3A_284 = arith.constant 16 : i32
      %mul3A_285 = arith.muli %scan3A_282, %mul3A_284 : i32
      %get3A = arith.index_cast %mul3A_285 : i32 to index
      %get3A_286 = tpu.vector_load %arg16[%get3A] {strides = array<i32>} : memref<640xf32, #tpu.memory_space<vmem>>, vector<16xf32>,
      %mul3A_287 = arith.constant 16 : i32
      %mul3A_288 = arith.muli %scan3A_282, %mul3A_287 : i32
      %get3A_289 = arith.index_cast %mul3A_288 : i32 to index
      %get3A_290 = tpu.vector_load %arg15[%get3A_289] {strides = array<i32>} : memref<640xf32, #tpu.memory_space<vmem>>, vector<16xf32>,
      %add3A_291 = arith.addf %get3A_286, %get3A_290 : vector<16xf32>
      %mul3A_292 = arith.constant 16 : i32
      %mul3A_293 = arith.muli %scan3A_282, %mul3A_292 : i32
      %swap3A_294 = arith.index_cast %mul3A_293 : i32 to index
      %swap3A_295 = tpu.vector_load %arg16[%swap3A_294] {strides = array<i32>} : memref<640xf32, #tpu.memory_space<vmem>>, vector<16xf32>,
      tpu.vector_store %arg16[%swap3A_294], %add3A_291 {strides = array<i32>} : memref<640xf32, #tpu.memory_space<vmem>>, vector<16xf32>,
      %scan3A_296 = arith.constant 0 : i32
      scf.yield %scan3A_296 : i32
    }
    %scan3A_129 = arith.constant 40 : i32
    %mul3A_130 = arith.constant 640 : i32
    %mul3A_131 = arith.muli %arg1, %mul3A_130 : i32
    %add3A_132 = arith.constant 61440 : i32
    %add3A_133 = arith.addi %add3A_132, %mul3A_131 : i32
    "tpu.region"() ({
      %run_scoped3A = tpu.sem_alloc : memref<!tpu.dma_semaphore, #tpu.memory_space<semaphore_mem>>
      %dma_start3A_282 = tpu.memref_slice %arg18[%add3A_133] : memref<174080xf32, #tpu.memory_space<vmem_shared>> -> memref<640xf32, #tpu.memory_space<vmem_shared>>
      %dma_start3A_283 = tpu.memref_slice %arg18[%add3A_133] : memref<174080xf32, #tpu.memory_space<vmem_shared>> -> memref<640xf32, #tpu.memory_space<vmem_shared>>
      tpu.enqueue_dma source(%dma_start3A_283 : memref<640xf32, #tpu.memory_space<vmem_shared>>) target(%arg15 : memref<640xf32, #tpu.memory_space<vmem>>) target_semaphore(%run_scoped3A : memref<!tpu.dma_semaphore, #tpu.memory_space<semaphore_mem>>)
      %dma_wait3A_284 = tpu.memref_slice %arg18[%add3A_133] : memref<174080xf32, #tpu.memory_space<vmem_shared>> -> memref<640xf32, #tpu.memory_space<vmem_shared>>
      %dma_wait3A_285 = tpu.memref_slice %arg18[%add3A_133] : memref<174080xf32, #tpu.memory_space<vmem_shared>> -> memref<640xf32, #tpu.memory_space<vmem_shared>>
      tpu.wait_dma2 semaphore(%run_scoped3A : memref<!tpu.dma_semaphore, #tpu.memory_space<semaphore_mem>>) src(%dma_wait3A_285 : memref<640xf32, #tpu.memory_space<vmem_shared>>) dst(%arg15 : memref<640xf32, #tpu.memory_space<vmem>>)
      tpu.yield
    }) : () -> ()
    %scan3A_134 = arith.constant 0 : i32
    %scan3A_135 = arith.constant 0 : i32
    %scan3A_136 = arith.constant 40 : i32
    %scan3A_137 = arith.addi %scan3A_135, %scan3A_136 : i32
    %scan3A_138 = arith.constant 1 : i32
    %scan3A_139 = scf.for %scan3A_282 = %scan3A_135 to %scan3A_137 step %scan3A_138 iter_args(%scan3A_283 = %scan3A_134) -> (i32)  : i32 {
      %mul3A_284 = arith.constant 16 : i32
      %mul3A_285 = arith.muli %scan3A_282, %mul3A_284 : i32
      %get3A = arith.index_cast %mul3A_285 : i32 to index
      %get3A_286 = tpu.vector_load %arg16[%get3A] {strides = array<i32>} : memref<640xf32, #tpu.memory_space<vmem>>, vector<16xf32>,
      %mul3A_287 = arith.constant 16 : i32
      %mul3A_288 = arith.muli %scan3A_282, %mul3A_287 : i32
      %get3A_289 = arith.index_cast %mul3A_288 : i32 to index
      %get3A_290 = tpu.vector_load %arg15[%get3A_289] {strides = array<i32>} : memref<640xf32, #tpu.memory_space<vmem>>, vector<16xf32>,
      %add3A_291 = arith.addf %get3A_286, %get3A_290 : vector<16xf32>
      %mul3A_292 = arith.constant 16 : i32
      %mul3A_293 = arith.muli %scan3A_282, %mul3A_292 : i32
      %swap3A_294 = arith.index_cast %mul3A_293 : i32 to index
      %swap3A_295 = tpu.vector_load %arg16[%swap3A_294] {strides = array<i32>} : memref<640xf32, #tpu.memory_space<vmem>>, vector<16xf32>,
      tpu.vector_store %arg16[%swap3A_294], %add3A_291 {strides = array<i32>} : memref<640xf32, #tpu.memory_space<vmem>>, vector<16xf32>,
      %scan3A_296 = arith.constant 0 : i32
      scf.yield %scan3A_296 : i32
    }
    %scan3A_140 = arith.constant 40 : i32
    %mul3A_141 = arith.constant 640 : i32
    %mul3A_142 = arith.muli %arg1, %mul3A_141 : i32
    %add3A_143 = arith.constant 71680 : i32
    %add3A_144 = arith.addi %add3A_143, %mul3A_142 : i32
    "tpu.region"() ({
      %run_scoped3A = tpu.sem_alloc : memref<!tpu.dma_semaphore, #tpu.memory_space<semaphore_mem>>
      %dma_start3A_282 = tpu.memref_slice %arg18[%add3A_144] : memref<174080xf32, #tpu.memory_space<vmem_shared>> -> memref<640xf32, #tpu.memory_space<vmem_shared>>
      %dma_start3A_283 = tpu.memref_slice %arg18[%add3A_144] : memref<174080xf32, #tpu.memory_space<vmem_shared>> -> memref<640xf32, #tpu.memory_space<vmem_shared>>
      tpu.enqueue_dma source(%dma_start3A_283 : memref<640xf32, #tpu.memory_space<vmem_shared>>) target(%arg15 : memref<640xf32, #tpu.memory_space<vmem>>) target_semaphore(%run_scoped3A : memref<!tpu.dma_semaphore, #tpu.memory_space<semaphore_mem>>)
      %dma_wait3A_284 = tpu.memref_slice %arg18[%add3A_144] : memref<174080xf32, #tpu.memory_space<vmem_shared>> -> memref<640xf32, #tpu.memory_space<vmem_shared>>
      %dma_wait3A_285 = tpu.memref_slice %arg18[%add3A_144] : memref<174080xf32, #tpu.memory_space<vmem_shared>> -> memref<640xf32, #tpu.memory_space<vmem_shared>>
      tpu.wait_dma2 semaphore(%run_scoped3A : memref<!tpu.dma_semaphore, #tpu.memory_space<semaphore_mem>>) src(%dma_wait3A_285 : memref<640xf32, #tpu.memory_space<vmem_shared>>) dst(%arg15 : memref<640xf32, #tpu.memory_space<vmem>>)
      tpu.yield
    }) : () -> ()
    %scan3A_145 = arith.constant 0 : i32
    %scan3A_146 = arith.constant 0 : i32
    %scan3A_147 = arith.constant 40 : i32
    %scan3A_148 = arith.addi %scan3A_146, %scan3A_147 : i32
    %scan3A_149 = arith.constant 1 : i32
    %scan3A_150 = scf.for %scan3A_282 = %scan3A_146 to %scan3A_148 step %scan3A_149 iter_args(%scan3A_283 = %scan3A_145) -> (i32)  : i32 {
      %mul3A_284 = arith.constant 16 : i32
      %mul3A_285 = arith.muli %scan3A_282, %mul3A_284 : i32
      %get3A = arith.index_cast %mul3A_285 : i32 to index
      %get3A_286 = tpu.vector_load %arg16[%get3A] {strides = array<i32>} : memref<640xf32, #tpu.memory_space<vmem>>, vector<16xf32>,
      %mul3A_287 = arith.constant 16 : i32
      %mul3A_288 = arith.muli %scan3A_282, %mul3A_287 : i32
      %get3A_289 = arith.index_cast %mul3A_288 : i32 to index
      %get3A_290 = tpu.vector_load %arg15[%get3A_289] {strides = array<i32>} : memref<640xf32, #tpu.memory_space<vmem>>, vector<16xf32>,
      %add3A_291 = arith.addf %get3A_286, %get3A_290 : vector<16xf32>
      %mul3A_292 = arith.constant 16 : i32
      %mul3A_293 = arith.muli %scan3A_282, %mul3A_292 : i32
      %swap3A_294 = arith.index_cast %mul3A_293 : i32 to index
      %swap3A_295 = tpu.vector_load %arg16[%swap3A_294] {strides = array<i32>} : memref<640xf32, #tpu.memory_space<vmem>>, vector<16xf32>,
      tpu.vector_store %arg16[%swap3A_294], %add3A_291 {strides = array<i32>} : memref<640xf32, #tpu.memory_space<vmem>>, vector<16xf32>,
      %scan3A_296 = arith.constant 0 : i32
      scf.yield %scan3A_296 : i32
    }
    %scan3A_151 = arith.constant 40 : i32
    %mul3A_152 = arith.constant 640 : i32
    %mul3A_153 = arith.muli %arg1, %mul3A_152 : i32
    %add3A_154 = arith.constant 81920 : i32
    %add3A_155 = arith.addi %add3A_154, %mul3A_153 : i32
    "tpu.region"() ({
      %run_scoped3A = tpu.sem_alloc : memref<!tpu.dma_semaphore, #tpu.memory_space<semaphore_mem>>
      %dma_start3A_282 = tpu.memref_slice %arg18[%add3A_155] : memref<174080xf32, #tpu.memory_space<vmem_shared>> -> memref<640xf32, #tpu.memory_space<vmem_shared>>
      %dma_start3A_283 = tpu.memref_slice %arg18[%add3A_155] : memref<174080xf32, #tpu.memory_space<vmem_shared>> -> memref<640xf32, #tpu.memory_space<vmem_shared>>
      tpu.enqueue_dma source(%dma_start3A_283 : memref<640xf32, #tpu.memory_space<vmem_shared>>) target(%arg15 : memref<640xf32, #tpu.memory_space<vmem>>) target_semaphore(%run_scoped3A : memref<!tpu.dma_semaphore, #tpu.memory_space<semaphore_mem>>)
      %dma_wait3A_284 = tpu.memref_slice %arg18[%add3A_155] : memref<174080xf32, #tpu.memory_space<vmem_shared>> -> memref<640xf32, #tpu.memory_space<vmem_shared>>
      %dma_wait3A_285 = tpu.memref_slice %arg18[%add3A_155] : memref<174080xf32, #tpu.memory_space<vmem_shared>> -> memref<640xf32, #tpu.memory_space<vmem_shared>>
      tpu.wait_dma2 semaphore(%run_scoped3A : memref<!tpu.dma_semaphore, #tpu.memory_space<semaphore_mem>>) src(%dma_wait3A_285 : memref<640xf32, #tpu.memory_space<vmem_shared>>) dst(%arg15 : memref<640xf32, #tpu.memory_space<vmem>>)
      tpu.yield
    }) : () -> ()
    %scan3A_156 = arith.constant 0 : i32
    %scan3A_157 = arith.constant 0 : i32
    %scan3A_158 = arith.constant 40 : i32
    %scan3A_159 = arith.addi %scan3A_157, %scan3A_158 : i32
    %scan3A_160 = arith.constant 1 : i32
    %scan3A_161 = scf.for %scan3A_282 = %scan3A_157 to %scan3A_159 step %scan3A_160 iter_args(%scan3A_283 = %scan3A_156) -> (i32)  : i32 {
      %mul3A_284 = arith.constant 16 : i32
      %mul3A_285 = arith.muli %scan3A_282, %mul3A_284 : i32
      %get3A = arith.index_cast %mul3A_285 : i32 to index
      %get3A_286 = tpu.vector_load %arg16[%get3A] {strides = array<i32>} : memref<640xf32, #tpu.memory_space<vmem>>, vector<16xf32>,
      %mul3A_287 = arith.constant 16 : i32
      %mul3A_288 = arith.muli %scan3A_282, %mul3A_287 : i32
      %get3A_289 = arith.index_cast %mul3A_288 : i32 to index
      %get3A_290 = tpu.vector_load %arg15[%get3A_289] {strides = array<i32>} : memref<640xf32, #tpu.memory_space<vmem>>, vector<16xf32>,
      %add3A_291 = arith.addf %get3A_286, %get3A_290 : vector<16xf32>
      %mul3A_292 = arith.constant 16 : i32
      %mul3A_293 = arith.muli %scan3A_282, %mul3A_292 : i32
      %swap3A_294 = arith.index_cast %mul3A_293 : i32 to index
      %swap3A_295 = tpu.vector_load %arg16[%swap3A_294] {strides = array<i32>} : memref<640xf32, #tpu.memory_space<vmem>>, vector<16xf32>,
      tpu.vector_store %arg16[%swap3A_294], %add3A_291 {strides = array<i32>} : memref<640xf32, #tpu.memory_space<vmem>>, vector<16xf32>,
      %scan3A_296 = arith.constant 0 : i32
      scf.yield %scan3A_296 : i32
    }
    %scan3A_162 = arith.constant 40 : i32
    %mul3A_163 = arith.constant 640 : i32
    %mul3A_164 = arith.muli %arg1, %mul3A_163 : i32
    %add3A_165 = arith.constant 92160 : i32
    %add3A_166 = arith.addi %add3A_165, %mul3A_164 : i32
    "tpu.region"() ({
      %run_scoped3A = tpu.sem_alloc : memref<!tpu.dma_semaphore, #tpu.memory_space<semaphore_mem>>
      %dma_start3A_282 = tpu.memref_slice %arg18[%add3A_166] : memref<174080xf32, #tpu.memory_space<vmem_shared>> -> memref<640xf32, #tpu.memory_space<vmem_shared>>
      %dma_start3A_283 = tpu.memref_slice %arg18[%add3A_166] : memref<174080xf32, #tpu.memory_space<vmem_shared>> -> memref<640xf32, #tpu.memory_space<vmem_shared>>
      tpu.enqueue_dma source(%dma_start3A_283 : memref<640xf32, #tpu.memory_space<vmem_shared>>) target(%arg15 : memref<640xf32, #tpu.memory_space<vmem>>) target_semaphore(%run_scoped3A : memref<!tpu.dma_semaphore, #tpu.memory_space<semaphore_mem>>)
      %dma_wait3A_284 = tpu.memref_slice %arg18[%add3A_166] : memref<174080xf32, #tpu.memory_space<vmem_shared>> -> memref<640xf32, #tpu.memory_space<vmem_shared>>
      %dma_wait3A_285 = tpu.memref_slice %arg18[%add3A_166] : memref<174080xf32, #tpu.memory_space<vmem_shared>> -> memref<640xf32, #tpu.memory_space<vmem_shared>>
      tpu.wait_dma2 semaphore(%run_scoped3A : memref<!tpu.dma_semaphore, #tpu.memory_space<semaphore_mem>>) src(%dma_wait3A_285 : memref<640xf32, #tpu.memory_space<vmem_shared>>) dst(%arg15 : memref<640xf32, #tpu.memory_space<vmem>>)
      tpu.yield
    }) : () -> ()
    %scan3A_167 = arith.constant 0 : i32
    %scan3A_168 = arith.constant 0 : i32
    %scan3A_169 = arith.constant 40 : i32
    %scan3A_170 = arith.addi %scan3A_168, %scan3A_169 : i32
    %scan3A_171 = arith.constant 1 : i32
    %scan3A_172 = scf.for %scan3A_282 = %scan3A_168 to %scan3A_170 step %scan3A_171 iter_args(%scan3A_283 = %scan3A_167) -> (i32)  : i32 {
      %mul3A_284 = arith.constant 16 : i32
      %mul3A_285 = arith.muli %scan3A_282, %mul3A_284 : i32
      %get3A = arith.index_cast %mul3A_285 : i32 to index
      %get3A_286 = tpu.vector_load %arg16[%get3A] {strides = array<i32>} : memref<640xf32, #tpu.memory_space<vmem>>, vector<16xf32>,
      %mul3A_287 = arith.constant 16 : i32
      %mul3A_288 = arith.muli %scan3A_282, %mul3A_287 : i32
      %get3A_289 = arith.index_cast %mul3A_288 : i32 to index
      %get3A_290 = tpu.vector_load %arg15[%get3A_289] {strides = array<i32>} : memref<640xf32, #tpu.memory_space<vmem>>, vector<16xf32>,
      %add3A_291 = arith.addf %get3A_286, %get3A_290 : vector<16xf32>
      %mul3A_292 = arith.constant 16 : i32
      %mul3A_293 = arith.muli %scan3A_282, %mul3A_292 : i32
      %swap3A_294 = arith.index_cast %mul3A_293 : i32 to index
      %swap3A_295 = tpu.vector_load %arg16[%swap3A_294] {strides = array<i32>} : memref<640xf32, #tpu.memory_space<vmem>>, vector<16xf32>,
      tpu.vector_store %arg16[%swap3A_294], %add3A_291 {strides = array<i32>} : memref<640xf32, #tpu.memory_space<vmem>>, vector<16xf32>,
      %scan3A_296 = arith.constant 0 : i32
      scf.yield %scan3A_296 : i32
    }
    %scan3A_173 = arith.constant 40 : i32
    %mul3A_174 = arith.constant 640 : i32
    %mul3A_175 = arith.muli %arg1, %mul3A_174 : i32
    %add3A_176 = arith.constant 102400 : i32
    %add3A_177 = arith.addi %add3A_176, %mul3A_175 : i32
    "tpu.region"() ({
      %run_scoped3A = tpu.sem_alloc : memref<!tpu.dma_semaphore, #tpu.memory_space<semaphore_mem>>
      %dma_start3A_282 = tpu.memref_slice %arg18[%add3A_177] : memref<174080xf32, #tpu.memory_space<vmem_shared>> -> memref<640xf32, #tpu.memory_space<vmem_shared>>
      %dma_start3A_283 = tpu.memref_slice %arg18[%add3A_177] : memref<174080xf32, #tpu.memory_space<vmem_shared>> -> memref<640xf32, #tpu.memory_space<vmem_shared>>
      tpu.enqueue_dma source(%dma_start3A_283 : memref<640xf32, #tpu.memory_space<vmem_shared>>) target(%arg15 : memref<640xf32, #tpu.memory_space<vmem>>) target_semaphore(%run_scoped3A : memref<!tpu.dma_semaphore, #tpu.memory_space<semaphore_mem>>)
      %dma_wait3A_284 = tpu.memref_slice %arg18[%add3A_177] : memref<174080xf32, #tpu.memory_space<vmem_shared>> -> memref<640xf32, #tpu.memory_space<vmem_shared>>
      %dma_wait3A_285 = tpu.memref_slice %arg18[%add3A_177] : memref<174080xf32, #tpu.memory_space<vmem_shared>> -> memref<640xf32, #tpu.memory_space<vmem_shared>>
      tpu.wait_dma2 semaphore(%run_scoped3A : memref<!tpu.dma_semaphore, #tpu.memory_space<semaphore_mem>>) src(%dma_wait3A_285 : memref<640xf32, #tpu.memory_space<vmem_shared>>) dst(%arg15 : memref<640xf32, #tpu.memory_space<vmem>>)
      tpu.yield
    }) : () -> ()
    %scan3A_178 = arith.constant 0 : i32
    %scan3A_179 = arith.constant 0 : i32
    %scan3A_180 = arith.constant 40 : i32
    %scan3A_181 = arith.addi %scan3A_179, %scan3A_180 : i32
    %scan3A_182 = arith.constant 1 : i32
    %scan3A_183 = scf.for %scan3A_282 = %scan3A_179 to %scan3A_181 step %scan3A_182 iter_args(%scan3A_283 = %scan3A_178) -> (i32)  : i32 {
      %mul3A_284 = arith.constant 16 : i32
      %mul3A_285 = arith.muli %scan3A_282, %mul3A_284 : i32
      %get3A = arith.index_cast %mul3A_285 : i32 to index
      %get3A_286 = tpu.vector_load %arg16[%get3A] {strides = array<i32>} : memref<640xf32, #tpu.memory_space<vmem>>, vector<16xf32>,
      %mul3A_287 = arith.constant 16 : i32
      %mul3A_288 = arith.muli %scan3A_282, %mul3A_287 : i32
      %get3A_289 = arith.index_cast %mul3A_288 : i32 to index
      %get3A_290 = tpu.vector_load %arg15[%get3A_289] {strides = array<i32>} : memref<640xf32, #tpu.memory_space<vmem>>, vector<16xf32>,
      %add3A_291 = arith.addf %get3A_286, %get3A_290 : vector<16xf32>
      %mul3A_292 = arith.constant 16 : i32
      %mul3A_293 = arith.muli %scan3A_282, %mul3A_292 : i32
      %swap3A_294 = arith.index_cast %mul3A_293 : i32 to index
      %swap3A_295 = tpu.vector_load %arg16[%swap3A_294] {strides = array<i32>} : memref<640xf32, #tpu.memory_space<vmem>>, vector<16xf32>,
      tpu.vector_store %arg16[%swap3A_294], %add3A_291 {strides = array<i32>} : memref<640xf32, #tpu.memory_space<vmem>>, vector<16xf32>,
      %scan3A_296 = arith.constant 0 : i32
      scf.yield %scan3A_296 : i32
    }
    %scan3A_184 = arith.constant 40 : i32
    %mul3A_185 = arith.constant 640 : i32
    %mul3A_186 = arith.muli %arg1, %mul3A_185 : i32
    %add3A_187 = arith.constant 112640 : i32
    %add3A_188 = arith.addi %add3A_187, %mul3A_186 : i32
    "tpu.region"() ({
      %run_scoped3A = tpu.sem_alloc : memref<!tpu.dma_semaphore, #tpu.memory_space<semaphore_mem>>
      %dma_start3A_282 = tpu.memref_slice %arg18[%add3A_188] : memref<174080xf32, #tpu.memory_space<vmem_shared>> -> memref<640xf32, #tpu.memory_space<vmem_shared>>
      %dma_start3A_283 = tpu.memref_slice %arg18[%add3A_188] : memref<174080xf32, #tpu.memory_space<vmem_shared>> -> memref<640xf32, #tpu.memory_space<vmem_shared>>
      tpu.enqueue_dma source(%dma_start3A_283 : memref<640xf32, #tpu.memory_space<vmem_shared>>) target(%arg15 : memref<640xf32, #tpu.memory_space<vmem>>) target_semaphore(%run_scoped3A : memref<!tpu.dma_semaphore, #tpu.memory_space<semaphore_mem>>)
      %dma_wait3A_284 = tpu.memref_slice %arg18[%add3A_188] : memref<174080xf32, #tpu.memory_space<vmem_shared>> -> memref<640xf32, #tpu.memory_space<vmem_shared>>
      %dma_wait3A_285 = tpu.memref_slice %arg18[%add3A_188] : memref<174080xf32, #tpu.memory_space<vmem_shared>> -> memref<640xf32, #tpu.memory_space<vmem_shared>>
      tpu.wait_dma2 semaphore(%run_scoped3A : memref<!tpu.dma_semaphore, #tpu.memory_space<semaphore_mem>>) src(%dma_wait3A_285 : memref<640xf32, #tpu.memory_space<vmem_shared>>) dst(%arg15 : memref<640xf32, #tpu.memory_space<vmem>>)
      tpu.yield
    }) : () -> ()
    %scan3A_189 = arith.constant 0 : i32
    %scan3A_190 = arith.constant 0 : i32
    %scan3A_191 = arith.constant 40 : i32
    %scan3A_192 = arith.addi %scan3A_190, %scan3A_191 : i32
    %scan3A_193 = arith.constant 1 : i32
    %scan3A_194 = scf.for %scan3A_282 = %scan3A_190 to %scan3A_192 step %scan3A_193 iter_args(%scan3A_283 = %scan3A_189) -> (i32)  : i32 {
      %mul3A_284 = arith.constant 16 : i32
      %mul3A_285 = arith.muli %scan3A_282, %mul3A_284 : i32
      %get3A = arith.index_cast %mul3A_285 : i32 to index
      %get3A_286 = tpu.vector_load %arg16[%get3A] {strides = array<i32>} : memref<640xf32, #tpu.memory_space<vmem>>, vector<16xf32>,
      %mul3A_287 = arith.constant 16 : i32
      %mul3A_288 = arith.muli %scan3A_282, %mul3A_287 : i32
      %get3A_289 = arith.index_cast %mul3A_288 : i32 to index
      %get3A_290 = tpu.vector_load %arg15[%get3A_289] {strides = array<i32>} : memref<640xf32, #tpu.memory_space<vmem>>, vector<16xf32>,
      %add3A_291 = arith.addf %get3A_286, %get3A_290 : vector<16xf32>
      %mul3A_292 = arith.constant 16 : i32
      %mul3A_293 = arith.muli %scan3A_282, %mul3A_292 : i32
      %swap3A_294 = arith.index_cast %mul3A_293 : i32 to index
      %swap3A_295 = tpu.vector_load %arg16[%swap3A_294] {strides = array<i32>} : memref<640xf32, #tpu.memory_space<vmem>>, vector<16xf32>,
      tpu.vector_store %arg16[%swap3A_294], %add3A_291 {strides = array<i32>} : memref<640xf32, #tpu.memory_space<vmem>>, vector<16xf32>,
      %scan3A_296 = arith.constant 0 : i32
      scf.yield %scan3A_296 : i32
    }
    %scan3A_195 = arith.constant 40 : i32
    %mul3A_196 = arith.constant 640 : i32
    %mul3A_197 = arith.muli %arg1, %mul3A_196 : i32
    %add3A_198 = arith.constant 122880 : i32
    %add3A_199 = arith.addi %add3A_198, %mul3A_197 : i32
    "tpu.region"() ({
      %run_scoped3A = tpu.sem_alloc : memref<!tpu.dma_semaphore, #tpu.memory_space<semaphore_mem>>
      %dma_start3A_282 = tpu.memref_slice %arg18[%add3A_199] : memref<174080xf32, #tpu.memory_space<vmem_shared>> -> memref<640xf32, #tpu.memory_space<vmem_shared>>
      %dma_start3A_283 = tpu.memref_slice %arg18[%add3A_199] : memref<174080xf32, #tpu.memory_space<vmem_shared>> -> memref<640xf32, #tpu.memory_space<vmem_shared>>
      tpu.enqueue_dma source(%dma_start3A_283 : memref<640xf32, #tpu.memory_space<vmem_shared>>) target(%arg15 : memref<640xf32, #tpu.memory_space<vmem>>) target_semaphore(%run_scoped3A : memref<!tpu.dma_semaphore, #tpu.memory_space<semaphore_mem>>)
      %dma_wait3A_284 = tpu.memref_slice %arg18[%add3A_199] : memref<174080xf32, #tpu.memory_space<vmem_shared>> -> memref<640xf32, #tpu.memory_space<vmem_shared>>
      %dma_wait3A_285 = tpu.memref_slice %arg18[%add3A_199] : memref<174080xf32, #tpu.memory_space<vmem_shared>> -> memref<640xf32, #tpu.memory_space<vmem_shared>>
      tpu.wait_dma2 semaphore(%run_scoped3A : memref<!tpu.dma_semaphore, #tpu.memory_space<semaphore_mem>>) src(%dma_wait3A_285 : memref<640xf32, #tpu.memory_space<vmem_shared>>) dst(%arg15 : memref<640xf32, #tpu.memory_space<vmem>>)
      tpu.yield
    }) : () -> ()
    %scan3A_200 = arith.constant 0 : i32
    %scan3A_201 = arith.constant 0 : i32
    %scan3A_202 = arith.constant 40 : i32
    %scan3A_203 = arith.addi %scan3A_201, %scan3A_202 : i32
    %scan3A_204 = arith.constant 1 : i32
    %scan3A_205 = scf.for %scan3A_282 = %scan3A_201 to %scan3A_203 step %scan3A_204 iter_args(%scan3A_283 = %scan3A_200) -> (i32)  : i32 {
      %mul3A_284 = arith.constant 16 : i32
      %mul3A_285 = arith.muli %scan3A_282, %mul3A_284 : i32
      %get3A = arith.index_cast %mul3A_285 : i32 to index
      %get3A_286 = tpu.vector_load %arg16[%get3A] {strides = array<i32>} : memref<640xf32, #tpu.memory_space<vmem>>, vector<16xf32>,
      %mul3A_287 = arith.constant 16 : i32
      %mul3A_288 = arith.muli %scan3A_282, %mul3A_287 : i32
      %get3A_289 = arith.index_cast %mul3A_288 : i32 to index
      %get3A_290 = tpu.vector_load %arg15[%get3A_289] {strides = array<i32>} : memref<640xf32, #tpu.memory_space<vmem>>, vector<16xf32>,
      %add3A_291 = arith.addf %get3A_286, %get3A_290 : vector<16xf32>
      %mul3A_292 = arith.constant 16 : i32
      %mul3A_293 = arith.muli %scan3A_282, %mul3A_292 : i32
      %swap3A_294 = arith.index_cast %mul3A_293 : i32 to index
      %swap3A_295 = tpu.vector_load %arg16[%swap3A_294] {strides = array<i32>} : memref<640xf32, #tpu.memory_space<vmem>>, vector<16xf32>,
      tpu.vector_store %arg16[%swap3A_294], %add3A_291 {strides = array<i32>} : memref<640xf32, #tpu.memory_space<vmem>>, vector<16xf32>,
      %scan3A_296 = arith.constant 0 : i32
      scf.yield %scan3A_296 : i32
    }
    %scan3A_206 = arith.constant 40 : i32
    %mul3A_207 = arith.constant 640 : i32
    %mul3A_208 = arith.muli %arg1, %mul3A_207 : i32
    %add3A_209 = arith.constant 133120 : i32
    %add3A_210 = arith.addi %add3A_209, %mul3A_208 : i32
    "tpu.region"() ({
      %run_scoped3A = tpu.sem_alloc : memref<!tpu.dma_semaphore, #tpu.memory_space<semaphore_mem>>
      %dma_start3A_282 = tpu.memref_slice %arg18[%add3A_210] : memref<174080xf32, #tpu.memory_space<vmem_shared>> -> memref<640xf32, #tpu.memory_space<vmem_shared>>
      %dma_start3A_283 = tpu.memref_slice %arg18[%add3A_210] : memref<174080xf32, #tpu.memory_space<vmem_shared>> -> memref<640xf32, #tpu.memory_space<vmem_shared>>
      tpu.enqueue_dma source(%dma_start3A_283 : memref<640xf32, #tpu.memory_space<vmem_shared>>) target(%arg15 : memref<640xf32, #tpu.memory_space<vmem>>) target_semaphore(%run_scoped3A : memref<!tpu.dma_semaphore, #tpu.memory_space<semaphore_mem>>)
      %dma_wait3A_284 = tpu.memref_slice %arg18[%add3A_210] : memref<174080xf32, #tpu.memory_space<vmem_shared>> -> memref<640xf32, #tpu.memory_space<vmem_shared>>
      %dma_wait3A_285 = tpu.memref_slice %arg18[%add3A_210] : memref<174080xf32, #tpu.memory_space<vmem_shared>> -> memref<640xf32, #tpu.memory_space<vmem_shared>>
      tpu.wait_dma2 semaphore(%run_scoped3A : memref<!tpu.dma_semaphore, #tpu.memory_space<semaphore_mem>>) src(%dma_wait3A_285 : memref<640xf32, #tpu.memory_space<vmem_shared>>) dst(%arg15 : memref<640xf32, #tpu.memory_space<vmem>>)
      tpu.yield
    }) : () -> ()
    %scan3A_211 = arith.constant 0 : i32
    %scan3A_212 = arith.constant 0 : i32
    %scan3A_213 = arith.constant 40 : i32
    %scan3A_214 = arith.addi %scan3A_212, %scan3A_213 : i32
    %scan3A_215 = arith.constant 1 : i32
    %scan3A_216 = scf.for %scan3A_282 = %scan3A_212 to %scan3A_214 step %scan3A_215 iter_args(%scan3A_283 = %scan3A_211) -> (i32)  : i32 {
      %mul3A_284 = arith.constant 16 : i32
      %mul3A_285 = arith.muli %scan3A_282, %mul3A_284 : i32
      %get3A = arith.index_cast %mul3A_285 : i32 to index
      %get3A_286 = tpu.vector_load %arg16[%get3A] {strides = array<i32>} : memref<640xf32, #tpu.memory_space<vmem>>, vector<16xf32>,
      %mul3A_287 = arith.constant 16 : i32
      %mul3A_288 = arith.muli %scan3A_282, %mul3A_287 : i32
      %get3A_289 = arith.index_cast %mul3A_288 : i32 to index
      %get3A_290 = tpu.vector_load %arg15[%get3A_289] {strides = array<i32>} : memref<640xf32, #tpu.memory_space<vmem>>, vector<16xf32>,
      %add3A_291 = arith.addf %get3A_286, %get3A_290 : vector<16xf32>
      %mul3A_292 = arith.constant 16 : i32
      %mul3A_293 = arith.muli %scan3A_282, %mul3A_292 : i32
      %swap3A_294 = arith.index_cast %mul3A_293 : i32 to index
      %swap3A_295 = tpu.vector_load %arg16[%swap3A_294] {strides = array<i32>} : memref<640xf32, #tpu.memory_space<vmem>>, vector<16xf32>,
      tpu.vector_store %arg16[%swap3A_294], %add3A_291 {strides = array<i32>} : memref<640xf32, #tpu.memory_space<vmem>>, vector<16xf32>,
      %scan3A_296 = arith.constant 0 : i32
      scf.yield %scan3A_296 : i32
    }
    %scan3A_217 = arith.constant 40 : i32
    %mul3A_218 = arith.constant 640 : i32
    %mul3A_219 = arith.muli %arg1, %mul3A_218 : i32
    %add3A_220 = arith.constant 143360 : i32
    %add3A_221 = arith.addi %add3A_220, %mul3A_219 : i32
    "tpu.region"() ({
      %run_scoped3A = tpu.sem_alloc : memref<!tpu.dma_semaphore, #tpu.memory_space<semaphore_mem>>
      %dma_start3A_282 = tpu.memref_slice %arg18[%add3A_221] : memref<174080xf32, #tpu.memory_space<vmem_shared>> -> memref<640xf32, #tpu.memory_space<vmem_shared>>
      %dma_start3A_283 = tpu.memref_slice %arg18[%add3A_221] : memref<174080xf32, #tpu.memory_space<vmem_shared>> -> memref<640xf32, #tpu.memory_space<vmem_shared>>
      tpu.enqueue_dma source(%dma_start3A_283 : memref<640xf32, #tpu.memory_space<vmem_shared>>) target(%arg15 : memref<640xf32, #tpu.memory_space<vmem>>) target_semaphore(%run_scoped3A : memref<!tpu.dma_semaphore, #tpu.memory_space<semaphore_mem>>)
      %dma_wait3A_284 = tpu.memref_slice %arg18[%add3A_221] : memref<174080xf32, #tpu.memory_space<vmem_shared>> -> memref<640xf32, #tpu.memory_space<vmem_shared>>
      %dma_wait3A_285 = tpu.memref_slice %arg18[%add3A_221] : memref<174080xf32, #tpu.memory_space<vmem_shared>> -> memref<640xf32, #tpu.memory_space<vmem_shared>>
      tpu.wait_dma2 semaphore(%run_scoped3A : memref<!tpu.dma_semaphore, #tpu.memory_space<semaphore_mem>>) src(%dma_wait3A_285 : memref<640xf32, #tpu.memory_space<vmem_shared>>) dst(%arg15 : memref<640xf32, #tpu.memory_space<vmem>>)
      tpu.yield
    }) : () -> ()
    %scan3A_222 = arith.constant 0 : i32
    %scan3A_223 = arith.constant 0 : i32
    %scan3A_224 = arith.constant 40 : i32
    %scan3A_225 = arith.addi %scan3A_223, %scan3A_224 : i32
    %scan3A_226 = arith.constant 1 : i32
    %scan3A_227 = scf.for %scan3A_282 = %scan3A_223 to %scan3A_225 step %scan3A_226 iter_args(%scan3A_283 = %scan3A_222) -> (i32)  : i32 {
      %mul3A_284 = arith.constant 16 : i32
      %mul3A_285 = arith.muli %scan3A_282, %mul3A_284 : i32
      %get3A = arith.index_cast %mul3A_285 : i32 to index
      %get3A_286 = tpu.vector_load %arg16[%get3A] {strides = array<i32>} : memref<640xf32, #tpu.memory_space<vmem>>, vector<16xf32>,
      %mul3A_287 = arith.constant 16 : i32
      %mul3A_288 = arith.muli %scan3A_282, %mul3A_287 : i32
      %get3A_289 = arith.index_cast %mul3A_288 : i32 to index
      %get3A_290 = tpu.vector_load %arg15[%get3A_289] {strides = array<i32>} : memref<640xf32, #tpu.memory_space<vmem>>, vector<16xf32>,
      %add3A_291 = arith.addf %get3A_286, %get3A_290 : vector<16xf32>
      %mul3A_292 = arith.constant 16 : i32
      %mul3A_293 = arith.muli %scan3A_282, %mul3A_292 : i32
      %swap3A_294 = arith.index_cast %mul3A_293 : i32 to index
      %swap3A_295 = tpu.vector_load %arg16[%swap3A_294] {strides = array<i32>} : memref<640xf32, #tpu.memory_space<vmem>>, vector<16xf32>,
      tpu.vector_store %arg16[%swap3A_294], %add3A_291 {strides = array<i32>} : memref<640xf32, #tpu.memory_space<vmem>>, vector<16xf32>,
      %scan3A_296 = arith.constant 0 : i32
      scf.yield %scan3A_296 : i32
    }
    %scan3A_228 = arith.constant 40 : i32
    %mul3A_229 = arith.constant 640 : i32
    %mul3A_230 = arith.muli %arg1, %mul3A_229 : i32
    %add3A_231 = arith.constant 153600 : i32
    %add3A_232 = arith.addi %add3A_231, %mul3A_230 : i32
    "tpu.region"() ({
      %run_scoped3A = tpu.sem_alloc : memref<!tpu.dma_semaphore, #tpu.memory_space<semaphore_mem>>
      %dma_start3A_282 = tpu.memref_slice %arg18[%add3A_232] : memref<174080xf32, #tpu.memory_space<vmem_shared>> -> memref<640xf32, #tpu.memory_space<vmem_shared>>
      %dma_start3A_283 = tpu.memref_slice %arg18[%add3A_232] : memref<174080xf32, #tpu.memory_space<vmem_shared>> -> memref<640xf32, #tpu.memory_space<vmem_shared>>
      tpu.enqueue_dma source(%dma_start3A_283 : memref<640xf32, #tpu.memory_space<vmem_shared>>) target(%arg15 : memref<640xf32, #tpu.memory_space<vmem>>) target_semaphore(%run_scoped3A : memref<!tpu.dma_semaphore, #tpu.memory_space<semaphore_mem>>)
      %dma_wait3A_284 = tpu.memref_slice %arg18[%add3A_232] : memref<174080xf32, #tpu.memory_space<vmem_shared>> -> memref<640xf32, #tpu.memory_space<vmem_shared>>
      %dma_wait3A_285 = tpu.memref_slice %arg18[%add3A_232] : memref<174080xf32, #tpu.memory_space<vmem_shared>> -> memref<640xf32, #tpu.memory_space<vmem_shared>>
      tpu.wait_dma2 semaphore(%run_scoped3A : memref<!tpu.dma_semaphore, #tpu.memory_space<semaphore_mem>>) src(%dma_wait3A_285 : memref<640xf32, #tpu.memory_space<vmem_shared>>) dst(%arg15 : memref<640xf32, #tpu.memory_space<vmem>>)
      tpu.yield
    }) : () -> ()
    %scan3A_233 = arith.constant 0 : i32
    %scan3A_234 = arith.constant 0 : i32
    %scan3A_235 = arith.constant 40 : i32
    %scan3A_236 = arith.addi %scan3A_234, %scan3A_235 : i32
    %scan3A_237 = arith.constant 1 : i32
    %scan3A_238 = scf.for %scan3A_282 = %scan3A_234 to %scan3A_236 step %scan3A_237 iter_args(%scan3A_283 = %scan3A_233) -> (i32)  : i32 {
      %mul3A_284 = arith.constant 16 : i32
      %mul3A_285 = arith.muli %scan3A_282, %mul3A_284 : i32
      %get3A = arith.index_cast %mul3A_285 : i32 to index
      %get3A_286 = tpu.vector_load %arg16[%get3A] {strides = array<i32>} : memref<640xf32, #tpu.memory_space<vmem>>, vector<16xf32>,
      %mul3A_287 = arith.constant 16 : i32
      %mul3A_288 = arith.muli %scan3A_282, %mul3A_287 : i32
      %get3A_289 = arith.index_cast %mul3A_288 : i32 to index
      %get3A_290 = tpu.vector_load %arg15[%get3A_289] {strides = array<i32>} : memref<640xf32, #tpu.memory_space<vmem>>, vector<16xf32>,
      %add3A_291 = arith.addf %get3A_286, %get3A_290 : vector<16xf32>
      %mul3A_292 = arith.constant 16 : i32
      %mul3A_293 = arith.muli %scan3A_282, %mul3A_292 : i32
      %swap3A_294 = arith.index_cast %mul3A_293 : i32 to index
      %swap3A_295 = tpu.vector_load %arg16[%swap3A_294] {strides = array<i32>} : memref<640xf32, #tpu.memory_space<vmem>>, vector<16xf32>,
      tpu.vector_store %arg16[%swap3A_294], %add3A_291 {strides = array<i32>} : memref<640xf32, #tpu.memory_space<vmem>>, vector<16xf32>,
      %scan3A_296 = arith.constant 0 : i32
      scf.yield %scan3A_296 : i32
    }
    %scan3A_239 = arith.constant 40 : i32
    %mul3A_240 = arith.constant 640 : i32
    %mul3A_241 = arith.muli %arg1, %mul3A_240 : i32
    %add3A_242 = arith.constant 163840 : i32
    %add3A_243 = arith.addi %add3A_242, %mul3A_241 : i32
    "tpu.region"() ({
      %run_scoped3A = tpu.sem_alloc : memref<!tpu.dma_semaphore, #tpu.memory_space<semaphore_mem>>
      %dma_start3A_282 = tpu.memref_slice %arg18[%add3A_243] : memref<174080xf32, #tpu.memory_space<vmem_shared>> -> memref<640xf32, #tpu.memory_space<vmem_shared>>
      %dma_start3A_283 = tpu.memref_slice %arg18[%add3A_243] : memref<174080xf32, #tpu.memory_space<vmem_shared>> -> memref<640xf32, #tpu.memory_space<vmem_shared>>
      tpu.enqueue_dma source(%arg16 : memref<640xf32, #tpu.memory_space<vmem>>) target(%dma_start3A_283 : memref<640xf32, #tpu.memory_space<vmem_shared>>) target_semaphore(%run_scoped3A : memref<!tpu.dma_semaphore, #tpu.memory_space<semaphore_mem>>)
      %dma_wait3A_284 = tpu.memref_slice %arg18[%add3A_243] : memref<174080xf32, #tpu.memory_space<vmem_shared>> -> memref<640xf32, #tpu.memory_space<vmem_shared>>
      %dma_wait3A_285 = tpu.memref_slice %arg18[%add3A_243] : memref<174080xf32, #tpu.memory_space<vmem_shared>> -> memref<640xf32, #tpu.memory_space<vmem_shared>>
      tpu.wait_dma2 semaphore(%run_scoped3A : memref<!tpu.dma_semaphore, #tpu.memory_space<semaphore_mem>>) src(%arg16 : memref<640xf32, #tpu.memory_space<vmem>>) dst(%dma_wait3A_285 : memref<640xf32, #tpu.memory_space<vmem_shared>>)
      tpu.yield
    }) : () -> ()
    %barrier3A_244 = arith.constant 0 : index
    tpu.barrier barrier_id(%barrier3A_244)
    "tpu.region"() ({
      %run_scoped3A = tpu.sem_alloc : memref<!tpu.dma_semaphore, #tpu.memory_space<semaphore_mem>>
      %dma_start3A_282 = arith.constant 163840 : i32
      %dma_start3A_283 = tpu.memref_slice %arg18[%dma_start3A_282] : memref<174080xf32, #tpu.memory_space<vmem_shared>> -> memref<10240xf32, #tpu.memory_space<vmem_shared>>
      %dma_start3A_284 = arith.constant 163840 : i32
      %dma_start3A_285 = tpu.memref_slice %arg18[%dma_start3A_284] : memref<174080xf32, #tpu.memory_space<vmem_shared>> -> memref<10240xf32, #tpu.memory_space<vmem_shared>>
      tpu.enqueue_dma source(%dma_start3A_285 : memref<10240xf32, #tpu.memory_space<vmem_shared>>) target(%arg10 : memref<10240xf32, #tpu.memory_space<vmem>>) target_semaphore(%run_scoped3A : memref<!tpu.dma_semaphore, #tpu.memory_space<semaphore_mem>>)
      %dma_wait3A_286 = arith.constant 163840 : i32
      %dma_wait3A_287 = tpu.memref_slice %arg18[%dma_wait3A_286] : memref<174080xf32, #tpu.memory_space<vmem_shared>> -> memref<10240xf32, #tpu.memory_space<vmem_shared>>
      %dma_wait3A_288 = arith.constant 163840 : i32
      %dma_wait3A_289 = tpu.memref_slice %arg18[%dma_wait3A_288] : memref<174080xf32, #tpu.memory_space<vmem_shared>> -> memref<10240xf32, #tpu.memory_space<vmem_shared>>
      tpu.wait_dma2 semaphore(%run_scoped3A : memref<!tpu.dma_semaphore, #tpu.memory_space<semaphore_mem>>) src(%dma_wait3A_289 : memref<10240xf32, #tpu.memory_space<vmem_shared>>) dst(%arg10 : memref<10240xf32, #tpu.memory_space<vmem>>)
      tpu.yield
    }) : () -> ()
    %sub3A_245 = arith.subi %select_n3A, %arg0 : i32
    %add3A_246 = arith.constant 1 : i32
    %add3A_247 = arith.addi %sub3A_245, %add3A_246 : i32
    %jit3A_248 = arith.constant 2 : i32
    %div3A_249 = arith.divsi %add3A_247, %jit3A_248 : i32
    %sign3A_250 = arith.constant 0 : i32
    %sign3A_251 = arith.cmpi sgt, %add3A_247, %sign3A_250 : i32
    %sign3A_252 = arith.extui %sign3A_251 : i1 to i32
    %sign3A_253 = arith.constant 0 : i32
    %sign3A_254 = arith.cmpi slt, %add3A_247, %sign3A_253 : i32
    %sign3A_255 = arith.extui %sign3A_254 : i1 to i32
    %sign3A_256 = arith.subi %sign3A_252, %sign3A_255 : i32
    %sign3A_257 = arith.constant 0 : i32
    %sign3A_258 = arith.cmpi sgt, %jit3A_248, %sign3A_257 : i32
    %sign3A_259 = arith.extui %sign3A_258 : i1 to i32
    %sign3A_260 = arith.constant 0 : i32
    %sign3A_261 = arith.cmpi slt, %jit3A_248, %sign3A_260 : i32
    %sign3A_262 = arith.extui %sign3A_261 : i1 to i32
    %sign3A_263 = arith.subi %sign3A_259, %sign3A_262 : i32
    %ne3A_264 = arith.cmpi ne, %sign3A_256, %sign3A_263 : i32
    %rem3A_265 = arith.remsi %add3A_247, %jit3A_248 : i32
    %ne3A_266 = arith.constant 0 : i32
    %ne3A_267 = arith.cmpi ne, %rem3A_265, %ne3A_266 : i32
    %and3A_268 = arith.andi %ne3A_264, %ne3A_267 : i1
    %sub3A_269 = arith.constant 1 : i32
    %sub3A_270 = arith.subi %div3A_249, %sub3A_269 : i32
    %select_n3A_271 = arith.select %and3A_268, %sub3A_270, %div3A_249 : i32
    %swap3A = arith.constant 0 : index
    %swap3A_272 = tpu.vector_load %arg17[%swap3A] {strides = array<i32>} : memref<16xf32, #tpu.memory_space<vmem>>, vector<16xf32>,
    tpu.vector_store %arg17[%swap3A], %broadcast_in_dim3A_1 {strides = array<i32>} : memref<16xf32, #tpu.memory_space<vmem>>, vector<16xf32>,
    %while3A_273 = arith.constant 0 : i32
    %while3A_274 = arith.subi %select_n3A_271, %while3A_273 : i32
    %while3A_275 = arith.addi %while3A_273, %while3A_274 : i32
    %while3A_276 = arith.constant 1 : i32
    %while3A_277 = arith.divsi %while3A_274, %while3A_276 : i32
    %while3A_278 = arith.muli %while3A_277, %while3A_276 : i32
    %while3A_279 = arith.addi %while3A_273, %while3A_278 : i32
    %while3A_280 = arith.constant 1 : i32
    scf.for %while3A_282 = %while3A_273 to %while3A_279 step %while3A_280  : i32 {
      %mul3A_283 = arith.constant 2 : i32
      %mul3A_284 = arith.muli %mul3A_283, %while3A_282 : i32
      %add3A_285 = arith.addi %mul3A_284, %arg0 : i32
      %mul3A_286 = arith.constant 16 : i32
      %mul3A_287 = arith.muli %add3A_285, %mul3A_286 : i32
      %get3A = arith.index_cast %mul3A_287 : i32 to index
      %get3A_288 = tpu.vector_load %arg11[%get3A] {strides = array<i32>} : memref<10016xi32, #tpu.memory_space<vmem>>, vector<16xi32>,
      %mul3A_289 = arith.constant 16 : i32
      %mul3A_290 = arith.muli %add3A_285, %mul3A_289 : i32
      %get3A_291 = arith.index_cast %mul3A_290 : i32 to index
      %get3A_292 = tpu.vector_load %arg12[%get3A_291] {strides = array<i32>} : memref<10016xi32, #tpu.memory_space<vmem>>, vector<16xi32>,
      %dma_start3A_293 = arith.constant 0 : i32
      %dma_start3A_294 = arith.constant 0 : i32
      %dma_start3A_295 = tpu.memref_slice %arg5[%dma_start3A_293, %dma_start3A_294] : memref<10000x256xf32, #tpu.memory_space<hbm>> -> memref<10000x256xf32, #tpu.memory_space<hbm>>
      tpu.enqueue_indirect_dma source(%dma_start3A_295 : memref<10000x256xf32, #tpu.memory_space<hbm>>) target(%arg13 : memref<16x256xf32, #tpu.memory_space<vmem>>) offsets(%get3A_288 : vector<16xi32>) semaphore(%arg19 : memref<!tpu.dma_semaphore, #tpu.memory_space<semaphore_mem>>)
      %dma_start3A_296 = arith.constant 0 : i32
      %dma_start3A_297 = arith.constant 0 : i32
      %dma_start3A_298 = tpu.memref_slice %arg5[%dma_start3A_296, %dma_start3A_297] : memref<10000x256xf32, #tpu.memory_space<hbm>> -> memref<10000x256xf32, #tpu.memory_space<hbm>>
      tpu.enqueue_indirect_dma source(%dma_start3A_298 : memref<10000x256xf32, #tpu.memory_space<hbm>>) target(%arg14 : memref<16x256xf32, #tpu.memory_space<vmem>>) offsets(%get3A_292 : vector<16xi32>) semaphore(%arg20 : memref<!tpu.dma_semaphore, #tpu.memory_space<semaphore_mem>>)
      %dma_wait3A_299 = arith.constant 0 : i32
      %dma_wait3A_300 = arith.constant 0 : i32
      %dma_wait3A_301 = tpu.memref_slice %arg5[%dma_wait3A_299, %dma_wait3A_300] : memref<10000x256xf32, #tpu.memory_space<hbm>> -> memref<10000x256xf32, #tpu.memory_space<hbm>>
      tpu.wait_indirect_dma semaphore(%arg19 : memref<!tpu.dma_semaphore, #tpu.memory_space<semaphore_mem>>) src(%dma_wait3A_301 : memref<10000x256xf32, #tpu.memory_space<hbm>>) dst(%arg13 : memref<16x256xf32, #tpu.memory_space<vmem>>)
      %dma_wait3A_302 = arith.constant 0 : i32
      %dma_wait3A_303 = arith.constant 0 : i32
      %dma_wait3A_304 = tpu.memref_slice %arg5[%dma_wait3A_302, %dma_wait3A_303] : memref<10000x256xf32, #tpu.memory_space<hbm>> -> memref<10000x256xf32, #tpu.memory_space<hbm>>
      tpu.wait_indirect_dma semaphore(%arg20 : memref<!tpu.dma_semaphore, #tpu.memory_space<semaphore_mem>>) src(%dma_wait3A_304 : memref<10000x256xf32, #tpu.memory_space<hbm>>) dst(%arg14 : memref<16x256xf32, #tpu.memory_space<vmem>>)
      %broadcast_in_dim3A_305 = arith.constant 0 : i32
      %broadcast_in_dim3A_306 = vector.broadcast %broadcast_in_dim3A_305 : i32 to vector<16xi32>
      %mul3A_307 = arith.constant 16 : i32
      %mul3A_308 = arith.muli %add3A_285, %mul3A_307 : i32
      %add3A_309 = arith.constant 0 : i32
      %add3A_310 = arith.addi %mul3A_308, %add3A_309 : i32
      %add3A_311 = vector.broadcast %add3A_310 : i32 to vector<16xi32>
      %add3A_312 = arith.addi %broadcast_in_dim3A_306, %add3A_311 : vector<16xi32>
      %gather3A = tpu.vector_load_idx %arg11[%add3A_312] : memref<10016xi32, #tpu.memory_space<vmem>>[vector<16xi32>], vector<16xi32>,
      %gather3A_313 = tpu.vector_load_idx %arg12[%add3A_312] : memref<10016xi32, #tpu.memory_space<vmem>>[vector<16xi32>], vector<16xi32>,
      %gather3A_314 = tpu.vector_load_idx %arg10[%gather3A] : memref<10240xf32, #tpu.memory_space<vmem>>[vector<16xi32>], vector<16xf32>,
      %gather3A_315 = tpu.vector_load_idx %arg10[%gather3A_313] : memref<10240xf32, #tpu.memory_space<vmem>>[vector<16xi32>], vector<16xf32>,
      %bitcast3A = vector.bitcast %gather3A_314 : vector<16xf32> to vector<16xi32>
      %shift_right_arithmetic3A = arith.constant 1 : i32
      %shift_right_arithmetic3A_316 = vector.broadcast %shift_right_arithmetic3A : i32 to vector<16xi32>
      %shift_right_arithmetic3A_317 = arith.shrsi %bitcast3A, %shift_right_arithmetic3A_316 : vector<16xi32>
      %sub3A_318 = arith.constant 1597463007 : i32
      %sub3A_319 = vector.broadcast %sub3A_318 : i32 to vector<16xi32>
      %sub3A_320 = arith.subi %sub3A_319, %shift_right_arithmetic3A_317 : vector<16xi32>
      %bitcast3A_321 = vector.bitcast %sub3A_320 : vector<16xi32> to vector<16xf32>
      %mul3A_322 = arith.constant 5.000000e-01 : f32
      %mul3A_323 = vector.broadcast %mul3A_322 : f32 to vector<16xf32>
      %mul3A_324 = arith.mulf %mul3A_323, %gather3A_314 : vector<16xf32>
      %mul3A_325 = arith.mulf %mul3A_324, %bitcast3A_321 : vector<16xf32>
      %mul3A_326 = arith.mulf %mul3A_325, %bitcast3A_321 : vector<16xf32>
      %sub3A_327 = arith.constant 1.500000e+00 : f32
      %sub3A_328 = vector.broadcast %sub3A_327 : f32 to vector<16xf32>
      %sub3A_329 = arith.subf %sub3A_328, %mul3A_326 : vector<16xf32>
      %mul3A_330 = arith.mulf %bitcast3A_321, %sub3A_329 : vector<16xf32>
      %mul3A_331 = arith.constant 5.000000e-01 : f32
      %mul3A_332 = vector.broadcast %mul3A_331 : f32 to vector<16xf32>
      %mul3A_333 = arith.mulf %mul3A_332, %gather3A_314 : vector<16xf32>
      %mul3A_334 = arith.mulf %mul3A_333, %mul3A_330 : vector<16xf32>
      %mul3A_335 = arith.mulf %mul3A_334, %mul3A_330 : vector<16xf32>
      %sub3A_336 = arith.constant 1.500000e+00 : f32
      %sub3A_337 = vector.broadcast %sub3A_336 : f32 to vector<16xf32>
      %sub3A_338 = arith.subf %sub3A_337, %mul3A_335 : vector<16xf32>
      %mul3A_339 = arith.mulf %mul3A_330, %sub3A_338 : vector<16xf32>
      %mul3A_340 = arith.constant 5.000000e-01 : f32
      %mul3A_341 = vector.broadcast %mul3A_340 : f32 to vector<16xf32>
      %mul3A_342 = arith.mulf %mul3A_341, %gather3A_314 : vector<16xf32>
      %mul3A_343 = arith.mulf %mul3A_342, %mul3A_339 : vector<16xf32>
      %mul3A_344 = arith.mulf %mul3A_343, %mul3A_339 : vector<16xf32>
      %sub3A_345 = arith.constant 1.500000e+00 : f32
      %sub3A_346 = vector.broadcast %sub3A_345 : f32 to vector<16xf32>
      %sub3A_347 = arith.subf %sub3A_346, %mul3A_344 : vector<16xf32>
      %mul3A_348 = arith.mulf %mul3A_339, %sub3A_347 : vector<16xf32>
      %gt3A = arith.constant 5.000000e-01 : f32
      %gt3A_349 = vector.broadcast %gt3A : f32 to vector<16xf32>
      %gt3A_350 = arith.cmpf ogt, %gather3A_314, %gt3A_349 : vector<16xf32>
      %jit3A_351 = arith.constant 0.000000e+00 : f32
      %broadcast_in_dim3A_352 = vector.broadcast %jit3A_351 : f32 to vector<16xf32>
      %select_n3A_353 = arith.select %gt3A_350, %mul3A_348, %broadcast_in_dim3A_352 : vector<16xi1>, vector<16xf32>
      %bitcast3A_354 = vector.bitcast %gather3A_315 : vector<16xf32> to vector<16xi32>
      %shift_right_arithmetic3A_355 = arith.constant 1 : i32
      %shift_right_arithmetic3A_356 = vector.broadcast %shift_right_arithmetic3A_355 : i32 to vector<16xi32>
      %shift_right_arithmetic3A_357 = arith.shrsi %bitcast3A_354, %shift_right_arithmetic3A_356 : vector<16xi32>
      %sub3A_358 = arith.constant 1597463007 : i32
      %sub3A_359 = vector.broadcast %sub3A_358 : i32 to vector<16xi32>
      %sub3A_360 = arith.subi %sub3A_359, %shift_right_arithmetic3A_357 : vector<16xi32>
      %bitcast3A_361 = vector.bitcast %sub3A_360 : vector<16xi32> to vector<16xf32>
      %mul3A_362 = arith.constant 5.000000e-01 : f32
      %mul3A_363 = vector.broadcast %mul3A_362 : f32 to vector<16xf32>
      %mul3A_364 = arith.mulf %mul3A_363, %gather3A_315 : vector<16xf32>
      %mul3A_365 = arith.mulf %mul3A_364, %bitcast3A_361 : vector<16xf32>
      %mul3A_366 = arith.mulf %mul3A_365, %bitcast3A_361 : vector<16xf32>
      %sub3A_367 = arith.constant 1.500000e+00 : f32
      %sub3A_368 = vector.broadcast %sub3A_367 : f32 to vector<16xf32>
      %sub3A_369 = arith.subf %sub3A_368, %mul3A_366 : vector<16xf32>
      %mul3A_370 = arith.mulf %bitcast3A_361, %sub3A_369 : vector<16xf32>
      %mul3A_371 = arith.constant 5.000000e-01 : f32
      %mul3A_372 = vector.broadcast %mul3A_371 : f32 to vector<16xf32>
      %mul3A_373 = arith.mulf %mul3A_372, %gather3A_315 : vector<16xf32>
      %mul3A_374 = arith.mulf %mul3A_373, %mul3A_370 : vector<16xf32>
      %mul3A_375 = arith.mulf %mul3A_374, %mul3A_370 : vector<16xf32>
      %sub3A_376 = arith.constant 1.500000e+00 : f32
      %sub3A_377 = vector.broadcast %sub3A_376 : f32 to vector<16xf32>
      %sub3A_378 = arith.subf %sub3A_377, %mul3A_375 : vector<16xf32>
      %mul3A_379 = arith.mulf %mul3A_370, %sub3A_378 : vector<16xf32>
      %mul3A_380 = arith.constant 5.000000e-01 : f32
      %mul3A_381 = vector.broadcast %mul3A_380 : f32 to vector<16xf32>
      %mul3A_382 = arith.mulf %mul3A_381, %gather3A_315 : vector<16xf32>
      %mul3A_383 = arith.mulf %mul3A_382, %mul3A_379 : vector<16xf32>
      %mul3A_384 = arith.mulf %mul3A_383, %mul3A_379 : vector<16xf32>
      %sub3A_385 = arith.constant 1.500000e+00 : f32
      %sub3A_386 = vector.broadcast %sub3A_385 : f32 to vector<16xf32>
      %sub3A_387 = arith.subf %sub3A_386, %mul3A_384 : vector<16xf32>
      %mul3A_388 = arith.mulf %mul3A_379, %sub3A_387 : vector<16xf32>
      %gt3A_389 = arith.constant 5.000000e-01 : f32
      %gt3A_390 = vector.broadcast %gt3A_389 : f32 to vector<16xf32>
      %gt3A_391 = arith.cmpf ogt, %gather3A_315, %gt3A_390 : vector<16xf32>
      %jit3A_392 = arith.constant 0.000000e+00 : f32
      %broadcast_in_dim3A_393 = vector.broadcast %jit3A_392 : f32 to vector<16xf32>
      %select_n3A_394 = arith.select %gt3A_391, %mul3A_388, %broadcast_in_dim3A_393 : vector<16xi1>, vector<16xf32>
      %mul3A_395 = arith.mulf %select_n3A_353, %select_n3A_394 : vector<16xf32>
      %scan3A_396 = arith.constant 0 : i32
      %scan3A_397 = arith.constant 16 : i32
      %scan3A_398 = arith.addi %scan3A_396, %scan3A_397 : i32
      %scan3A_399 = arith.constant 1 : i32
      %scan3A_400 = scf.for %scan3A_1983 = %scan3A_396 to %scan3A_398 step %scan3A_399 iter_args(%scan3A_1984 = %broadcast_in_dim3A_1) -> (vector<16xf32>)  : i32 {
        %mul3A_1985 = arith.constant 16 : i32
        %mul3A_1986 = arith.muli %scan3A_1983, %mul3A_1985 : i32
        %get3A_1987 = arith.constant 0 : i32
        %get3A_1988 = arith.index_cast %get3A_1987 : i32 to index
        %get3A_1989 = arith.index_cast %mul3A_1986 : i32 to index
        %get3A_1990 = tpu.vector_load %arg13[%get3A_1988, %get3A_1989] {strides = array<i32>} : memref<16x256xf32, #tpu.memory_space<vmem>>, vector<16xf32>,
        %mul3A_1991 = arith.constant 16 : i32
        %mul3A_1992 = arith.muli %scan3A_1983, %mul3A_1991 : i32
        %get3A_1993 = arith.constant 0 : i32
        %get3A_1994 = arith.index_cast %get3A_1993 : i32 to index
        %get3A_1995 = arith.index_cast %mul3A_1992 : i32 to index
        %get3A_1996 = tpu.vector_load %arg14[%get3A_1994, %get3A_1995] {strides = array<i32>} : memref<16x256xf32, #tpu.memory_space<vmem>>, vector<16xf32>,
        %sub3A_1997 = arith.subf %get3A_1990, %get3A_1996 : vector<16xf32>
        %mul3A_1998 = arith.mulf %sub3A_1997, %sub3A_1997 : vector<16xf32>
        %add3A_1999 = arith.addf %scan3A_1984, %mul3A_1998 : vector<16xf32>
        scf.yield %add3A_1999 : vector<16xf32>
      }
      %scan3A_401 = arith.constant 16 : i32
      %get3A_402 = arith.constant 0 : index
      %get3A_403 = tpu.vector_load %arg17[%get3A_402] {strides = array<i32>} : memref<16xf32, #tpu.memory_space<vmem>>, vector<16xf32>,
      %mul3A_404 = arith.mulf %mul3A_395, %scan3A_400 : vector<16xf32>
      %add3A_405 = arith.addf %get3A_403, %mul3A_404 : vector<16xf32>
      %swap3A_406 = arith.constant 0 : index
      %swap3A_407 = tpu.vector_load %arg17[%swap3A_406] {strides = array<i32>} : memref<16xf32, #tpu.memory_space<vmem>>, vector<16xf32>,
      tpu.vector_store %arg17[%swap3A_406], %add3A_405 {strides = array<i32>} : memref<16xf32, #tpu.memory_space<vmem>>, vector<16xf32>,
      %mul3A_408 = arith.constant 16 : i32
      %mul3A_409 = arith.muli %add3A_285, %mul3A_408 : i32
      %add3A_410 = arith.constant 1 : i32
      %add3A_411 = arith.addi %mul3A_409, %add3A_410 : i32
      %add3A_412 = vector.broadcast %add3A_411 : i32 to vector<16xi32>
      %add3A_413 = arith.addi %broadcast_in_dim3A_306, %add3A_412 : vector<16xi32>
      %gather3A_414 = tpu.vector_load_idx %arg11[%add3A_413] : memref<10016xi32, #tpu.memory_space<vmem>>[vector<16xi32>], vector<16xi32>,
      %gather3A_415 = tpu.vector_load_idx %arg12[%add3A_413] : memref<10016xi32, #tpu.memory_space<vmem>>[vector<16xi32>], vector<16xi32>,
      %gather3A_416 = tpu.vector_load_idx %arg10[%gather3A_414] : memref<10240xf32, #tpu.memory_space<vmem>>[vector<16xi32>], vector<16xf32>,
      %gather3A_417 = tpu.vector_load_idx %arg10[%gather3A_415] : memref<10240xf32, #tpu.memory_space<vmem>>[vector<16xi32>], vector<16xf32>,
      %bitcast3A_418 = vector.bitcast %gather3A_416 : vector<16xf32> to vector<16xi32>
      %shift_right_arithmetic3A_419 = arith.constant 1 : i32
      %shift_right_arithmetic3A_420 = vector.broadcast %shift_right_arithmetic3A_419 : i32 to vector<16xi32>
      %shift_right_arithmetic3A_421 = arith.shrsi %bitcast3A_418, %shift_right_arithmetic3A_420 : vector<16xi32>
      %sub3A_422 = arith.constant 1597463007 : i32
      %sub3A_423 = vector.broadcast %sub3A_422 : i32 to vector<16xi32>
      %sub3A_424 = arith.subi %sub3A_423, %shift_right_arithmetic3A_421 : vector<16xi32>
      %bitcast3A_425 = vector.bitcast %sub3A_424 : vector<16xi32> to vector<16xf32>
      %mul3A_426 = arith.constant 5.000000e-01 : f32
      %mul3A_427 = vector.broadcast %mul3A_426 : f32 to vector<16xf32>
      %mul3A_428 = arith.mulf %mul3A_427, %gather3A_416 : vector<16xf32>
      %mul3A_429 = arith.mulf %mul3A_428, %bitcast3A_425 : vector<16xf32>
      %mul3A_430 = arith.mulf %mul3A_429, %bitcast3A_425 : vector<16xf32>
      %sub3A_431 = arith.constant 1.500000e+00 : f32
      %sub3A_432 = vector.broadcast %sub3A_431 : f32 to vector<16xf32>
      %sub3A_433 = arith.subf %sub3A_432, %mul3A_430 : vector<16xf32>
      %mul3A_434 = arith.mulf %bitcast3A_425, %sub3A_433 : vector<16xf32>
      %mul3A_435 = arith.constant 5.000000e-01 : f32
      %mul3A_436 = vector.broadcast %mul3A_435 : f32 to vector<16xf32>
      %mul3A_437 = arith.mulf %mul3A_436, %gather3A_416 : vector<16xf32>
      %mul3A_438 = arith.mulf %mul3A_437, %mul3A_434 : vector<16xf32>
      %mul3A_439 = arith.mulf %mul3A_438, %mul3A_434 : vector<16xf32>
      %sub3A_440 = arith.constant 1.500000e+00 : f32
      %sub3A_441 = vector.broadcast %sub3A_440 : f32 to vector<16xf32>
      %sub3A_442 = arith.subf %sub3A_441, %mul3A_439 : vector<16xf32>
      %mul3A_443 = arith.mulf %mul3A_434, %sub3A_442 : vector<16xf32>
      %mul3A_444 = arith.constant 5.000000e-01 : f32
      %mul3A_445 = vector.broadcast %mul3A_444 : f32 to vector<16xf32>
      %mul3A_446 = arith.mulf %mul3A_445, %gather3A_416 : vector<16xf32>
      %mul3A_447 = arith.mulf %mul3A_446, %mul3A_443 : vector<16xf32>
      %mul3A_448 = arith.mulf %mul3A_447, %mul3A_443 : vector<16xf32>
      %sub3A_449 = arith.constant 1.500000e+00 : f32
      %sub3A_450 = vector.broadcast %sub3A_449 : f32 to vector<16xf32>
      %sub3A_451 = arith.subf %sub3A_450, %mul3A_448 : vector<16xf32>
      %mul3A_452 = arith.mulf %mul3A_443, %sub3A_451 : vector<16xf32>
      %gt3A_453 = arith.constant 5.000000e-01 : f32
      %gt3A_454 = vector.broadcast %gt3A_453 : f32 to vector<16xf32>
      %gt3A_455 = arith.cmpf ogt, %gather3A_416, %gt3A_454 : vector<16xf32>
      %jit3A_456 = arith.constant 0.000000e+00 : f32
      %broadcast_in_dim3A_457 = vector.broadcast %jit3A_456 : f32 to vector<16xf32>
      %select_n3A_458 = arith.select %gt3A_455, %mul3A_452, %broadcast_in_dim3A_457 : vector<16xi1>, vector<16xf32>
      %bitcast3A_459 = vector.bitcast %gather3A_417 : vector<16xf32> to vector<16xi32>
      %shift_right_arithmetic3A_460 = arith.constant 1 : i32
      %shift_right_arithmetic3A_461 = vector.broadcast %shift_right_arithmetic3A_460 : i32 to vector<16xi32>
      %shift_right_arithmetic3A_462 = arith.shrsi %bitcast3A_459, %shift_right_arithmetic3A_461 : vector<16xi32>
      %sub3A_463 = arith.constant 1597463007 : i32
      %sub3A_464 = vector.broadcast %sub3A_463 : i32 to vector<16xi32>
      %sub3A_465 = arith.subi %sub3A_464, %shift_right_arithmetic3A_462 : vector<16xi32>
      %bitcast3A_466 = vector.bitcast %sub3A_465 : vector<16xi32> to vector<16xf32>
      %mul3A_467 = arith.constant 5.000000e-01 : f32
      %mul3A_468 = vector.broadcast %mul3A_467 : f32 to vector<16xf32>
      %mul3A_469 = arith.mulf %mul3A_468, %gather3A_417 : vector<16xf32>
      %mul3A_470 = arith.mulf %mul3A_469, %bitcast3A_466 : vector<16xf32>
      %mul3A_471 = arith.mulf %mul3A_470, %bitcast3A_466 : vector<16xf32>
      %sub3A_472 = arith.constant 1.500000e+00 : f32
      %sub3A_473 = vector.broadcast %sub3A_472 : f32 to vector<16xf32>
      %sub3A_474 = arith.subf %sub3A_473, %mul3A_471 : vector<16xf32>
      %mul3A_475 = arith.mulf %bitcast3A_466, %sub3A_474 : vector<16xf32>
      %mul3A_476 = arith.constant 5.000000e-01 : f32
      %mul3A_477 = vector.broadcast %mul3A_476 : f32 to vector<16xf32>
      %mul3A_478 = arith.mulf %mul3A_477, %gather3A_417 : vector<16xf32>
      %mul3A_479 = arith.mulf %mul3A_478, %mul3A_475 : vector<16xf32>
      %mul3A_480 = arith.mulf %mul3A_479, %mul3A_475 : vector<16xf32>
      %sub3A_481 = arith.constant 1.500000e+00 : f32
      %sub3A_482 = vector.broadcast %sub3A_481 : f32 to vector<16xf32>
      %sub3A_483 = arith.subf %sub3A_482, %mul3A_480 : vector<16xf32>
      %mul3A_484 = arith.mulf %mul3A_475, %sub3A_483 : vector<16xf32>
      %mul3A_485 = arith.constant 5.000000e-01 : f32
      %mul3A_486 = vector.broadcast %mul3A_485 : f32 to vector<16xf32>
      %mul3A_487 = arith.mulf %mul3A_486, %gather3A_417 : vector<16xf32>
      %mul3A_488 = arith.mulf %mul3A_487, %mul3A_484 : vector<16xf32>
      %mul3A_489 = arith.mulf %mul3A_488, %mul3A_484 : vector<16xf32>
      %sub3A_490 = arith.constant 1.500000e+00 : f32
      %sub3A_491 = vector.broadcast %sub3A_490 : f32 to vector<16xf32>
      %sub3A_492 = arith.subf %sub3A_491, %mul3A_489 : vector<16xf32>
      %mul3A_493 = arith.mulf %mul3A_484, %sub3A_492 : vector<16xf32>
      %gt3A_494 = arith.constant 5.000000e-01 : f32
      %gt3A_495 = vector.broadcast %gt3A_494 : f32 to vector<16xf32>
      %gt3A_496 = arith.cmpf ogt, %gather3A_417, %gt3A_495 : vector<16xf32>
      %jit3A_497 = arith.constant 0.000000e+00 : f32
      %broadcast_in_dim3A_498 = vector.broadcast %jit3A_497 : f32 to vector<16xf32>
      %select_n3A_499 = arith.select %gt3A_496, %mul3A_493, %broadcast_in_dim3A_498 : vector<16xi1>, vector<16xf32>
      %mul3A_500 = arith.mulf %select_n3A_458, %select_n3A_499 : vector<16xf32>
      %scan3A_501 = arith.constant 0 : i32
      %scan3A_502 = arith.constant 16 : i32
      %scan3A_503 = arith.addi %scan3A_501, %scan3A_502 : i32
      %scan3A_504 = arith.constant 1 : i32
      %scan3A_505 = scf.for %scan3A_1983 = %scan3A_501 to %scan3A_503 step %scan3A_504 iter_args(%scan3A_1984 = %broadcast_in_dim3A_1) -> (vector<16xf32>)  : i32 {
        %mul3A_1985 = arith.constant 16 : i32
        %mul3A_1986 = arith.muli %scan3A_1983, %mul3A_1985 : i32
        %get3A_1987 = arith.constant 1 : i32
        %get3A_1988 = arith.index_cast %get3A_1987 : i32 to index
        %get3A_1989 = arith.index_cast %mul3A_1986 : i32 to index
        %get3A_1990 = tpu.vector_load %arg13[%get3A_1988, %get3A_1989] {strides = array<i32>} : memref<16x256xf32, #tpu.memory_space<vmem>>, vector<16xf32>,
        %mul3A_1991 = arith.constant 16 : i32
        %mul3A_1992 = arith.muli %scan3A_1983, %mul3A_1991 : i32
        %get3A_1993 = arith.constant 1 : i32
        %get3A_1994 = arith.index_cast %get3A_1993 : i32 to index
        %get3A_1995 = arith.index_cast %mul3A_1992 : i32 to index
        %get3A_1996 = tpu.vector_load %arg14[%get3A_1994, %get3A_1995] {strides = array<i32>} : memref<16x256xf32, #tpu.memory_space<vmem>>, vector<16xf32>,
        %sub3A_1997 = arith.subf %get3A_1990, %get3A_1996 : vector<16xf32>
        %mul3A_1998 = arith.mulf %sub3A_1997, %sub3A_1997 : vector<16xf32>
        %add3A_1999 = arith.addf %scan3A_1984, %mul3A_1998 : vector<16xf32>
        scf.yield %add3A_1999 : vector<16xf32>
      }
      %scan3A_506 = arith.constant 16 : i32
      %get3A_507 = arith.constant 0 : index
      %get3A_508 = tpu.vector_load %arg17[%get3A_507] {strides = array<i32>} : memref<16xf32, #tpu.memory_space<vmem>>, vector<16xf32>,
      %mul3A_509 = arith.mulf %mul3A_500, %scan3A_505 : vector<16xf32>
      %add3A_510 = arith.addf %get3A_508, %mul3A_509 : vector<16xf32>
      %swap3A_511 = arith.constant 0 : index
      %swap3A_512 = tpu.vector_load %arg17[%swap3A_511] {strides = array<i32>} : memref<16xf32, #tpu.memory_space<vmem>>, vector<16xf32>,
      tpu.vector_store %arg17[%swap3A_511], %add3A_510 {strides = array<i32>} : memref<16xf32, #tpu.memory_space<vmem>>, vector<16xf32>,
      %mul3A_513 = arith.constant 16 : i32
      %mul3A_514 = arith.muli %add3A_285, %mul3A_513 : i32
      %add3A_515 = arith.constant 2 : i32
      %add3A_516 = arith.addi %mul3A_514, %add3A_515 : i32
      %add3A_517 = vector.broadcast %add3A_516 : i32 to vector<16xi32>
      %add3A_518 = arith.addi %broadcast_in_dim3A_306, %add3A_517 : vector<16xi32>
      %gather3A_519 = tpu.vector_load_idx %arg11[%add3A_518] : memref<10016xi32, #tpu.memory_space<vmem>>[vector<16xi32>], vector<16xi32>,
      %gather3A_520 = tpu.vector_load_idx %arg12[%add3A_518] : memref<10016xi32, #tpu.memory_space<vmem>>[vector<16xi32>], vector<16xi32>,
      %gather3A_521 = tpu.vector_load_idx %arg10[%gather3A_519] : memref<10240xf32, #tpu.memory_space<vmem>>[vector<16xi32>], vector<16xf32>,
      %gather3A_522 = tpu.vector_load_idx %arg10[%gather3A_520] : memref<10240xf32, #tpu.memory_space<vmem>>[vector<16xi32>], vector<16xf32>,
      %bitcast3A_523 = vector.bitcast %gather3A_521 : vector<16xf32> to vector<16xi32>
      %shift_right_arithmetic3A_524 = arith.constant 1 : i32
      %shift_right_arithmetic3A_525 = vector.broadcast %shift_right_arithmetic3A_524 : i32 to vector<16xi32>
      %shift_right_arithmetic3A_526 = arith.shrsi %bitcast3A_523, %shift_right_arithmetic3A_525 : vector<16xi32>
      %sub3A_527 = arith.constant 1597463007 : i32
      %sub3A_528 = vector.broadcast %sub3A_527 : i32 to vector<16xi32>
      %sub3A_529 = arith.subi %sub3A_528, %shift_right_arithmetic3A_526 : vector<16xi32>
      %bitcast3A_530 = vector.bitcast %sub3A_529 : vector<16xi32> to vector<16xf32>
      %mul3A_531 = arith.constant 5.000000e-01 : f32
      %mul3A_532 = vector.broadcast %mul3A_531 : f32 to vector<16xf32>
      %mul3A_533 = arith.mulf %mul3A_532, %gather3A_521 : vector<16xf32>
      %mul3A_534 = arith.mulf %mul3A_533, %bitcast3A_530 : vector<16xf32>
      %mul3A_535 = arith.mulf %mul3A_534, %bitcast3A_530 : vector<16xf32>
      %sub3A_536 = arith.constant 1.500000e+00 : f32
      %sub3A_537 = vector.broadcast %sub3A_536 : f32 to vector<16xf32>
      %sub3A_538 = arith.subf %sub3A_537, %mul3A_535 : vector<16xf32>
      %mul3A_539 = arith.mulf %bitcast3A_530, %sub3A_538 : vector<16xf32>
      %mul3A_540 = arith.constant 5.000000e-01 : f32
      %mul3A_541 = vector.broadcast %mul3A_540 : f32 to vector<16xf32>
      %mul3A_542 = arith.mulf %mul3A_541, %gather3A_521 : vector<16xf32>
      %mul3A_543 = arith.mulf %mul3A_542, %mul3A_539 : vector<16xf32>
      %mul3A_544 = arith.mulf %mul3A_543, %mul3A_539 : vector<16xf32>
      %sub3A_545 = arith.constant 1.500000e+00 : f32
      %sub3A_546 = vector.broadcast %sub3A_545 : f32 to vector<16xf32>
      %sub3A_547 = arith.subf %sub3A_546, %mul3A_544 : vector<16xf32>
      %mul3A_548 = arith.mulf %mul3A_539, %sub3A_547 : vector<16xf32>
      %mul3A_549 = arith.constant 5.000000e-01 : f32
      %mul3A_550 = vector.broadcast %mul3A_549 : f32 to vector<16xf32>
      %mul3A_551 = arith.mulf %mul3A_550, %gather3A_521 : vector<16xf32>
      %mul3A_552 = arith.mulf %mul3A_551, %mul3A_548 : vector<16xf32>
      %mul3A_553 = arith.mulf %mul3A_552, %mul3A_548 : vector<16xf32>
      %sub3A_554 = arith.constant 1.500000e+00 : f32
      %sub3A_555 = vector.broadcast %sub3A_554 : f32 to vector<16xf32>
      %sub3A_556 = arith.subf %sub3A_555, %mul3A_553 : vector<16xf32>
      %mul3A_557 = arith.mulf %mul3A_548, %sub3A_556 : vector<16xf32>
      %gt3A_558 = arith.constant 5.000000e-01 : f32
      %gt3A_559 = vector.broadcast %gt3A_558 : f32 to vector<16xf32>
      %gt3A_560 = arith.cmpf ogt, %gather3A_521, %gt3A_559 : vector<16xf32>
      %jit3A_561 = arith.constant 0.000000e+00 : f32
      %broadcast_in_dim3A_562 = vector.broadcast %jit3A_561 : f32 to vector<16xf32>
      %select_n3A_563 = arith.select %gt3A_560, %mul3A_557, %broadcast_in_dim3A_562 : vector<16xi1>, vector<16xf32>
      %bitcast3A_564 = vector.bitcast %gather3A_522 : vector<16xf32> to vector<16xi32>
      %shift_right_arithmetic3A_565 = arith.constant 1 : i32
      %shift_right_arithmetic3A_566 = vector.broadcast %shift_right_arithmetic3A_565 : i32 to vector<16xi32>
      %shift_right_arithmetic3A_567 = arith.shrsi %bitcast3A_564, %shift_right_arithmetic3A_566 : vector<16xi32>
      %sub3A_568 = arith.constant 1597463007 : i32
      %sub3A_569 = vector.broadcast %sub3A_568 : i32 to vector<16xi32>
      %sub3A_570 = arith.subi %sub3A_569, %shift_right_arithmetic3A_567 : vector<16xi32>
      %bitcast3A_571 = vector.bitcast %sub3A_570 : vector<16xi32> to vector<16xf32>
      %mul3A_572 = arith.constant 5.000000e-01 : f32
      %mul3A_573 = vector.broadcast %mul3A_572 : f32 to vector<16xf32>
      %mul3A_574 = arith.mulf %mul3A_573, %gather3A_522 : vector<16xf32>
      %mul3A_575 = arith.mulf %mul3A_574, %bitcast3A_571 : vector<16xf32>
      %mul3A_576 = arith.mulf %mul3A_575, %bitcast3A_571 : vector<16xf32>
      %sub3A_577 = arith.constant 1.500000e+00 : f32
      %sub3A_578 = vector.broadcast %sub3A_577 : f32 to vector<16xf32>
      %sub3A_579 = arith.subf %sub3A_578, %mul3A_576 : vector<16xf32>
      %mul3A_580 = arith.mulf %bitcast3A_571, %sub3A_579 : vector<16xf32>
      %mul3A_581 = arith.constant 5.000000e-01 : f32
      %mul3A_582 = vector.broadcast %mul3A_581 : f32 to vector<16xf32>
      %mul3A_583 = arith.mulf %mul3A_582, %gather3A_522 : vector<16xf32>
      %mul3A_584 = arith.mulf %mul3A_583, %mul3A_580 : vector<16xf32>
      %mul3A_585 = arith.mulf %mul3A_584, %mul3A_580 : vector<16xf32>
      %sub3A_586 = arith.constant 1.500000e+00 : f32
      %sub3A_587 = vector.broadcast %sub3A_586 : f32 to vector<16xf32>
      %sub3A_588 = arith.subf %sub3A_587, %mul3A_585 : vector<16xf32>
      %mul3A_589 = arith.mulf %mul3A_580, %sub3A_588 : vector<16xf32>
      %mul3A_590 = arith.constant 5.000000e-01 : f32
      %mul3A_591 = vector.broadcast %mul3A_590 : f32 to vector<16xf32>
      %mul3A_592 = arith.mulf %mul3A_591, %gather3A_522 : vector<16xf32>
      %mul3A_593 = arith.mulf %mul3A_592, %mul3A_589 : vector<16xf32>
      %mul3A_594 = arith.mulf %mul3A_593, %mul3A_589 : vector<16xf32>
      %sub3A_595 = arith.constant 1.500000e+00 : f32
      %sub3A_596 = vector.broadcast %sub3A_595 : f32 to vector<16xf32>
      %sub3A_597 = arith.subf %sub3A_596, %mul3A_594 : vector<16xf32>
      %mul3A_598 = arith.mulf %mul3A_589, %sub3A_597 : vector<16xf32>
      %gt3A_599 = arith.constant 5.000000e-01 : f32
      %gt3A_600 = vector.broadcast %gt3A_599 : f32 to vector<16xf32>
      %gt3A_601 = arith.cmpf ogt, %gather3A_522, %gt3A_600 : vector<16xf32>
      %jit3A_602 = arith.constant 0.000000e+00 : f32
      %broadcast_in_dim3A_603 = vector.broadcast %jit3A_602 : f32 to vector<16xf32>
      %select_n3A_604 = arith.select %gt3A_601, %mul3A_598, %broadcast_in_dim3A_603 : vector<16xi1>, vector<16xf32>
      %mul3A_605 = arith.mulf %select_n3A_563, %select_n3A_604 : vector<16xf32>
      %scan3A_606 = arith.constant 0 : i32
      %scan3A_607 = arith.constant 16 : i32
      %scan3A_608 = arith.addi %scan3A_606, %scan3A_607 : i32
      %scan3A_609 = arith.constant 1 : i32
      %scan3A_610 = scf.for %scan3A_1983 = %scan3A_606 to %scan3A_608 step %scan3A_609 iter_args(%scan3A_1984 = %broadcast_in_dim3A_1) -> (vector<16xf32>)  : i32 {
        %mul3A_1985 = arith.constant 16 : i32
        %mul3A_1986 = arith.muli %scan3A_1983, %mul3A_1985 : i32
        %get3A_1987 = arith.constant 2 : i32
        %get3A_1988 = arith.index_cast %get3A_1987 : i32 to index
        %get3A_1989 = arith.index_cast %mul3A_1986 : i32 to index
        %get3A_1990 = tpu.vector_load %arg13[%get3A_1988, %get3A_1989] {strides = array<i32>} : memref<16x256xf32, #tpu.memory_space<vmem>>, vector<16xf32>,
        %mul3A_1991 = arith.constant 16 : i32
        %mul3A_1992 = arith.muli %scan3A_1983, %mul3A_1991 : i32
        %get3A_1993 = arith.constant 2 : i32
        %get3A_1994 = arith.index_cast %get3A_1993 : i32 to index
        %get3A_1995 = arith.index_cast %mul3A_1992 : i32 to index
        %get3A_1996 = tpu.vector_load %arg14[%get3A_1994, %get3A_1995] {strides = array<i32>} : memref<16x256xf32, #tpu.memory_space<vmem>>, vector<16xf32>,
        %sub3A_1997 = arith.subf %get3A_1990, %get3A_1996 : vector<16xf32>
        %mul3A_1998 = arith.mulf %sub3A_1997, %sub3A_1997 : vector<16xf32>
        %add3A_1999 = arith.addf %scan3A_1984, %mul3A_1998 : vector<16xf32>
        scf.yield %add3A_1999 : vector<16xf32>
      }
      %scan3A_611 = arith.constant 16 : i32
      %get3A_612 = arith.constant 0 : index
      %get3A_613 = tpu.vector_load %arg17[%get3A_612] {strides = array<i32>} : memref<16xf32, #tpu.memory_space<vmem>>, vector<16xf32>,
      %mul3A_614 = arith.mulf %mul3A_605, %scan3A_610 : vector<16xf32>
      %add3A_615 = arith.addf %get3A_613, %mul3A_614 : vector<16xf32>
      %swap3A_616 = arith.constant 0 : index
      %swap3A_617 = tpu.vector_load %arg17[%swap3A_616] {strides = array<i32>} : memref<16xf32, #tpu.memory_space<vmem>>, vector<16xf32>,
      tpu.vector_store %arg17[%swap3A_616], %add3A_615 {strides = array<i32>} : memref<16xf32, #tpu.memory_space<vmem>>, vector<16xf32>,
      %mul3A_618 = arith.constant 16 : i32
      %mul3A_619 = arith.muli %add3A_285, %mul3A_618 : i32
      %add3A_620 = arith.constant 3 : i32
      %add3A_621 = arith.addi %mul3A_619, %add3A_620 : i32
      %add3A_622 = vector.broadcast %add3A_621 : i32 to vector<16xi32>
      %add3A_623 = arith.addi %broadcast_in_dim3A_306, %add3A_622 : vector<16xi32>
      %gather3A_624 = tpu.vector_load_idx %arg11[%add3A_623] : memref<10016xi32, #tpu.memory_space<vmem>>[vector<16xi32>], vector<16xi32>,
      %gather3A_625 = tpu.vector_load_idx %arg12[%add3A_623] : memref<10016xi32, #tpu.memory_space<vmem>>[vector<16xi32>], vector<16xi32>,
      %gather3A_626 = tpu.vector_load_idx %arg10[%gather3A_624] : memref<10240xf32, #tpu.memory_space<vmem>>[vector<16xi32>], vector<16xf32>,
      %gather3A_627 = tpu.vector_load_idx %arg10[%gather3A_625] : memref<10240xf32, #tpu.memory_space<vmem>>[vector<16xi32>], vector<16xf32>,
      %bitcast3A_628 = vector.bitcast %gather3A_626 : vector<16xf32> to vector<16xi32>
      %shift_right_arithmetic3A_629 = arith.constant 1 : i32
      %shift_right_arithmetic3A_630 = vector.broadcast %shift_right_arithmetic3A_629 : i32 to vector<16xi32>
      %shift_right_arithmetic3A_631 = arith.shrsi %bitcast3A_628, %shift_right_arithmetic3A_630 : vector<16xi32>
      %sub3A_632 = arith.constant 1597463007 : i32
      %sub3A_633 = vector.broadcast %sub3A_632 : i32 to vector<16xi32>
      %sub3A_634 = arith.subi %sub3A_633, %shift_right_arithmetic3A_631 : vector<16xi32>
      %bitcast3A_635 = vector.bitcast %sub3A_634 : vector<16xi32> to vector<16xf32>
      %mul3A_636 = arith.constant 5.000000e-01 : f32
      %mul3A_637 = vector.broadcast %mul3A_636 : f32 to vector<16xf32>
      %mul3A_638 = arith.mulf %mul3A_637, %gather3A_626 : vector<16xf32>
      %mul3A_639 = arith.mulf %mul3A_638, %bitcast3A_635 : vector<16xf32>
      %mul3A_640 = arith.mulf %mul3A_639, %bitcast3A_635 : vector<16xf32>
      %sub3A_641 = arith.constant 1.500000e+00 : f32
      %sub3A_642 = vector.broadcast %sub3A_641 : f32 to vector<16xf32>
      %sub3A_643 = arith.subf %sub3A_642, %mul3A_640 : vector<16xf32>
      %mul3A_644 = arith.mulf %bitcast3A_635, %sub3A_643 : vector<16xf32>
      %mul3A_645 = arith.constant 5.000000e-01 : f32
      %mul3A_646 = vector.broadcast %mul3A_645 : f32 to vector<16xf32>
      %mul3A_647 = arith.mulf %mul3A_646, %gather3A_626 : vector<16xf32>
      %mul3A_648 = arith.mulf %mul3A_647, %mul3A_644 : vector<16xf32>
      %mul3A_649 = arith.mulf %mul3A_648, %mul3A_644 : vector<16xf32>
      %sub3A_650 = arith.constant 1.500000e+00 : f32
      %sub3A_651 = vector.broadcast %sub3A_650 : f32 to vector<16xf32>
      %sub3A_652 = arith.subf %sub3A_651, %mul3A_649 : vector<16xf32>
      %mul3A_653 = arith.mulf %mul3A_644, %sub3A_652 : vector<16xf32>
      %mul3A_654 = arith.constant 5.000000e-01 : f32
      %mul3A_655 = vector.broadcast %mul3A_654 : f32 to vector<16xf32>
      %mul3A_656 = arith.mulf %mul3A_655, %gather3A_626 : vector<16xf32>
      %mul3A_657 = arith.mulf %mul3A_656, %mul3A_653 : vector<16xf32>
      %mul3A_658 = arith.mulf %mul3A_657, %mul3A_653 : vector<16xf32>
      %sub3A_659 = arith.constant 1.500000e+00 : f32
      %sub3A_660 = vector.broadcast %sub3A_659 : f32 to vector<16xf32>
      %sub3A_661 = arith.subf %sub3A_660, %mul3A_658 : vector<16xf32>
      %mul3A_662 = arith.mulf %mul3A_653, %sub3A_661 : vector<16xf32>
      %gt3A_663 = arith.constant 5.000000e-01 : f32
      %gt3A_664 = vector.broadcast %gt3A_663 : f32 to vector<16xf32>
      %gt3A_665 = arith.cmpf ogt, %gather3A_626, %gt3A_664 : vector<16xf32>
      %jit3A_666 = arith.constant 0.000000e+00 : f32
      %broadcast_in_dim3A_667 = vector.broadcast %jit3A_666 : f32 to vector<16xf32>
      %select_n3A_668 = arith.select %gt3A_665, %mul3A_662, %broadcast_in_dim3A_667 : vector<16xi1>, vector<16xf32>
      %bitcast3A_669 = vector.bitcast %gather3A_627 : vector<16xf32> to vector<16xi32>
      %shift_right_arithmetic3A_670 = arith.constant 1 : i32
      %shift_right_arithmetic3A_671 = vector.broadcast %shift_right_arithmetic3A_670 : i32 to vector<16xi32>
      %shift_right_arithmetic3A_672 = arith.shrsi %bitcast3A_669, %shift_right_arithmetic3A_671 : vector<16xi32>
      %sub3A_673 = arith.constant 1597463007 : i32
      %sub3A_674 = vector.broadcast %sub3A_673 : i32 to vector<16xi32>
      %sub3A_675 = arith.subi %sub3A_674, %shift_right_arithmetic3A_672 : vector<16xi32>
      %bitcast3A_676 = vector.bitcast %sub3A_675 : vector<16xi32> to vector<16xf32>
      %mul3A_677 = arith.constant 5.000000e-01 : f32
      %mul3A_678 = vector.broadcast %mul3A_677 : f32 to vector<16xf32>
      %mul3A_679 = arith.mulf %mul3A_678, %gather3A_627 : vector<16xf32>
      %mul3A_680 = arith.mulf %mul3A_679, %bitcast3A_676 : vector<16xf32>
      %mul3A_681 = arith.mulf %mul3A_680, %bitcast3A_676 : vector<16xf32>
      %sub3A_682 = arith.constant 1.500000e+00 : f32
      %sub3A_683 = vector.broadcast %sub3A_682 : f32 to vector<16xf32>
      %sub3A_684 = arith.subf %sub3A_683, %mul3A_681 : vector<16xf32>
      %mul3A_685 = arith.mulf %bitcast3A_676, %sub3A_684 : vector<16xf32>
      %mul3A_686 = arith.constant 5.000000e-01 : f32
      %mul3A_687 = vector.broadcast %mul3A_686 : f32 to vector<16xf32>
      %mul3A_688 = arith.mulf %mul3A_687, %gather3A_627 : vector<16xf32>
      %mul3A_689 = arith.mulf %mul3A_688, %mul3A_685 : vector<16xf32>
      %mul3A_690 = arith.mulf %mul3A_689, %mul3A_685 : vector<16xf32>
      %sub3A_691 = arith.constant 1.500000e+00 : f32
      %sub3A_692 = vector.broadcast %sub3A_691 : f32 to vector<16xf32>
      %sub3A_693 = arith.subf %sub3A_692, %mul3A_690 : vector<16xf32>
      %mul3A_694 = arith.mulf %mul3A_685, %sub3A_693 : vector<16xf32>
      %mul3A_695 = arith.constant 5.000000e-01 : f32
      %mul3A_696 = vector.broadcast %mul3A_695 : f32 to vector<16xf32>
      %mul3A_697 = arith.mulf %mul3A_696, %gather3A_627 : vector<16xf32>
      %mul3A_698 = arith.mulf %mul3A_697, %mul3A_694 : vector<16xf32>
      %mul3A_699 = arith.mulf %mul3A_698, %mul3A_694 : vector<16xf32>
      %sub3A_700 = arith.constant 1.500000e+00 : f32
      %sub3A_701 = vector.broadcast %sub3A_700 : f32 to vector<16xf32>
      %sub3A_702 = arith.subf %sub3A_701, %mul3A_699 : vector<16xf32>
      %mul3A_703 = arith.mulf %mul3A_694, %sub3A_702 : vector<16xf32>
      %gt3A_704 = arith.constant 5.000000e-01 : f32
      %gt3A_705 = vector.broadcast %gt3A_704 : f32 to vector<16xf32>
      %gt3A_706 = arith.cmpf ogt, %gather3A_627, %gt3A_705 : vector<16xf32>
      %jit3A_707 = arith.constant 0.000000e+00 : f32
      %broadcast_in_dim3A_708 = vector.broadcast %jit3A_707 : f32 to vector<16xf32>
      %select_n3A_709 = arith.select %gt3A_706, %mul3A_703, %broadcast_in_dim3A_708 : vector<16xi1>, vector<16xf32>
      %mul3A_710 = arith.mulf %select_n3A_668, %select_n3A_709 : vector<16xf32>
      %scan3A_711 = arith.constant 0 : i32
      %scan3A_712 = arith.constant 16 : i32
      %scan3A_713 = arith.addi %scan3A_711, %scan3A_712 : i32
      %scan3A_714 = arith.constant 1 : i32
      %scan3A_715 = scf.for %scan3A_1983 = %scan3A_711 to %scan3A_713 step %scan3A_714 iter_args(%scan3A_1984 = %broadcast_in_dim3A_1) -> (vector<16xf32>)  : i32 {
        %mul3A_1985 = arith.constant 16 : i32
        %mul3A_1986 = arith.muli %scan3A_1983, %mul3A_1985 : i32
        %get3A_1987 = arith.constant 3 : i32
        %get3A_1988 = arith.index_cast %get3A_1987 : i32 to index
        %get3A_1989 = arith.index_cast %mul3A_1986 : i32 to index
        %get3A_1990 = tpu.vector_load %arg13[%get3A_1988, %get3A_1989] {strides = array<i32>} : memref<16x256xf32, #tpu.memory_space<vmem>>, vector<16xf32>,
        %mul3A_1991 = arith.constant 16 : i32
        %mul3A_1992 = arith.muli %scan3A_1983, %mul3A_1991 : i32
        %get3A_1993 = arith.constant 3 : i32
        %get3A_1994 = arith.index_cast %get3A_1993 : i32 to index
        %get3A_1995 = arith.index_cast %mul3A_1992 : i32 to index
        %get3A_1996 = tpu.vector_load %arg14[%get3A_1994, %get3A_1995] {strides = array<i32>} : memref<16x256xf32, #tpu.memory_space<vmem>>, vector<16xf32>,
        %sub3A_1997 = arith.subf %get3A_1990, %get3A_1996 : vector<16xf32>
        %mul3A_1998 = arith.mulf %sub3A_1997, %sub3A_1997 : vector<16xf32>
        %add3A_1999 = arith.addf %scan3A_1984, %mul3A_1998 : vector<16xf32>
        scf.yield %add3A_1999 : vector<16xf32>
      }
      %scan3A_716 = arith.constant 16 : i32
      %get3A_717 = arith.constant 0 : index
      %get3A_718 = tpu.vector_load %arg17[%get3A_717] {strides = array<i32>} : memref<16xf32, #tpu.memory_space<vmem>>, vector<16xf32>,
      %mul3A_719 = arith.mulf %mul3A_710, %scan3A_715 : vector<16xf32>
      %add3A_720 = arith.addf %get3A_718, %mul3A_719 : vector<16xf32>
      %swap3A_721 = arith.constant 0 : index
      %swap3A_722 = tpu.vector_load %arg17[%swap3A_721] {strides = array<i32>} : memref<16xf32, #tpu.memory_space<vmem>>, vector<16xf32>,
      tpu.vector_store %arg17[%swap3A_721], %add3A_720 {strides = array<i32>} : memref<16xf32, #tpu.memory_space<vmem>>, vector<16xf32>,
      %mul3A_723 = arith.constant 16 : i32
      %mul3A_724 = arith.muli %add3A_285, %mul3A_723 : i32
      %add3A_725 = arith.constant 4 : i32
      %add3A_726 = arith.addi %mul3A_724, %add3A_725 : i32
      %add3A_727 = vector.broadcast %add3A_726 : i32 to vector<16xi32>
      %add3A_728 = arith.addi %broadcast_in_dim3A_306, %add3A_727 : vector<16xi32>
      %gather3A_729 = tpu.vector_load_idx %arg11[%add3A_728] : memref<10016xi32, #tpu.memory_space<vmem>>[vector<16xi32>], vector<16xi32>,
      %gather3A_730 = tpu.vector_load_idx %arg12[%add3A_728] : memref<10016xi32, #tpu.memory_space<vmem>>[vector<16xi32>], vector<16xi32>,
      %gather3A_731 = tpu.vector_load_idx %arg10[%gather3A_729] : memref<10240xf32, #tpu.memory_space<vmem>>[vector<16xi32>], vector<16xf32>,
      %gather3A_732 = tpu.vector_load_idx %arg10[%gather3A_730] : memref<10240xf32, #tpu.memory_space<vmem>>[vector<16xi32>], vector<16xf32>,
      %bitcast3A_733 = vector.bitcast %gather3A_731 : vector<16xf32> to vector<16xi32>
      %shift_right_arithmetic3A_734 = arith.constant 1 : i32
      %shift_right_arithmetic3A_735 = vector.broadcast %shift_right_arithmetic3A_734 : i32 to vector<16xi32>
      %shift_right_arithmetic3A_736 = arith.shrsi %bitcast3A_733, %shift_right_arithmetic3A_735 : vector<16xi32>
      %sub3A_737 = arith.constant 1597463007 : i32
      %sub3A_738 = vector.broadcast %sub3A_737 : i32 to vector<16xi32>
      %sub3A_739 = arith.subi %sub3A_738, %shift_right_arithmetic3A_736 : vector<16xi32>
      %bitcast3A_740 = vector.bitcast %sub3A_739 : vector<16xi32> to vector<16xf32>
      %mul3A_741 = arith.constant 5.000000e-01 : f32
      %mul3A_742 = vector.broadcast %mul3A_741 : f32 to vector<16xf32>
      %mul3A_743 = arith.mulf %mul3A_742, %gather3A_731 : vector<16xf32>
      %mul3A_744 = arith.mulf %mul3A_743, %bitcast3A_740 : vector<16xf32>
      %mul3A_745 = arith.mulf %mul3A_744, %bitcast3A_740 : vector<16xf32>
      %sub3A_746 = arith.constant 1.500000e+00 : f32
      %sub3A_747 = vector.broadcast %sub3A_746 : f32 to vector<16xf32>
      %sub3A_748 = arith.subf %sub3A_747, %mul3A_745 : vector<16xf32>
      %mul3A_749 = arith.mulf %bitcast3A_740, %sub3A_748 : vector<16xf32>
      %mul3A_750 = arith.constant 5.000000e-01 : f32
      %mul3A_751 = vector.broadcast %mul3A_750 : f32 to vector<16xf32>
      %mul3A_752 = arith.mulf %mul3A_751, %gather3A_731 : vector<16xf32>
      %mul3A_753 = arith.mulf %mul3A_752, %mul3A_749 : vector<16xf32>
      %mul3A_754 = arith.mulf %mul3A_753, %mul3A_749 : vector<16xf32>
      %sub3A_755 = arith.constant 1.500000e+00 : f32
      %sub3A_756 = vector.broadcast %sub3A_755 : f32 to vector<16xf32>
      %sub3A_757 = arith.subf %sub3A_756, %mul3A_754 : vector<16xf32>
      %mul3A_758 = arith.mulf %mul3A_749, %sub3A_757 : vector<16xf32>
      %mul3A_759 = arith.constant 5.000000e-01 : f32
      %mul3A_760 = vector.broadcast %mul3A_759 : f32 to vector<16xf32>
      %mul3A_761 = arith.mulf %mul3A_760, %gather3A_731 : vector<16xf32>
      %mul3A_762 = arith.mulf %mul3A_761, %mul3A_758 : vector<16xf32>
      %mul3A_763 = arith.mulf %mul3A_762, %mul3A_758 : vector<16xf32>
      %sub3A_764 = arith.constant 1.500000e+00 : f32
      %sub3A_765 = vector.broadcast %sub3A_764 : f32 to vector<16xf32>
      %sub3A_766 = arith.subf %sub3A_765, %mul3A_763 : vector<16xf32>
      %mul3A_767 = arith.mulf %mul3A_758, %sub3A_766 : vector<16xf32>
      %gt3A_768 = arith.constant 5.000000e-01 : f32
      %gt3A_769 = vector.broadcast %gt3A_768 : f32 to vector<16xf32>
      %gt3A_770 = arith.cmpf ogt, %gather3A_731, %gt3A_769 : vector<16xf32>
      %jit3A_771 = arith.constant 0.000000e+00 : f32
      %broadcast_in_dim3A_772 = vector.broadcast %jit3A_771 : f32 to vector<16xf32>
      %select_n3A_773 = arith.select %gt3A_770, %mul3A_767, %broadcast_in_dim3A_772 : vector<16xi1>, vector<16xf32>
      %bitcast3A_774 = vector.bitcast %gather3A_732 : vector<16xf32> to vector<16xi32>
      %shift_right_arithmetic3A_775 = arith.constant 1 : i32
      %shift_right_arithmetic3A_776 = vector.broadcast %shift_right_arithmetic3A_775 : i32 to vector<16xi32>
      %shift_right_arithmetic3A_777 = arith.shrsi %bitcast3A_774, %shift_right_arithmetic3A_776 : vector<16xi32>
      %sub3A_778 = arith.constant 1597463007 : i32
      %sub3A_779 = vector.broadcast %sub3A_778 : i32 to vector<16xi32>
      %sub3A_780 = arith.subi %sub3A_779, %shift_right_arithmetic3A_777 : vector<16xi32>
      %bitcast3A_781 = vector.bitcast %sub3A_780 : vector<16xi32> to vector<16xf32>
      %mul3A_782 = arith.constant 5.000000e-01 : f32
      %mul3A_783 = vector.broadcast %mul3A_782 : f32 to vector<16xf32>
      %mul3A_784 = arith.mulf %mul3A_783, %gather3A_732 : vector<16xf32>
      %mul3A_785 = arith.mulf %mul3A_784, %bitcast3A_781 : vector<16xf32>
      %mul3A_786 = arith.mulf %mul3A_785, %bitcast3A_781 : vector<16xf32>
      %sub3A_787 = arith.constant 1.500000e+00 : f32
      %sub3A_788 = vector.broadcast %sub3A_787 : f32 to vector<16xf32>
      %sub3A_789 = arith.subf %sub3A_788, %mul3A_786 : vector<16xf32>
      %mul3A_790 = arith.mulf %bitcast3A_781, %sub3A_789 : vector<16xf32>
      %mul3A_791 = arith.constant 5.000000e-01 : f32
      %mul3A_792 = vector.broadcast %mul3A_791 : f32 to vector<16xf32>
      %mul3A_793 = arith.mulf %mul3A_792, %gather3A_732 : vector<16xf32>
      %mul3A_794 = arith.mulf %mul3A_793, %mul3A_790 : vector<16xf32>
      %mul3A_795 = arith.mulf %mul3A_794, %mul3A_790 : vector<16xf32>
      %sub3A_796 = arith.constant 1.500000e+00 : f32
      %sub3A_797 = vector.broadcast %sub3A_796 : f32 to vector<16xf32>
      %sub3A_798 = arith.subf %sub3A_797, %mul3A_795 : vector<16xf32>
      %mul3A_799 = arith.mulf %mul3A_790, %sub3A_798 : vector<16xf32>
      %mul3A_800 = arith.constant 5.000000e-01 : f32
      %mul3A_801 = vector.broadcast %mul3A_800 : f32 to vector<16xf32>
      %mul3A_802 = arith.mulf %mul3A_801, %gather3A_732 : vector<16xf32>
      %mul3A_803 = arith.mulf %mul3A_802, %mul3A_799 : vector<16xf32>
      %mul3A_804 = arith.mulf %mul3A_803, %mul3A_799 : vector<16xf32>
      %sub3A_805 = arith.constant 1.500000e+00 : f32
      %sub3A_806 = vector.broadcast %sub3A_805 : f32 to vector<16xf32>
      %sub3A_807 = arith.subf %sub3A_806, %mul3A_804 : vector<16xf32>
      %mul3A_808 = arith.mulf %mul3A_799, %sub3A_807 : vector<16xf32>
      %gt3A_809 = arith.constant 5.000000e-01 : f32
      %gt3A_810 = vector.broadcast %gt3A_809 : f32 to vector<16xf32>
      %gt3A_811 = arith.cmpf ogt, %gather3A_732, %gt3A_810 : vector<16xf32>
      %jit3A_812 = arith.constant 0.000000e+00 : f32
      %broadcast_in_dim3A_813 = vector.broadcast %jit3A_812 : f32 to vector<16xf32>
      %select_n3A_814 = arith.select %gt3A_811, %mul3A_808, %broadcast_in_dim3A_813 : vector<16xi1>, vector<16xf32>
      %mul3A_815 = arith.mulf %select_n3A_773, %select_n3A_814 : vector<16xf32>
      %scan3A_816 = arith.constant 0 : i32
      %scan3A_817 = arith.constant 16 : i32
      %scan3A_818 = arith.addi %scan3A_816, %scan3A_817 : i32
      %scan3A_819 = arith.constant 1 : i32
      %scan3A_820 = scf.for %scan3A_1983 = %scan3A_816 to %scan3A_818 step %scan3A_819 iter_args(%scan3A_1984 = %broadcast_in_dim3A_1) -> (vector<16xf32>)  : i32 {
        %mul3A_1985 = arith.constant 16 : i32
        %mul3A_1986 = arith.muli %scan3A_1983, %mul3A_1985 : i32
        %get3A_1987 = arith.constant 4 : i32
        %get3A_1988 = arith.index_cast %get3A_1987 : i32 to index
        %get3A_1989 = arith.index_cast %mul3A_1986 : i32 to index
        %get3A_1990 = tpu.vector_load %arg13[%get3A_1988, %get3A_1989] {strides = array<i32>} : memref<16x256xf32, #tpu.memory_space<vmem>>, vector<16xf32>,
        %mul3A_1991 = arith.constant 16 : i32
        %mul3A_1992 = arith.muli %scan3A_1983, %mul3A_1991 : i32
        %get3A_1993 = arith.constant 4 : i32
        %get3A_1994 = arith.index_cast %get3A_1993 : i32 to index
        %get3A_1995 = arith.index_cast %mul3A_1992 : i32 to index
        %get3A_1996 = tpu.vector_load %arg14[%get3A_1994, %get3A_1995] {strides = array<i32>} : memref<16x256xf32, #tpu.memory_space<vmem>>, vector<16xf32>,
        %sub3A_1997 = arith.subf %get3A_1990, %get3A_1996 : vector<16xf32>
        %mul3A_1998 = arith.mulf %sub3A_1997, %sub3A_1997 : vector<16xf32>
        %add3A_1999 = arith.addf %scan3A_1984, %mul3A_1998 : vector<16xf32>
        scf.yield %add3A_1999 : vector<16xf32>
      }
      %scan3A_821 = arith.constant 16 : i32
      %get3A_822 = arith.constant 0 : index
      %get3A_823 = tpu.vector_load %arg17[%get3A_822] {strides = array<i32>} : memref<16xf32, #tpu.memory_space<vmem>>, vector<16xf32>,
      %mul3A_824 = arith.mulf %mul3A_815, %scan3A_820 : vector<16xf32>
      %add3A_825 = arith.addf %get3A_823, %mul3A_824 : vector<16xf32>
      %swap3A_826 = arith.constant 0 : index
      %swap3A_827 = tpu.vector_load %arg17[%swap3A_826] {strides = array<i32>} : memref<16xf32, #tpu.memory_space<vmem>>, vector<16xf32>,
      tpu.vector_store %arg17[%swap3A_826], %add3A_825 {strides = array<i32>} : memref<16xf32, #tpu.memory_space<vmem>>, vector<16xf32>,
      %mul3A_828 = arith.constant 16 : i32
      %mul3A_829 = arith.muli %add3A_285, %mul3A_828 : i32
      %add3A_830 = arith.constant 5 : i32
      %add3A_831 = arith.addi %mul3A_829, %add3A_830 : i32
      %add3A_832 = vector.broadcast %add3A_831 : i32 to vector<16xi32>
      %add3A_833 = arith.addi %broadcast_in_dim3A_306, %add3A_832 : vector<16xi32>
      %gather3A_834 = tpu.vector_load_idx %arg11[%add3A_833] : memref<10016xi32, #tpu.memory_space<vmem>>[vector<16xi32>], vector<16xi32>,
      %gather3A_835 = tpu.vector_load_idx %arg12[%add3A_833] : memref<10016xi32, #tpu.memory_space<vmem>>[vector<16xi32>], vector<16xi32>,
      %gather3A_836 = tpu.vector_load_idx %arg10[%gather3A_834] : memref<10240xf32, #tpu.memory_space<vmem>>[vector<16xi32>], vector<16xf32>,
      %gather3A_837 = tpu.vector_load_idx %arg10[%gather3A_835] : memref<10240xf32, #tpu.memory_space<vmem>>[vector<16xi32>], vector<16xf32>,
      %bitcast3A_838 = vector.bitcast %gather3A_836 : vector<16xf32> to vector<16xi32>
      %shift_right_arithmetic3A_839 = arith.constant 1 : i32
      %shift_right_arithmetic3A_840 = vector.broadcast %shift_right_arithmetic3A_839 : i32 to vector<16xi32>
      %shift_right_arithmetic3A_841 = arith.shrsi %bitcast3A_838, %shift_right_arithmetic3A_840 : vector<16xi32>
      %sub3A_842 = arith.constant 1597463007 : i32
      %sub3A_843 = vector.broadcast %sub3A_842 : i32 to vector<16xi32>
      %sub3A_844 = arith.subi %sub3A_843, %shift_right_arithmetic3A_841 : vector<16xi32>
      %bitcast3A_845 = vector.bitcast %sub3A_844 : vector<16xi32> to vector<16xf32>
      %mul3A_846 = arith.constant 5.000000e-01 : f32
      %mul3A_847 = vector.broadcast %mul3A_846 : f32 to vector<16xf32>
      %mul3A_848 = arith.mulf %mul3A_847, %gather3A_836 : vector<16xf32>
      %mul3A_849 = arith.mulf %mul3A_848, %bitcast3A_845 : vector<16xf32>
      %mul3A_850 = arith.mulf %mul3A_849, %bitcast3A_845 : vector<16xf32>
      %sub3A_851 = arith.constant 1.500000e+00 : f32
      %sub3A_852 = vector.broadcast %sub3A_851 : f32 to vector<16xf32>
      %sub3A_853 = arith.subf %sub3A_852, %mul3A_850 : vector<16xf32>
      %mul3A_854 = arith.mulf %bitcast3A_845, %sub3A_853 : vector<16xf32>
      %mul3A_855 = arith.constant 5.000000e-01 : f32
      %mul3A_856 = vector.broadcast %mul3A_855 : f32 to vector<16xf32>
      %mul3A_857 = arith.mulf %mul3A_856, %gather3A_836 : vector<16xf32>
      %mul3A_858 = arith.mulf %mul3A_857, %mul3A_854 : vector<16xf32>
      %mul3A_859 = arith.mulf %mul3A_858, %mul3A_854 : vector<16xf32>
      %sub3A_860 = arith.constant 1.500000e+00 : f32
      %sub3A_861 = vector.broadcast %sub3A_860 : f32 to vector<16xf32>
      %sub3A_862 = arith.subf %sub3A_861, %mul3A_859 : vector<16xf32>
      %mul3A_863 = arith.mulf %mul3A_854, %sub3A_862 : vector<16xf32>
      %mul3A_864 = arith.constant 5.000000e-01 : f32
      %mul3A_865 = vector.broadcast %mul3A_864 : f32 to vector<16xf32>
      %mul3A_866 = arith.mulf %mul3A_865, %gather3A_836 : vector<16xf32>
      %mul3A_867 = arith.mulf %mul3A_866, %mul3A_863 : vector<16xf32>
      %mul3A_868 = arith.mulf %mul3A_867, %mul3A_863 : vector<16xf32>
      %sub3A_869 = arith.constant 1.500000e+00 : f32
      %sub3A_870 = vector.broadcast %sub3A_869 : f32 to vector<16xf32>
      %sub3A_871 = arith.subf %sub3A_870, %mul3A_868 : vector<16xf32>
      %mul3A_872 = arith.mulf %mul3A_863, %sub3A_871 : vector<16xf32>
      %gt3A_873 = arith.constant 5.000000e-01 : f32
      %gt3A_874 = vector.broadcast %gt3A_873 : f32 to vector<16xf32>
      %gt3A_875 = arith.cmpf ogt, %gather3A_836, %gt3A_874 : vector<16xf32>
      %jit3A_876 = arith.constant 0.000000e+00 : f32
      %broadcast_in_dim3A_877 = vector.broadcast %jit3A_876 : f32 to vector<16xf32>
      %select_n3A_878 = arith.select %gt3A_875, %mul3A_872, %broadcast_in_dim3A_877 : vector<16xi1>, vector<16xf32>
      %bitcast3A_879 = vector.bitcast %gather3A_837 : vector<16xf32> to vector<16xi32>
      %shift_right_arithmetic3A_880 = arith.constant 1 : i32
      %shift_right_arithmetic3A_881 = vector.broadcast %shift_right_arithmetic3A_880 : i32 to vector<16xi32>
      %shift_right_arithmetic3A_882 = arith.shrsi %bitcast3A_879, %shift_right_arithmetic3A_881 : vector<16xi32>
      %sub3A_883 = arith.constant 1597463007 : i32
      %sub3A_884 = vector.broadcast %sub3A_883 : i32 to vector<16xi32>
      %sub3A_885 = arith.subi %sub3A_884, %shift_right_arithmetic3A_882 : vector<16xi32>
      %bitcast3A_886 = vector.bitcast %sub3A_885 : vector<16xi32> to vector<16xf32>
      %mul3A_887 = arith.constant 5.000000e-01 : f32
      %mul3A_888 = vector.broadcast %mul3A_887 : f32 to vector<16xf32>
      %mul3A_889 = arith.mulf %mul3A_888, %gather3A_837 : vector<16xf32>
      %mul3A_890 = arith.mulf %mul3A_889, %bitcast3A_886 : vector<16xf32>
      %mul3A_891 = arith.mulf %mul3A_890, %bitcast3A_886 : vector<16xf32>
      %sub3A_892 = arith.constant 1.500000e+00 : f32
      %sub3A_893 = vector.broadcast %sub3A_892 : f32 to vector<16xf32>
      %sub3A_894 = arith.subf %sub3A_893, %mul3A_891 : vector<16xf32>
      %mul3A_895 = arith.mulf %bitcast3A_886, %sub3A_894 : vector<16xf32>
      %mul3A_896 = arith.constant 5.000000e-01 : f32
      %mul3A_897 = vector.broadcast %mul3A_896 : f32 to vector<16xf32>
      %mul3A_898 = arith.mulf %mul3A_897, %gather3A_837 : vector<16xf32>
      %mul3A_899 = arith.mulf %mul3A_898, %mul3A_895 : vector<16xf32>
      %mul3A_900 = arith.mulf %mul3A_899, %mul3A_895 : vector<16xf32>
      %sub3A_901 = arith.constant 1.500000e+00 : f32
      %sub3A_902 = vector.broadcast %sub3A_901 : f32 to vector<16xf32>
      %sub3A_903 = arith.subf %sub3A_902, %mul3A_900 : vector<16xf32>
      %mul3A_904 = arith.mulf %mul3A_895, %sub3A_903 : vector<16xf32>
      %mul3A_905 = arith.constant 5.000000e-01 : f32
      %mul3A_906 = vector.broadcast %mul3A_905 : f32 to vector<16xf32>
      %mul3A_907 = arith.mulf %mul3A_906, %gather3A_837 : vector<16xf32>
      %mul3A_908 = arith.mulf %mul3A_907, %mul3A_904 : vector<16xf32>
      %mul3A_909 = arith.mulf %mul3A_908, %mul3A_904 : vector<16xf32>
      %sub3A_910 = arith.constant 1.500000e+00 : f32
      %sub3A_911 = vector.broadcast %sub3A_910 : f32 to vector<16xf32>
      %sub3A_912 = arith.subf %sub3A_911, %mul3A_909 : vector<16xf32>
      %mul3A_913 = arith.mulf %mul3A_904, %sub3A_912 : vector<16xf32>
      %gt3A_914 = arith.constant 5.000000e-01 : f32
      %gt3A_915 = vector.broadcast %gt3A_914 : f32 to vector<16xf32>
      %gt3A_916 = arith.cmpf ogt, %gather3A_837, %gt3A_915 : vector<16xf32>
      %jit3A_917 = arith.constant 0.000000e+00 : f32
      %broadcast_in_dim3A_918 = vector.broadcast %jit3A_917 : f32 to vector<16xf32>
      %select_n3A_919 = arith.select %gt3A_916, %mul3A_913, %broadcast_in_dim3A_918 : vector<16xi1>, vector<16xf32>
      %mul3A_920 = arith.mulf %select_n3A_878, %select_n3A_919 : vector<16xf32>
      %scan3A_921 = arith.constant 0 : i32
      %scan3A_922 = arith.constant 16 : i32
      %scan3A_923 = arith.addi %scan3A_921, %scan3A_922 : i32
      %scan3A_924 = arith.constant 1 : i32
      %scan3A_925 = scf.for %scan3A_1983 = %scan3A_921 to %scan3A_923 step %scan3A_924 iter_args(%scan3A_1984 = %broadcast_in_dim3A_1) -> (vector<16xf32>)  : i32 {
        %mul3A_1985 = arith.constant 16 : i32
        %mul3A_1986 = arith.muli %scan3A_1983, %mul3A_1985 : i32
        %get3A_1987 = arith.constant 5 : i32
        %get3A_1988 = arith.index_cast %get3A_1987 : i32 to index
        %get3A_1989 = arith.index_cast %mul3A_1986 : i32 to index
        %get3A_1990 = tpu.vector_load %arg13[%get3A_1988, %get3A_1989] {strides = array<i32>} : memref<16x256xf32, #tpu.memory_space<vmem>>, vector<16xf32>,
        %mul3A_1991 = arith.constant 16 : i32
        %mul3A_1992 = arith.muli %scan3A_1983, %mul3A_1991 : i32
        %get3A_1993 = arith.constant 5 : i32
        %get3A_1994 = arith.index_cast %get3A_1993 : i32 to index
        %get3A_1995 = arith.index_cast %mul3A_1992 : i32 to index
        %get3A_1996 = tpu.vector_load %arg14[%get3A_1994, %get3A_1995] {strides = array<i32>} : memref<16x256xf32, #tpu.memory_space<vmem>>, vector<16xf32>,
        %sub3A_1997 = arith.subf %get3A_1990, %get3A_1996 : vector<16xf32>
        %mul3A_1998 = arith.mulf %sub3A_1997, %sub3A_1997 : vector<16xf32>
        %add3A_1999 = arith.addf %scan3A_1984, %mul3A_1998 : vector<16xf32>
        scf.yield %add3A_1999 : vector<16xf32>
      }
      %scan3A_926 = arith.constant 16 : i32
      %get3A_927 = arith.constant 0 : index
      %get3A_928 = tpu.vector_load %arg17[%get3A_927] {strides = array<i32>} : memref<16xf32, #tpu.memory_space<vmem>>, vector<16xf32>,
      %mul3A_929 = arith.mulf %mul3A_920, %scan3A_925 : vector<16xf32>
      %add3A_930 = arith.addf %get3A_928, %mul3A_929 : vector<16xf32>
      %swap3A_931 = arith.constant 0 : index
      %swap3A_932 = tpu.vector_load %arg17[%swap3A_931] {strides = array<i32>} : memref<16xf32, #tpu.memory_space<vmem>>, vector<16xf32>,
      tpu.vector_store %arg17[%swap3A_931], %add3A_930 {strides = array<i32>} : memref<16xf32, #tpu.memory_space<vmem>>, vector<16xf32>,
      %mul3A_933 = arith.constant 16 : i32
      %mul3A_934 = arith.muli %add3A_285, %mul3A_933 : i32
      %add3A_935 = arith.constant 6 : i32
      %add3A_936 = arith.addi %mul3A_934, %add3A_935 : i32
      %add3A_937 = vector.broadcast %add3A_936 : i32 to vector<16xi32>
      %add3A_938 = arith.addi %broadcast_in_dim3A_306, %add3A_937 : vector<16xi32>
      %gather3A_939 = tpu.vector_load_idx %arg11[%add3A_938] : memref<10016xi32, #tpu.memory_space<vmem>>[vector<16xi32>], vector<16xi32>,
      %gather3A_940 = tpu.vector_load_idx %arg12[%add3A_938] : memref<10016xi32, #tpu.memory_space<vmem>>[vector<16xi32>], vector<16xi32>,
      %gather3A_941 = tpu.vector_load_idx %arg10[%gather3A_939] : memref<10240xf32, #tpu.memory_space<vmem>>[vector<16xi32>], vector<16xf32>,
      %gather3A_942 = tpu.vector_load_idx %arg10[%gather3A_940] : memref<10240xf32, #tpu.memory_space<vmem>>[vector<16xi32>], vector<16xf32>,
      %bitcast3A_943 = vector.bitcast %gather3A_941 : vector<16xf32> to vector<16xi32>
      %shift_right_arithmetic3A_944 = arith.constant 1 : i32
      %shift_right_arithmetic3A_945 = vector.broadcast %shift_right_arithmetic3A_944 : i32 to vector<16xi32>
      %shift_right_arithmetic3A_946 = arith.shrsi %bitcast3A_943, %shift_right_arithmetic3A_945 : vector<16xi32>
      %sub3A_947 = arith.constant 1597463007 : i32
      %sub3A_948 = vector.broadcast %sub3A_947 : i32 to vector<16xi32>
      %sub3A_949 = arith.subi %sub3A_948, %shift_right_arithmetic3A_946 : vector<16xi32>
      %bitcast3A_950 = vector.bitcast %sub3A_949 : vector<16xi32> to vector<16xf32>
      %mul3A_951 = arith.constant 5.000000e-01 : f32
      %mul3A_952 = vector.broadcast %mul3A_951 : f32 to vector<16xf32>
      %mul3A_953 = arith.mulf %mul3A_952, %gather3A_941 : vector<16xf32>
      %mul3A_954 = arith.mulf %mul3A_953, %bitcast3A_950 : vector<16xf32>
      %mul3A_955 = arith.mulf %mul3A_954, %bitcast3A_950 : vector<16xf32>
      %sub3A_956 = arith.constant 1.500000e+00 : f32
      %sub3A_957 = vector.broadcast %sub3A_956 : f32 to vector<16xf32>
      %sub3A_958 = arith.subf %sub3A_957, %mul3A_955 : vector<16xf32>
      %mul3A_959 = arith.mulf %bitcast3A_950, %sub3A_958 : vector<16xf32>
      %mul3A_960 = arith.constant 5.000000e-01 : f32
      %mul3A_961 = vector.broadcast %mul3A_960 : f32 to vector<16xf32>
      %mul3A_962 = arith.mulf %mul3A_961, %gather3A_941 : vector<16xf32>
      %mul3A_963 = arith.mulf %mul3A_962, %mul3A_959 : vector<16xf32>
      %mul3A_964 = arith.mulf %mul3A_963, %mul3A_959 : vector<16xf32>
      %sub3A_965 = arith.constant 1.500000e+00 : f32
      %sub3A_966 = vector.broadcast %sub3A_965 : f32 to vector<16xf32>
      %sub3A_967 = arith.subf %sub3A_966, %mul3A_964 : vector<16xf32>
      %mul3A_968 = arith.mulf %mul3A_959, %sub3A_967 : vector<16xf32>
      %mul3A_969 = arith.constant 5.000000e-01 : f32
      %mul3A_970 = vector.broadcast %mul3A_969 : f32 to vector<16xf32>
      %mul3A_971 = arith.mulf %mul3A_970, %gather3A_941 : vector<16xf32>
      %mul3A_972 = arith.mulf %mul3A_971, %mul3A_968 : vector<16xf32>
      %mul3A_973 = arith.mulf %mul3A_972, %mul3A_968 : vector<16xf32>
      %sub3A_974 = arith.constant 1.500000e+00 : f32
      %sub3A_975 = vector.broadcast %sub3A_974 : f32 to vector<16xf32>
      %sub3A_976 = arith.subf %sub3A_975, %mul3A_973 : vector<16xf32>
      %mul3A_977 = arith.mulf %mul3A_968, %sub3A_976 : vector<16xf32>
      %gt3A_978 = arith.constant 5.000000e-01 : f32
      %gt3A_979 = vector.broadcast %gt3A_978 : f32 to vector<16xf32>
      %gt3A_980 = arith.cmpf ogt, %gather3A_941, %gt3A_979 : vector<16xf32>
      %jit3A_981 = arith.constant 0.000000e+00 : f32
      %broadcast_in_dim3A_982 = vector.broadcast %jit3A_981 : f32 to vector<16xf32>
      %select_n3A_983 = arith.select %gt3A_980, %mul3A_977, %broadcast_in_dim3A_982 : vector<16xi1>, vector<16xf32>
      %bitcast3A_984 = vector.bitcast %gather3A_942 : vector<16xf32> to vector<16xi32>
      %shift_right_arithmetic3A_985 = arith.constant 1 : i32
      %shift_right_arithmetic3A_986 = vector.broadcast %shift_right_arithmetic3A_985 : i32 to vector<16xi32>
      %shift_right_arithmetic3A_987 = arith.shrsi %bitcast3A_984, %shift_right_arithmetic3A_986 : vector<16xi32>
      %sub3A_988 = arith.constant 1597463007 : i32
      %sub3A_989 = vector.broadcast %sub3A_988 : i32 to vector<16xi32>
      %sub3A_990 = arith.subi %sub3A_989, %shift_right_arithmetic3A_987 : vector<16xi32>
      %bitcast3A_991 = vector.bitcast %sub3A_990 : vector<16xi32> to vector<16xf32>
      %mul3A_992 = arith.constant 5.000000e-01 : f32
      %mul3A_993 = vector.broadcast %mul3A_992 : f32 to vector<16xf32>
      %mul3A_994 = arith.mulf %mul3A_993, %gather3A_942 : vector<16xf32>
      %mul3A_995 = arith.mulf %mul3A_994, %bitcast3A_991 : vector<16xf32>
      %mul3A_996 = arith.mulf %mul3A_995, %bitcast3A_991 : vector<16xf32>
      %sub3A_997 = arith.constant 1.500000e+00 : f32
      %sub3A_998 = vector.broadcast %sub3A_997 : f32 to vector<16xf32>
      %sub3A_999 = arith.subf %sub3A_998, %mul3A_996 : vector<16xf32>
      %mul3A_1000 = arith.mulf %bitcast3A_991, %sub3A_999 : vector<16xf32>
      %mul3A_1001 = arith.constant 5.000000e-01 : f32
      %mul3A_1002 = vector.broadcast %mul3A_1001 : f32 to vector<16xf32>
      %mul3A_1003 = arith.mulf %mul3A_1002, %gather3A_942 : vector<16xf32>
      %mul3A_1004 = arith.mulf %mul3A_1003, %mul3A_1000 : vector<16xf32>
      %mul3A_1005 = arith.mulf %mul3A_1004, %mul3A_1000 : vector<16xf32>
      %sub3A_1006 = arith.constant 1.500000e+00 : f32
      %sub3A_1007 = vector.broadcast %sub3A_1006 : f32 to vector<16xf32>
      %sub3A_1008 = arith.subf %sub3A_1007, %mul3A_1005 : vector<16xf32>
      %mul3A_1009 = arith.mulf %mul3A_1000, %sub3A_1008 : vector<16xf32>
      %mul3A_1010 = arith.constant 5.000000e-01 : f32
      %mul3A_1011 = vector.broadcast %mul3A_1010 : f32 to vector<16xf32>
      %mul3A_1012 = arith.mulf %mul3A_1011, %gather3A_942 : vector<16xf32>
      %mul3A_1013 = arith.mulf %mul3A_1012, %mul3A_1009 : vector<16xf32>
      %mul3A_1014 = arith.mulf %mul3A_1013, %mul3A_1009 : vector<16xf32>
      %sub3A_1015 = arith.constant 1.500000e+00 : f32
      %sub3A_1016 = vector.broadcast %sub3A_1015 : f32 to vector<16xf32>
      %sub3A_1017 = arith.subf %sub3A_1016, %mul3A_1014 : vector<16xf32>
      %mul3A_1018 = arith.mulf %mul3A_1009, %sub3A_1017 : vector<16xf32>
      %gt3A_1019 = arith.constant 5.000000e-01 : f32
      %gt3A_1020 = vector.broadcast %gt3A_1019 : f32 to vector<16xf32>
      %gt3A_1021 = arith.cmpf ogt, %gather3A_942, %gt3A_1020 : vector<16xf32>
      %jit3A_1022 = arith.constant 0.000000e+00 : f32
      %broadcast_in_dim3A_1023 = vector.broadcast %jit3A_1022 : f32 to vector<16xf32>
      %select_n3A_1024 = arith.select %gt3A_1021, %mul3A_1018, %broadcast_in_dim3A_1023 : vector<16xi1>, vector<16xf32>
      %mul3A_1025 = arith.mulf %select_n3A_983, %select_n3A_1024 : vector<16xf32>
      %scan3A_1026 = arith.constant 0 : i32
      %scan3A_1027 = arith.constant 16 : i32
      %scan3A_1028 = arith.addi %scan3A_1026, %scan3A_1027 : i32
      %scan3A_1029 = arith.constant 1 : i32
      %scan3A_1030 = scf.for %scan3A_1983 = %scan3A_1026 to %scan3A_1028 step %scan3A_1029 iter_args(%scan3A_1984 = %broadcast_in_dim3A_1) -> (vector<16xf32>)  : i32 {
        %mul3A_1985 = arith.constant 16 : i32
        %mul3A_1986 = arith.muli %scan3A_1983, %mul3A_1985 : i32
        %get3A_1987 = arith.constant 6 : i32
        %get3A_1988 = arith.index_cast %get3A_1987 : i32 to index
        %get3A_1989 = arith.index_cast %mul3A_1986 : i32 to index
        %get3A_1990 = tpu.vector_load %arg13[%get3A_1988, %get3A_1989] {strides = array<i32>} : memref<16x256xf32, #tpu.memory_space<vmem>>, vector<16xf32>,
        %mul3A_1991 = arith.constant 16 : i32
        %mul3A_1992 = arith.muli %scan3A_1983, %mul3A_1991 : i32
        %get3A_1993 = arith.constant 6 : i32
        %get3A_1994 = arith.index_cast %get3A_1993 : i32 to index
        %get3A_1995 = arith.index_cast %mul3A_1992 : i32 to index
        %get3A_1996 = tpu.vector_load %arg14[%get3A_1994, %get3A_1995] {strides = array<i32>} : memref<16x256xf32, #tpu.memory_space<vmem>>, vector<16xf32>,
        %sub3A_1997 = arith.subf %get3A_1990, %get3A_1996 : vector<16xf32>
        %mul3A_1998 = arith.mulf %sub3A_1997, %sub3A_1997 : vector<16xf32>
        %add3A_1999 = arith.addf %scan3A_1984, %mul3A_1998 : vector<16xf32>
        scf.yield %add3A_1999 : vector<16xf32>
      }
      %scan3A_1031 = arith.constant 16 : i32
      %get3A_1032 = arith.constant 0 : index
      %get3A_1033 = tpu.vector_load %arg17[%get3A_1032] {strides = array<i32>} : memref<16xf32, #tpu.memory_space<vmem>>, vector<16xf32>,
      %mul3A_1034 = arith.mulf %mul3A_1025, %scan3A_1030 : vector<16xf32>
      %add3A_1035 = arith.addf %get3A_1033, %mul3A_1034 : vector<16xf32>
      %swap3A_1036 = arith.constant 0 : index
      %swap3A_1037 = tpu.vector_load %arg17[%swap3A_1036] {strides = array<i32>} : memref<16xf32, #tpu.memory_space<vmem>>, vector<16xf32>,
      tpu.vector_store %arg17[%swap3A_1036], %add3A_1035 {strides = array<i32>} : memref<16xf32, #tpu.memory_space<vmem>>, vector<16xf32>,
      %mul3A_1038 = arith.constant 16 : i32
      %mul3A_1039 = arith.muli %add3A_285, %mul3A_1038 : i32
      %add3A_1040 = arith.constant 7 : i32
      %add3A_1041 = arith.addi %mul3A_1039, %add3A_1040 : i32
      %add3A_1042 = vector.broadcast %add3A_1041 : i32 to vector<16xi32>
      %add3A_1043 = arith.addi %broadcast_in_dim3A_306, %add3A_1042 : vector<16xi32>
      %gather3A_1044 = tpu.vector_load_idx %arg11[%add3A_1043] : memref<10016xi32, #tpu.memory_space<vmem>>[vector<16xi32>], vector<16xi32>,
      %gather3A_1045 = tpu.vector_load_idx %arg12[%add3A_1043] : memref<10016xi32, #tpu.memory_space<vmem>>[vector<16xi32>], vector<16xi32>,
      %gather3A_1046 = tpu.vector_load_idx %arg10[%gather3A_1044] : memref<10240xf32, #tpu.memory_space<vmem>>[vector<16xi32>], vector<16xf32>,
      %gather3A_1047 = tpu.vector_load_idx %arg10[%gather3A_1045] : memref<10240xf32, #tpu.memory_space<vmem>>[vector<16xi32>], vector<16xf32>,
      %bitcast3A_1048 = vector.bitcast %gather3A_1046 : vector<16xf32> to vector<16xi32>
      %shift_right_arithmetic3A_1049 = arith.constant 1 : i32
      %shift_right_arithmetic3A_1050 = vector.broadcast %shift_right_arithmetic3A_1049 : i32 to vector<16xi32>
      %shift_right_arithmetic3A_1051 = arith.shrsi %bitcast3A_1048, %shift_right_arithmetic3A_1050 : vector<16xi32>
      %sub3A_1052 = arith.constant 1597463007 : i32
      %sub3A_1053 = vector.broadcast %sub3A_1052 : i32 to vector<16xi32>
      %sub3A_1054 = arith.subi %sub3A_1053, %shift_right_arithmetic3A_1051 : vector<16xi32>
      %bitcast3A_1055 = vector.bitcast %sub3A_1054 : vector<16xi32> to vector<16xf32>
      %mul3A_1056 = arith.constant 5.000000e-01 : f32
      %mul3A_1057 = vector.broadcast %mul3A_1056 : f32 to vector<16xf32>
      %mul3A_1058 = arith.mulf %mul3A_1057, %gather3A_1046 : vector<16xf32>
      %mul3A_1059 = arith.mulf %mul3A_1058, %bitcast3A_1055 : vector<16xf32>
      %mul3A_1060 = arith.mulf %mul3A_1059, %bitcast3A_1055 : vector<16xf32>
      %sub3A_1061 = arith.constant 1.500000e+00 : f32
      %sub3A_1062 = vector.broadcast %sub3A_1061 : f32 to vector<16xf32>
      %sub3A_1063 = arith.subf %sub3A_1062, %mul3A_1060 : vector<16xf32>
      %mul3A_1064 = arith.mulf %bitcast3A_1055, %sub3A_1063 : vector<16xf32>
      %mul3A_1065 = arith.constant 5.000000e-01 : f32
      %mul3A_1066 = vector.broadcast %mul3A_1065 : f32 to vector<16xf32>
      %mul3A_1067 = arith.mulf %mul3A_1066, %gather3A_1046 : vector<16xf32>
      %mul3A_1068 = arith.mulf %mul3A_1067, %mul3A_1064 : vector<16xf32>
      %mul3A_1069 = arith.mulf %mul3A_1068, %mul3A_1064 : vector<16xf32>
      %sub3A_1070 = arith.constant 1.500000e+00 : f32
      %sub3A_1071 = vector.broadcast %sub3A_1070 : f32 to vector<16xf32>
      %sub3A_1072 = arith.subf %sub3A_1071, %mul3A_1069 : vector<16xf32>
      %mul3A_1073 = arith.mulf %mul3A_1064, %sub3A_1072 : vector<16xf32>
      %mul3A_1074 = arith.constant 5.000000e-01 : f32
      %mul3A_1075 = vector.broadcast %mul3A_1074 : f32 to vector<16xf32>
      %mul3A_1076 = arith.mulf %mul3A_1075, %gather3A_1046 : vector<16xf32>
      %mul3A_1077 = arith.mulf %mul3A_1076, %mul3A_1073 : vector<16xf32>
      %mul3A_1078 = arith.mulf %mul3A_1077, %mul3A_1073 : vector<16xf32>
      %sub3A_1079 = arith.constant 1.500000e+00 : f32
      %sub3A_1080 = vector.broadcast %sub3A_1079 : f32 to vector<16xf32>
      %sub3A_1081 = arith.subf %sub3A_1080, %mul3A_1078 : vector<16xf32>
      %mul3A_1082 = arith.mulf %mul3A_1073, %sub3A_1081 : vector<16xf32>
      %gt3A_1083 = arith.constant 5.000000e-01 : f32
      %gt3A_1084 = vector.broadcast %gt3A_1083 : f32 to vector<16xf32>
      %gt3A_1085 = arith.cmpf ogt, %gather3A_1046, %gt3A_1084 : vector<16xf32>
      %jit3A_1086 = arith.constant 0.000000e+00 : f32
      %broadcast_in_dim3A_1087 = vector.broadcast %jit3A_1086 : f32 to vector<16xf32>
      %select_n3A_1088 = arith.select %gt3A_1085, %mul3A_1082, %broadcast_in_dim3A_1087 : vector<16xi1>, vector<16xf32>
      %bitcast3A_1089 = vector.bitcast %gather3A_1047 : vector<16xf32> to vector<16xi32>
      %shift_right_arithmetic3A_1090 = arith.constant 1 : i32
      %shift_right_arithmetic3A_1091 = vector.broadcast %shift_right_arithmetic3A_1090 : i32 to vector<16xi32>
      %shift_right_arithmetic3A_1092 = arith.shrsi %bitcast3A_1089, %shift_right_arithmetic3A_1091 : vector<16xi32>
      %sub3A_1093 = arith.constant 1597463007 : i32
      %sub3A_1094 = vector.broadcast %sub3A_1093 : i32 to vector<16xi32>
      %sub3A_1095 = arith.subi %sub3A_1094, %shift_right_arithmetic3A_1092 : vector<16xi32>
      %bitcast3A_1096 = vector.bitcast %sub3A_1095 : vector<16xi32> to vector<16xf32>
      %mul3A_1097 = arith.constant 5.000000e-01 : f32
      %mul3A_1098 = vector.broadcast %mul3A_1097 : f32 to vector<16xf32>
      %mul3A_1099 = arith.mulf %mul3A_1098, %gather3A_1047 : vector<16xf32>
      %mul3A_1100 = arith.mulf %mul3A_1099, %bitcast3A_1096 : vector<16xf32>
      %mul3A_1101 = arith.mulf %mul3A_1100, %bitcast3A_1096 : vector<16xf32>
      %sub3A_1102 = arith.constant 1.500000e+00 : f32
      %sub3A_1103 = vector.broadcast %sub3A_1102 : f32 to vector<16xf32>
      %sub3A_1104 = arith.subf %sub3A_1103, %mul3A_1101 : vector<16xf32>
      %mul3A_1105 = arith.mulf %bitcast3A_1096, %sub3A_1104 : vector<16xf32>
      %mul3A_1106 = arith.constant 5.000000e-01 : f32
      %mul3A_1107 = vector.broadcast %mul3A_1106 : f32 to vector<16xf32>
      %mul3A_1108 = arith.mulf %mul3A_1107, %gather3A_1047 : vector<16xf32>
      %mul3A_1109 = arith.mulf %mul3A_1108, %mul3A_1105 : vector<16xf32>
      %mul3A_1110 = arith.mulf %mul3A_1109, %mul3A_1105 : vector<16xf32>
      %sub3A_1111 = arith.constant 1.500000e+00 : f32
      %sub3A_1112 = vector.broadcast %sub3A_1111 : f32 to vector<16xf32>
      %sub3A_1113 = arith.subf %sub3A_1112, %mul3A_1110 : vector<16xf32>
      %mul3A_1114 = arith.mulf %mul3A_1105, %sub3A_1113 : vector<16xf32>
      %mul3A_1115 = arith.constant 5.000000e-01 : f32
      %mul3A_1116 = vector.broadcast %mul3A_1115 : f32 to vector<16xf32>
      %mul3A_1117 = arith.mulf %mul3A_1116, %gather3A_1047 : vector<16xf32>
      %mul3A_1118 = arith.mulf %mul3A_1117, %mul3A_1114 : vector<16xf32>
      %mul3A_1119 = arith.mulf %mul3A_1118, %mul3A_1114 : vector<16xf32>
      %sub3A_1120 = arith.constant 1.500000e+00 : f32
      %sub3A_1121 = vector.broadcast %sub3A_1120 : f32 to vector<16xf32>
      %sub3A_1122 = arith.subf %sub3A_1121, %mul3A_1119 : vector<16xf32>
      %mul3A_1123 = arith.mulf %mul3A_1114, %sub3A_1122 : vector<16xf32>
      %gt3A_1124 = arith.constant 5.000000e-01 : f32
      %gt3A_1125 = vector.broadcast %gt3A_1124 : f32 to vector<16xf32>
      %gt3A_1126 = arith.cmpf ogt, %gather3A_1047, %gt3A_1125 : vector<16xf32>
      %jit3A_1127 = arith.constant 0.000000e+00 : f32
      %broadcast_in_dim3A_1128 = vector.broadcast %jit3A_1127 : f32 to vector<16xf32>
      %select_n3A_1129 = arith.select %gt3A_1126, %mul3A_1123, %broadcast_in_dim3A_1128 : vector<16xi1>, vector<16xf32>
      %mul3A_1130 = arith.mulf %select_n3A_1088, %select_n3A_1129 : vector<16xf32>
      %scan3A_1131 = arith.constant 0 : i32
      %scan3A_1132 = arith.constant 16 : i32
      %scan3A_1133 = arith.addi %scan3A_1131, %scan3A_1132 : i32
      %scan3A_1134 = arith.constant 1 : i32
      %scan3A_1135 = scf.for %scan3A_1983 = %scan3A_1131 to %scan3A_1133 step %scan3A_1134 iter_args(%scan3A_1984 = %broadcast_in_dim3A_1) -> (vector<16xf32>)  : i32 {
        %mul3A_1985 = arith.constant 16 : i32
        %mul3A_1986 = arith.muli %scan3A_1983, %mul3A_1985 : i32
        %get3A_1987 = arith.constant 7 : i32
        %get3A_1988 = arith.index_cast %get3A_1987 : i32 to index
        %get3A_1989 = arith.index_cast %mul3A_1986 : i32 to index
        %get3A_1990 = tpu.vector_load %arg13[%get3A_1988, %get3A_1989] {strides = array<i32>} : memref<16x256xf32, #tpu.memory_space<vmem>>, vector<16xf32>,
        %mul3A_1991 = arith.constant 16 : i32
        %mul3A_1992 = arith.muli %scan3A_1983, %mul3A_1991 : i32
        %get3A_1993 = arith.constant 7 : i32
        %get3A_1994 = arith.index_cast %get3A_1993 : i32 to index
        %get3A_1995 = arith.index_cast %mul3A_1992 : i32 to index
        %get3A_1996 = tpu.vector_load %arg14[%get3A_1994, %get3A_1995] {strides = array<i32>} : memref<16x256xf32, #tpu.memory_space<vmem>>, vector<16xf32>,
        %sub3A_1997 = arith.subf %get3A_1990, %get3A_1996 : vector<16xf32>
        %mul3A_1998 = arith.mulf %sub3A_1997, %sub3A_1997 : vector<16xf32>
        %add3A_1999 = arith.addf %scan3A_1984, %mul3A_1998 : vector<16xf32>
        scf.yield %add3A_1999 : vector<16xf32>
      }
      %scan3A_1136 = arith.constant 16 : i32
      %get3A_1137 = arith.constant 0 : index
      %get3A_1138 = tpu.vector_load %arg17[%get3A_1137] {strides = array<i32>} : memref<16xf32, #tpu.memory_space<vmem>>, vector<16xf32>,
      %mul3A_1139 = arith.mulf %mul3A_1130, %scan3A_1135 : vector<16xf32>
      %add3A_1140 = arith.addf %get3A_1138, %mul3A_1139 : vector<16xf32>
      %swap3A_1141 = arith.constant 0 : index
      %swap3A_1142 = tpu.vector_load %arg17[%swap3A_1141] {strides = array<i32>} : memref<16xf32, #tpu.memory_space<vmem>>, vector<16xf32>,
      tpu.vector_store %arg17[%swap3A_1141], %add3A_1140 {strides = array<i32>} : memref<16xf32, #tpu.memory_space<vmem>>, vector<16xf32>,
      %mul3A_1143 = arith.constant 16 : i32
      %mul3A_1144 = arith.muli %add3A_285, %mul3A_1143 : i32
      %add3A_1145 = arith.constant 8 : i32
      %add3A_1146 = arith.addi %mul3A_1144, %add3A_1145 : i32
      %add3A_1147 = vector.broadcast %add3A_1146 : i32 to vector<16xi32>
      %add3A_1148 = arith.addi %broadcast_in_dim3A_306, %add3A_1147 : vector<16xi32>
      %gather3A_1149 = tpu.vector_load_idx %arg11[%add3A_1148] : memref<10016xi32, #tpu.memory_space<vmem>>[vector<16xi32>], vector<16xi32>,
      %gather3A_1150 = tpu.vector_load_idx %arg12[%add3A_1148] : memref<10016xi32, #tpu.memory_space<vmem>>[vector<16xi32>], vector<16xi32>,
      %gather3A_1151 = tpu.vector_load_idx %arg10[%gather3A_1149] : memref<10240xf32, #tpu.memory_space<vmem>>[vector<16xi32>], vector<16xf32>,
      %gather3A_1152 = tpu.vector_load_idx %arg10[%gather3A_1150] : memref<10240xf32, #tpu.memory_space<vmem>>[vector<16xi32>], vector<16xf32>,
      %bitcast3A_1153 = vector.bitcast %gather3A_1151 : vector<16xf32> to vector<16xi32>
      %shift_right_arithmetic3A_1154 = arith.constant 1 : i32
      %shift_right_arithmetic3A_1155 = vector.broadcast %shift_right_arithmetic3A_1154 : i32 to vector<16xi32>
      %shift_right_arithmetic3A_1156 = arith.shrsi %bitcast3A_1153, %shift_right_arithmetic3A_1155 : vector<16xi32>
      %sub3A_1157 = arith.constant 1597463007 : i32
      %sub3A_1158 = vector.broadcast %sub3A_1157 : i32 to vector<16xi32>
      %sub3A_1159 = arith.subi %sub3A_1158, %shift_right_arithmetic3A_1156 : vector<16xi32>
      %bitcast3A_1160 = vector.bitcast %sub3A_1159 : vector<16xi32> to vector<16xf32>
      %mul3A_1161 = arith.constant 5.000000e-01 : f32
      %mul3A_1162 = vector.broadcast %mul3A_1161 : f32 to vector<16xf32>
      %mul3A_1163 = arith.mulf %mul3A_1162, %gather3A_1151 : vector<16xf32>
      %mul3A_1164 = arith.mulf %mul3A_1163, %bitcast3A_1160 : vector<16xf32>
      %mul3A_1165 = arith.mulf %mul3A_1164, %bitcast3A_1160 : vector<16xf32>
      %sub3A_1166 = arith.constant 1.500000e+00 : f32
      %sub3A_1167 = vector.broadcast %sub3A_1166 : f32 to vector<16xf32>
      %sub3A_1168 = arith.subf %sub3A_1167, %mul3A_1165 : vector<16xf32>
      %mul3A_1169 = arith.mulf %bitcast3A_1160, %sub3A_1168 : vector<16xf32>
      %mul3A_1170 = arith.constant 5.000000e-01 : f32
      %mul3A_1171 = vector.broadcast %mul3A_1170 : f32 to vector<16xf32>
      %mul3A_1172 = arith.mulf %mul3A_1171, %gather3A_1151 : vector<16xf32>
      %mul3A_1173 = arith.mulf %mul3A_1172, %mul3A_1169 : vector<16xf32>
      %mul3A_1174 = arith.mulf %mul3A_1173, %mul3A_1169 : vector<16xf32>
      %sub3A_1175 = arith.constant 1.500000e+00 : f32
      %sub3A_1176 = vector.broadcast %sub3A_1175 : f32 to vector<16xf32>
      %sub3A_1177 = arith.subf %sub3A_1176, %mul3A_1174 : vector<16xf32>
      %mul3A_1178 = arith.mulf %mul3A_1169, %sub3A_1177 : vector<16xf32>
      %mul3A_1179 = arith.constant 5.000000e-01 : f32
      %mul3A_1180 = vector.broadcast %mul3A_1179 : f32 to vector<16xf32>
      %mul3A_1181 = arith.mulf %mul3A_1180, %gather3A_1151 : vector<16xf32>
      %mul3A_1182 = arith.mulf %mul3A_1181, %mul3A_1178 : vector<16xf32>
      %mul3A_1183 = arith.mulf %mul3A_1182, %mul3A_1178 : vector<16xf32>
      %sub3A_1184 = arith.constant 1.500000e+00 : f32
      %sub3A_1185 = vector.broadcast %sub3A_1184 : f32 to vector<16xf32>
      %sub3A_1186 = arith.subf %sub3A_1185, %mul3A_1183 : vector<16xf32>
      %mul3A_1187 = arith.mulf %mul3A_1178, %sub3A_1186 : vector<16xf32>
      %gt3A_1188 = arith.constant 5.000000e-01 : f32
      %gt3A_1189 = vector.broadcast %gt3A_1188 : f32 to vector<16xf32>
      %gt3A_1190 = arith.cmpf ogt, %gather3A_1151, %gt3A_1189 : vector<16xf32>
      %jit3A_1191 = arith.constant 0.000000e+00 : f32
      %broadcast_in_dim3A_1192 = vector.broadcast %jit3A_1191 : f32 to vector<16xf32>
      %select_n3A_1193 = arith.select %gt3A_1190, %mul3A_1187, %broadcast_in_dim3A_1192 : vector<16xi1>, vector<16xf32>
      %bitcast3A_1194 = vector.bitcast %gather3A_1152 : vector<16xf32> to vector<16xi32>
      %shift_right_arithmetic3A_1195 = arith.constant 1 : i32
      %shift_right_arithmetic3A_1196 = vector.broadcast %shift_right_arithmetic3A_1195 : i32 to vector<16xi32>
      %shift_right_arithmetic3A_1197 = arith.shrsi %bitcast3A_1194, %shift_right_arithmetic3A_1196 : vector<16xi32>
      %sub3A_1198 = arith.constant 1597463007 : i32
      %sub3A_1199 = vector.broadcast %sub3A_1198 : i32 to vector<16xi32>
      %sub3A_1200 = arith.subi %sub3A_1199, %shift_right_arithmetic3A_1197 : vector<16xi32>
      %bitcast3A_1201 = vector.bitcast %sub3A_1200 : vector<16xi32> to vector<16xf32>
      %mul3A_1202 = arith.constant 5.000000e-01 : f32
      %mul3A_1203 = vector.broadcast %mul3A_1202 : f32 to vector<16xf32>
      %mul3A_1204 = arith.mulf %mul3A_1203, %gather3A_1152 : vector<16xf32>
      %mul3A_1205 = arith.mulf %mul3A_1204, %bitcast3A_1201 : vector<16xf32>
      %mul3A_1206 = arith.mulf %mul3A_1205, %bitcast3A_1201 : vector<16xf32>
      %sub3A_1207 = arith.constant 1.500000e+00 : f32
      %sub3A_1208 = vector.broadcast %sub3A_1207 : f32 to vector<16xf32>
      %sub3A_1209 = arith.subf %sub3A_1208, %mul3A_1206 : vector<16xf32>
      %mul3A_1210 = arith.mulf %bitcast3A_1201, %sub3A_1209 : vector<16xf32>
      %mul3A_1211 = arith.constant 5.000000e-01 : f32
      %mul3A_1212 = vector.broadcast %mul3A_1211 : f32 to vector<16xf32>
      %mul3A_1213 = arith.mulf %mul3A_1212, %gather3A_1152 : vector<16xf32>
      %mul3A_1214 = arith.mulf %mul3A_1213, %mul3A_1210 : vector<16xf32>
      %mul3A_1215 = arith.mulf %mul3A_1214, %mul3A_1210 : vector<16xf32>
      %sub3A_1216 = arith.constant 1.500000e+00 : f32
      %sub3A_1217 = vector.broadcast %sub3A_1216 : f32 to vector<16xf32>
      %sub3A_1218 = arith.subf %sub3A_1217, %mul3A_1215 : vector<16xf32>
      %mul3A_1219 = arith.mulf %mul3A_1210, %sub3A_1218 : vector<16xf32>
      %mul3A_1220 = arith.constant 5.000000e-01 : f32
      %mul3A_1221 = vector.broadcast %mul3A_1220 : f32 to vector<16xf32>
      %mul3A_1222 = arith.mulf %mul3A_1221, %gather3A_1152 : vector<16xf32>
      %mul3A_1223 = arith.mulf %mul3A_1222, %mul3A_1219 : vector<16xf32>
      %mul3A_1224 = arith.mulf %mul3A_1223, %mul3A_1219 : vector<16xf32>
      %sub3A_1225 = arith.constant 1.500000e+00 : f32
      %sub3A_1226 = vector.broadcast %sub3A_1225 : f32 to vector<16xf32>
      %sub3A_1227 = arith.subf %sub3A_1226, %mul3A_1224 : vector<16xf32>
      %mul3A_1228 = arith.mulf %mul3A_1219, %sub3A_1227 : vector<16xf32>
      %gt3A_1229 = arith.constant 5.000000e-01 : f32
      %gt3A_1230 = vector.broadcast %gt3A_1229 : f32 to vector<16xf32>
      %gt3A_1231 = arith.cmpf ogt, %gather3A_1152, %gt3A_1230 : vector<16xf32>
      %jit3A_1232 = arith.constant 0.000000e+00 : f32
      %broadcast_in_dim3A_1233 = vector.broadcast %jit3A_1232 : f32 to vector<16xf32>
      %select_n3A_1234 = arith.select %gt3A_1231, %mul3A_1228, %broadcast_in_dim3A_1233 : vector<16xi1>, vector<16xf32>
      %mul3A_1235 = arith.mulf %select_n3A_1193, %select_n3A_1234 : vector<16xf32>
      %scan3A_1236 = arith.constant 0 : i32
      %scan3A_1237 = arith.constant 16 : i32
      %scan3A_1238 = arith.addi %scan3A_1236, %scan3A_1237 : i32
      %scan3A_1239 = arith.constant 1 : i32
      %scan3A_1240 = scf.for %scan3A_1983 = %scan3A_1236 to %scan3A_1238 step %scan3A_1239 iter_args(%scan3A_1984 = %broadcast_in_dim3A_1) -> (vector<16xf32>)  : i32 {
        %mul3A_1985 = arith.constant 16 : i32
        %mul3A_1986 = arith.muli %scan3A_1983, %mul3A_1985 : i32
        %get3A_1987 = arith.constant 8 : i32
        %get3A_1988 = arith.index_cast %get3A_1987 : i32 to index
        %get3A_1989 = arith.index_cast %mul3A_1986 : i32 to index
        %get3A_1990 = tpu.vector_load %arg13[%get3A_1988, %get3A_1989] {strides = array<i32>} : memref<16x256xf32, #tpu.memory_space<vmem>>, vector<16xf32>,
        %mul3A_1991 = arith.constant 16 : i32
        %mul3A_1992 = arith.muli %scan3A_1983, %mul3A_1991 : i32
        %get3A_1993 = arith.constant 8 : i32
        %get3A_1994 = arith.index_cast %get3A_1993 : i32 to index
        %get3A_1995 = arith.index_cast %mul3A_1992 : i32 to index
        %get3A_1996 = tpu.vector_load %arg14[%get3A_1994, %get3A_1995] {strides = array<i32>} : memref<16x256xf32, #tpu.memory_space<vmem>>, vector<16xf32>,
        %sub3A_1997 = arith.subf %get3A_1990, %get3A_1996 : vector<16xf32>
        %mul3A_1998 = arith.mulf %sub3A_1997, %sub3A_1997 : vector<16xf32>
        %add3A_1999 = arith.addf %scan3A_1984, %mul3A_1998 : vector<16xf32>
        scf.yield %add3A_1999 : vector<16xf32>
      }
      %scan3A_1241 = arith.constant 16 : i32
      %get3A_1242 = arith.constant 0 : index
      %get3A_1243 = tpu.vector_load %arg17[%get3A_1242] {strides = array<i32>} : memref<16xf32, #tpu.memory_space<vmem>>, vector<16xf32>,
      %mul3A_1244 = arith.mulf %mul3A_1235, %scan3A_1240 : vector<16xf32>
      %add3A_1245 = arith.addf %get3A_1243, %mul3A_1244 : vector<16xf32>
      %swap3A_1246 = arith.constant 0 : index
      %swap3A_1247 = tpu.vector_load %arg17[%swap3A_1246] {strides = array<i32>} : memref<16xf32, #tpu.memory_space<vmem>>, vector<16xf32>,
      tpu.vector_store %arg17[%swap3A_1246], %add3A_1245 {strides = array<i32>} : memref<16xf32, #tpu.memory_space<vmem>>, vector<16xf32>,
      %mul3A_1248 = arith.constant 16 : i32
      %mul3A_1249 = arith.muli %add3A_285, %mul3A_1248 : i32
      %add3A_1250 = arith.constant 9 : i32
      %add3A_1251 = arith.addi %mul3A_1249, %add3A_1250 : i32
      %add3A_1252 = vector.broadcast %add3A_1251 : i32 to vector<16xi32>
      %add3A_1253 = arith.addi %broadcast_in_dim3A_306, %add3A_1252 : vector<16xi32>
      %gather3A_1254 = tpu.vector_load_idx %arg11[%add3A_1253] : memref<10016xi32, #tpu.memory_space<vmem>>[vector<16xi32>], vector<16xi32>,
      %gather3A_1255 = tpu.vector_load_idx %arg12[%add3A_1253] : memref<10016xi32, #tpu.memory_space<vmem>>[vector<16xi32>], vector<16xi32>,
      %gather3A_1256 = tpu.vector_load_idx %arg10[%gather3A_1254] : memref<10240xf32, #tpu.memory_space<vmem>>[vector<16xi32>], vector<16xf32>,
      %gather3A_1257 = tpu.vector_load_idx %arg10[%gather3A_1255] : memref<10240xf32, #tpu.memory_space<vmem>>[vector<16xi32>], vector<16xf32>,
      %bitcast3A_1258 = vector.bitcast %gather3A_1256 : vector<16xf32> to vector<16xi32>
      %shift_right_arithmetic3A_1259 = arith.constant 1 : i32
      %shift_right_arithmetic3A_1260 = vector.broadcast %shift_right_arithmetic3A_1259 : i32 to vector<16xi32>
      %shift_right_arithmetic3A_1261 = arith.shrsi %bitcast3A_1258, %shift_right_arithmetic3A_1260 : vector<16xi32>
      %sub3A_1262 = arith.constant 1597463007 : i32
      %sub3A_1263 = vector.broadcast %sub3A_1262 : i32 to vector<16xi32>
      %sub3A_1264 = arith.subi %sub3A_1263, %shift_right_arithmetic3A_1261 : vector<16xi32>
      %bitcast3A_1265 = vector.bitcast %sub3A_1264 : vector<16xi32> to vector<16xf32>
      %mul3A_1266 = arith.constant 5.000000e-01 : f32
      %mul3A_1267 = vector.broadcast %mul3A_1266 : f32 to vector<16xf32>
      %mul3A_1268 = arith.mulf %mul3A_1267, %gather3A_1256 : vector<16xf32>
      %mul3A_1269 = arith.mulf %mul3A_1268, %bitcast3A_1265 : vector<16xf32>
      %mul3A_1270 = arith.mulf %mul3A_1269, %bitcast3A_1265 : vector<16xf32>
      %sub3A_1271 = arith.constant 1.500000e+00 : f32
      %sub3A_1272 = vector.broadcast %sub3A_1271 : f32 to vector<16xf32>
      %sub3A_1273 = arith.subf %sub3A_1272, %mul3A_1270 : vector<16xf32>
      %mul3A_1274 = arith.mulf %bitcast3A_1265, %sub3A_1273 : vector<16xf32>
      %mul3A_1275 = arith.constant 5.000000e-01 : f32
      %mul3A_1276 = vector.broadcast %mul3A_1275 : f32 to vector<16xf32>
      %mul3A_1277 = arith.mulf %mul3A_1276, %gather3A_1256 : vector<16xf32>
      %mul3A_1278 = arith.mulf %mul3A_1277, %mul3A_1274 : vector<16xf32>
      %mul3A_1279 = arith.mulf %mul3A_1278, %mul3A_1274 : vector<16xf32>
      %sub3A_1280 = arith.constant 1.500000e+00 : f32
      %sub3A_1281 = vector.broadcast %sub3A_1280 : f32 to vector<16xf32>
      %sub3A_1282 = arith.subf %sub3A_1281, %mul3A_1279 : vector<16xf32>
      %mul3A_1283 = arith.mulf %mul3A_1274, %sub3A_1282 : vector<16xf32>
      %mul3A_1284 = arith.constant 5.000000e-01 : f32
      %mul3A_1285 = vector.broadcast %mul3A_1284 : f32 to vector<16xf32>
      %mul3A_1286 = arith.mulf %mul3A_1285, %gather3A_1256 : vector<16xf32>
      %mul3A_1287 = arith.mulf %mul3A_1286, %mul3A_1283 : vector<16xf32>
      %mul3A_1288 = arith.mulf %mul3A_1287, %mul3A_1283 : vector<16xf32>
      %sub3A_1289 = arith.constant 1.500000e+00 : f32
      %sub3A_1290 = vector.broadcast %sub3A_1289 : f32 to vector<16xf32>
      %sub3A_1291 = arith.subf %sub3A_1290, %mul3A_1288 : vector<16xf32>
      %mul3A_1292 = arith.mulf %mul3A_1283, %sub3A_1291 : vector<16xf32>
      %gt3A_1293 = arith.constant 5.000000e-01 : f32
      %gt3A_1294 = vector.broadcast %gt3A_1293 : f32 to vector<16xf32>
      %gt3A_1295 = arith.cmpf ogt, %gather3A_1256, %gt3A_1294 : vector<16xf32>
      %jit3A_1296 = arith.constant 0.000000e+00 : f32
      %broadcast_in_dim3A_1297 = vector.broadcast %jit3A_1296 : f32 to vector<16xf32>
      %select_n3A_1298 = arith.select %gt3A_1295, %mul3A_1292, %broadcast_in_dim3A_1297 : vector<16xi1>, vector<16xf32>
      %bitcast3A_1299 = vector.bitcast %gather3A_1257 : vector<16xf32> to vector<16xi32>
      %shift_right_arithmetic3A_1300 = arith.constant 1 : i32
      %shift_right_arithmetic3A_1301 = vector.broadcast %shift_right_arithmetic3A_1300 : i32 to vector<16xi32>
      %shift_right_arithmetic3A_1302 = arith.shrsi %bitcast3A_1299, %shift_right_arithmetic3A_1301 : vector<16xi32>
      %sub3A_1303 = arith.constant 1597463007 : i32
      %sub3A_1304 = vector.broadcast %sub3A_1303 : i32 to vector<16xi32>
      %sub3A_1305 = arith.subi %sub3A_1304, %shift_right_arithmetic3A_1302 : vector<16xi32>
      %bitcast3A_1306 = vector.bitcast %sub3A_1305 : vector<16xi32> to vector<16xf32>
      %mul3A_1307 = arith.constant 5.000000e-01 : f32
      %mul3A_1308 = vector.broadcast %mul3A_1307 : f32 to vector<16xf32>
      %mul3A_1309 = arith.mulf %mul3A_1308, %gather3A_1257 : vector<16xf32>
      %mul3A_1310 = arith.mulf %mul3A_1309, %bitcast3A_1306 : vector<16xf32>
      %mul3A_1311 = arith.mulf %mul3A_1310, %bitcast3A_1306 : vector<16xf32>
      %sub3A_1312 = arith.constant 1.500000e+00 : f32
      %sub3A_1313 = vector.broadcast %sub3A_1312 : f32 to vector<16xf32>
      %sub3A_1314 = arith.subf %sub3A_1313, %mul3A_1311 : vector<16xf32>
      %mul3A_1315 = arith.mulf %bitcast3A_1306, %sub3A_1314 : vector<16xf32>
      %mul3A_1316 = arith.constant 5.000000e-01 : f32
      %mul3A_1317 = vector.broadcast %mul3A_1316 : f32 to vector<16xf32>
      %mul3A_1318 = arith.mulf %mul3A_1317, %gather3A_1257 : vector<16xf32>
      %mul3A_1319 = arith.mulf %mul3A_1318, %mul3A_1315 : vector<16xf32>
      %mul3A_1320 = arith.mulf %mul3A_1319, %mul3A_1315 : vector<16xf32>
      %sub3A_1321 = arith.constant 1.500000e+00 : f32
      %sub3A_1322 = vector.broadcast %sub3A_1321 : f32 to vector<16xf32>
      %sub3A_1323 = arith.subf %sub3A_1322, %mul3A_1320 : vector<16xf32>
      %mul3A_1324 = arith.mulf %mul3A_1315, %sub3A_1323 : vector<16xf32>
      %mul3A_1325 = arith.constant 5.000000e-01 : f32
      %mul3A_1326 = vector.broadcast %mul3A_1325 : f32 to vector<16xf32>
      %mul3A_1327 = arith.mulf %mul3A_1326, %gather3A_1257 : vector<16xf32>
      %mul3A_1328 = arith.mulf %mul3A_1327, %mul3A_1324 : vector<16xf32>
      %mul3A_1329 = arith.mulf %mul3A_1328, %mul3A_1324 : vector<16xf32>
      %sub3A_1330 = arith.constant 1.500000e+00 : f32
      %sub3A_1331 = vector.broadcast %sub3A_1330 : f32 to vector<16xf32>
      %sub3A_1332 = arith.subf %sub3A_1331, %mul3A_1329 : vector<16xf32>
      %mul3A_1333 = arith.mulf %mul3A_1324, %sub3A_1332 : vector<16xf32>
      %gt3A_1334 = arith.constant 5.000000e-01 : f32
      %gt3A_1335 = vector.broadcast %gt3A_1334 : f32 to vector<16xf32>
      %gt3A_1336 = arith.cmpf ogt, %gather3A_1257, %gt3A_1335 : vector<16xf32>
      %jit3A_1337 = arith.constant 0.000000e+00 : f32
      %broadcast_in_dim3A_1338 = vector.broadcast %jit3A_1337 : f32 to vector<16xf32>
      %select_n3A_1339 = arith.select %gt3A_1336, %mul3A_1333, %broadcast_in_dim3A_1338 : vector<16xi1>, vector<16xf32>
      %mul3A_1340 = arith.mulf %select_n3A_1298, %select_n3A_1339 : vector<16xf32>
      %scan3A_1341 = arith.constant 0 : i32
      %scan3A_1342 = arith.constant 16 : i32
      %scan3A_1343 = arith.addi %scan3A_1341, %scan3A_1342 : i32
      %scan3A_1344 = arith.constant 1 : i32
      %scan3A_1345 = scf.for %scan3A_1983 = %scan3A_1341 to %scan3A_1343 step %scan3A_1344 iter_args(%scan3A_1984 = %broadcast_in_dim3A_1) -> (vector<16xf32>)  : i32 {
        %mul3A_1985 = arith.constant 16 : i32
        %mul3A_1986 = arith.muli %scan3A_1983, %mul3A_1985 : i32
        %get3A_1987 = arith.constant 9 : i32
        %get3A_1988 = arith.index_cast %get3A_1987 : i32 to index
        %get3A_1989 = arith.index_cast %mul3A_1986 : i32 to index
        %get3A_1990 = tpu.vector_load %arg13[%get3A_1988, %get3A_1989] {strides = array<i32>} : memref<16x256xf32, #tpu.memory_space<vmem>>, vector<16xf32>,
        %mul3A_1991 = arith.constant 16 : i32
        %mul3A_1992 = arith.muli %scan3A_1983, %mul3A_1991 : i32
        %get3A_1993 = arith.constant 9 : i32
        %get3A_1994 = arith.index_cast %get3A_1993 : i32 to index
        %get3A_1995 = arith.index_cast %mul3A_1992 : i32 to index
        %get3A_1996 = tpu.vector_load %arg14[%get3A_1994, %get3A_1995] {strides = array<i32>} : memref<16x256xf32, #tpu.memory_space<vmem>>, vector<16xf32>,
        %sub3A_1997 = arith.subf %get3A_1990, %get3A_1996 : vector<16xf32>
        %mul3A_1998 = arith.mulf %sub3A_1997, %sub3A_1997 : vector<16xf32>
        %add3A_1999 = arith.addf %scan3A_1984, %mul3A_1998 : vector<16xf32>
        scf.yield %add3A_1999 : vector<16xf32>
      }
      %scan3A_1346 = arith.constant 16 : i32
      %get3A_1347 = arith.constant 0 : index
      %get3A_1348 = tpu.vector_load %arg17[%get3A_1347] {strides = array<i32>} : memref<16xf32, #tpu.memory_space<vmem>>, vector<16xf32>,
      %mul3A_1349 = arith.mulf %mul3A_1340, %scan3A_1345 : vector<16xf32>
      %add3A_1350 = arith.addf %get3A_1348, %mul3A_1349 : vector<16xf32>
      %swap3A_1351 = arith.constant 0 : index
      %swap3A_1352 = tpu.vector_load %arg17[%swap3A_1351] {strides = array<i32>} : memref<16xf32, #tpu.memory_space<vmem>>, vector<16xf32>,
      tpu.vector_store %arg17[%swap3A_1351], %add3A_1350 {strides = array<i32>} : memref<16xf32, #tpu.memory_space<vmem>>, vector<16xf32>,
      %mul3A_1353 = arith.constant 16 : i32
      %mul3A_1354 = arith.muli %add3A_285, %mul3A_1353 : i32
      %add3A_1355 = arith.constant 10 : i32
      %add3A_1356 = arith.addi %mul3A_1354, %add3A_1355 : i32
      %add3A_1357 = vector.broadcast %add3A_1356 : i32 to vector<16xi32>
      %add3A_1358 = arith.addi %broadcast_in_dim3A_306, %add3A_1357 : vector<16xi32>
      %gather3A_1359 = tpu.vector_load_idx %arg11[%add3A_1358] : memref<10016xi32, #tpu.memory_space<vmem>>[vector<16xi32>], vector<16xi32>,
      %gather3A_1360 = tpu.vector_load_idx %arg12[%add3A_1358] : memref<10016xi32, #tpu.memory_space<vmem>>[vector<16xi32>], vector<16xi32>,
      %gather3A_1361 = tpu.vector_load_idx %arg10[%gather3A_1359] : memref<10240xf32, #tpu.memory_space<vmem>>[vector<16xi32>], vector<16xf32>,
      %gather3A_1362 = tpu.vector_load_idx %arg10[%gather3A_1360] : memref<10240xf32, #tpu.memory_space<vmem>>[vector<16xi32>], vector<16xf32>,
      %bitcast3A_1363 = vector.bitcast %gather3A_1361 : vector<16xf32> to vector<16xi32>
      %shift_right_arithmetic3A_1364 = arith.constant 1 : i32
      %shift_right_arithmetic3A_1365 = vector.broadcast %shift_right_arithmetic3A_1364 : i32 to vector<16xi32>
      %shift_right_arithmetic3A_1366 = arith.shrsi %bitcast3A_1363, %shift_right_arithmetic3A_1365 : vector<16xi32>
      %sub3A_1367 = arith.constant 1597463007 : i32
      %sub3A_1368 = vector.broadcast %sub3A_1367 : i32 to vector<16xi32>
      %sub3A_1369 = arith.subi %sub3A_1368, %shift_right_arithmetic3A_1366 : vector<16xi32>
      %bitcast3A_1370 = vector.bitcast %sub3A_1369 : vector<16xi32> to vector<16xf32>
      %mul3A_1371 = arith.constant 5.000000e-01 : f32
      %mul3A_1372 = vector.broadcast %mul3A_1371 : f32 to vector<16xf32>
      %mul3A_1373 = arith.mulf %mul3A_1372, %gather3A_1361 : vector<16xf32>
      %mul3A_1374 = arith.mulf %mul3A_1373, %bitcast3A_1370 : vector<16xf32>
      %mul3A_1375 = arith.mulf %mul3A_1374, %bitcast3A_1370 : vector<16xf32>
      %sub3A_1376 = arith.constant 1.500000e+00 : f32
      %sub3A_1377 = vector.broadcast %sub3A_1376 : f32 to vector<16xf32>
      %sub3A_1378 = arith.subf %sub3A_1377, %mul3A_1375 : vector<16xf32>
      %mul3A_1379 = arith.mulf %bitcast3A_1370, %sub3A_1378 : vector<16xf32>
      %mul3A_1380 = arith.constant 5.000000e-01 : f32
      %mul3A_1381 = vector.broadcast %mul3A_1380 : f32 to vector<16xf32>
      %mul3A_1382 = arith.mulf %mul3A_1381, %gather3A_1361 : vector<16xf32>
      %mul3A_1383 = arith.mulf %mul3A_1382, %mul3A_1379 : vector<16xf32>
      %mul3A_1384 = arith.mulf %mul3A_1383, %mul3A_1379 : vector<16xf32>
      %sub3A_1385 = arith.constant 1.500000e+00 : f32
      %sub3A_1386 = vector.broadcast %sub3A_1385 : f32 to vector<16xf32>
      %sub3A_1387 = arith.subf %sub3A_1386, %mul3A_1384 : vector<16xf32>
      %mul3A_1388 = arith.mulf %mul3A_1379, %sub3A_1387 : vector<16xf32>
      %mul3A_1389 = arith.constant 5.000000e-01 : f32
      %mul3A_1390 = vector.broadcast %mul3A_1389 : f32 to vector<16xf32>
      %mul3A_1391 = arith.mulf %mul3A_1390, %gather3A_1361 : vector<16xf32>
      %mul3A_1392 = arith.mulf %mul3A_1391, %mul3A_1388 : vector<16xf32>
      %mul3A_1393 = arith.mulf %mul3A_1392, %mul3A_1388 : vector<16xf32>
      %sub3A_1394 = arith.constant 1.500000e+00 : f32
      %sub3A_1395 = vector.broadcast %sub3A_1394 : f32 to vector<16xf32>
      %sub3A_1396 = arith.subf %sub3A_1395, %mul3A_1393 : vector<16xf32>
      %mul3A_1397 = arith.mulf %mul3A_1388, %sub3A_1396 : vector<16xf32>
      %gt3A_1398 = arith.constant 5.000000e-01 : f32
      %gt3A_1399 = vector.broadcast %gt3A_1398 : f32 to vector<16xf32>
      %gt3A_1400 = arith.cmpf ogt, %gather3A_1361, %gt3A_1399 : vector<16xf32>
      %jit3A_1401 = arith.constant 0.000000e+00 : f32
      %broadcast_in_dim3A_1402 = vector.broadcast %jit3A_1401 : f32 to vector<16xf32>
      %select_n3A_1403 = arith.select %gt3A_1400, %mul3A_1397, %broadcast_in_dim3A_1402 : vector<16xi1>, vector<16xf32>
      %bitcast3A_1404 = vector.bitcast %gather3A_1362 : vector<16xf32> to vector<16xi32>
      %shift_right_arithmetic3A_1405 = arith.constant 1 : i32
      %shift_right_arithmetic3A_1406 = vector.broadcast %shift_right_arithmetic3A_1405 : i32 to vector<16xi32>
      %shift_right_arithmetic3A_1407 = arith.shrsi %bitcast3A_1404, %shift_right_arithmetic3A_1406 : vector<16xi32>
      %sub3A_1408 = arith.constant 1597463007 : i32
      %sub3A_1409 = vector.broadcast %sub3A_1408 : i32 to vector<16xi32>
      %sub3A_1410 = arith.subi %sub3A_1409, %shift_right_arithmetic3A_1407 : vector<16xi32>
      %bitcast3A_1411 = vector.bitcast %sub3A_1410 : vector<16xi32> to vector<16xf32>
      %mul3A_1412 = arith.constant 5.000000e-01 : f32
      %mul3A_1413 = vector.broadcast %mul3A_1412 : f32 to vector<16xf32>
      %mul3A_1414 = arith.mulf %mul3A_1413, %gather3A_1362 : vector<16xf32>
      %mul3A_1415 = arith.mulf %mul3A_1414, %bitcast3A_1411 : vector<16xf32>
      %mul3A_1416 = arith.mulf %mul3A_1415, %bitcast3A_1411 : vector<16xf32>
      %sub3A_1417 = arith.constant 1.500000e+00 : f32
      %sub3A_1418 = vector.broadcast %sub3A_1417 : f32 to vector<16xf32>
      %sub3A_1419 = arith.subf %sub3A_1418, %mul3A_1416 : vector<16xf32>
      %mul3A_1420 = arith.mulf %bitcast3A_1411, %sub3A_1419 : vector<16xf32>
      %mul3A_1421 = arith.constant 5.000000e-01 : f32
      %mul3A_1422 = vector.broadcast %mul3A_1421 : f32 to vector<16xf32>
      %mul3A_1423 = arith.mulf %mul3A_1422, %gather3A_1362 : vector<16xf32>
      %mul3A_1424 = arith.mulf %mul3A_1423, %mul3A_1420 : vector<16xf32>
      %mul3A_1425 = arith.mulf %mul3A_1424, %mul3A_1420 : vector<16xf32>
      %sub3A_1426 = arith.constant 1.500000e+00 : f32
      %sub3A_1427 = vector.broadcast %sub3A_1426 : f32 to vector<16xf32>
      %sub3A_1428 = arith.subf %sub3A_1427, %mul3A_1425 : vector<16xf32>
      %mul3A_1429 = arith.mulf %mul3A_1420, %sub3A_1428 : vector<16xf32>
      %mul3A_1430 = arith.constant 5.000000e-01 : f32
      %mul3A_1431 = vector.broadcast %mul3A_1430 : f32 to vector<16xf32>
      %mul3A_1432 = arith.mulf %mul3A_1431, %gather3A_1362 : vector<16xf32>
      %mul3A_1433 = arith.mulf %mul3A_1432, %mul3A_1429 : vector<16xf32>
      %mul3A_1434 = arith.mulf %mul3A_1433, %mul3A_1429 : vector<16xf32>
      %sub3A_1435 = arith.constant 1.500000e+00 : f32
      %sub3A_1436 = vector.broadcast %sub3A_1435 : f32 to vector<16xf32>
      %sub3A_1437 = arith.subf %sub3A_1436, %mul3A_1434 : vector<16xf32>
      %mul3A_1438 = arith.mulf %mul3A_1429, %sub3A_1437 : vector<16xf32>
      %gt3A_1439 = arith.constant 5.000000e-01 : f32
      %gt3A_1440 = vector.broadcast %gt3A_1439 : f32 to vector<16xf32>
      %gt3A_1441 = arith.cmpf ogt, %gather3A_1362, %gt3A_1440 : vector<16xf32>
      %jit3A_1442 = arith.constant 0.000000e+00 : f32
      %broadcast_in_dim3A_1443 = vector.broadcast %jit3A_1442 : f32 to vector<16xf32>
      %select_n3A_1444 = arith.select %gt3A_1441, %mul3A_1438, %broadcast_in_dim3A_1443 : vector<16xi1>, vector<16xf32>
      %mul3A_1445 = arith.mulf %select_n3A_1403, %select_n3A_1444 : vector<16xf32>
      %scan3A_1446 = arith.constant 0 : i32
      %scan3A_1447 = arith.constant 16 : i32
      %scan3A_1448 = arith.addi %scan3A_1446, %scan3A_1447 : i32
      %scan3A_1449 = arith.constant 1 : i32
      %scan3A_1450 = scf.for %scan3A_1983 = %scan3A_1446 to %scan3A_1448 step %scan3A_1449 iter_args(%scan3A_1984 = %broadcast_in_dim3A_1) -> (vector<16xf32>)  : i32 {
        %mul3A_1985 = arith.constant 16 : i32
        %mul3A_1986 = arith.muli %scan3A_1983, %mul3A_1985 : i32
        %get3A_1987 = arith.constant 10 : i32
        %get3A_1988 = arith.index_cast %get3A_1987 : i32 to index
        %get3A_1989 = arith.index_cast %mul3A_1986 : i32 to index
        %get3A_1990 = tpu.vector_load %arg13[%get3A_1988, %get3A_1989] {strides = array<i32>} : memref<16x256xf32, #tpu.memory_space<vmem>>, vector<16xf32>,
        %mul3A_1991 = arith.constant 16 : i32
        %mul3A_1992 = arith.muli %scan3A_1983, %mul3A_1991 : i32
        %get3A_1993 = arith.constant 10 : i32
        %get3A_1994 = arith.index_cast %get3A_1993 : i32 to index
        %get3A_1995 = arith.index_cast %mul3A_1992 : i32 to index
        %get3A_1996 = tpu.vector_load %arg14[%get3A_1994, %get3A_1995] {strides = array<i32>} : memref<16x256xf32, #tpu.memory_space<vmem>>, vector<16xf32>,
        %sub3A_1997 = arith.subf %get3A_1990, %get3A_1996 : vector<16xf32>
        %mul3A_1998 = arith.mulf %sub3A_1997, %sub3A_1997 : vector<16xf32>
        %add3A_1999 = arith.addf %scan3A_1984, %mul3A_1998 : vector<16xf32>
        scf.yield %add3A_1999 : vector<16xf32>
      }
      %scan3A_1451 = arith.constant 16 : i32
      %get3A_1452 = arith.constant 0 : index
      %get3A_1453 = tpu.vector_load %arg17[%get3A_1452] {strides = array<i32>} : memref<16xf32, #tpu.memory_space<vmem>>, vector<16xf32>,
      %mul3A_1454 = arith.mulf %mul3A_1445, %scan3A_1450 : vector<16xf32>
      %add3A_1455 = arith.addf %get3A_1453, %mul3A_1454 : vector<16xf32>
      %swap3A_1456 = arith.constant 0 : index
      %swap3A_1457 = tpu.vector_load %arg17[%swap3A_1456] {strides = array<i32>} : memref<16xf32, #tpu.memory_space<vmem>>, vector<16xf32>,
      tpu.vector_store %arg17[%swap3A_1456], %add3A_1455 {strides = array<i32>} : memref<16xf32, #tpu.memory_space<vmem>>, vector<16xf32>,
      %mul3A_1458 = arith.constant 16 : i32
      %mul3A_1459 = arith.muli %add3A_285, %mul3A_1458 : i32
      %add3A_1460 = arith.constant 11 : i32
      %add3A_1461 = arith.addi %mul3A_1459, %add3A_1460 : i32
      %add3A_1462 = vector.broadcast %add3A_1461 : i32 to vector<16xi32>
      %add3A_1463 = arith.addi %broadcast_in_dim3A_306, %add3A_1462 : vector<16xi32>
      %gather3A_1464 = tpu.vector_load_idx %arg11[%add3A_1463] : memref<10016xi32, #tpu.memory_space<vmem>>[vector<16xi32>], vector<16xi32>,
      %gather3A_1465 = tpu.vector_load_idx %arg12[%add3A_1463] : memref<10016xi32, #tpu.memory_space<vmem>>[vector<16xi32>], vector<16xi32>,
      %gather3A_1466 = tpu.vector_load_idx %arg10[%gather3A_1464] : memref<10240xf32, #tpu.memory_space<vmem>>[vector<16xi32>], vector<16xf32>,
      %gather3A_1467 = tpu.vector_load_idx %arg10[%gather3A_1465] : memref<10240xf32, #tpu.memory_space<vmem>>[vector<16xi32>], vector<16xf32>,
      %bitcast3A_1468 = vector.bitcast %gather3A_1466 : vector<16xf32> to vector<16xi32>
      %shift_right_arithmetic3A_1469 = arith.constant 1 : i32
      %shift_right_arithmetic3A_1470 = vector.broadcast %shift_right_arithmetic3A_1469 : i32 to vector<16xi32>
      %shift_right_arithmetic3A_1471 = arith.shrsi %bitcast3A_1468, %shift_right_arithmetic3A_1470 : vector<16xi32>
      %sub3A_1472 = arith.constant 1597463007 : i32
      %sub3A_1473 = vector.broadcast %sub3A_1472 : i32 to vector<16xi32>
      %sub3A_1474 = arith.subi %sub3A_1473, %shift_right_arithmetic3A_1471 : vector<16xi32>
      %bitcast3A_1475 = vector.bitcast %sub3A_1474 : vector<16xi32> to vector<16xf32>
      %mul3A_1476 = arith.constant 5.000000e-01 : f32
      %mul3A_1477 = vector.broadcast %mul3A_1476 : f32 to vector<16xf32>
      %mul3A_1478 = arith.mulf %mul3A_1477, %gather3A_1466 : vector<16xf32>
      %mul3A_1479 = arith.mulf %mul3A_1478, %bitcast3A_1475 : vector<16xf32>
      %mul3A_1480 = arith.mulf %mul3A_1479, %bitcast3A_1475 : vector<16xf32>
      %sub3A_1481 = arith.constant 1.500000e+00 : f32
      %sub3A_1482 = vector.broadcast %sub3A_1481 : f32 to vector<16xf32>
      %sub3A_1483 = arith.subf %sub3A_1482, %mul3A_1480 : vector<16xf32>
      %mul3A_1484 = arith.mulf %bitcast3A_1475, %sub3A_1483 : vector<16xf32>
      %mul3A_1485 = arith.constant 5.000000e-01 : f32
      %mul3A_1486 = vector.broadcast %mul3A_1485 : f32 to vector<16xf32>
      %mul3A_1487 = arith.mulf %mul3A_1486, %gather3A_1466 : vector<16xf32>
      %mul3A_1488 = arith.mulf %mul3A_1487, %mul3A_1484 : vector<16xf32>
      %mul3A_1489 = arith.mulf %mul3A_1488, %mul3A_1484 : vector<16xf32>
      %sub3A_1490 = arith.constant 1.500000e+00 : f32
      %sub3A_1491 = vector.broadcast %sub3A_1490 : f32 to vector<16xf32>
      %sub3A_1492 = arith.subf %sub3A_1491, %mul3A_1489 : vector<16xf32>
      %mul3A_1493 = arith.mulf %mul3A_1484, %sub3A_1492 : vector<16xf32>
      %mul3A_1494 = arith.constant 5.000000e-01 : f32
      %mul3A_1495 = vector.broadcast %mul3A_1494 : f32 to vector<16xf32>
      %mul3A_1496 = arith.mulf %mul3A_1495, %gather3A_1466 : vector<16xf32>
      %mul3A_1497 = arith.mulf %mul3A_1496, %mul3A_1493 : vector<16xf32>
      %mul3A_1498 = arith.mulf %mul3A_1497, %mul3A_1493 : vector<16xf32>
      %sub3A_1499 = arith.constant 1.500000e+00 : f32
      %sub3A_1500 = vector.broadcast %sub3A_1499 : f32 to vector<16xf32>
      %sub3A_1501 = arith.subf %sub3A_1500, %mul3A_1498 : vector<16xf32>
      %mul3A_1502 = arith.mulf %mul3A_1493, %sub3A_1501 : vector<16xf32>
      %gt3A_1503 = arith.constant 5.000000e-01 : f32
      %gt3A_1504 = vector.broadcast %gt3A_1503 : f32 to vector<16xf32>
      %gt3A_1505 = arith.cmpf ogt, %gather3A_1466, %gt3A_1504 : vector<16xf32>
      %jit3A_1506 = arith.constant 0.000000e+00 : f32
      %broadcast_in_dim3A_1507 = vector.broadcast %jit3A_1506 : f32 to vector<16xf32>
      %select_n3A_1508 = arith.select %gt3A_1505, %mul3A_1502, %broadcast_in_dim3A_1507 : vector<16xi1>, vector<16xf32>
      %bitcast3A_1509 = vector.bitcast %gather3A_1467 : vector<16xf32> to vector<16xi32>
      %shift_right_arithmetic3A_1510 = arith.constant 1 : i32
      %shift_right_arithmetic3A_1511 = vector.broadcast %shift_right_arithmetic3A_1510 : i32 to vector<16xi32>
      %shift_right_arithmetic3A_1512 = arith.shrsi %bitcast3A_1509, %shift_right_arithmetic3A_1511 : vector<16xi32>
      %sub3A_1513 = arith.constant 1597463007 : i32
      %sub3A_1514 = vector.broadcast %sub3A_1513 : i32 to vector<16xi32>
      %sub3A_1515 = arith.subi %sub3A_1514, %shift_right_arithmetic3A_1512 : vector<16xi32>
      %bitcast3A_1516 = vector.bitcast %sub3A_1515 : vector<16xi32> to vector<16xf32>
      %mul3A_1517 = arith.constant 5.000000e-01 : f32
      %mul3A_1518 = vector.broadcast %mul3A_1517 : f32 to vector<16xf32>
      %mul3A_1519 = arith.mulf %mul3A_1518, %gather3A_1467 : vector<16xf32>
      %mul3A_1520 = arith.mulf %mul3A_1519, %bitcast3A_1516 : vector<16xf32>
      %mul3A_1521 = arith.mulf %mul3A_1520, %bitcast3A_1516 : vector<16xf32>
      %sub3A_1522 = arith.constant 1.500000e+00 : f32
      %sub3A_1523 = vector.broadcast %sub3A_1522 : f32 to vector<16xf32>
      %sub3A_1524 = arith.subf %sub3A_1523, %mul3A_1521 : vector<16xf32>
      %mul3A_1525 = arith.mulf %bitcast3A_1516, %sub3A_1524 : vector<16xf32>
      %mul3A_1526 = arith.constant 5.000000e-01 : f32
      %mul3A_1527 = vector.broadcast %mul3A_1526 : f32 to vector<16xf32>
      %mul3A_1528 = arith.mulf %mul3A_1527, %gather3A_1467 : vector<16xf32>
      %mul3A_1529 = arith.mulf %mul3A_1528, %mul3A_1525 : vector<16xf32>
      %mul3A_1530 = arith.mulf %mul3A_1529, %mul3A_1525 : vector<16xf32>
      %sub3A_1531 = arith.constant 1.500000e+00 : f32
      %sub3A_1532 = vector.broadcast %sub3A_1531 : f32 to vector<16xf32>
      %sub3A_1533 = arith.subf %sub3A_1532, %mul3A_1530 : vector<16xf32>
      %mul3A_1534 = arith.mulf %mul3A_1525, %sub3A_1533 : vector<16xf32>
      %mul3A_1535 = arith.constant 5.000000e-01 : f32
      %mul3A_1536 = vector.broadcast %mul3A_1535 : f32 to vector<16xf32>
      %mul3A_1537 = arith.mulf %mul3A_1536, %gather3A_1467 : vector<16xf32>
      %mul3A_1538 = arith.mulf %mul3A_1537, %mul3A_1534 : vector<16xf32>
      %mul3A_1539 = arith.mulf %mul3A_1538, %mul3A_1534 : vector<16xf32>
      %sub3A_1540 = arith.constant 1.500000e+00 : f32
      %sub3A_1541 = vector.broadcast %sub3A_1540 : f32 to vector<16xf32>
      %sub3A_1542 = arith.subf %sub3A_1541, %mul3A_1539 : vector<16xf32>
      %mul3A_1543 = arith.mulf %mul3A_1534, %sub3A_1542 : vector<16xf32>
      %gt3A_1544 = arith.constant 5.000000e-01 : f32
      %gt3A_1545 = vector.broadcast %gt3A_1544 : f32 to vector<16xf32>
      %gt3A_1546 = arith.cmpf ogt, %gather3A_1467, %gt3A_1545 : vector<16xf32>
      %jit3A_1547 = arith.constant 0.000000e+00 : f32
      %broadcast_in_dim3A_1548 = vector.broadcast %jit3A_1547 : f32 to vector<16xf32>
      %select_n3A_1549 = arith.select %gt3A_1546, %mul3A_1543, %broadcast_in_dim3A_1548 : vector<16xi1>, vector<16xf32>
      %mul3A_1550 = arith.mulf %select_n3A_1508, %select_n3A_1549 : vector<16xf32>
      %scan3A_1551 = arith.constant 0 : i32
      %scan3A_1552 = arith.constant 16 : i32
      %scan3A_1553 = arith.addi %scan3A_1551, %scan3A_1552 : i32
      %scan3A_1554 = arith.constant 1 : i32
      %scan3A_1555 = scf.for %scan3A_1983 = %scan3A_1551 to %scan3A_1553 step %scan3A_1554 iter_args(%scan3A_1984 = %broadcast_in_dim3A_1) -> (vector<16xf32>)  : i32 {
        %mul3A_1985 = arith.constant 16 : i32
        %mul3A_1986 = arith.muli %scan3A_1983, %mul3A_1985 : i32
        %get3A_1987 = arith.constant 11 : i32
        %get3A_1988 = arith.index_cast %get3A_1987 : i32 to index
        %get3A_1989 = arith.index_cast %mul3A_1986 : i32 to index
        %get3A_1990 = tpu.vector_load %arg13[%get3A_1988, %get3A_1989] {strides = array<i32>} : memref<16x256xf32, #tpu.memory_space<vmem>>, vector<16xf32>,
        %mul3A_1991 = arith.constant 16 : i32
        %mul3A_1992 = arith.muli %scan3A_1983, %mul3A_1991 : i32
        %get3A_1993 = arith.constant 11 : i32
        %get3A_1994 = arith.index_cast %get3A_1993 : i32 to index
        %get3A_1995 = arith.index_cast %mul3A_1992 : i32 to index
        %get3A_1996 = tpu.vector_load %arg14[%get3A_1994, %get3A_1995] {strides = array<i32>} : memref<16x256xf32, #tpu.memory_space<vmem>>, vector<16xf32>,
        %sub3A_1997 = arith.subf %get3A_1990, %get3A_1996 : vector<16xf32>
        %mul3A_1998 = arith.mulf %sub3A_1997, %sub3A_1997 : vector<16xf32>
        %add3A_1999 = arith.addf %scan3A_1984, %mul3A_1998 : vector<16xf32>
        scf.yield %add3A_1999 : vector<16xf32>
      }
      %scan3A_1556 = arith.constant 16 : i32
      %get3A_1557 = arith.constant 0 : index
      %get3A_1558 = tpu.vector_load %arg17[%get3A_1557] {strides = array<i32>} : memref<16xf32, #tpu.memory_space<vmem>>, vector<16xf32>,
      %mul3A_1559 = arith.mulf %mul3A_1550, %scan3A_1555 : vector<16xf32>
      %add3A_1560 = arith.addf %get3A_1558, %mul3A_1559 : vector<16xf32>
      %swap3A_1561 = arith.constant 0 : index
      %swap3A_1562 = tpu.vector_load %arg17[%swap3A_1561] {strides = array<i32>} : memref<16xf32, #tpu.memory_space<vmem>>, vector<16xf32>,
      tpu.vector_store %arg17[%swap3A_1561], %add3A_1560 {strides = array<i32>} : memref<16xf32, #tpu.memory_space<vmem>>, vector<16xf32>,
      %mul3A_1563 = arith.constant 16 : i32
      %mul3A_1564 = arith.muli %add3A_285, %mul3A_1563 : i32
      %add3A_1565 = arith.constant 12 : i32
      %add3A_1566 = arith.addi %mul3A_1564, %add3A_1565 : i32
      %add3A_1567 = vector.broadcast %add3A_1566 : i32 to vector<16xi32>
      %add3A_1568 = arith.addi %broadcast_in_dim3A_306, %add3A_1567 : vector<16xi32>
      %gather3A_1569 = tpu.vector_load_idx %arg11[%add3A_1568] : memref<10016xi32, #tpu.memory_space<vmem>>[vector<16xi32>], vector<16xi32>,
      %gather3A_1570 = tpu.vector_load_idx %arg12[%add3A_1568] : memref<10016xi32, #tpu.memory_space<vmem>>[vector<16xi32>], vector<16xi32>,
      %gather3A_1571 = tpu.vector_load_idx %arg10[%gather3A_1569] : memref<10240xf32, #tpu.memory_space<vmem>>[vector<16xi32>], vector<16xf32>,
      %gather3A_1572 = tpu.vector_load_idx %arg10[%gather3A_1570] : memref<10240xf32, #tpu.memory_space<vmem>>[vector<16xi32>], vector<16xf32>,
      %bitcast3A_1573 = vector.bitcast %gather3A_1571 : vector<16xf32> to vector<16xi32>
      %shift_right_arithmetic3A_1574 = arith.constant 1 : i32
      %shift_right_arithmetic3A_1575 = vector.broadcast %shift_right_arithmetic3A_1574 : i32 to vector<16xi32>
      %shift_right_arithmetic3A_1576 = arith.shrsi %bitcast3A_1573, %shift_right_arithmetic3A_1575 : vector<16xi32>
      %sub3A_1577 = arith.constant 1597463007 : i32
      %sub3A_1578 = vector.broadcast %sub3A_1577 : i32 to vector<16xi32>
      %sub3A_1579 = arith.subi %sub3A_1578, %shift_right_arithmetic3A_1576 : vector<16xi32>
      %bitcast3A_1580 = vector.bitcast %sub3A_1579 : vector<16xi32> to vector<16xf32>
      %mul3A_1581 = arith.constant 5.000000e-01 : f32
      %mul3A_1582 = vector.broadcast %mul3A_1581 : f32 to vector<16xf32>
      %mul3A_1583 = arith.mulf %mul3A_1582, %gather3A_1571 : vector<16xf32>
      %mul3A_1584 = arith.mulf %mul3A_1583, %bitcast3A_1580 : vector<16xf32>
      %mul3A_1585 = arith.mulf %mul3A_1584, %bitcast3A_1580 : vector<16xf32>
      %sub3A_1586 = arith.constant 1.500000e+00 : f32
      %sub3A_1587 = vector.broadcast %sub3A_1586 : f32 to vector<16xf32>
      %sub3A_1588 = arith.subf %sub3A_1587, %mul3A_1585 : vector<16xf32>
      %mul3A_1589 = arith.mulf %bitcast3A_1580, %sub3A_1588 : vector<16xf32>
      %mul3A_1590 = arith.constant 5.000000e-01 : f32
      %mul3A_1591 = vector.broadcast %mul3A_1590 : f32 to vector<16xf32>
      %mul3A_1592 = arith.mulf %mul3A_1591, %gather3A_1571 : vector<16xf32>
      %mul3A_1593 = arith.mulf %mul3A_1592, %mul3A_1589 : vector<16xf32>
      %mul3A_1594 = arith.mulf %mul3A_1593, %mul3A_1589 : vector<16xf32>
      %sub3A_1595 = arith.constant 1.500000e+00 : f32
      %sub3A_1596 = vector.broadcast %sub3A_1595 : f32 to vector<16xf32>
      %sub3A_1597 = arith.subf %sub3A_1596, %mul3A_1594 : vector<16xf32>
      %mul3A_1598 = arith.mulf %mul3A_1589, %sub3A_1597 : vector<16xf32>
      %mul3A_1599 = arith.constant 5.000000e-01 : f32
      %mul3A_1600 = vector.broadcast %mul3A_1599 : f32 to vector<16xf32>
      %mul3A_1601 = arith.mulf %mul3A_1600, %gather3A_1571 : vector<16xf32>
      %mul3A_1602 = arith.mulf %mul3A_1601, %mul3A_1598 : vector<16xf32>
      %mul3A_1603 = arith.mulf %mul3A_1602, %mul3A_1598 : vector<16xf32>
      %sub3A_1604 = arith.constant 1.500000e+00 : f32
      %sub3A_1605 = vector.broadcast %sub3A_1604 : f32 to vector<16xf32>
      %sub3A_1606 = arith.subf %sub3A_1605, %mul3A_1603 : vector<16xf32>
      %mul3A_1607 = arith.mulf %mul3A_1598, %sub3A_1606 : vector<16xf32>
      %gt3A_1608 = arith.constant 5.000000e-01 : f32
      %gt3A_1609 = vector.broadcast %gt3A_1608 : f32 to vector<16xf32>
      %gt3A_1610 = arith.cmpf ogt, %gather3A_1571, %gt3A_1609 : vector<16xf32>
      %jit3A_1611 = arith.constant 0.000000e+00 : f32
      %broadcast_in_dim3A_1612 = vector.broadcast %jit3A_1611 : f32 to vector<16xf32>
      %select_n3A_1613 = arith.select %gt3A_1610, %mul3A_1607, %broadcast_in_dim3A_1612 : vector<16xi1>, vector<16xf32>
      %bitcast3A_1614 = vector.bitcast %gather3A_1572 : vector<16xf32> to vector<16xi32>
      %shift_right_arithmetic3A_1615 = arith.constant 1 : i32
      %shift_right_arithmetic3A_1616 = vector.broadcast %shift_right_arithmetic3A_1615 : i32 to vector<16xi32>
      %shift_right_arithmetic3A_1617 = arith.shrsi %bitcast3A_1614, %shift_right_arithmetic3A_1616 : vector<16xi32>
      %sub3A_1618 = arith.constant 1597463007 : i32
      %sub3A_1619 = vector.broadcast %sub3A_1618 : i32 to vector<16xi32>
      %sub3A_1620 = arith.subi %sub3A_1619, %shift_right_arithmetic3A_1617 : vector<16xi32>
      %bitcast3A_1621 = vector.bitcast %sub3A_1620 : vector<16xi32> to vector<16xf32>
      %mul3A_1622 = arith.constant 5.000000e-01 : f32
      %mul3A_1623 = vector.broadcast %mul3A_1622 : f32 to vector<16xf32>
      %mul3A_1624 = arith.mulf %mul3A_1623, %gather3A_1572 : vector<16xf32>
      %mul3A_1625 = arith.mulf %mul3A_1624, %bitcast3A_1621 : vector<16xf32>
      %mul3A_1626 = arith.mulf %mul3A_1625, %bitcast3A_1621 : vector<16xf32>
      %sub3A_1627 = arith.constant 1.500000e+00 : f32
      %sub3A_1628 = vector.broadcast %sub3A_1627 : f32 to vector<16xf32>
      %sub3A_1629 = arith.subf %sub3A_1628, %mul3A_1626 : vector<16xf32>
      %mul3A_1630 = arith.mulf %bitcast3A_1621, %sub3A_1629 : vector<16xf32>
      %mul3A_1631 = arith.constant 5.000000e-01 : f32
      %mul3A_1632 = vector.broadcast %mul3A_1631 : f32 to vector<16xf32>
      %mul3A_1633 = arith.mulf %mul3A_1632, %gather3A_1572 : vector<16xf32>
      %mul3A_1634 = arith.mulf %mul3A_1633, %mul3A_1630 : vector<16xf32>
      %mul3A_1635 = arith.mulf %mul3A_1634, %mul3A_1630 : vector<16xf32>
      %sub3A_1636 = arith.constant 1.500000e+00 : f32
      %sub3A_1637 = vector.broadcast %sub3A_1636 : f32 to vector<16xf32>
      %sub3A_1638 = arith.subf %sub3A_1637, %mul3A_1635 : vector<16xf32>
      %mul3A_1639 = arith.mulf %mul3A_1630, %sub3A_1638 : vector<16xf32>
      %mul3A_1640 = arith.constant 5.000000e-01 : f32
      %mul3A_1641 = vector.broadcast %mul3A_1640 : f32 to vector<16xf32>
      %mul3A_1642 = arith.mulf %mul3A_1641, %gather3A_1572 : vector<16xf32>
      %mul3A_1643 = arith.mulf %mul3A_1642, %mul3A_1639 : vector<16xf32>
      %mul3A_1644 = arith.mulf %mul3A_1643, %mul3A_1639 : vector<16xf32>
      %sub3A_1645 = arith.constant 1.500000e+00 : f32
      %sub3A_1646 = vector.broadcast %sub3A_1645 : f32 to vector<16xf32>
      %sub3A_1647 = arith.subf %sub3A_1646, %mul3A_1644 : vector<16xf32>
      %mul3A_1648 = arith.mulf %mul3A_1639, %sub3A_1647 : vector<16xf32>
      %gt3A_1649 = arith.constant 5.000000e-01 : f32
      %gt3A_1650 = vector.broadcast %gt3A_1649 : f32 to vector<16xf32>
      %gt3A_1651 = arith.cmpf ogt, %gather3A_1572, %gt3A_1650 : vector<16xf32>
      %jit3A_1652 = arith.constant 0.000000e+00 : f32
      %broadcast_in_dim3A_1653 = vector.broadcast %jit3A_1652 : f32 to vector<16xf32>
      %select_n3A_1654 = arith.select %gt3A_1651, %mul3A_1648, %broadcast_in_dim3A_1653 : vector<16xi1>, vector<16xf32>
      %mul3A_1655 = arith.mulf %select_n3A_1613, %select_n3A_1654 : vector<16xf32>
      %scan3A_1656 = arith.constant 0 : i32
      %scan3A_1657 = arith.constant 16 : i32
      %scan3A_1658 = arith.addi %scan3A_1656, %scan3A_1657 : i32
      %scan3A_1659 = arith.constant 1 : i32
      %scan3A_1660 = scf.for %scan3A_1983 = %scan3A_1656 to %scan3A_1658 step %scan3A_1659 iter_args(%scan3A_1984 = %broadcast_in_dim3A_1) -> (vector<16xf32>)  : i32 {
        %mul3A_1985 = arith.constant 16 : i32
        %mul3A_1986 = arith.muli %scan3A_1983, %mul3A_1985 : i32
        %get3A_1987 = arith.constant 12 : i32
        %get3A_1988 = arith.index_cast %get3A_1987 : i32 to index
        %get3A_1989 = arith.index_cast %mul3A_1986 : i32 to index
        %get3A_1990 = tpu.vector_load %arg13[%get3A_1988, %get3A_1989] {strides = array<i32>} : memref<16x256xf32, #tpu.memory_space<vmem>>, vector<16xf32>,
        %mul3A_1991 = arith.constant 16 : i32
        %mul3A_1992 = arith.muli %scan3A_1983, %mul3A_1991 : i32
        %get3A_1993 = arith.constant 12 : i32
        %get3A_1994 = arith.index_cast %get3A_1993 : i32 to index
        %get3A_1995 = arith.index_cast %mul3A_1992 : i32 to index
        %get3A_1996 = tpu.vector_load %arg14[%get3A_1994, %get3A_1995] {strides = array<i32>} : memref<16x256xf32, #tpu.memory_space<vmem>>, vector<16xf32>,
        %sub3A_1997 = arith.subf %get3A_1990, %get3A_1996 : vector<16xf32>
        %mul3A_1998 = arith.mulf %sub3A_1997, %sub3A_1997 : vector<16xf32>
        %add3A_1999 = arith.addf %scan3A_1984, %mul3A_1998 : vector<16xf32>
        scf.yield %add3A_1999 : vector<16xf32>
      }
      %scan3A_1661 = arith.constant 16 : i32
      %get3A_1662 = arith.constant 0 : index
      %get3A_1663 = tpu.vector_load %arg17[%get3A_1662] {strides = array<i32>} : memref<16xf32, #tpu.memory_space<vmem>>, vector<16xf32>,
      %mul3A_1664 = arith.mulf %mul3A_1655, %scan3A_1660 : vector<16xf32>
      %add3A_1665 = arith.addf %get3A_1663, %mul3A_1664 : vector<16xf32>
      %swap3A_1666 = arith.constant 0 : index
      %swap3A_1667 = tpu.vector_load %arg17[%swap3A_1666] {strides = array<i32>} : memref<16xf32, #tpu.memory_space<vmem>>, vector<16xf32>,
      tpu.vector_store %arg17[%swap3A_1666], %add3A_1665 {strides = array<i32>} : memref<16xf32, #tpu.memory_space<vmem>>, vector<16xf32>,
      %mul3A_1668 = arith.constant 16 : i32
      %mul3A_1669 = arith.muli %add3A_285, %mul3A_1668 : i32
      %add3A_1670 = arith.constant 13 : i32
      %add3A_1671 = arith.addi %mul3A_1669, %add3A_1670 : i32
      %add3A_1672 = vector.broadcast %add3A_1671 : i32 to vector<16xi32>
      %add3A_1673 = arith.addi %broadcast_in_dim3A_306, %add3A_1672 : vector<16xi32>
      %gather3A_1674 = tpu.vector_load_idx %arg11[%add3A_1673] : memref<10016xi32, #tpu.memory_space<vmem>>[vector<16xi32>], vector<16xi32>,
      %gather3A_1675 = tpu.vector_load_idx %arg12[%add3A_1673] : memref<10016xi32, #tpu.memory_space<vmem>>[vector<16xi32>], vector<16xi32>,
      %gather3A_1676 = tpu.vector_load_idx %arg10[%gather3A_1674] : memref<10240xf32, #tpu.memory_space<vmem>>[vector<16xi32>], vector<16xf32>,
      %gather3A_1677 = tpu.vector_load_idx %arg10[%gather3A_1675] : memref<10240xf32, #tpu.memory_space<vmem>>[vector<16xi32>], vector<16xf32>,
      %bitcast3A_1678 = vector.bitcast %gather3A_1676 : vector<16xf32> to vector<16xi32>
      %shift_right_arithmetic3A_1679 = arith.constant 1 : i32
      %shift_right_arithmetic3A_1680 = vector.broadcast %shift_right_arithmetic3A_1679 : i32 to vector<16xi32>
      %shift_right_arithmetic3A_1681 = arith.shrsi %bitcast3A_1678, %shift_right_arithmetic3A_1680 : vector<16xi32>
      %sub3A_1682 = arith.constant 1597463007 : i32
      %sub3A_1683 = vector.broadcast %sub3A_1682 : i32 to vector<16xi32>
      %sub3A_1684 = arith.subi %sub3A_1683, %shift_right_arithmetic3A_1681 : vector<16xi32>
      %bitcast3A_1685 = vector.bitcast %sub3A_1684 : vector<16xi32> to vector<16xf32>
      %mul3A_1686 = arith.constant 5.000000e-01 : f32
      %mul3A_1687 = vector.broadcast %mul3A_1686 : f32 to vector<16xf32>
      %mul3A_1688 = arith.mulf %mul3A_1687, %gather3A_1676 : vector<16xf32>
      %mul3A_1689 = arith.mulf %mul3A_1688, %bitcast3A_1685 : vector<16xf32>
      %mul3A_1690 = arith.mulf %mul3A_1689, %bitcast3A_1685 : vector<16xf32>
      %sub3A_1691 = arith.constant 1.500000e+00 : f32
      %sub3A_1692 = vector.broadcast %sub3A_1691 : f32 to vector<16xf32>
      %sub3A_1693 = arith.subf %sub3A_1692, %mul3A_1690 : vector<16xf32>
      %mul3A_1694 = arith.mulf %bitcast3A_1685, %sub3A_1693 : vector<16xf32>
      %mul3A_1695 = arith.constant 5.000000e-01 : f32
      %mul3A_1696 = vector.broadcast %mul3A_1695 : f32 to vector<16xf32>
      %mul3A_1697 = arith.mulf %mul3A_1696, %gather3A_1676 : vector<16xf32>
      %mul3A_1698 = arith.mulf %mul3A_1697, %mul3A_1694 : vector<16xf32>
      %mul3A_1699 = arith.mulf %mul3A_1698, %mul3A_1694 : vector<16xf32>
      %sub3A_1700 = arith.constant 1.500000e+00 : f32
      %sub3A_1701 = vector.broadcast %sub3A_1700 : f32 to vector<16xf32>
      %sub3A_1702 = arith.subf %sub3A_1701, %mul3A_1699 : vector<16xf32>
      %mul3A_1703 = arith.mulf %mul3A_1694, %sub3A_1702 : vector<16xf32>
      %mul3A_1704 = arith.constant 5.000000e-01 : f32
      %mul3A_1705 = vector.broadcast %mul3A_1704 : f32 to vector<16xf32>
      %mul3A_1706 = arith.mulf %mul3A_1705, %gather3A_1676 : vector<16xf32>
      %mul3A_1707 = arith.mulf %mul3A_1706, %mul3A_1703 : vector<16xf32>
      %mul3A_1708 = arith.mulf %mul3A_1707, %mul3A_1703 : vector<16xf32>
      %sub3A_1709 = arith.constant 1.500000e+00 : f32
      %sub3A_1710 = vector.broadcast %sub3A_1709 : f32 to vector<16xf32>
      %sub3A_1711 = arith.subf %sub3A_1710, %mul3A_1708 : vector<16xf32>
      %mul3A_1712 = arith.mulf %mul3A_1703, %sub3A_1711 : vector<16xf32>
      %gt3A_1713 = arith.constant 5.000000e-01 : f32
      %gt3A_1714 = vector.broadcast %gt3A_1713 : f32 to vector<16xf32>
      %gt3A_1715 = arith.cmpf ogt, %gather3A_1676, %gt3A_1714 : vector<16xf32>
      %jit3A_1716 = arith.constant 0.000000e+00 : f32
      %broadcast_in_dim3A_1717 = vector.broadcast %jit3A_1716 : f32 to vector<16xf32>
      %select_n3A_1718 = arith.select %gt3A_1715, %mul3A_1712, %broadcast_in_dim3A_1717 : vector<16xi1>, vector<16xf32>
      %bitcast3A_1719 = vector.bitcast %gather3A_1677 : vector<16xf32> to vector<16xi32>
      %shift_right_arithmetic3A_1720 = arith.constant 1 : i32
      %shift_right_arithmetic3A_1721 = vector.broadcast %shift_right_arithmetic3A_1720 : i32 to vector<16xi32>
      %shift_right_arithmetic3A_1722 = arith.shrsi %bitcast3A_1719, %shift_right_arithmetic3A_1721 : vector<16xi32>
      %sub3A_1723 = arith.constant 1597463007 : i32
      %sub3A_1724 = vector.broadcast %sub3A_1723 : i32 to vector<16xi32>
      %sub3A_1725 = arith.subi %sub3A_1724, %shift_right_arithmetic3A_1722 : vector<16xi32>
      %bitcast3A_1726 = vector.bitcast %sub3A_1725 : vector<16xi32> to vector<16xf32>
      %mul3A_1727 = arith.constant 5.000000e-01 : f32
      %mul3A_1728 = vector.broadcast %mul3A_1727 : f32 to vector<16xf32>
      %mul3A_1729 = arith.mulf %mul3A_1728, %gather3A_1677 : vector<16xf32>
      %mul3A_1730 = arith.mulf %mul3A_1729, %bitcast3A_1726 : vector<16xf32>
      %mul3A_1731 = arith.mulf %mul3A_1730, %bitcast3A_1726 : vector<16xf32>
      %sub3A_1732 = arith.constant 1.500000e+00 : f32
      %sub3A_1733 = vector.broadcast %sub3A_1732 : f32 to vector<16xf32>
      %sub3A_1734 = arith.subf %sub3A_1733, %mul3A_1731 : vector<16xf32>
      %mul3A_1735 = arith.mulf %bitcast3A_1726, %sub3A_1734 : vector<16xf32>
      %mul3A_1736 = arith.constant 5.000000e-01 : f32
      %mul3A_1737 = vector.broadcast %mul3A_1736 : f32 to vector<16xf32>
      %mul3A_1738 = arith.mulf %mul3A_1737, %gather3A_1677 : vector<16xf32>
      %mul3A_1739 = arith.mulf %mul3A_1738, %mul3A_1735 : vector<16xf32>
      %mul3A_1740 = arith.mulf %mul3A_1739, %mul3A_1735 : vector<16xf32>
      %sub3A_1741 = arith.constant 1.500000e+00 : f32
      %sub3A_1742 = vector.broadcast %sub3A_1741 : f32 to vector<16xf32>
      %sub3A_1743 = arith.subf %sub3A_1742, %mul3A_1740 : vector<16xf32>
      %mul3A_1744 = arith.mulf %mul3A_1735, %sub3A_1743 : vector<16xf32>
      %mul3A_1745 = arith.constant 5.000000e-01 : f32
      %mul3A_1746 = vector.broadcast %mul3A_1745 : f32 to vector<16xf32>
      %mul3A_1747 = arith.mulf %mul3A_1746, %gather3A_1677 : vector<16xf32>
      %mul3A_1748 = arith.mulf %mul3A_1747, %mul3A_1744 : vector<16xf32>
      %mul3A_1749 = arith.mulf %mul3A_1748, %mul3A_1744 : vector<16xf32>
      %sub3A_1750 = arith.constant 1.500000e+00 : f32
      %sub3A_1751 = vector.broadcast %sub3A_1750 : f32 to vector<16xf32>
      %sub3A_1752 = arith.subf %sub3A_1751, %mul3A_1749 : vector<16xf32>
      %mul3A_1753 = arith.mulf %mul3A_1744, %sub3A_1752 : vector<16xf32>
      %gt3A_1754 = arith.constant 5.000000e-01 : f32
      %gt3A_1755 = vector.broadcast %gt3A_1754 : f32 to vector<16xf32>
      %gt3A_1756 = arith.cmpf ogt, %gather3A_1677, %gt3A_1755 : vector<16xf32>
      %jit3A_1757 = arith.constant 0.000000e+00 : f32
      %broadcast_in_dim3A_1758 = vector.broadcast %jit3A_1757 : f32 to vector<16xf32>
      %select_n3A_1759 = arith.select %gt3A_1756, %mul3A_1753, %broadcast_in_dim3A_1758 : vector<16xi1>, vector<16xf32>
      %mul3A_1760 = arith.mulf %select_n3A_1718, %select_n3A_1759 : vector<16xf32>
      %scan3A_1761 = arith.constant 0 : i32
      %scan3A_1762 = arith.constant 16 : i32
      %scan3A_1763 = arith.addi %scan3A_1761, %scan3A_1762 : i32
      %scan3A_1764 = arith.constant 1 : i32
      %scan3A_1765 = scf.for %scan3A_1983 = %scan3A_1761 to %scan3A_1763 step %scan3A_1764 iter_args(%scan3A_1984 = %broadcast_in_dim3A_1) -> (vector<16xf32>)  : i32 {
        %mul3A_1985 = arith.constant 16 : i32
        %mul3A_1986 = arith.muli %scan3A_1983, %mul3A_1985 : i32
        %get3A_1987 = arith.constant 13 : i32
        %get3A_1988 = arith.index_cast %get3A_1987 : i32 to index
        %get3A_1989 = arith.index_cast %mul3A_1986 : i32 to index
        %get3A_1990 = tpu.vector_load %arg13[%get3A_1988, %get3A_1989] {strides = array<i32>} : memref<16x256xf32, #tpu.memory_space<vmem>>, vector<16xf32>,
        %mul3A_1991 = arith.constant 16 : i32
        %mul3A_1992 = arith.muli %scan3A_1983, %mul3A_1991 : i32
        %get3A_1993 = arith.constant 13 : i32
        %get3A_1994 = arith.index_cast %get3A_1993 : i32 to index
        %get3A_1995 = arith.index_cast %mul3A_1992 : i32 to index
        %get3A_1996 = tpu.vector_load %arg14[%get3A_1994, %get3A_1995] {strides = array<i32>} : memref<16x256xf32, #tpu.memory_space<vmem>>, vector<16xf32>,
        %sub3A_1997 = arith.subf %get3A_1990, %get3A_1996 : vector<16xf32>
        %mul3A_1998 = arith.mulf %sub3A_1997, %sub3A_1997 : vector<16xf32>
        %add3A_1999 = arith.addf %scan3A_1984, %mul3A_1998 : vector<16xf32>
        scf.yield %add3A_1999 : vector<16xf32>
      }
      %scan3A_1766 = arith.constant 16 : i32
      %get3A_1767 = arith.constant 0 : index
      %get3A_1768 = tpu.vector_load %arg17[%get3A_1767] {strides = array<i32>} : memref<16xf32, #tpu.memory_space<vmem>>, vector<16xf32>,
      %mul3A_1769 = arith.mulf %mul3A_1760, %scan3A_1765 : vector<16xf32>
      %add3A_1770 = arith.addf %get3A_1768, %mul3A_1769 : vector<16xf32>
      %swap3A_1771 = arith.constant 0 : index
      %swap3A_1772 = tpu.vector_load %arg17[%swap3A_1771] {strides = array<i32>} : memref<16xf32, #tpu.memory_space<vmem>>, vector<16xf32>,
      tpu.vector_store %arg17[%swap3A_1771], %add3A_1770 {strides = array<i32>} : memref<16xf32, #tpu.memory_space<vmem>>, vector<16xf32>,
      %mul3A_1773 = arith.constant 16 : i32
      %mul3A_1774 = arith.muli %add3A_285, %mul3A_1773 : i32
      %add3A_1775 = arith.constant 14 : i32
      %add3A_1776 = arith.addi %mul3A_1774, %add3A_1775 : i32
      %add3A_1777 = vector.broadcast %add3A_1776 : i32 to vector<16xi32>
      %add3A_1778 = arith.addi %broadcast_in_dim3A_306, %add3A_1777 : vector<16xi32>
      %gather3A_1779 = tpu.vector_load_idx %arg11[%add3A_1778] : memref<10016xi32, #tpu.memory_space<vmem>>[vector<16xi32>], vector<16xi32>,
      %gather3A_1780 = tpu.vector_load_idx %arg12[%add3A_1778] : memref<10016xi32, #tpu.memory_space<vmem>>[vector<16xi32>], vector<16xi32>,
      %gather3A_1781 = tpu.vector_load_idx %arg10[%gather3A_1779] : memref<10240xf32, #tpu.memory_space<vmem>>[vector<16xi32>], vector<16xf32>,
      %gather3A_1782 = tpu.vector_load_idx %arg10[%gather3A_1780] : memref<10240xf32, #tpu.memory_space<vmem>>[vector<16xi32>], vector<16xf32>,
      %bitcast3A_1783 = vector.bitcast %gather3A_1781 : vector<16xf32> to vector<16xi32>
      %shift_right_arithmetic3A_1784 = arith.constant 1 : i32
      %shift_right_arithmetic3A_1785 = vector.broadcast %shift_right_arithmetic3A_1784 : i32 to vector<16xi32>
      %shift_right_arithmetic3A_1786 = arith.shrsi %bitcast3A_1783, %shift_right_arithmetic3A_1785 : vector<16xi32>
      %sub3A_1787 = arith.constant 1597463007 : i32
      %sub3A_1788 = vector.broadcast %sub3A_1787 : i32 to vector<16xi32>
      %sub3A_1789 = arith.subi %sub3A_1788, %shift_right_arithmetic3A_1786 : vector<16xi32>
      %bitcast3A_1790 = vector.bitcast %sub3A_1789 : vector<16xi32> to vector<16xf32>
      %mul3A_1791 = arith.constant 5.000000e-01 : f32
      %mul3A_1792 = vector.broadcast %mul3A_1791 : f32 to vector<16xf32>
      %mul3A_1793 = arith.mulf %mul3A_1792, %gather3A_1781 : vector<16xf32>
      %mul3A_1794 = arith.mulf %mul3A_1793, %bitcast3A_1790 : vector<16xf32>
      %mul3A_1795 = arith.mulf %mul3A_1794, %bitcast3A_1790 : vector<16xf32>
      %sub3A_1796 = arith.constant 1.500000e+00 : f32
      %sub3A_1797 = vector.broadcast %sub3A_1796 : f32 to vector<16xf32>
      %sub3A_1798 = arith.subf %sub3A_1797, %mul3A_1795 : vector<16xf32>
      %mul3A_1799 = arith.mulf %bitcast3A_1790, %sub3A_1798 : vector<16xf32>
      %mul3A_1800 = arith.constant 5.000000e-01 : f32
      %mul3A_1801 = vector.broadcast %mul3A_1800 : f32 to vector<16xf32>
      %mul3A_1802 = arith.mulf %mul3A_1801, %gather3A_1781 : vector<16xf32>
      %mul3A_1803 = arith.mulf %mul3A_1802, %mul3A_1799 : vector<16xf32>
      %mul3A_1804 = arith.mulf %mul3A_1803, %mul3A_1799 : vector<16xf32>
      %sub3A_1805 = arith.constant 1.500000e+00 : f32
      %sub3A_1806 = vector.broadcast %sub3A_1805 : f32 to vector<16xf32>
      %sub3A_1807 = arith.subf %sub3A_1806, %mul3A_1804 : vector<16xf32>
      %mul3A_1808 = arith.mulf %mul3A_1799, %sub3A_1807 : vector<16xf32>
      %mul3A_1809 = arith.constant 5.000000e-01 : f32
      %mul3A_1810 = vector.broadcast %mul3A_1809 : f32 to vector<16xf32>
      %mul3A_1811 = arith.mulf %mul3A_1810, %gather3A_1781 : vector<16xf32>
      %mul3A_1812 = arith.mulf %mul3A_1811, %mul3A_1808 : vector<16xf32>
      %mul3A_1813 = arith.mulf %mul3A_1812, %mul3A_1808 : vector<16xf32>
      %sub3A_1814 = arith.constant 1.500000e+00 : f32
      %sub3A_1815 = vector.broadcast %sub3A_1814 : f32 to vector<16xf32>
      %sub3A_1816 = arith.subf %sub3A_1815, %mul3A_1813 : vector<16xf32>
      %mul3A_1817 = arith.mulf %mul3A_1808, %sub3A_1816 : vector<16xf32>
      %gt3A_1818 = arith.constant 5.000000e-01 : f32
      %gt3A_1819 = vector.broadcast %gt3A_1818 : f32 to vector<16xf32>
      %gt3A_1820 = arith.cmpf ogt, %gather3A_1781, %gt3A_1819 : vector<16xf32>
      %jit3A_1821 = arith.constant 0.000000e+00 : f32
      %broadcast_in_dim3A_1822 = vector.broadcast %jit3A_1821 : f32 to vector<16xf32>
      %select_n3A_1823 = arith.select %gt3A_1820, %mul3A_1817, %broadcast_in_dim3A_1822 : vector<16xi1>, vector<16xf32>
      %bitcast3A_1824 = vector.bitcast %gather3A_1782 : vector<16xf32> to vector<16xi32>
      %shift_right_arithmetic3A_1825 = arith.constant 1 : i32
      %shift_right_arithmetic3A_1826 = vector.broadcast %shift_right_arithmetic3A_1825 : i32 to vector<16xi32>
      %shift_right_arithmetic3A_1827 = arith.shrsi %bitcast3A_1824, %shift_right_arithmetic3A_1826 : vector<16xi32>
      %sub3A_1828 = arith.constant 1597463007 : i32
      %sub3A_1829 = vector.broadcast %sub3A_1828 : i32 to vector<16xi32>
      %sub3A_1830 = arith.subi %sub3A_1829, %shift_right_arithmetic3A_1827 : vector<16xi32>
      %bitcast3A_1831 = vector.bitcast %sub3A_1830 : vector<16xi32> to vector<16xf32>
      %mul3A_1832 = arith.constant 5.000000e-01 : f32
      %mul3A_1833 = vector.broadcast %mul3A_1832 : f32 to vector<16xf32>
      %mul3A_1834 = arith.mulf %mul3A_1833, %gather3A_1782 : vector<16xf32>
      %mul3A_1835 = arith.mulf %mul3A_1834, %bitcast3A_1831 : vector<16xf32>
      %mul3A_1836 = arith.mulf %mul3A_1835, %bitcast3A_1831 : vector<16xf32>
      %sub3A_1837 = arith.constant 1.500000e+00 : f32
      %sub3A_1838 = vector.broadcast %sub3A_1837 : f32 to vector<16xf32>
      %sub3A_1839 = arith.subf %sub3A_1838, %mul3A_1836 : vector<16xf32>
      %mul3A_1840 = arith.mulf %bitcast3A_1831, %sub3A_1839 : vector<16xf32>
      %mul3A_1841 = arith.constant 5.000000e-01 : f32
      %mul3A_1842 = vector.broadcast %mul3A_1841 : f32 to vector<16xf32>
      %mul3A_1843 = arith.mulf %mul3A_1842, %gather3A_1782 : vector<16xf32>
      %mul3A_1844 = arith.mulf %mul3A_1843, %mul3A_1840 : vector<16xf32>
      %mul3A_1845 = arith.mulf %mul3A_1844, %mul3A_1840 : vector<16xf32>
      %sub3A_1846 = arith.constant 1.500000e+00 : f32
      %sub3A_1847 = vector.broadcast %sub3A_1846 : f32 to vector<16xf32>
      %sub3A_1848 = arith.subf %sub3A_1847, %mul3A_1845 : vector<16xf32>
      %mul3A_1849 = arith.mulf %mul3A_1840, %sub3A_1848 : vector<16xf32>
      %mul3A_1850 = arith.constant 5.000000e-01 : f32
      %mul3A_1851 = vector.broadcast %mul3A_1850 : f32 to vector<16xf32>
      %mul3A_1852 = arith.mulf %mul3A_1851, %gather3A_1782 : vector<16xf32>
      %mul3A_1853 = arith.mulf %mul3A_1852, %mul3A_1849 : vector<16xf32>
      %mul3A_1854 = arith.mulf %mul3A_1853, %mul3A_1849 : vector<16xf32>
      %sub3A_1855 = arith.constant 1.500000e+00 : f32
      %sub3A_1856 = vector.broadcast %sub3A_1855 : f32 to vector<16xf32>
      %sub3A_1857 = arith.subf %sub3A_1856, %mul3A_1854 : vector<16xf32>
      %mul3A_1858 = arith.mulf %mul3A_1849, %sub3A_1857 : vector<16xf32>
      %gt3A_1859 = arith.constant 5.000000e-01 : f32
      %gt3A_1860 = vector.broadcast %gt3A_1859 : f32 to vector<16xf32>
      %gt3A_1861 = arith.cmpf ogt, %gather3A_1782, %gt3A_1860 : vector<16xf32>
      %jit3A_1862 = arith.constant 0.000000e+00 : f32
      %broadcast_in_dim3A_1863 = vector.broadcast %jit3A_1862 : f32 to vector<16xf32>
      %select_n3A_1864 = arith.select %gt3A_1861, %mul3A_1858, %broadcast_in_dim3A_1863 : vector<16xi1>, vector<16xf32>
      %mul3A_1865 = arith.mulf %select_n3A_1823, %select_n3A_1864 : vector<16xf32>
      %scan3A_1866 = arith.constant 0 : i32
      %scan3A_1867 = arith.constant 16 : i32
      %scan3A_1868 = arith.addi %scan3A_1866, %scan3A_1867 : i32
      %scan3A_1869 = arith.constant 1 : i32
      %scan3A_1870 = scf.for %scan3A_1983 = %scan3A_1866 to %scan3A_1868 step %scan3A_1869 iter_args(%scan3A_1984 = %broadcast_in_dim3A_1) -> (vector<16xf32>)  : i32 {
        %mul3A_1985 = arith.constant 16 : i32
        %mul3A_1986 = arith.muli %scan3A_1983, %mul3A_1985 : i32
        %get3A_1987 = arith.constant 14 : i32
        %get3A_1988 = arith.index_cast %get3A_1987 : i32 to index
        %get3A_1989 = arith.index_cast %mul3A_1986 : i32 to index
        %get3A_1990 = tpu.vector_load %arg13[%get3A_1988, %get3A_1989] {strides = array<i32>} : memref<16x256xf32, #tpu.memory_space<vmem>>, vector<16xf32>,
        %mul3A_1991 = arith.constant 16 : i32
        %mul3A_1992 = arith.muli %scan3A_1983, %mul3A_1991 : i32
        %get3A_1993 = arith.constant 14 : i32
        %get3A_1994 = arith.index_cast %get3A_1993 : i32 to index
        %get3A_1995 = arith.index_cast %mul3A_1992 : i32 to index
        %get3A_1996 = tpu.vector_load %arg14[%get3A_1994, %get3A_1995] {strides = array<i32>} : memref<16x256xf32, #tpu.memory_space<vmem>>, vector<16xf32>,
        %sub3A_1997 = arith.subf %get3A_1990, %get3A_1996 : vector<16xf32>
        %mul3A_1998 = arith.mulf %sub3A_1997, %sub3A_1997 : vector<16xf32>
        %add3A_1999 = arith.addf %scan3A_1984, %mul3A_1998 : vector<16xf32>
        scf.yield %add3A_1999 : vector<16xf32>
      }
      %scan3A_1871 = arith.constant 16 : i32
      %get3A_1872 = arith.constant 0 : index
      %get3A_1873 = tpu.vector_load %arg17[%get3A_1872] {strides = array<i32>} : memref<16xf32, #tpu.memory_space<vmem>>, vector<16xf32>,
      %mul3A_1874 = arith.mulf %mul3A_1865, %scan3A_1870 : vector<16xf32>
      %add3A_1875 = arith.addf %get3A_1873, %mul3A_1874 : vector<16xf32>
      %swap3A_1876 = arith.constant 0 : index
      %swap3A_1877 = tpu.vector_load %arg17[%swap3A_1876] {strides = array<i32>} : memref<16xf32, #tpu.memory_space<vmem>>, vector<16xf32>,
      tpu.vector_store %arg17[%swap3A_1876], %add3A_1875 {strides = array<i32>} : memref<16xf32, #tpu.memory_space<vmem>>, vector<16xf32>,
      %mul3A_1878 = arith.constant 16 : i32
      %mul3A_1879 = arith.muli %add3A_285, %mul3A_1878 : i32
      %add3A_1880 = arith.constant 15 : i32
      %add3A_1881 = arith.addi %mul3A_1879, %add3A_1880 : i32
      %add3A_1882 = vector.broadcast %add3A_1881 : i32 to vector<16xi32>
      %add3A_1883 = arith.addi %broadcast_in_dim3A_306, %add3A_1882 : vector<16xi32>
      %gather3A_1884 = tpu.vector_load_idx %arg11[%add3A_1883] : memref<10016xi32, #tpu.memory_space<vmem>>[vector<16xi32>], vector<16xi32>,
      %gather3A_1885 = tpu.vector_load_idx %arg12[%add3A_1883] : memref<10016xi32, #tpu.memory_space<vmem>>[vector<16xi32>], vector<16xi32>,
      %gather3A_1886 = tpu.vector_load_idx %arg10[%gather3A_1884] : memref<10240xf32, #tpu.memory_space<vmem>>[vector<16xi32>], vector<16xf32>,
      %gather3A_1887 = tpu.vector_load_idx %arg10[%gather3A_1885] : memref<10240xf32, #tpu.memory_space<vmem>>[vector<16xi32>], vector<16xf32>,
      %bitcast3A_1888 = vector.bitcast %gather3A_1886 : vector<16xf32> to vector<16xi32>
      %shift_right_arithmetic3A_1889 = arith.constant 1 : i32
      %shift_right_arithmetic3A_1890 = vector.broadcast %shift_right_arithmetic3A_1889 : i32 to vector<16xi32>
      %shift_right_arithmetic3A_1891 = arith.shrsi %bitcast3A_1888, %shift_right_arithmetic3A_1890 : vector<16xi32>
      %sub3A_1892 = arith.constant 1597463007 : i32
      %sub3A_1893 = vector.broadcast %sub3A_1892 : i32 to vector<16xi32>
      %sub3A_1894 = arith.subi %sub3A_1893, %shift_right_arithmetic3A_1891 : vector<16xi32>
      %bitcast3A_1895 = vector.bitcast %sub3A_1894 : vector<16xi32> to vector<16xf32>
      %mul3A_1896 = arith.constant 5.000000e-01 : f32
      %mul3A_1897 = vector.broadcast %mul3A_1896 : f32 to vector<16xf32>
      %mul3A_1898 = arith.mulf %mul3A_1897, %gather3A_1886 : vector<16xf32>
      %mul3A_1899 = arith.mulf %mul3A_1898, %bitcast3A_1895 : vector<16xf32>
      %mul3A_1900 = arith.mulf %mul3A_1899, %bitcast3A_1895 : vector<16xf32>
      %sub3A_1901 = arith.constant 1.500000e+00 : f32
      %sub3A_1902 = vector.broadcast %sub3A_1901 : f32 to vector<16xf32>
      %sub3A_1903 = arith.subf %sub3A_1902, %mul3A_1900 : vector<16xf32>
      %mul3A_1904 = arith.mulf %bitcast3A_1895, %sub3A_1903 : vector<16xf32>
      %mul3A_1905 = arith.constant 5.000000e-01 : f32
      %mul3A_1906 = vector.broadcast %mul3A_1905 : f32 to vector<16xf32>
      %mul3A_1907 = arith.mulf %mul3A_1906, %gather3A_1886 : vector<16xf32>
      %mul3A_1908 = arith.mulf %mul3A_1907, %mul3A_1904 : vector<16xf32>
      %mul3A_1909 = arith.mulf %mul3A_1908, %mul3A_1904 : vector<16xf32>
      %sub3A_1910 = arith.constant 1.500000e+00 : f32
      %sub3A_1911 = vector.broadcast %sub3A_1910 : f32 to vector<16xf32>
      %sub3A_1912 = arith.subf %sub3A_1911, %mul3A_1909 : vector<16xf32>
      %mul3A_1913 = arith.mulf %mul3A_1904, %sub3A_1912 : vector<16xf32>
      %mul3A_1914 = arith.constant 5.000000e-01 : f32
      %mul3A_1915 = vector.broadcast %mul3A_1914 : f32 to vector<16xf32>
      %mul3A_1916 = arith.mulf %mul3A_1915, %gather3A_1886 : vector<16xf32>
      %mul3A_1917 = arith.mulf %mul3A_1916, %mul3A_1913 : vector<16xf32>
      %mul3A_1918 = arith.mulf %mul3A_1917, %mul3A_1913 : vector<16xf32>
      %sub3A_1919 = arith.constant 1.500000e+00 : f32
      %sub3A_1920 = vector.broadcast %sub3A_1919 : f32 to vector<16xf32>
      %sub3A_1921 = arith.subf %sub3A_1920, %mul3A_1918 : vector<16xf32>
      %mul3A_1922 = arith.mulf %mul3A_1913, %sub3A_1921 : vector<16xf32>
      %gt3A_1923 = arith.constant 5.000000e-01 : f32
      %gt3A_1924 = vector.broadcast %gt3A_1923 : f32 to vector<16xf32>
      %gt3A_1925 = arith.cmpf ogt, %gather3A_1886, %gt3A_1924 : vector<16xf32>
      %jit3A_1926 = arith.constant 0.000000e+00 : f32
      %broadcast_in_dim3A_1927 = vector.broadcast %jit3A_1926 : f32 to vector<16xf32>
      %select_n3A_1928 = arith.select %gt3A_1925, %mul3A_1922, %broadcast_in_dim3A_1927 : vector<16xi1>, vector<16xf32>
      %bitcast3A_1929 = vector.bitcast %gather3A_1887 : vector<16xf32> to vector<16xi32>
      %shift_right_arithmetic3A_1930 = arith.constant 1 : i32
      %shift_right_arithmetic3A_1931 = vector.broadcast %shift_right_arithmetic3A_1930 : i32 to vector<16xi32>
      %shift_right_arithmetic3A_1932 = arith.shrsi %bitcast3A_1929, %shift_right_arithmetic3A_1931 : vector<16xi32>
      %sub3A_1933 = arith.constant 1597463007 : i32
      %sub3A_1934 = vector.broadcast %sub3A_1933 : i32 to vector<16xi32>
      %sub3A_1935 = arith.subi %sub3A_1934, %shift_right_arithmetic3A_1932 : vector<16xi32>
      %bitcast3A_1936 = vector.bitcast %sub3A_1935 : vector<16xi32> to vector<16xf32>
      %mul3A_1937 = arith.constant 5.000000e-01 : f32
      %mul3A_1938 = vector.broadcast %mul3A_1937 : f32 to vector<16xf32>
      %mul3A_1939 = arith.mulf %mul3A_1938, %gather3A_1887 : vector<16xf32>
      %mul3A_1940 = arith.mulf %mul3A_1939, %bitcast3A_1936 : vector<16xf32>
      %mul3A_1941 = arith.mulf %mul3A_1940, %bitcast3A_1936 : vector<16xf32>
      %sub3A_1942 = arith.constant 1.500000e+00 : f32
      %sub3A_1943 = vector.broadcast %sub3A_1942 : f32 to vector<16xf32>
      %sub3A_1944 = arith.subf %sub3A_1943, %mul3A_1941 : vector<16xf32>
      %mul3A_1945 = arith.mulf %bitcast3A_1936, %sub3A_1944 : vector<16xf32>
      %mul3A_1946 = arith.constant 5.000000e-01 : f32
      %mul3A_1947 = vector.broadcast %mul3A_1946 : f32 to vector<16xf32>
      %mul3A_1948 = arith.mulf %mul3A_1947, %gather3A_1887 : vector<16xf32>
      %mul3A_1949 = arith.mulf %mul3A_1948, %mul3A_1945 : vector<16xf32>
      %mul3A_1950 = arith.mulf %mul3A_1949, %mul3A_1945 : vector<16xf32>
      %sub3A_1951 = arith.constant 1.500000e+00 : f32
      %sub3A_1952 = vector.broadcast %sub3A_1951 : f32 to vector<16xf32>
      %sub3A_1953 = arith.subf %sub3A_1952, %mul3A_1950 : vector<16xf32>
      %mul3A_1954 = arith.mulf %mul3A_1945, %sub3A_1953 : vector<16xf32>
      %mul3A_1955 = arith.constant 5.000000e-01 : f32
      %mul3A_1956 = vector.broadcast %mul3A_1955 : f32 to vector<16xf32>
      %mul3A_1957 = arith.mulf %mul3A_1956, %gather3A_1887 : vector<16xf32>
      %mul3A_1958 = arith.mulf %mul3A_1957, %mul3A_1954 : vector<16xf32>
      %mul3A_1959 = arith.mulf %mul3A_1958, %mul3A_1954 : vector<16xf32>
      %sub3A_1960 = arith.constant 1.500000e+00 : f32
      %sub3A_1961 = vector.broadcast %sub3A_1960 : f32 to vector<16xf32>
      %sub3A_1962 = arith.subf %sub3A_1961, %mul3A_1959 : vector<16xf32>
      %mul3A_1963 = arith.mulf %mul3A_1954, %sub3A_1962 : vector<16xf32>
      %gt3A_1964 = arith.constant 5.000000e-01 : f32
      %gt3A_1965 = vector.broadcast %gt3A_1964 : f32 to vector<16xf32>
      %gt3A_1966 = arith.cmpf ogt, %gather3A_1887, %gt3A_1965 : vector<16xf32>
      %jit3A_1967 = arith.constant 0.000000e+00 : f32
      %broadcast_in_dim3A_1968 = vector.broadcast %jit3A_1967 : f32 to vector<16xf32>
      %select_n3A_1969 = arith.select %gt3A_1966, %mul3A_1963, %broadcast_in_dim3A_1968 : vector<16xi1>, vector<16xf32>
      %mul3A_1970 = arith.mulf %select_n3A_1928, %select_n3A_1969 : vector<16xf32>
      %scan3A_1971 = arith.constant 0 : i32
      %scan3A_1972 = arith.constant 16 : i32
      %scan3A_1973 = arith.addi %scan3A_1971, %scan3A_1972 : i32
      %scan3A_1974 = arith.constant 1 : i32
      %scan3A_1975 = scf.for %scan3A_1983 = %scan3A_1971 to %scan3A_1973 step %scan3A_1974 iter_args(%scan3A_1984 = %broadcast_in_dim3A_1) -> (vector<16xf32>)  : i32 {
        %mul3A_1985 = arith.constant 16 : i32
        %mul3A_1986 = arith.muli %scan3A_1983, %mul3A_1985 : i32
        %get3A_1987 = arith.constant 15 : i32
        %get3A_1988 = arith.index_cast %get3A_1987 : i32 to index
        %get3A_1989 = arith.index_cast %mul3A_1986 : i32 to index
        %get3A_1990 = tpu.vector_load %arg13[%get3A_1988, %get3A_1989] {strides = array<i32>} : memref<16x256xf32, #tpu.memory_space<vmem>>, vector<16xf32>,
        %mul3A_1991 = arith.constant 16 : i32
        %mul3A_1992 = arith.muli %scan3A_1983, %mul3A_1991 : i32
        %get3A_1993 = arith.constant 15 : i32
        %get3A_1994 = arith.index_cast %get3A_1993 : i32 to index
        %get3A_1995 = arith.index_cast %mul3A_1992 : i32 to index
        %get3A_1996 = tpu.vector_load %arg14[%get3A_1994, %get3A_1995] {strides = array<i32>} : memref<16x256xf32, #tpu.memory_space<vmem>>, vector<16xf32>,
        %sub3A_1997 = arith.subf %get3A_1990, %get3A_1996 : vector<16xf32>
        %mul3A_1998 = arith.mulf %sub3A_1997, %sub3A_1997 : vector<16xf32>
        %add3A_1999 = arith.addf %scan3A_1984, %mul3A_1998 : vector<16xf32>
        scf.yield %add3A_1999 : vector<16xf32>
      }
      %scan3A_1976 = arith.constant 16 : i32
      %get3A_1977 = arith.constant 0 : index
      %get3A_1978 = tpu.vector_load %arg17[%get3A_1977] {strides = array<i32>} : memref<16xf32, #tpu.memory_space<vmem>>, vector<16xf32>,
      %mul3A_1979 = arith.mulf %mul3A_1970, %scan3A_1975 : vector<16xf32>
      %add3A_1980 = arith.addf %get3A_1978, %mul3A_1979 : vector<16xf32>
      %swap3A_1981 = arith.constant 0 : index
      %swap3A_1982 = tpu.vector_load %arg17[%swap3A_1981] {strides = array<i32>} : memref<16xf32, #tpu.memory_space<vmem>>, vector<16xf32>,
      tpu.vector_store %arg17[%swap3A_1981], %add3A_1980 {strides = array<i32>} : memref<16xf32, #tpu.memory_space<vmem>>, vector<16xf32>,
    }
    %while3A_281 = arith.constant 1 : i32
    scf.for %while3A_282 = %while3A_279 to %while3A_275 step %while3A_281  : i32 {
      %mul3A_283 = arith.constant 2 : i32
      %mul3A_284 = arith.muli %mul3A_283, %while3A_282 : i32
      %add3A_285 = arith.addi %mul3A_284, %arg0 : i32
      %mul3A_286 = arith.constant 16 : i32
      %mul3A_287 = arith.muli %add3A_285, %mul3A_286 : i32
      %get3A = arith.index_cast %mul3A_287 : i32 to index
      %get3A_288 = tpu.vector_load %arg11[%get3A] {strides = array<i32>} : memref<10016xi32, #tpu.memory_space<vmem>>, vector<16xi32>,
      %mul3A_289 = arith.constant 16 : i32
      %mul3A_290 = arith.muli %add3A_285, %mul3A_289 : i32
      %get3A_291 = arith.index_cast %mul3A_290 : i32 to index
      %get3A_292 = tpu.vector_load %arg12[%get3A_291] {strides = array<i32>} : memref<10016xi32, #tpu.memory_space<vmem>>, vector<16xi32>,
      %dma_start3A_293 = arith.constant 0 : i32
      %dma_start3A_294 = arith.constant 0 : i32
      %dma_start3A_295 = tpu.memref_slice %arg5[%dma_start3A_293, %dma_start3A_294] : memref<10000x256xf32, #tpu.memory_space<hbm>> -> memref<10000x256xf32, #tpu.memory_space<hbm>>
      tpu.enqueue_indirect_dma source(%dma_start3A_295 : memref<10000x256xf32, #tpu.memory_space<hbm>>) target(%arg13 : memref<16x256xf32, #tpu.memory_space<vmem>>) offsets(%get3A_288 : vector<16xi32>) semaphore(%arg19 : memref<!tpu.dma_semaphore, #tpu.memory_space<semaphore_mem>>)
      %dma_start3A_296 = arith.constant 0 : i32
      %dma_start3A_297 = arith.constant 0 : i32
      %dma_start3A_298 = tpu.memref_slice %arg5[%dma_start3A_296, %dma_start3A_297] : memref<10000x256xf32, #tpu.memory_space<hbm>> -> memref<10000x256xf32, #tpu.memory_space<hbm>>
      tpu.enqueue_indirect_dma source(%dma_start3A_298 : memref<10000x256xf32, #tpu.memory_space<hbm>>) target(%arg14 : memref<16x256xf32, #tpu.memory_space<vmem>>) offsets(%get3A_292 : vector<16xi32>) semaphore(%arg20 : memref<!tpu.dma_semaphore, #tpu.memory_space<semaphore_mem>>)
      %dma_wait3A_299 = arith.constant 0 : i32
      %dma_wait3A_300 = arith.constant 0 : i32
      %dma_wait3A_301 = tpu.memref_slice %arg5[%dma_wait3A_299, %dma_wait3A_300] : memref<10000x256xf32, #tpu.memory_space<hbm>> -> memref<10000x256xf32, #tpu.memory_space<hbm>>
      tpu.wait_indirect_dma semaphore(%arg19 : memref<!tpu.dma_semaphore, #tpu.memory_space<semaphore_mem>>) src(%dma_wait3A_301 : memref<10000x256xf32, #tpu.memory_space<hbm>>) dst(%arg13 : memref<16x256xf32, #tpu.memory_space<vmem>>)
      %dma_wait3A_302 = arith.constant 0 : i32
      %dma_wait3A_303 = arith.constant 0 : i32
      %dma_wait3A_304 = tpu.memref_slice %arg5[%dma_wait3A_302, %dma_wait3A_303] : memref<10000x256xf32, #tpu.memory_space<hbm>> -> memref<10000x256xf32, #tpu.memory_space<hbm>>
      tpu.wait_indirect_dma semaphore(%arg20 : memref<!tpu.dma_semaphore, #tpu.memory_space<semaphore_mem>>) src(%dma_wait3A_304 : memref<10000x256xf32, #tpu.memory_space<hbm>>) dst(%arg14 : memref<16x256xf32, #tpu.memory_space<vmem>>)
      %broadcast_in_dim3A_305 = arith.constant 0 : i32
      %broadcast_in_dim3A_306 = vector.broadcast %broadcast_in_dim3A_305 : i32 to vector<16xi32>
      %mul3A_307 = arith.constant 16 : i32
      %mul3A_308 = arith.muli %add3A_285, %mul3A_307 : i32
      %add3A_309 = arith.constant 0 : i32
      %add3A_310 = arith.addi %mul3A_308, %add3A_309 : i32
      %add3A_311 = vector.broadcast %add3A_310 : i32 to vector<16xi32>
      %add3A_312 = arith.addi %broadcast_in_dim3A_306, %add3A_311 : vector<16xi32>
      %gather3A = tpu.vector_load_idx %arg11[%add3A_312] : memref<10016xi32, #tpu.memory_space<vmem>>[vector<16xi32>], vector<16xi32>,
      %gather3A_313 = tpu.vector_load_idx %arg12[%add3A_312] : memref<10016xi32, #tpu.memory_space<vmem>>[vector<16xi32>], vector<16xi32>,
      %gather3A_314 = tpu.vector_load_idx %arg10[%gather3A] : memref<10240xf32, #tpu.memory_space<vmem>>[vector<16xi32>], vector<16xf32>,
      %gather3A_315 = tpu.vector_load_idx %arg10[%gather3A_313] : memref<10240xf32, #tpu.memory_space<vmem>>[vector<16xi32>], vector<16xf32>,
      %bitcast3A = vector.bitcast %gather3A_314 : vector<16xf32> to vector<16xi32>
      %shift_right_arithmetic3A = arith.constant 1 : i32
      %shift_right_arithmetic3A_316 = vector.broadcast %shift_right_arithmetic3A : i32 to vector<16xi32>
      %shift_right_arithmetic3A_317 = arith.shrsi %bitcast3A, %shift_right_arithmetic3A_316 : vector<16xi32>
      %sub3A_318 = arith.constant 1597463007 : i32
      %sub3A_319 = vector.broadcast %sub3A_318 : i32 to vector<16xi32>
      %sub3A_320 = arith.subi %sub3A_319, %shift_right_arithmetic3A_317 : vector<16xi32>
      %bitcast3A_321 = vector.bitcast %sub3A_320 : vector<16xi32> to vector<16xf32>
      %mul3A_322 = arith.constant 5.000000e-01 : f32
      %mul3A_323 = vector.broadcast %mul3A_322 : f32 to vector<16xf32>
      %mul3A_324 = arith.mulf %mul3A_323, %gather3A_314 : vector<16xf32>
      %mul3A_325 = arith.mulf %mul3A_324, %bitcast3A_321 : vector<16xf32>
      %mul3A_326 = arith.mulf %mul3A_325, %bitcast3A_321 : vector<16xf32>
      %sub3A_327 = arith.constant 1.500000e+00 : f32
      %sub3A_328 = vector.broadcast %sub3A_327 : f32 to vector<16xf32>
      %sub3A_329 = arith.subf %sub3A_328, %mul3A_326 : vector<16xf32>
      %mul3A_330 = arith.mulf %bitcast3A_321, %sub3A_329 : vector<16xf32>
      %mul3A_331 = arith.constant 5.000000e-01 : f32
      %mul3A_332 = vector.broadcast %mul3A_331 : f32 to vector<16xf32>
      %mul3A_333 = arith.mulf %mul3A_332, %gather3A_314 : vector<16xf32>
      %mul3A_334 = arith.mulf %mul3A_333, %mul3A_330 : vector<16xf32>
      %mul3A_335 = arith.mulf %mul3A_334, %mul3A_330 : vector<16xf32>
      %sub3A_336 = arith.constant 1.500000e+00 : f32
      %sub3A_337 = vector.broadcast %sub3A_336 : f32 to vector<16xf32>
      %sub3A_338 = arith.subf %sub3A_337, %mul3A_335 : vector<16xf32>
      %mul3A_339 = arith.mulf %mul3A_330, %sub3A_338 : vector<16xf32>
      %mul3A_340 = arith.constant 5.000000e-01 : f32
      %mul3A_341 = vector.broadcast %mul3A_340 : f32 to vector<16xf32>
      %mul3A_342 = arith.mulf %mul3A_341, %gather3A_314 : vector<16xf32>
      %mul3A_343 = arith.mulf %mul3A_342, %mul3A_339 : vector<16xf32>
      %mul3A_344 = arith.mulf %mul3A_343, %mul3A_339 : vector<16xf32>
      %sub3A_345 = arith.constant 1.500000e+00 : f32
      %sub3A_346 = vector.broadcast %sub3A_345 : f32 to vector<16xf32>
      %sub3A_347 = arith.subf %sub3A_346, %mul3A_344 : vector<16xf32>
      %mul3A_348 = arith.mulf %mul3A_339, %sub3A_347 : vector<16xf32>
      %gt3A = arith.constant 5.000000e-01 : f32
      %gt3A_349 = vector.broadcast %gt3A : f32 to vector<16xf32>
      %gt3A_350 = arith.cmpf ogt, %gather3A_314, %gt3A_349 : vector<16xf32>
      %jit3A_351 = arith.constant 0.000000e+00 : f32
      %broadcast_in_dim3A_352 = vector.broadcast %jit3A_351 : f32 to vector<16xf32>
      %select_n3A_353 = arith.select %gt3A_350, %mul3A_348, %broadcast_in_dim3A_352 : vector<16xi1>, vector<16xf32>
      %bitcast3A_354 = vector.bitcast %gather3A_315 : vector<16xf32> to vector<16xi32>
      %shift_right_arithmetic3A_355 = arith.constant 1 : i32
      %shift_right_arithmetic3A_356 = vector.broadcast %shift_right_arithmetic3A_355 : i32 to vector<16xi32>
      %shift_right_arithmetic3A_357 = arith.shrsi %bitcast3A_354, %shift_right_arithmetic3A_356 : vector<16xi32>
      %sub3A_358 = arith.constant 1597463007 : i32
      %sub3A_359 = vector.broadcast %sub3A_358 : i32 to vector<16xi32>
      %sub3A_360 = arith.subi %sub3A_359, %shift_right_arithmetic3A_357 : vector<16xi32>
      %bitcast3A_361 = vector.bitcast %sub3A_360 : vector<16xi32> to vector<16xf32>
      %mul3A_362 = arith.constant 5.000000e-01 : f32
      %mul3A_363 = vector.broadcast %mul3A_362 : f32 to vector<16xf32>
      %mul3A_364 = arith.mulf %mul3A_363, %gather3A_315 : vector<16xf32>
      %mul3A_365 = arith.mulf %mul3A_364, %bitcast3A_361 : vector<16xf32>
      %mul3A_366 = arith.mulf %mul3A_365, %bitcast3A_361 : vector<16xf32>
      %sub3A_367 = arith.constant 1.500000e+00 : f32
      %sub3A_368 = vector.broadcast %sub3A_367 : f32 to vector<16xf32>
      %sub3A_369 = arith.subf %sub3A_368, %mul3A_366 : vector<16xf32>
      %mul3A_370 = arith.mulf %bitcast3A_361, %sub3A_369 : vector<16xf32>
      %mul3A_371 = arith.constant 5.000000e-01 : f32
      %mul3A_372 = vector.broadcast %mul3A_371 : f32 to vector<16xf32>
      %mul3A_373 = arith.mulf %mul3A_372, %gather3A_315 : vector<16xf32>
      %mul3A_374 = arith.mulf %mul3A_373, %mul3A_370 : vector<16xf32>
      %mul3A_375 = arith.mulf %mul3A_374, %mul3A_370 : vector<16xf32>
      %sub3A_376 = arith.constant 1.500000e+00 : f32
      %sub3A_377 = vector.broadcast %sub3A_376 : f32 to vector<16xf32>
      %sub3A_378 = arith.subf %sub3A_377, %mul3A_375 : vector<16xf32>
      %mul3A_379 = arith.mulf %mul3A_370, %sub3A_378 : vector<16xf32>
      %mul3A_380 = arith.constant 5.000000e-01 : f32
      %mul3A_381 = vector.broadcast %mul3A_380 : f32 to vector<16xf32>
      %mul3A_382 = arith.mulf %mul3A_381, %gather3A_315 : vector<16xf32>
      %mul3A_383 = arith.mulf %mul3A_382, %mul3A_379 : vector<16xf32>
      %mul3A_384 = arith.mulf %mul3A_383, %mul3A_379 : vector<16xf32>
      %sub3A_385 = arith.constant 1.500000e+00 : f32
      %sub3A_386 = vector.broadcast %sub3A_385 : f32 to vector<16xf32>
      %sub3A_387 = arith.subf %sub3A_386, %mul3A_384 : vector<16xf32>
      %mul3A_388 = arith.mulf %mul3A_379, %sub3A_387 : vector<16xf32>
      %gt3A_389 = arith.constant 5.000000e-01 : f32
      %gt3A_390 = vector.broadcast %gt3A_389 : f32 to vector<16xf32>
      %gt3A_391 = arith.cmpf ogt, %gather3A_315, %gt3A_390 : vector<16xf32>
      %jit3A_392 = arith.constant 0.000000e+00 : f32
      %broadcast_in_dim3A_393 = vector.broadcast %jit3A_392 : f32 to vector<16xf32>
      %select_n3A_394 = arith.select %gt3A_391, %mul3A_388, %broadcast_in_dim3A_393 : vector<16xi1>, vector<16xf32>
      %mul3A_395 = arith.mulf %select_n3A_353, %select_n3A_394 : vector<16xf32>
      %scan3A_396 = arith.constant 0 : i32
      %scan3A_397 = arith.constant 16 : i32
      %scan3A_398 = arith.addi %scan3A_396, %scan3A_397 : i32
      %scan3A_399 = arith.constant 1 : i32
      %scan3A_400 = scf.for %scan3A_1983 = %scan3A_396 to %scan3A_398 step %scan3A_399 iter_args(%scan3A_1984 = %broadcast_in_dim3A_1) -> (vector<16xf32>)  : i32 {
        %mul3A_1985 = arith.constant 16 : i32
        %mul3A_1986 = arith.muli %scan3A_1983, %mul3A_1985 : i32
        %get3A_1987 = arith.constant 0 : i32
        %get3A_1988 = arith.index_cast %get3A_1987 : i32 to index
        %get3A_1989 = arith.index_cast %mul3A_1986 : i32 to index
        %get3A_1990 = tpu.vector_load %arg13[%get3A_1988, %get3A_1989] {strides = array<i32>} : memref<16x256xf32, #tpu.memory_space<vmem>>, vector<16xf32>,
        %mul3A_1991 = arith.constant 16 : i32
        %mul3A_1992 = arith.muli %scan3A_1983, %mul3A_1991 : i32
        %get3A_1993 = arith.constant 0 : i32
        %get3A_1994 = arith.index_cast %get3A_1993 : i32 to index
        %get3A_1995 = arith.index_cast %mul3A_1992 : i32 to index
        %get3A_1996 = tpu.vector_load %arg14[%get3A_1994, %get3A_1995] {strides = array<i32>} : memref<16x256xf32, #tpu.memory_space<vmem>>, vector<16xf32>,
        %sub3A_1997 = arith.subf %get3A_1990, %get3A_1996 : vector<16xf32>
        %mul3A_1998 = arith.mulf %sub3A_1997, %sub3A_1997 : vector<16xf32>
        %add3A_1999 = arith.addf %scan3A_1984, %mul3A_1998 : vector<16xf32>
        scf.yield %add3A_1999 : vector<16xf32>
      }
      %scan3A_401 = arith.constant 16 : i32
      %get3A_402 = arith.constant 0 : index
      %get3A_403 = tpu.vector_load %arg17[%get3A_402] {strides = array<i32>} : memref<16xf32, #tpu.memory_space<vmem>>, vector<16xf32>,
      %mul3A_404 = arith.mulf %mul3A_395, %scan3A_400 : vector<16xf32>
      %add3A_405 = arith.addf %get3A_403, %mul3A_404 : vector<16xf32>
      %swap3A_406 = arith.constant 0 : index
      %swap3A_407 = tpu.vector_load %arg17[%swap3A_406] {strides = array<i32>} : memref<16xf32, #tpu.memory_space<vmem>>, vector<16xf32>,
      tpu.vector_store %arg17[%swap3A_406], %add3A_405 {strides = array<i32>} : memref<16xf32, #tpu.memory_space<vmem>>, vector<16xf32>,
      %mul3A_408 = arith.constant 16 : i32
      %mul3A_409 = arith.muli %add3A_285, %mul3A_408 : i32
      %add3A_410 = arith.constant 1 : i32
      %add3A_411 = arith.addi %mul3A_409, %add3A_410 : i32
      %add3A_412 = vector.broadcast %add3A_411 : i32 to vector<16xi32>
      %add3A_413 = arith.addi %broadcast_in_dim3A_306, %add3A_412 : vector<16xi32>
      %gather3A_414 = tpu.vector_load_idx %arg11[%add3A_413] : memref<10016xi32, #tpu.memory_space<vmem>>[vector<16xi32>], vector<16xi32>,
      %gather3A_415 = tpu.vector_load_idx %arg12[%add3A_413] : memref<10016xi32, #tpu.memory_space<vmem>>[vector<16xi32>], vector<16xi32>,
      %gather3A_416 = tpu.vector_load_idx %arg10[%gather3A_414] : memref<10240xf32, #tpu.memory_space<vmem>>[vector<16xi32>], vector<16xf32>,
      %gather3A_417 = tpu.vector_load_idx %arg10[%gather3A_415] : memref<10240xf32, #tpu.memory_space<vmem>>[vector<16xi32>], vector<16xf32>,
      %bitcast3A_418 = vector.bitcast %gather3A_416 : vector<16xf32> to vector<16xi32>
      %shift_right_arithmetic3A_419 = arith.constant 1 : i32
      %shift_right_arithmetic3A_420 = vector.broadcast %shift_right_arithmetic3A_419 : i32 to vector<16xi32>
      %shift_right_arithmetic3A_421 = arith.shrsi %bitcast3A_418, %shift_right_arithmetic3A_420 : vector<16xi32>
      %sub3A_422 = arith.constant 1597463007 : i32
      %sub3A_423 = vector.broadcast %sub3A_422 : i32 to vector<16xi32>
      %sub3A_424 = arith.subi %sub3A_423, %shift_right_arithmetic3A_421 : vector<16xi32>
      %bitcast3A_425 = vector.bitcast %sub3A_424 : vector<16xi32> to vector<16xf32>
      %mul3A_426 = arith.constant 5.000000e-01 : f32
      %mul3A_427 = vector.broadcast %mul3A_426 : f32 to vector<16xf32>
      %mul3A_428 = arith.mulf %mul3A_427, %gather3A_416 : vector<16xf32>
      %mul3A_429 = arith.mulf %mul3A_428, %bitcast3A_425 : vector<16xf32>
      %mul3A_430 = arith.mulf %mul3A_429, %bitcast3A_425 : vector<16xf32>
      %sub3A_431 = arith.constant 1.500000e+00 : f32
      %sub3A_432 = vector.broadcast %sub3A_431 : f32 to vector<16xf32>
      %sub3A_433 = arith.subf %sub3A_432, %mul3A_430 : vector<16xf32>
      %mul3A_434 = arith.mulf %bitcast3A_425, %sub3A_433 : vector<16xf32>
      %mul3A_435 = arith.constant 5.000000e-01 : f32
      %mul3A_436 = vector.broadcast %mul3A_435 : f32 to vector<16xf32>
      %mul3A_437 = arith.mulf %mul3A_436, %gather3A_416 : vector<16xf32>
      %mul3A_438 = arith.mulf %mul3A_437, %mul3A_434 : vector<16xf32>
      %mul3A_439 = arith.mulf %mul3A_438, %mul3A_434 : vector<16xf32>
      %sub3A_440 = arith.constant 1.500000e+00 : f32
      %sub3A_441 = vector.broadcast %sub3A_440 : f32 to vector<16xf32>
      %sub3A_442 = arith.subf %sub3A_441, %mul3A_439 : vector<16xf32>
      %mul3A_443 = arith.mulf %mul3A_434, %sub3A_442 : vector<16xf32>
      %mul3A_444 = arith.constant 5.000000e-01 : f32
      %mul3A_445 = vector.broadcast %mul3A_444 : f32 to vector<16xf32>
      %mul3A_446 = arith.mulf %mul3A_445, %gather3A_416 : vector<16xf32>
      %mul3A_447 = arith.mulf %mul3A_446, %mul3A_443 : vector<16xf32>
      %mul3A_448 = arith.mulf %mul3A_447, %mul3A_443 : vector<16xf32>
      %sub3A_449 = arith.constant 1.500000e+00 : f32
      %sub3A_450 = vector.broadcast %sub3A_449 : f32 to vector<16xf32>
      %sub3A_451 = arith.subf %sub3A_450, %mul3A_448 : vector<16xf32>
      %mul3A_452 = arith.mulf %mul3A_443, %sub3A_451 : vector<16xf32>
      %gt3A_453 = arith.constant 5.000000e-01 : f32
      %gt3A_454 = vector.broadcast %gt3A_453 : f32 to vector<16xf32>
      %gt3A_455 = arith.cmpf ogt, %gather3A_416, %gt3A_454 : vector<16xf32>
      %jit3A_456 = arith.constant 0.000000e+00 : f32
      %broadcast_in_dim3A_457 = vector.broadcast %jit3A_456 : f32 to vector<16xf32>
      %select_n3A_458 = arith.select %gt3A_455, %mul3A_452, %broadcast_in_dim3A_457 : vector<16xi1>, vector<16xf32>
      %bitcast3A_459 = vector.bitcast %gather3A_417 : vector<16xf32> to vector<16xi32>
      %shift_right_arithmetic3A_460 = arith.constant 1 : i32
      %shift_right_arithmetic3A_461 = vector.broadcast %shift_right_arithmetic3A_460 : i32 to vector<16xi32>
      %shift_right_arithmetic3A_462 = arith.shrsi %bitcast3A_459, %shift_right_arithmetic3A_461 : vector<16xi32>
      %sub3A_463 = arith.constant 1597463007 : i32
      %sub3A_464 = vector.broadcast %sub3A_463 : i32 to vector<16xi32>
      %sub3A_465 = arith.subi %sub3A_464, %shift_right_arithmetic3A_462 : vector<16xi32>
      %bitcast3A_466 = vector.bitcast %sub3A_465 : vector<16xi32> to vector<16xf32>
      %mul3A_467 = arith.constant 5.000000e-01 : f32
      %mul3A_468 = vector.broadcast %mul3A_467 : f32 to vector<16xf32>
      %mul3A_469 = arith.mulf %mul3A_468, %gather3A_417 : vector<16xf32>
      %mul3A_470 = arith.mulf %mul3A_469, %bitcast3A_466 : vector<16xf32>
      %mul3A_471 = arith.mulf %mul3A_470, %bitcast3A_466 : vector<16xf32>
      %sub3A_472 = arith.constant 1.500000e+00 : f32
      %sub3A_473 = vector.broadcast %sub3A_472 : f32 to vector<16xf32>
      %sub3A_474 = arith.subf %sub3A_473, %mul3A_471 : vector<16xf32>
      %mul3A_475 = arith.mulf %bitcast3A_466, %sub3A_474 : vector<16xf32>
      %mul3A_476 = arith.constant 5.000000e-01 : f32
      %mul3A_477 = vector.broadcast %mul3A_476 : f32 to vector<16xf32>
      %mul3A_478 = arith.mulf %mul3A_477, %gather3A_417 : vector<16xf32>
      %mul3A_479 = arith.mulf %mul3A_478, %mul3A_475 : vector<16xf32>
      %mul3A_480 = arith.mulf %mul3A_479, %mul3A_475 : vector<16xf32>
      %sub3A_481 = arith.constant 1.500000e+00 : f32
      %sub3A_482 = vector.broadcast %sub3A_481 : f32 to vector<16xf32>
      %sub3A_483 = arith.subf %sub3A_482, %mul3A_480 : vector<16xf32>
      %mul3A_484 = arith.mulf %mul3A_475, %sub3A_483 : vector<16xf32>
      %mul3A_485 = arith.constant 5.000000e-01 : f32
      %mul3A_486 = vector.broadcast %mul3A_485 : f32 to vector<16xf32>
      %mul3A_487 = arith.mulf %mul3A_486, %gather3A_417 : vector<16xf32>
      %mul3A_488 = arith.mulf %mul3A_487, %mul3A_484 : vector<16xf32>
      %mul3A_489 = arith.mulf %mul3A_488, %mul3A_484 : vector<16xf32>
      %sub3A_490 = arith.constant 1.500000e+00 : f32
      %sub3A_491 = vector.broadcast %sub3A_490 : f32 to vector<16xf32>
      %sub3A_492 = arith.subf %sub3A_491, %mul3A_489 : vector<16xf32>
      %mul3A_493 = arith.mulf %mul3A_484, %sub3A_492 : vector<16xf32>
      %gt3A_494 = arith.constant 5.000000e-01 : f32
      %gt3A_495 = vector.broadcast %gt3A_494 : f32 to vector<16xf32>
      %gt3A_496 = arith.cmpf ogt, %gather3A_417, %gt3A_495 : vector<16xf32>
      %jit3A_497 = arith.constant 0.000000e+00 : f32
      %broadcast_in_dim3A_498 = vector.broadcast %jit3A_497 : f32 to vector<16xf32>
      %select_n3A_499 = arith.select %gt3A_496, %mul3A_493, %broadcast_in_dim3A_498 : vector<16xi1>, vector<16xf32>
      %mul3A_500 = arith.mulf %select_n3A_458, %select_n3A_499 : vector<16xf32>
      %scan3A_501 = arith.constant 0 : i32
      %scan3A_502 = arith.constant 16 : i32
      %scan3A_503 = arith.addi %scan3A_501, %scan3A_502 : i32
      %scan3A_504 = arith.constant 1 : i32
      %scan3A_505 = scf.for %scan3A_1983 = %scan3A_501 to %scan3A_503 step %scan3A_504 iter_args(%scan3A_1984 = %broadcast_in_dim3A_1) -> (vector<16xf32>)  : i32 {
        %mul3A_1985 = arith.constant 16 : i32
        %mul3A_1986 = arith.muli %scan3A_1983, %mul3A_1985 : i32
        %get3A_1987 = arith.constant 1 : i32
        %get3A_1988 = arith.index_cast %get3A_1987 : i32 to index
        %get3A_1989 = arith.index_cast %mul3A_1986 : i32 to index
        %get3A_1990 = tpu.vector_load %arg13[%get3A_1988, %get3A_1989] {strides = array<i32>} : memref<16x256xf32, #tpu.memory_space<vmem>>, vector<16xf32>,
        %mul3A_1991 = arith.constant 16 : i32
        %mul3A_1992 = arith.muli %scan3A_1983, %mul3A_1991 : i32
        %get3A_1993 = arith.constant 1 : i32
        %get3A_1994 = arith.index_cast %get3A_1993 : i32 to index
        %get3A_1995 = arith.index_cast %mul3A_1992 : i32 to index
        %get3A_1996 = tpu.vector_load %arg14[%get3A_1994, %get3A_1995] {strides = array<i32>} : memref<16x256xf32, #tpu.memory_space<vmem>>, vector<16xf32>,
        %sub3A_1997 = arith.subf %get3A_1990, %get3A_1996 : vector<16xf32>
        %mul3A_1998 = arith.mulf %sub3A_1997, %sub3A_1997 : vector<16xf32>
        %add3A_1999 = arith.addf %scan3A_1984, %mul3A_1998 : vector<16xf32>
        scf.yield %add3A_1999 : vector<16xf32>
      }
      %scan3A_506 = arith.constant 16 : i32
      %get3A_507 = arith.constant 0 : index
      %get3A_508 = tpu.vector_load %arg17[%get3A_507] {strides = array<i32>} : memref<16xf32, #tpu.memory_space<vmem>>, vector<16xf32>,
      %mul3A_509 = arith.mulf %mul3A_500, %scan3A_505 : vector<16xf32>
      %add3A_510 = arith.addf %get3A_508, %mul3A_509 : vector<16xf32>
      %swap3A_511 = arith.constant 0 : index
      %swap3A_512 = tpu.vector_load %arg17[%swap3A_511] {strides = array<i32>} : memref<16xf32, #tpu.memory_space<vmem>>, vector<16xf32>,
      tpu.vector_store %arg17[%swap3A_511], %add3A_510 {strides = array<i32>} : memref<16xf32, #tpu.memory_space<vmem>>, vector<16xf32>,
      %mul3A_513 = arith.constant 16 : i32
      %mul3A_514 = arith.muli %add3A_285, %mul3A_513 : i32
      %add3A_515 = arith.constant 2 : i32
      %add3A_516 = arith.addi %mul3A_514, %add3A_515 : i32
      %add3A_517 = vector.broadcast %add3A_516 : i32 to vector<16xi32>
      %add3A_518 = arith.addi %broadcast_in_dim3A_306, %add3A_517 : vector<16xi32>
      %gather3A_519 = tpu.vector_load_idx %arg11[%add3A_518] : memref<10016xi32, #tpu.memory_space<vmem>>[vector<16xi32>], vector<16xi32>,
      %gather3A_520 = tpu.vector_load_idx %arg12[%add3A_518] : memref<10016xi32, #tpu.memory_space<vmem>>[vector<16xi32>], vector<16xi32>,
      %gather3A_521 = tpu.vector_load_idx %arg10[%gather3A_519] : memref<10240xf32, #tpu.memory_space<vmem>>[vector<16xi32>], vector<16xf32>,
      %gather3A_522 = tpu.vector_load_idx %arg10[%gather3A_520] : memref<10240xf32, #tpu.memory_space<vmem>>[vector<16xi32>], vector<16xf32>,
      %bitcast3A_523 = vector.bitcast %gather3A_521 : vector<16xf32> to vector<16xi32>
      %shift_right_arithmetic3A_524 = arith.constant 1 : i32
      %shift_right_arithmetic3A_525 = vector.broadcast %shift_right_arithmetic3A_524 : i32 to vector<16xi32>
      %shift_right_arithmetic3A_526 = arith.shrsi %bitcast3A_523, %shift_right_arithmetic3A_525 : vector<16xi32>
      %sub3A_527 = arith.constant 1597463007 : i32
      %sub3A_528 = vector.broadcast %sub3A_527 : i32 to vector<16xi32>
      %sub3A_529 = arith.subi %sub3A_528, %shift_right_arithmetic3A_526 : vector<16xi32>
      %bitcast3A_530 = vector.bitcast %sub3A_529 : vector<16xi32> to vector<16xf32>
      %mul3A_531 = arith.constant 5.000000e-01 : f32
      %mul3A_532 = vector.broadcast %mul3A_531 : f32 to vector<16xf32>
      %mul3A_533 = arith.mulf %mul3A_532, %gather3A_521 : vector<16xf32>
      %mul3A_534 = arith.mulf %mul3A_533, %bitcast3A_530 : vector<16xf32>
      %mul3A_535 = arith.mulf %mul3A_534, %bitcast3A_530 : vector<16xf32>
      %sub3A_536 = arith.constant 1.500000e+00 : f32
      %sub3A_537 = vector.broadcast %sub3A_536 : f32 to vector<16xf32>
      %sub3A_538 = arith.subf %sub3A_537, %mul3A_535 : vector<16xf32>
      %mul3A_539 = arith.mulf %bitcast3A_530, %sub3A_538 : vector<16xf32>
      %mul3A_540 = arith.constant 5.000000e-01 : f32
      %mul3A_541 = vector.broadcast %mul3A_540 : f32 to vector<16xf32>
      %mul3A_542 = arith.mulf %mul3A_541, %gather3A_521 : vector<16xf32>
      %mul3A_543 = arith.mulf %mul3A_542, %mul3A_539 : vector<16xf32>
      %mul3A_544 = arith.mulf %mul3A_543, %mul3A_539 : vector<16xf32>
      %sub3A_545 = arith.constant 1.500000e+00 : f32
      %sub3A_546 = vector.broadcast %sub3A_545 : f32 to vector<16xf32>
      %sub3A_547 = arith.subf %sub3A_546, %mul3A_544 : vector<16xf32>
      %mul3A_548 = arith.mulf %mul3A_539, %sub3A_547 : vector<16xf32>
      %mul3A_549 = arith.constant 5.000000e-01 : f32
      %mul3A_550 = vector.broadcast %mul3A_549 : f32 to vector<16xf32>
      %mul3A_551 = arith.mulf %mul3A_550, %gather3A_521 : vector<16xf32>
      %mul3A_552 = arith.mulf %mul3A_551, %mul3A_548 : vector<16xf32>
      %mul3A_553 = arith.mulf %mul3A_552, %mul3A_548 : vector<16xf32>
      %sub3A_554 = arith.constant 1.500000e+00 : f32
      %sub3A_555 = vector.broadcast %sub3A_554 : f32 to vector<16xf32>
      %sub3A_556 = arith.subf %sub3A_555, %mul3A_553 : vector<16xf32>
      %mul3A_557 = arith.mulf %mul3A_548, %sub3A_556 : vector<16xf32>
      %gt3A_558 = arith.constant 5.000000e-01 : f32
      %gt3A_559 = vector.broadcast %gt3A_558 : f32 to vector<16xf32>
      %gt3A_560 = arith.cmpf ogt, %gather3A_521, %gt3A_559 : vector<16xf32>
      %jit3A_561 = arith.constant 0.000000e+00 : f32
      %broadcast_in_dim3A_562 = vector.broadcast %jit3A_561 : f32 to vector<16xf32>
      %select_n3A_563 = arith.select %gt3A_560, %mul3A_557, %broadcast_in_dim3A_562 : vector<16xi1>, vector<16xf32>
      %bitcast3A_564 = vector.bitcast %gather3A_522 : vector<16xf32> to vector<16xi32>
      %shift_right_arithmetic3A_565 = arith.constant 1 : i32
      %shift_right_arithmetic3A_566 = vector.broadcast %shift_right_arithmetic3A_565 : i32 to vector<16xi32>
      %shift_right_arithmetic3A_567 = arith.shrsi %bitcast3A_564, %shift_right_arithmetic3A_566 : vector<16xi32>
      %sub3A_568 = arith.constant 1597463007 : i32
      %sub3A_569 = vector.broadcast %sub3A_568 : i32 to vector<16xi32>
      %sub3A_570 = arith.subi %sub3A_569, %shift_right_arithmetic3A_567 : vector<16xi32>
      %bitcast3A_571 = vector.bitcast %sub3A_570 : vector<16xi32> to vector<16xf32>
      %mul3A_572 = arith.constant 5.000000e-01 : f32
      %mul3A_573 = vector.broadcast %mul3A_572 : f32 to vector<16xf32>
      %mul3A_574 = arith.mulf %mul3A_573, %gather3A_522 : vector<16xf32>
      %mul3A_575 = arith.mulf %mul3A_574, %bitcast3A_571 : vector<16xf32>
      %mul3A_576 = arith.mulf %mul3A_575, %bitcast3A_571 : vector<16xf32>
      %sub3A_577 = arith.constant 1.500000e+00 : f32
      %sub3A_578 = vector.broadcast %sub3A_577 : f32 to vector<16xf32>
      %sub3A_579 = arith.subf %sub3A_578, %mul3A_576 : vector<16xf32>
      %mul3A_580 = arith.mulf %bitcast3A_571, %sub3A_579 : vector<16xf32>
      %mul3A_581 = arith.constant 5.000000e-01 : f32
      %mul3A_582 = vector.broadcast %mul3A_581 : f32 to vector<16xf32>
      %mul3A_583 = arith.mulf %mul3A_582, %gather3A_522 : vector<16xf32>
      %mul3A_584 = arith.mulf %mul3A_583, %mul3A_580 : vector<16xf32>
      %mul3A_585 = arith.mulf %mul3A_584, %mul3A_580 : vector<16xf32>
      %sub3A_586 = arith.constant 1.500000e+00 : f32
      %sub3A_587 = vector.broadcast %sub3A_586 : f32 to vector<16xf32>
      %sub3A_588 = arith.subf %sub3A_587, %mul3A_585 : vector<16xf32>
      %mul3A_589 = arith.mulf %mul3A_580, %sub3A_588 : vector<16xf32>
      %mul3A_590 = arith.constant 5.000000e-01 : f32
      %mul3A_591 = vector.broadcast %mul3A_590 : f32 to vector<16xf32>
      %mul3A_592 = arith.mulf %mul3A_591, %gather3A_522 : vector<16xf32>
      %mul3A_593 = arith.mulf %mul3A_592, %mul3A_589 : vector<16xf32>
      %mul3A_594 = arith.mulf %mul3A_593, %mul3A_589 : vector<16xf32>
      %sub3A_595 = arith.constant 1.500000e+00 : f32
      %sub3A_596 = vector.broadcast %sub3A_595 : f32 to vector<16xf32>
      %sub3A_597 = arith.subf %sub3A_596, %mul3A_594 : vector<16xf32>
      %mul3A_598 = arith.mulf %mul3A_589, %sub3A_597 : vector<16xf32>
      %gt3A_599 = arith.constant 5.000000e-01 : f32
      %gt3A_600 = vector.broadcast %gt3A_599 : f32 to vector<16xf32>
      %gt3A_601 = arith.cmpf ogt, %gather3A_522, %gt3A_600 : vector<16xf32>
      %jit3A_602 = arith.constant 0.000000e+00 : f32
      %broadcast_in_dim3A_603 = vector.broadcast %jit3A_602 : f32 to vector<16xf32>
      %select_n3A_604 = arith.select %gt3A_601, %mul3A_598, %broadcast_in_dim3A_603 : vector<16xi1>, vector<16xf32>
      %mul3A_605 = arith.mulf %select_n3A_563, %select_n3A_604 : vector<16xf32>
      %scan3A_606 = arith.constant 0 : i32
      %scan3A_607 = arith.constant 16 : i32
      %scan3A_608 = arith.addi %scan3A_606, %scan3A_607 : i32
      %scan3A_609 = arith.constant 1 : i32
      %scan3A_610 = scf.for %scan3A_1983 = %scan3A_606 to %scan3A_608 step %scan3A_609 iter_args(%scan3A_1984 = %broadcast_in_dim3A_1) -> (vector<16xf32>)  : i32 {
        %mul3A_1985 = arith.constant 16 : i32
        %mul3A_1986 = arith.muli %scan3A_1983, %mul3A_1985 : i32
        %get3A_1987 = arith.constant 2 : i32
        %get3A_1988 = arith.index_cast %get3A_1987 : i32 to index
        %get3A_1989 = arith.index_cast %mul3A_1986 : i32 to index
        %get3A_1990 = tpu.vector_load %arg13[%get3A_1988, %get3A_1989] {strides = array<i32>} : memref<16x256xf32, #tpu.memory_space<vmem>>, vector<16xf32>,
        %mul3A_1991 = arith.constant 16 : i32
        %mul3A_1992 = arith.muli %scan3A_1983, %mul3A_1991 : i32
        %get3A_1993 = arith.constant 2 : i32
        %get3A_1994 = arith.index_cast %get3A_1993 : i32 to index
        %get3A_1995 = arith.index_cast %mul3A_1992 : i32 to index
        %get3A_1996 = tpu.vector_load %arg14[%get3A_1994, %get3A_1995] {strides = array<i32>} : memref<16x256xf32, #tpu.memory_space<vmem>>, vector<16xf32>,
        %sub3A_1997 = arith.subf %get3A_1990, %get3A_1996 : vector<16xf32>
        %mul3A_1998 = arith.mulf %sub3A_1997, %sub3A_1997 : vector<16xf32>
        %add3A_1999 = arith.addf %scan3A_1984, %mul3A_1998 : vector<16xf32>
        scf.yield %add3A_1999 : vector<16xf32>
      }
      %scan3A_611 = arith.constant 16 : i32
      %get3A_612 = arith.constant 0 : index
      %get3A_613 = tpu.vector_load %arg17[%get3A_612] {strides = array<i32>} : memref<16xf32, #tpu.memory_space<vmem>>, vector<16xf32>,
      %mul3A_614 = arith.mulf %mul3A_605, %scan3A_610 : vector<16xf32>
      %add3A_615 = arith.addf %get3A_613, %mul3A_614 : vector<16xf32>
      %swap3A_616 = arith.constant 0 : index
      %swap3A_617 = tpu.vector_load %arg17[%swap3A_616] {strides = array<i32>} : memref<16xf32, #tpu.memory_space<vmem>>, vector<16xf32>,
      tpu.vector_store %arg17[%swap3A_616], %add3A_615 {strides = array<i32>} : memref<16xf32, #tpu.memory_space<vmem>>, vector<16xf32>,
      %mul3A_618 = arith.constant 16 : i32
      %mul3A_619 = arith.muli %add3A_285, %mul3A_618 : i32
      %add3A_620 = arith.constant 3 : i32
      %add3A_621 = arith.addi %mul3A_619, %add3A_620 : i32
      %add3A_622 = vector.broadcast %add3A_621 : i32 to vector<16xi32>
      %add3A_623 = arith.addi %broadcast_in_dim3A_306, %add3A_622 : vector<16xi32>
      %gather3A_624 = tpu.vector_load_idx %arg11[%add3A_623] : memref<10016xi32, #tpu.memory_space<vmem>>[vector<16xi32>], vector<16xi32>,
      %gather3A_625 = tpu.vector_load_idx %arg12[%add3A_623] : memref<10016xi32, #tpu.memory_space<vmem>>[vector<16xi32>], vector<16xi32>,
      %gather3A_626 = tpu.vector_load_idx %arg10[%gather3A_624] : memref<10240xf32, #tpu.memory_space<vmem>>[vector<16xi32>], vector<16xf32>,
      %gather3A_627 = tpu.vector_load_idx %arg10[%gather3A_625] : memref<10240xf32, #tpu.memory_space<vmem>>[vector<16xi32>], vector<16xf32>,
      %bitcast3A_628 = vector.bitcast %gather3A_626 : vector<16xf32> to vector<16xi32>
      %shift_right_arithmetic3A_629 = arith.constant 1 : i32
      %shift_right_arithmetic3A_630 = vector.broadcast %shift_right_arithmetic3A_629 : i32 to vector<16xi32>
      %shift_right_arithmetic3A_631 = arith.shrsi %bitcast3A_628, %shift_right_arithmetic3A_630 : vector<16xi32>
      %sub3A_632 = arith.constant 1597463007 : i32
      %sub3A_633 = vector.broadcast %sub3A_632 : i32 to vector<16xi32>
      %sub3A_634 = arith.subi %sub3A_633, %shift_right_arithmetic3A_631 : vector<16xi32>
      %bitcast3A_635 = vector.bitcast %sub3A_634 : vector<16xi32> to vector<16xf32>
      %mul3A_636 = arith.constant 5.000000e-01 : f32
      %mul3A_637 = vector.broadcast %mul3A_636 : f32 to vector<16xf32>
      %mul3A_638 = arith.mulf %mul3A_637, %gather3A_626 : vector<16xf32>
      %mul3A_639 = arith.mulf %mul3A_638, %bitcast3A_635 : vector<16xf32>
      %mul3A_640 = arith.mulf %mul3A_639, %bitcast3A_635 : vector<16xf32>
      %sub3A_641 = arith.constant 1.500000e+00 : f32
      %sub3A_642 = vector.broadcast %sub3A_641 : f32 to vector<16xf32>
      %sub3A_643 = arith.subf %sub3A_642, %mul3A_640 : vector<16xf32>
      %mul3A_644 = arith.mulf %bitcast3A_635, %sub3A_643 : vector<16xf32>
      %mul3A_645 = arith.constant 5.000000e-01 : f32
      %mul3A_646 = vector.broadcast %mul3A_645 : f32 to vector<16xf32>
      %mul3A_647 = arith.mulf %mul3A_646, %gather3A_626 : vector<16xf32>
      %mul3A_648 = arith.mulf %mul3A_647, %mul3A_644 : vector<16xf32>
      %mul3A_649 = arith.mulf %mul3A_648, %mul3A_644 : vector<16xf32>
      %sub3A_650 = arith.constant 1.500000e+00 : f32
      %sub3A_651 = vector.broadcast %sub3A_650 : f32 to vector<16xf32>
      %sub3A_652 = arith.subf %sub3A_651, %mul3A_649 : vector<16xf32>
      %mul3A_653 = arith.mulf %mul3A_644, %sub3A_652 : vector<16xf32>
      %mul3A_654 = arith.constant 5.000000e-01 : f32
      %mul3A_655 = vector.broadcast %mul3A_654 : f32 to vector<16xf32>
      %mul3A_656 = arith.mulf %mul3A_655, %gather3A_626 : vector<16xf32>
      %mul3A_657 = arith.mulf %mul3A_656, %mul3A_653 : vector<16xf32>
      %mul3A_658 = arith.mulf %mul3A_657, %mul3A_653 : vector<16xf32>
      %sub3A_659 = arith.constant 1.500000e+00 : f32
      %sub3A_660 = vector.broadcast %sub3A_659 : f32 to vector<16xf32>
      %sub3A_661 = arith.subf %sub3A_660, %mul3A_658 : vector<16xf32>
      %mul3A_662 = arith.mulf %mul3A_653, %sub3A_661 : vector<16xf32>
      %gt3A_663 = arith.constant 5.000000e-01 : f32
      %gt3A_664 = vector.broadcast %gt3A_663 : f32 to vector<16xf32>
      %gt3A_665 = arith.cmpf ogt, %gather3A_626, %gt3A_664 : vector<16xf32>
      %jit3A_666 = arith.constant 0.000000e+00 : f32
      %broadcast_in_dim3A_667 = vector.broadcast %jit3A_666 : f32 to vector<16xf32>
      %select_n3A_668 = arith.select %gt3A_665, %mul3A_662, %broadcast_in_dim3A_667 : vector<16xi1>, vector<16xf32>
      %bitcast3A_669 = vector.bitcast %gather3A_627 : vector<16xf32> to vector<16xi32>
      %shift_right_arithmetic3A_670 = arith.constant 1 : i32
      %shift_right_arithmetic3A_671 = vector.broadcast %shift_right_arithmetic3A_670 : i32 to vector<16xi32>
      %shift_right_arithmetic3A_672 = arith.shrsi %bitcast3A_669, %shift_right_arithmetic3A_671 : vector<16xi32>
      %sub3A_673 = arith.constant 1597463007 : i32
      %sub3A_674 = vector.broadcast %sub3A_673 : i32 to vector<16xi32>
      %sub3A_675 = arith.subi %sub3A_674, %shift_right_arithmetic3A_672 : vector<16xi32>
      %bitcast3A_676 = vector.bitcast %sub3A_675 : vector<16xi32> to vector<16xf32>
      %mul3A_677 = arith.constant 5.000000e-01 : f32
      %mul3A_678 = vector.broadcast %mul3A_677 : f32 to vector<16xf32>
      %mul3A_679 = arith.mulf %mul3A_678, %gather3A_627 : vector<16xf32>
      %mul3A_680 = arith.mulf %mul3A_679, %bitcast3A_676 : vector<16xf32>
      %mul3A_681 = arith.mulf %mul3A_680, %bitcast3A_676 : vector<16xf32>
      %sub3A_682 = arith.constant 1.500000e+00 : f32
      %sub3A_683 = vector.broadcast %sub3A_682 : f32 to vector<16xf32>
      %sub3A_684 = arith.subf %sub3A_683, %mul3A_681 : vector<16xf32>
      %mul3A_685 = arith.mulf %bitcast3A_676, %sub3A_684 : vector<16xf32>
      %mul3A_686 = arith.constant 5.000000e-01 : f32
      %mul3A_687 = vector.broadcast %mul3A_686 : f32 to vector<16xf32>
      %mul3A_688 = arith.mulf %mul3A_687, %gather3A_627 : vector<16xf32>
      %mul3A_689 = arith.mulf %mul3A_688, %mul3A_685 : vector<16xf32>
      %mul3A_690 = arith.mulf %mul3A_689, %mul3A_685 : vector<16xf32>
      %sub3A_691 = arith.constant 1.500000e+00 : f32
      %sub3A_692 = vector.broadcast %sub3A_691 : f32 to vector<16xf32>
      %sub3A_693 = arith.subf %sub3A_692, %mul3A_690 : vector<16xf32>
      %mul3A_694 = arith.mulf %mul3A_685, %sub3A_693 : vector<16xf32>
      %mul3A_695 = arith.constant 5.000000e-01 : f32
      %mul3A_696 = vector.broadcast %mul3A_695 : f32 to vector<16xf32>
      %mul3A_697 = arith.mulf %mul3A_696, %gather3A_627 : vector<16xf32>
      %mul3A_698 = arith.mulf %mul3A_697, %mul3A_694 : vector<16xf32>
      %mul3A_699 = arith.mulf %mul3A_698, %mul3A_694 : vector<16xf32>
      %sub3A_700 = arith.constant 1.500000e+00 : f32
      %sub3A_701 = vector.broadcast %sub3A_700 : f32 to vector<16xf32>
      %sub3A_702 = arith.subf %sub3A_701, %mul3A_699 : vector<16xf32>
      %mul3A_703 = arith.mulf %mul3A_694, %sub3A_702 : vector<16xf32>
      %gt3A_704 = arith.constant 5.000000e-01 : f32
      %gt3A_705 = vector.broadcast %gt3A_704 : f32 to vector<16xf32>
      %gt3A_706 = arith.cmpf ogt, %gather3A_627, %gt3A_705 : vector<16xf32>
      %jit3A_707 = arith.constant 0.000000e+00 : f32
      %broadcast_in_dim3A_708 = vector.broadcast %jit3A_707 : f32 to vector<16xf32>
      %select_n3A_709 = arith.select %gt3A_706, %mul3A_703, %broadcast_in_dim3A_708 : vector<16xi1>, vector<16xf32>
      %mul3A_710 = arith.mulf %select_n3A_668, %select_n3A_709 : vector<16xf32>
      %scan3A_711 = arith.constant 0 : i32
      %scan3A_712 = arith.constant 16 : i32
      %scan3A_713 = arith.addi %scan3A_711, %scan3A_712 : i32
      %scan3A_714 = arith.constant 1 : i32
      %scan3A_715 = scf.for %scan3A_1983 = %scan3A_711 to %scan3A_713 step %scan3A_714 iter_args(%scan3A_1984 = %broadcast_in_dim3A_1) -> (vector<16xf32>)  : i32 {
        %mul3A_1985 = arith.constant 16 : i32
        %mul3A_1986 = arith.muli %scan3A_1983, %mul3A_1985 : i32
        %get3A_1987 = arith.constant 3 : i32
        %get3A_1988 = arith.index_cast %get3A_1987 : i32 to index
        %get3A_1989 = arith.index_cast %mul3A_1986 : i32 to index
        %get3A_1990 = tpu.vector_load %arg13[%get3A_1988, %get3A_1989] {strides = array<i32>} : memref<16x256xf32, #tpu.memory_space<vmem>>, vector<16xf32>,
        %mul3A_1991 = arith.constant 16 : i32
        %mul3A_1992 = arith.muli %scan3A_1983, %mul3A_1991 : i32
        %get3A_1993 = arith.constant 3 : i32
        %get3A_1994 = arith.index_cast %get3A_1993 : i32 to index
        %get3A_1995 = arith.index_cast %mul3A_1992 : i32 to index
        %get3A_1996 = tpu.vector_load %arg14[%get3A_1994, %get3A_1995] {strides = array<i32>} : memref<16x256xf32, #tpu.memory_space<vmem>>, vector<16xf32>,
        %sub3A_1997 = arith.subf %get3A_1990, %get3A_1996 : vector<16xf32>
        %mul3A_1998 = arith.mulf %sub3A_1997, %sub3A_1997 : vector<16xf32>
        %add3A_1999 = arith.addf %scan3A_1984, %mul3A_1998 : vector<16xf32>
        scf.yield %add3A_1999 : vector<16xf32>
      }
      %scan3A_716 = arith.constant 16 : i32
      %get3A_717 = arith.constant 0 : index
      %get3A_718 = tpu.vector_load %arg17[%get3A_717] {strides = array<i32>} : memref<16xf32, #tpu.memory_space<vmem>>, vector<16xf32>,
      %mul3A_719 = arith.mulf %mul3A_710, %scan3A_715 : vector<16xf32>
      %add3A_720 = arith.addf %get3A_718, %mul3A_719 : vector<16xf32>
      %swap3A_721 = arith.constant 0 : index
      %swap3A_722 = tpu.vector_load %arg17[%swap3A_721] {strides = array<i32>} : memref<16xf32, #tpu.memory_space<vmem>>, vector<16xf32>,
      tpu.vector_store %arg17[%swap3A_721], %add3A_720 {strides = array<i32>} : memref<16xf32, #tpu.memory_space<vmem>>, vector<16xf32>,
      %mul3A_723 = arith.constant 16 : i32
      %mul3A_724 = arith.muli %add3A_285, %mul3A_723 : i32
      %add3A_725 = arith.constant 4 : i32
      %add3A_726 = arith.addi %mul3A_724, %add3A_725 : i32
      %add3A_727 = vector.broadcast %add3A_726 : i32 to vector<16xi32>
      %add3A_728 = arith.addi %broadcast_in_dim3A_306, %add3A_727 : vector<16xi32>
      %gather3A_729 = tpu.vector_load_idx %arg11[%add3A_728] : memref<10016xi32, #tpu.memory_space<vmem>>[vector<16xi32>], vector<16xi32>,
      %gather3A_730 = tpu.vector_load_idx %arg12[%add3A_728] : memref<10016xi32, #tpu.memory_space<vmem>>[vector<16xi32>], vector<16xi32>,
      %gather3A_731 = tpu.vector_load_idx %arg10[%gather3A_729] : memref<10240xf32, #tpu.memory_space<vmem>>[vector<16xi32>], vector<16xf32>,
      %gather3A_732 = tpu.vector_load_idx %arg10[%gather3A_730] : memref<10240xf32, #tpu.memory_space<vmem>>[vector<16xi32>], vector<16xf32>,
      %bitcast3A_733 = vector.bitcast %gather3A_731 : vector<16xf32> to vector<16xi32>
      %shift_right_arithmetic3A_734 = arith.constant 1 : i32
      %shift_right_arithmetic3A_735 = vector.broadcast %shift_right_arithmetic3A_734 : i32 to vector<16xi32>
      %shift_right_arithmetic3A_736 = arith.shrsi %bitcast3A_733, %shift_right_arithmetic3A_735 : vector<16xi32>
      %sub3A_737 = arith.constant 1597463007 : i32
      %sub3A_738 = vector.broadcast %sub3A_737 : i32 to vector<16xi32>
      %sub3A_739 = arith.subi %sub3A_738, %shift_right_arithmetic3A_736 : vector<16xi32>
      %bitcast3A_740 = vector.bitcast %sub3A_739 : vector<16xi32> to vector<16xf32>
      %mul3A_741 = arith.constant 5.000000e-01 : f32
      %mul3A_742 = vector.broadcast %mul3A_741 : f32 to vector<16xf32>
      %mul3A_743 = arith.mulf %mul3A_742, %gather3A_731 : vector<16xf32>
      %mul3A_744 = arith.mulf %mul3A_743, %bitcast3A_740 : vector<16xf32>
      %mul3A_745 = arith.mulf %mul3A_744, %bitcast3A_740 : vector<16xf32>
      %sub3A_746 = arith.constant 1.500000e+00 : f32
      %sub3A_747 = vector.broadcast %sub3A_746 : f32 to vector<16xf32>
      %sub3A_748 = arith.subf %sub3A_747, %mul3A_745 : vector<16xf32>
      %mul3A_749 = arith.mulf %bitcast3A_740, %sub3A_748 : vector<16xf32>
      %mul3A_750 = arith.constant 5.000000e-01 : f32
      %mul3A_751 = vector.broadcast %mul3A_750 : f32 to vector<16xf32>
      %mul3A_752 = arith.mulf %mul3A_751, %gather3A_731 : vector<16xf32>
      %mul3A_753 = arith.mulf %mul3A_752, %mul3A_749 : vector<16xf32>
      %mul3A_754 = arith.mulf %mul3A_753, %mul3A_749 : vector<16xf32>
      %sub3A_755 = arith.constant 1.500000e+00 : f32
      %sub3A_756 = vector.broadcast %sub3A_755 : f32 to vector<16xf32>
      %sub3A_757 = arith.subf %sub3A_756, %mul3A_754 : vector<16xf32>
      %mul3A_758 = arith.mulf %mul3A_749, %sub3A_757 : vector<16xf32>
      %mul3A_759 = arith.constant 5.000000e-01 : f32
      %mul3A_760 = vector.broadcast %mul3A_759 : f32 to vector<16xf32>
      %mul3A_761 = arith.mulf %mul3A_760, %gather3A_731 : vector<16xf32>
      %mul3A_762 = arith.mulf %mul3A_761, %mul3A_758 : vector<16xf32>
      %mul3A_763 = arith.mulf %mul3A_762, %mul3A_758 : vector<16xf32>
      %sub3A_764 = arith.constant 1.500000e+00 : f32
      %sub3A_765 = vector.broadcast %sub3A_764 : f32 to vector<16xf32>
      %sub3A_766 = arith.subf %sub3A_765, %mul3A_763 : vector<16xf32>
      %mul3A_767 = arith.mulf %mul3A_758, %sub3A_766 : vector<16xf32>
      %gt3A_768 = arith.constant 5.000000e-01 : f32
      %gt3A_769 = vector.broadcast %gt3A_768 : f32 to vector<16xf32>
      %gt3A_770 = arith.cmpf ogt, %gather3A_731, %gt3A_769 : vector<16xf32>
      %jit3A_771 = arith.constant 0.000000e+00 : f32
      %broadcast_in_dim3A_772 = vector.broadcast %jit3A_771 : f32 to vector<16xf32>
      %select_n3A_773 = arith.select %gt3A_770, %mul3A_767, %broadcast_in_dim3A_772 : vector<16xi1>, vector<16xf32>
      %bitcast3A_774 = vector.bitcast %gather3A_732 : vector<16xf32> to vector<16xi32>
      %shift_right_arithmetic3A_775 = arith.constant 1 : i32
      %shift_right_arithmetic3A_776 = vector.broadcast %shift_right_arithmetic3A_775 : i32 to vector<16xi32>
      %shift_right_arithmetic3A_777 = arith.shrsi %bitcast3A_774, %shift_right_arithmetic3A_776 : vector<16xi32>
      %sub3A_778 = arith.constant 1597463007 : i32
      %sub3A_779 = vector.broadcast %sub3A_778 : i32 to vector<16xi32>
      %sub3A_780 = arith.subi %sub3A_779, %shift_right_arithmetic3A_777 : vector<16xi32>
      %bitcast3A_781 = vector.bitcast %sub3A_780 : vector<16xi32> to vector<16xf32>
      %mul3A_782 = arith.constant 5.000000e-01 : f32
      %mul3A_783 = vector.broadcast %mul3A_782 : f32 to vector<16xf32>
      %mul3A_784 = arith.mulf %mul3A_783, %gather3A_732 : vector<16xf32>
      %mul3A_785 = arith.mulf %mul3A_784, %bitcast3A_781 : vector<16xf32>
      %mul3A_786 = arith.mulf %mul3A_785, %bitcast3A_781 : vector<16xf32>
      %sub3A_787 = arith.constant 1.500000e+00 : f32
      %sub3A_788 = vector.broadcast %sub3A_787 : f32 to vector<16xf32>
      %sub3A_789 = arith.subf %sub3A_788, %mul3A_786 : vector<16xf32>
      %mul3A_790 = arith.mulf %bitcast3A_781, %sub3A_789 : vector<16xf32>
      %mul3A_791 = arith.constant 5.000000e-01 : f32
      %mul3A_792 = vector.broadcast %mul3A_791 : f32 to vector<16xf32>
      %mul3A_793 = arith.mulf %mul3A_792, %gather3A_732 : vector<16xf32>
      %mul3A_794 = arith.mulf %mul3A_793, %mul3A_790 : vector<16xf32>
      %mul3A_795 = arith.mulf %mul3A_794, %mul3A_790 : vector<16xf32>
      %sub3A_796 = arith.constant 1.500000e+00 : f32
      %sub3A_797 = vector.broadcast %sub3A_796 : f32 to vector<16xf32>
      %sub3A_798 = arith.subf %sub3A_797, %mul3A_795 : vector<16xf32>
      %mul3A_799 = arith.mulf %mul3A_790, %sub3A_798 : vector<16xf32>
      %mul3A_800 = arith.constant 5.000000e-01 : f32
      %mul3A_801 = vector.broadcast %mul3A_800 : f32 to vector<16xf32>
      %mul3A_802 = arith.mulf %mul3A_801, %gather3A_732 : vector<16xf32>
      %mul3A_803 = arith.mulf %mul3A_802, %mul3A_799 : vector<16xf32>
      %mul3A_804 = arith.mulf %mul3A_803, %mul3A_799 : vector<16xf32>
      %sub3A_805 = arith.constant 1.500000e+00 : f32
      %sub3A_806 = vector.broadcast %sub3A_805 : f32 to vector<16xf32>
      %sub3A_807 = arith.subf %sub3A_806, %mul3A_804 : vector<16xf32>
      %mul3A_808 = arith.mulf %mul3A_799, %sub3A_807 : vector<16xf32>
      %gt3A_809 = arith.constant 5.000000e-01 : f32
      %gt3A_810 = vector.broadcast %gt3A_809 : f32 to vector<16xf32>
      %gt3A_811 = arith.cmpf ogt, %gather3A_732, %gt3A_810 : vector<16xf32>
      %jit3A_812 = arith.constant 0.000000e+00 : f32
      %broadcast_in_dim3A_813 = vector.broadcast %jit3A_812 : f32 to vector<16xf32>
      %select_n3A_814 = arith.select %gt3A_811, %mul3A_808, %broadcast_in_dim3A_813 : vector<16xi1>, vector<16xf32>
      %mul3A_815 = arith.mulf %select_n3A_773, %select_n3A_814 : vector<16xf32>
      %scan3A_816 = arith.constant 0 : i32
      %scan3A_817 = arith.constant 16 : i32
      %scan3A_818 = arith.addi %scan3A_816, %scan3A_817 : i32
      %scan3A_819 = arith.constant 1 : i32
      %scan3A_820 = scf.for %scan3A_1983 = %scan3A_816 to %scan3A_818 step %scan3A_819 iter_args(%scan3A_1984 = %broadcast_in_dim3A_1) -> (vector<16xf32>)  : i32 {
        %mul3A_1985 = arith.constant 16 : i32
        %mul3A_1986 = arith.muli %scan3A_1983, %mul3A_1985 : i32
        %get3A_1987 = arith.constant 4 : i32
        %get3A_1988 = arith.index_cast %get3A_1987 : i32 to index
        %get3A_1989 = arith.index_cast %mul3A_1986 : i32 to index
        %get3A_1990 = tpu.vector_load %arg13[%get3A_1988, %get3A_1989] {strides = array<i32>} : memref<16x256xf32, #tpu.memory_space<vmem>>, vector<16xf32>,
        %mul3A_1991 = arith.constant 16 : i32
        %mul3A_1992 = arith.muli %scan3A_1983, %mul3A_1991 : i32
        %get3A_1993 = arith.constant 4 : i32
        %get3A_1994 = arith.index_cast %get3A_1993 : i32 to index
        %get3A_1995 = arith.index_cast %mul3A_1992 : i32 to index
        %get3A_1996 = tpu.vector_load %arg14[%get3A_1994, %get3A_1995] {strides = array<i32>} : memref<16x256xf32, #tpu.memory_space<vmem>>, vector<16xf32>,
        %sub3A_1997 = arith.subf %get3A_1990, %get3A_1996 : vector<16xf32>
        %mul3A_1998 = arith.mulf %sub3A_1997, %sub3A_1997 : vector<16xf32>
        %add3A_1999 = arith.addf %scan3A_1984, %mul3A_1998 : vector<16xf32>
        scf.yield %add3A_1999 : vector<16xf32>
      }
      %scan3A_821 = arith.constant 16 : i32
      %get3A_822 = arith.constant 0 : index
      %get3A_823 = tpu.vector_load %arg17[%get3A_822] {strides = array<i32>} : memref<16xf32, #tpu.memory_space<vmem>>, vector<16xf32>,
      %mul3A_824 = arith.mulf %mul3A_815, %scan3A_820 : vector<16xf32>
      %add3A_825 = arith.addf %get3A_823, %mul3A_824 : vector<16xf32>
      %swap3A_826 = arith.constant 0 : index
      %swap3A_827 = tpu.vector_load %arg17[%swap3A_826] {strides = array<i32>} : memref<16xf32, #tpu.memory_space<vmem>>, vector<16xf32>,
      tpu.vector_store %arg17[%swap3A_826], %add3A_825 {strides = array<i32>} : memref<16xf32, #tpu.memory_space<vmem>>, vector<16xf32>,
      %mul3A_828 = arith.constant 16 : i32
      %mul3A_829 = arith.muli %add3A_285, %mul3A_828 : i32
      %add3A_830 = arith.constant 5 : i32
      %add3A_831 = arith.addi %mul3A_829, %add3A_830 : i32
      %add3A_832 = vector.broadcast %add3A_831 : i32 to vector<16xi32>
      %add3A_833 = arith.addi %broadcast_in_dim3A_306, %add3A_832 : vector<16xi32>
      %gather3A_834 = tpu.vector_load_idx %arg11[%add3A_833] : memref<10016xi32, #tpu.memory_space<vmem>>[vector<16xi32>], vector<16xi32>,
      %gather3A_835 = tpu.vector_load_idx %arg12[%add3A_833] : memref<10016xi32, #tpu.memory_space<vmem>>[vector<16xi32>], vector<16xi32>,
      %gather3A_836 = tpu.vector_load_idx %arg10[%gather3A_834] : memref<10240xf32, #tpu.memory_space<vmem>>[vector<16xi32>], vector<16xf32>,
      %gather3A_837 = tpu.vector_load_idx %arg10[%gather3A_835] : memref<10240xf32, #tpu.memory_space<vmem>>[vector<16xi32>], vector<16xf32>,
      %bitcast3A_838 = vector.bitcast %gather3A_836 : vector<16xf32> to vector<16xi32>
      %shift_right_arithmetic3A_839 = arith.constant 1 : i32
      %shift_right_arithmetic3A_840 = vector.broadcast %shift_right_arithmetic3A_839 : i32 to vector<16xi32>
      %shift_right_arithmetic3A_841 = arith.shrsi %bitcast3A_838, %shift_right_arithmetic3A_840 : vector<16xi32>
      %sub3A_842 = arith.constant 1597463007 : i32
      %sub3A_843 = vector.broadcast %sub3A_842 : i32 to vector<16xi32>
      %sub3A_844 = arith.subi %sub3A_843, %shift_right_arithmetic3A_841 : vector<16xi32>
      %bitcast3A_845 = vector.bitcast %sub3A_844 : vector<16xi32> to vector<16xf32>
      %mul3A_846 = arith.constant 5.000000e-01 : f32
      %mul3A_847 = vector.broadcast %mul3A_846 : f32 to vector<16xf32>
      %mul3A_848 = arith.mulf %mul3A_847, %gather3A_836 : vector<16xf32>
      %mul3A_849 = arith.mulf %mul3A_848, %bitcast3A_845 : vector<16xf32>
      %mul3A_850 = arith.mulf %mul3A_849, %bitcast3A_845 : vector<16xf32>
      %sub3A_851 = arith.constant 1.500000e+00 : f32
      %sub3A_852 = vector.broadcast %sub3A_851 : f32 to vector<16xf32>
      %sub3A_853 = arith.subf %sub3A_852, %mul3A_850 : vector<16xf32>
      %mul3A_854 = arith.mulf %bitcast3A_845, %sub3A_853 : vector<16xf32>
      %mul3A_855 = arith.constant 5.000000e-01 : f32
      %mul3A_856 = vector.broadcast %mul3A_855 : f32 to vector<16xf32>
      %mul3A_857 = arith.mulf %mul3A_856, %gather3A_836 : vector<16xf32>
      %mul3A_858 = arith.mulf %mul3A_857, %mul3A_854 : vector<16xf32>
      %mul3A_859 = arith.mulf %mul3A_858, %mul3A_854 : vector<16xf32>
      %sub3A_860 = arith.constant 1.500000e+00 : f32
      %sub3A_861 = vector.broadcast %sub3A_860 : f32 to vector<16xf32>
      %sub3A_862 = arith.subf %sub3A_861, %mul3A_859 : vector<16xf32>
      %mul3A_863 = arith.mulf %mul3A_854, %sub3A_862 : vector<16xf32>
      %mul3A_864 = arith.constant 5.000000e-01 : f32
      %mul3A_865 = vector.broadcast %mul3A_864 : f32 to vector<16xf32>
      %mul3A_866 = arith.mulf %mul3A_865, %gather3A_836 : vector<16xf32>
      %mul3A_867 = arith.mulf %mul3A_866, %mul3A_863 : vector<16xf32>
      %mul3A_868 = arith.mulf %mul3A_867, %mul3A_863 : vector<16xf32>
      %sub3A_869 = arith.constant 1.500000e+00 : f32
      %sub3A_870 = vector.broadcast %sub3A_869 : f32 to vector<16xf32>
      %sub3A_871 = arith.subf %sub3A_870, %mul3A_868 : vector<16xf32>
      %mul3A_872 = arith.mulf %mul3A_863, %sub3A_871 : vector<16xf32>
      %gt3A_873 = arith.constant 5.000000e-01 : f32
      %gt3A_874 = vector.broadcast %gt3A_873 : f32 to vector<16xf32>
      %gt3A_875 = arith.cmpf ogt, %gather3A_836, %gt3A_874 : vector<16xf32>
      %jit3A_876 = arith.constant 0.000000e+00 : f32
      %broadcast_in_dim3A_877 = vector.broadcast %jit3A_876 : f32 to vector<16xf32>
      %select_n3A_878 = arith.select %gt3A_875, %mul3A_872, %broadcast_in_dim3A_877 : vector<16xi1>, vector<16xf32>
      %bitcast3A_879 = vector.bitcast %gather3A_837 : vector<16xf32> to vector<16xi32>
      %shift_right_arithmetic3A_880 = arith.constant 1 : i32
      %shift_right_arithmetic3A_881 = vector.broadcast %shift_right_arithmetic3A_880 : i32 to vector<16xi32>
      %shift_right_arithmetic3A_882 = arith.shrsi %bitcast3A_879, %shift_right_arithmetic3A_881 : vector<16xi32>
      %sub3A_883 = arith.constant 1597463007 : i32
      %sub3A_884 = vector.broadcast %sub3A_883 : i32 to vector<16xi32>
      %sub3A_885 = arith.subi %sub3A_884, %shift_right_arithmetic3A_882 : vector<16xi32>
      %bitcast3A_886 = vector.bitcast %sub3A_885 : vector<16xi32> to vector<16xf32>
      %mul3A_887 = arith.constant 5.000000e-01 : f32
      %mul3A_888 = vector.broadcast %mul3A_887 : f32 to vector<16xf32>
      %mul3A_889 = arith.mulf %mul3A_888, %gather3A_837 : vector<16xf32>
      %mul3A_890 = arith.mulf %mul3A_889, %bitcast3A_886 : vector<16xf32>
      %mul3A_891 = arith.mulf %mul3A_890, %bitcast3A_886 : vector<16xf32>
      %sub3A_892 = arith.constant 1.500000e+00 : f32
      %sub3A_893 = vector.broadcast %sub3A_892 : f32 to vector<16xf32>
      %sub3A_894 = arith.subf %sub3A_893, %mul3A_891 : vector<16xf32>
      %mul3A_895 = arith.mulf %bitcast3A_886, %sub3A_894 : vector<16xf32>
      %mul3A_896 = arith.constant 5.000000e-01 : f32
      %mul3A_897 = vector.broadcast %mul3A_896 : f32 to vector<16xf32>
      %mul3A_898 = arith.mulf %mul3A_897, %gather3A_837 : vector<16xf32>
      %mul3A_899 = arith.mulf %mul3A_898, %mul3A_895 : vector<16xf32>
      %mul3A_900 = arith.mulf %mul3A_899, %mul3A_895 : vector<16xf32>
      %sub3A_901 = arith.constant 1.500000e+00 : f32
      %sub3A_902 = vector.broadcast %sub3A_901 : f32 to vector<16xf32>
      %sub3A_903 = arith.subf %sub3A_902, %mul3A_900 : vector<16xf32>
      %mul3A_904 = arith.mulf %mul3A_895, %sub3A_903 : vector<16xf32>
      %mul3A_905 = arith.constant 5.000000e-01 : f32
      %mul3A_906 = vector.broadcast %mul3A_905 : f32 to vector<16xf32>
      %mul3A_907 = arith.mulf %mul3A_906, %gather3A_837 : vector<16xf32>
      %mul3A_908 = arith.mulf %mul3A_907, %mul3A_904 : vector<16xf32>
      %mul3A_909 = arith.mulf %mul3A_908, %mul3A_904 : vector<16xf32>
      %sub3A_910 = arith.constant 1.500000e+00 : f32
      %sub3A_911 = vector.broadcast %sub3A_910 : f32 to vector<16xf32>
      %sub3A_912 = arith.subf %sub3A_911, %mul3A_909 : vector<16xf32>
      %mul3A_913 = arith.mulf %mul3A_904, %sub3A_912 : vector<16xf32>
      %gt3A_914 = arith.constant 5.000000e-01 : f32
      %gt3A_915 = vector.broadcast %gt3A_914 : f32 to vector<16xf32>
      %gt3A_916 = arith.cmpf ogt, %gather3A_837, %gt3A_915 : vector<16xf32>
      %jit3A_917 = arith.constant 0.000000e+00 : f32
      %broadcast_in_dim3A_918 = vector.broadcast %jit3A_917 : f32 to vector<16xf32>
      %select_n3A_919 = arith.select %gt3A_916, %mul3A_913, %broadcast_in_dim3A_918 : vector<16xi1>, vector<16xf32>
      %mul3A_920 = arith.mulf %select_n3A_878, %select_n3A_919 : vector<16xf32>
      %scan3A_921 = arith.constant 0 : i32
      %scan3A_922 = arith.constant 16 : i32
      %scan3A_923 = arith.addi %scan3A_921, %scan3A_922 : i32
      %scan3A_924 = arith.constant 1 : i32
      %scan3A_925 = scf.for %scan3A_1983 = %scan3A_921 to %scan3A_923 step %scan3A_924 iter_args(%scan3A_1984 = %broadcast_in_dim3A_1) -> (vector<16xf32>)  : i32 {
        %mul3A_1985 = arith.constant 16 : i32
        %mul3A_1986 = arith.muli %scan3A_1983, %mul3A_1985 : i32
        %get3A_1987 = arith.constant 5 : i32
        %get3A_1988 = arith.index_cast %get3A_1987 : i32 to index
        %get3A_1989 = arith.index_cast %mul3A_1986 : i32 to index
        %get3A_1990 = tpu.vector_load %arg13[%get3A_1988, %get3A_1989] {strides = array<i32>} : memref<16x256xf32, #tpu.memory_space<vmem>>, vector<16xf32>,
        %mul3A_1991 = arith.constant 16 : i32
        %mul3A_1992 = arith.muli %scan3A_1983, %mul3A_1991 : i32
        %get3A_1993 = arith.constant 5 : i32
        %get3A_1994 = arith.index_cast %get3A_1993 : i32 to index
        %get3A_1995 = arith.index_cast %mul3A_1992 : i32 to index
        %get3A_1996 = tpu.vector_load %arg14[%get3A_1994, %get3A_1995] {strides = array<i32>} : memref<16x256xf32, #tpu.memory_space<vmem>>, vector<16xf32>,
        %sub3A_1997 = arith.subf %get3A_1990, %get3A_1996 : vector<16xf32>
        %mul3A_1998 = arith.mulf %sub3A_1997, %sub3A_1997 : vector<16xf32>
        %add3A_1999 = arith.addf %scan3A_1984, %mul3A_1998 : vector<16xf32>
        scf.yield %add3A_1999 : vector<16xf32>
      }
      %scan3A_926 = arith.constant 16 : i32
      %get3A_927 = arith.constant 0 : index
      %get3A_928 = tpu.vector_load %arg17[%get3A_927] {strides = array<i32>} : memref<16xf32, #tpu.memory_space<vmem>>, vector<16xf32>,
      %mul3A_929 = arith.mulf %mul3A_920, %scan3A_925 : vector<16xf32>
      %add3A_930 = arith.addf %get3A_928, %mul3A_929 : vector<16xf32>
      %swap3A_931 = arith.constant 0 : index
      %swap3A_932 = tpu.vector_load %arg17[%swap3A_931] {strides = array<i32>} : memref<16xf32, #tpu.memory_space<vmem>>, vector<16xf32>,
      tpu.vector_store %arg17[%swap3A_931], %add3A_930 {strides = array<i32>} : memref<16xf32, #tpu.memory_space<vmem>>, vector<16xf32>,
      %mul3A_933 = arith.constant 16 : i32
      %mul3A_934 = arith.muli %add3A_285, %mul3A_933 : i32
      %add3A_935 = arith.constant 6 : i32
      %add3A_936 = arith.addi %mul3A_934, %add3A_935 : i32
      %add3A_937 = vector.broadcast %add3A_936 : i32 to vector<16xi32>
      %add3A_938 = arith.addi %broadcast_in_dim3A_306, %add3A_937 : vector<16xi32>
      %gather3A_939 = tpu.vector_load_idx %arg11[%add3A_938] : memref<10016xi32, #tpu.memory_space<vmem>>[vector<16xi32>], vector<16xi32>,
      %gather3A_940 = tpu.vector_load_idx %arg12[%add3A_938] : memref<10016xi32, #tpu.memory_space<vmem>>[vector<16xi32>], vector<16xi32>,
      %gather3A_941 = tpu.vector_load_idx %arg10[%gather3A_939] : memref<10240xf32, #tpu.memory_space<vmem>>[vector<16xi32>], vector<16xf32>,
      %gather3A_942 = tpu.vector_load_idx %arg10[%gather3A_940] : memref<10240xf32, #tpu.memory_space<vmem>>[vector<16xi32>], vector<16xf32>,
      %bitcast3A_943 = vector.bitcast %gather3A_941 : vector<16xf32> to vector<16xi32>
      %shift_right_arithmetic3A_944 = arith.constant 1 : i32
      %shift_right_arithmetic3A_945 = vector.broadcast %shift_right_arithmetic3A_944 : i32 to vector<16xi32>
      %shift_right_arithmetic3A_946 = arith.shrsi %bitcast3A_943, %shift_right_arithmetic3A_945 : vector<16xi32>
      %sub3A_947 = arith.constant 1597463007 : i32
      %sub3A_948 = vector.broadcast %sub3A_947 : i32 to vector<16xi32>
      %sub3A_949 = arith.subi %sub3A_948, %shift_right_arithmetic3A_946 : vector<16xi32>
      %bitcast3A_950 = vector.bitcast %sub3A_949 : vector<16xi32> to vector<16xf32>
      %mul3A_951 = arith.constant 5.000000e-01 : f32
      %mul3A_952 = vector.broadcast %mul3A_951 : f32 to vector<16xf32>
      %mul3A_953 = arith.mulf %mul3A_952, %gather3A_941 : vector<16xf32>
      %mul3A_954 = arith.mulf %mul3A_953, %bitcast3A_950 : vector<16xf32>
      %mul3A_955 = arith.mulf %mul3A_954, %bitcast3A_950 : vector<16xf32>
      %sub3A_956 = arith.constant 1.500000e+00 : f32
      %sub3A_957 = vector.broadcast %sub3A_956 : f32 to vector<16xf32>
      %sub3A_958 = arith.subf %sub3A_957, %mul3A_955 : vector<16xf32>
      %mul3A_959 = arith.mulf %bitcast3A_950, %sub3A_958 : vector<16xf32>
      %mul3A_960 = arith.constant 5.000000e-01 : f32
      %mul3A_961 = vector.broadcast %mul3A_960 : f32 to vector<16xf32>
      %mul3A_962 = arith.mulf %mul3A_961, %gather3A_941 : vector<16xf32>
      %mul3A_963 = arith.mulf %mul3A_962, %mul3A_959 : vector<16xf32>
      %mul3A_964 = arith.mulf %mul3A_963, %mul3A_959 : vector<16xf32>
      %sub3A_965 = arith.constant 1.500000e+00 : f32
      %sub3A_966 = vector.broadcast %sub3A_965 : f32 to vector<16xf32>
      %sub3A_967 = arith.subf %sub3A_966, %mul3A_964 : vector<16xf32>
      %mul3A_968 = arith.mulf %mul3A_959, %sub3A_967 : vector<16xf32>
      %mul3A_969 = arith.constant 5.000000e-01 : f32
      %mul3A_970 = vector.broadcast %mul3A_969 : f32 to vector<16xf32>
      %mul3A_971 = arith.mulf %mul3A_970, %gather3A_941 : vector<16xf32>
      %mul3A_972 = arith.mulf %mul3A_971, %mul3A_968 : vector<16xf32>
      %mul3A_973 = arith.mulf %mul3A_972, %mul3A_968 : vector<16xf32>
      %sub3A_974 = arith.constant 1.500000e+00 : f32
      %sub3A_975 = vector.broadcast %sub3A_974 : f32 to vector<16xf32>
      %sub3A_976 = arith.subf %sub3A_975, %mul3A_973 : vector<16xf32>
      %mul3A_977 = arith.mulf %mul3A_968, %sub3A_976 : vector<16xf32>
      %gt3A_978 = arith.constant 5.000000e-01 : f32
      %gt3A_979 = vector.broadcast %gt3A_978 : f32 to vector<16xf32>
      %gt3A_980 = arith.cmpf ogt, %gather3A_941, %gt3A_979 : vector<16xf32>
      %jit3A_981 = arith.constant 0.000000e+00 : f32
      %broadcast_in_dim3A_982 = vector.broadcast %jit3A_981 : f32 to vector<16xf32>
      %select_n3A_983 = arith.select %gt3A_980, %mul3A_977, %broadcast_in_dim3A_982 : vector<16xi1>, vector<16xf32>
      %bitcast3A_984 = vector.bitcast %gather3A_942 : vector<16xf32> to vector<16xi32>
      %shift_right_arithmetic3A_985 = arith.constant 1 : i32
      %shift_right_arithmetic3A_986 = vector.broadcast %shift_right_arithmetic3A_985 : i32 to vector<16xi32>
      %shift_right_arithmetic3A_987 = arith.shrsi %bitcast3A_984, %shift_right_arithmetic3A_986 : vector<16xi32>
      %sub3A_988 = arith.constant 1597463007 : i32
      %sub3A_989 = vector.broadcast %sub3A_988 : i32 to vector<16xi32>
      %sub3A_990 = arith.subi %sub3A_989, %shift_right_arithmetic3A_987 : vector<16xi32>
      %bitcast3A_991 = vector.bitcast %sub3A_990 : vector<16xi32> to vector<16xf32>
      %mul3A_992 = arith.constant 5.000000e-01 : f32
      %mul3A_993 = vector.broadcast %mul3A_992 : f32 to vector<16xf32>
      %mul3A_994 = arith.mulf %mul3A_993, %gather3A_942 : vector<16xf32>
      %mul3A_995 = arith.mulf %mul3A_994, %bitcast3A_991 : vector<16xf32>
      %mul3A_996 = arith.mulf %mul3A_995, %bitcast3A_991 : vector<16xf32>
      %sub3A_997 = arith.constant 1.500000e+00 : f32
      %sub3A_998 = vector.broadcast %sub3A_997 : f32 to vector<16xf32>
      %sub3A_999 = arith.subf %sub3A_998, %mul3A_996 : vector<16xf32>
      %mul3A_1000 = arith.mulf %bitcast3A_991, %sub3A_999 : vector<16xf32>
      %mul3A_1001 = arith.constant 5.000000e-01 : f32
      %mul3A_1002 = vector.broadcast %mul3A_1001 : f32 to vector<16xf32>
      %mul3A_1003 = arith.mulf %mul3A_1002, %gather3A_942 : vector<16xf32>
      %mul3A_1004 = arith.mulf %mul3A_1003, %mul3A_1000 : vector<16xf32>
      %mul3A_1005 = arith.mulf %mul3A_1004, %mul3A_1000 : vector<16xf32>
      %sub3A_1006 = arith.constant 1.500000e+00 : f32
      %sub3A_1007 = vector.broadcast %sub3A_1006 : f32 to vector<16xf32>
      %sub3A_1008 = arith.subf %sub3A_1007, %mul3A_1005 : vector<16xf32>
      %mul3A_1009 = arith.mulf %mul3A_1000, %sub3A_1008 : vector<16xf32>
      %mul3A_1010 = arith.constant 5.000000e-01 : f32
      %mul3A_1011 = vector.broadcast %mul3A_1010 : f32 to vector<16xf32>
      %mul3A_1012 = arith.mulf %mul3A_1011, %gather3A_942 : vector<16xf32>
      %mul3A_1013 = arith.mulf %mul3A_1012, %mul3A_1009 : vector<16xf32>
      %mul3A_1014 = arith.mulf %mul3A_1013, %mul3A_1009 : vector<16xf32>
      %sub3A_1015 = arith.constant 1.500000e+00 : f32
      %sub3A_1016 = vector.broadcast %sub3A_1015 : f32 to vector<16xf32>
      %sub3A_1017 = arith.subf %sub3A_1016, %mul3A_1014 : vector<16xf32>
      %mul3A_1018 = arith.mulf %mul3A_1009, %sub3A_1017 : vector<16xf32>
      %gt3A_1019 = arith.constant 5.000000e-01 : f32
      %gt3A_1020 = vector.broadcast %gt3A_1019 : f32 to vector<16xf32>
      %gt3A_1021 = arith.cmpf ogt, %gather3A_942, %gt3A_1020 : vector<16xf32>
      %jit3A_1022 = arith.constant 0.000000e+00 : f32
      %broadcast_in_dim3A_1023 = vector.broadcast %jit3A_1022 : f32 to vector<16xf32>
      %select_n3A_1024 = arith.select %gt3A_1021, %mul3A_1018, %broadcast_in_dim3A_1023 : vector<16xi1>, vector<16xf32>
      %mul3A_1025 = arith.mulf %select_n3A_983, %select_n3A_1024 : vector<16xf32>
      %scan3A_1026 = arith.constant 0 : i32
      %scan3A_1027 = arith.constant 16 : i32
      %scan3A_1028 = arith.addi %scan3A_1026, %scan3A_1027 : i32
      %scan3A_1029 = arith.constant 1 : i32
      %scan3A_1030 = scf.for %scan3A_1983 = %scan3A_1026 to %scan3A_1028 step %scan3A_1029 iter_args(%scan3A_1984 = %broadcast_in_dim3A_1) -> (vector<16xf32>)  : i32 {
        %mul3A_1985 = arith.constant 16 : i32
        %mul3A_1986 = arith.muli %scan3A_1983, %mul3A_1985 : i32
        %get3A_1987 = arith.constant 6 : i32
        %get3A_1988 = arith.index_cast %get3A_1987 : i32 to index
        %get3A_1989 = arith.index_cast %mul3A_1986 : i32 to index
        %get3A_1990 = tpu.vector_load %arg13[%get3A_1988, %get3A_1989] {strides = array<i32>} : memref<16x256xf32, #tpu.memory_space<vmem>>, vector<16xf32>,
        %mul3A_1991 = arith.constant 16 : i32
        %mul3A_1992 = arith.muli %scan3A_1983, %mul3A_1991 : i32
        %get3A_1993 = arith.constant 6 : i32
        %get3A_1994 = arith.index_cast %get3A_1993 : i32 to index
        %get3A_1995 = arith.index_cast %mul3A_1992 : i32 to index
        %get3A_1996 = tpu.vector_load %arg14[%get3A_1994, %get3A_1995] {strides = array<i32>} : memref<16x256xf32, #tpu.memory_space<vmem>>, vector<16xf32>,
        %sub3A_1997 = arith.subf %get3A_1990, %get3A_1996 : vector<16xf32>
        %mul3A_1998 = arith.mulf %sub3A_1997, %sub3A_1997 : vector<16xf32>
        %add3A_1999 = arith.addf %scan3A_1984, %mul3A_1998 : vector<16xf32>
        scf.yield %add3A_1999 : vector<16xf32>
      }
      %scan3A_1031 = arith.constant 16 : i32
      %get3A_1032 = arith.constant 0 : index
      %get3A_1033 = tpu.vector_load %arg17[%get3A_1032] {strides = array<i32>} : memref<16xf32, #tpu.memory_space<vmem>>, vector<16xf32>,
      %mul3A_1034 = arith.mulf %mul3A_1025, %scan3A_1030 : vector<16xf32>
      %add3A_1035 = arith.addf %get3A_1033, %mul3A_1034 : vector<16xf32>
      %swap3A_1036 = arith.constant 0 : index
      %swap3A_1037 = tpu.vector_load %arg17[%swap3A_1036] {strides = array<i32>} : memref<16xf32, #tpu.memory_space<vmem>>, vector<16xf32>,
      tpu.vector_store %arg17[%swap3A_1036], %add3A_1035 {strides = array<i32>} : memref<16xf32, #tpu.memory_space<vmem>>, vector<16xf32>,
      %mul3A_1038 = arith.constant 16 : i32
      %mul3A_1039 = arith.muli %add3A_285, %mul3A_1038 : i32
      %add3A_1040 = arith.constant 7 : i32
      %add3A_1041 = arith.addi %mul3A_1039, %add3A_1040 : i32
      %add3A_1042 = vector.broadcast %add3A_1041 : i32 to vector<16xi32>
      %add3A_1043 = arith.addi %broadcast_in_dim3A_306, %add3A_1042 : vector<16xi32>
      %gather3A_1044 = tpu.vector_load_idx %arg11[%add3A_1043] : memref<10016xi32, #tpu.memory_space<vmem>>[vector<16xi32>], vector<16xi32>,
      %gather3A_1045 = tpu.vector_load_idx %arg12[%add3A_1043] : memref<10016xi32, #tpu.memory_space<vmem>>[vector<16xi32>], vector<16xi32>,
      %gather3A_1046 = tpu.vector_load_idx %arg10[%gather3A_1044] : memref<10240xf32, #tpu.memory_space<vmem>>[vector<16xi32>], vector<16xf32>,
      %gather3A_1047 = tpu.vector_load_idx %arg10[%gather3A_1045] : memref<10240xf32, #tpu.memory_space<vmem>>[vector<16xi32>], vector<16xf32>,
      %bitcast3A_1048 = vector.bitcast %gather3A_1046 : vector<16xf32> to vector<16xi32>
      %shift_right_arithmetic3A_1049 = arith.constant 1 : i32
      %shift_right_arithmetic3A_1050 = vector.broadcast %shift_right_arithmetic3A_1049 : i32 to vector<16xi32>
      %shift_right_arithmetic3A_1051 = arith.shrsi %bitcast3A_1048, %shift_right_arithmetic3A_1050 : vector<16xi32>
      %sub3A_1052 = arith.constant 1597463007 : i32
      %sub3A_1053 = vector.broadcast %sub3A_1052 : i32 to vector<16xi32>
      %sub3A_1054 = arith.subi %sub3A_1053, %shift_right_arithmetic3A_1051 : vector<16xi32>
      %bitcast3A_1055 = vector.bitcast %sub3A_1054 : vector<16xi32> to vector<16xf32>
      %mul3A_1056 = arith.constant 5.000000e-01 : f32
      %mul3A_1057 = vector.broadcast %mul3A_1056 : f32 to vector<16xf32>
      %mul3A_1058 = arith.mulf %mul3A_1057, %gather3A_1046 : vector<16xf32>
      %mul3A_1059 = arith.mulf %mul3A_1058, %bitcast3A_1055 : vector<16xf32>
      %mul3A_1060 = arith.mulf %mul3A_1059, %bitcast3A_1055 : vector<16xf32>
      %sub3A_1061 = arith.constant 1.500000e+00 : f32
      %sub3A_1062 = vector.broadcast %sub3A_1061 : f32 to vector<16xf32>
      %sub3A_1063 = arith.subf %sub3A_1062, %mul3A_1060 : vector<16xf32>
      %mul3A_1064 = arith.mulf %bitcast3A_1055, %sub3A_1063 : vector<16xf32>
      %mul3A_1065 = arith.constant 5.000000e-01 : f32
      %mul3A_1066 = vector.broadcast %mul3A_1065 : f32 to vector<16xf32>
      %mul3A_1067 = arith.mulf %mul3A_1066, %gather3A_1046 : vector<16xf32>
      %mul3A_1068 = arith.mulf %mul3A_1067, %mul3A_1064 : vector<16xf32>
      %mul3A_1069 = arith.mulf %mul3A_1068, %mul3A_1064 : vector<16xf32>
      %sub3A_1070 = arith.constant 1.500000e+00 : f32
      %sub3A_1071 = vector.broadcast %sub3A_1070 : f32 to vector<16xf32>
      %sub3A_1072 = arith.subf %sub3A_1071, %mul3A_1069 : vector<16xf32>
      %mul3A_1073 = arith.mulf %mul3A_1064, %sub3A_1072 : vector<16xf32>
      %mul3A_1074 = arith.constant 5.000000e-01 : f32
      %mul3A_1075 = vector.broadcast %mul3A_1074 : f32 to vector<16xf32>
      %mul3A_1076 = arith.mulf %mul3A_1075, %gather3A_1046 : vector<16xf32>
      %mul3A_1077 = arith.mulf %mul3A_1076, %mul3A_1073 : vector<16xf32>
      %mul3A_1078 = arith.mulf %mul3A_1077, %mul3A_1073 : vector<16xf32>
      %sub3A_1079 = arith.constant 1.500000e+00 : f32
      %sub3A_1080 = vector.broadcast %sub3A_1079 : f32 to vector<16xf32>
      %sub3A_1081 = arith.subf %sub3A_1080, %mul3A_1078 : vector<16xf32>
      %mul3A_1082 = arith.mulf %mul3A_1073, %sub3A_1081 : vector<16xf32>
      %gt3A_1083 = arith.constant 5.000000e-01 : f32
      %gt3A_1084 = vector.broadcast %gt3A_1083 : f32 to vector<16xf32>
      %gt3A_1085 = arith.cmpf ogt, %gather3A_1046, %gt3A_1084 : vector<16xf32>
      %jit3A_1086 = arith.constant 0.000000e+00 : f32
      %broadcast_in_dim3A_1087 = vector.broadcast %jit3A_1086 : f32 to vector<16xf32>
      %select_n3A_1088 = arith.select %gt3A_1085, %mul3A_1082, %broadcast_in_dim3A_1087 : vector<16xi1>, vector<16xf32>
      %bitcast3A_1089 = vector.bitcast %gather3A_1047 : vector<16xf32> to vector<16xi32>
      %shift_right_arithmetic3A_1090 = arith.constant 1 : i32
      %shift_right_arithmetic3A_1091 = vector.broadcast %shift_right_arithmetic3A_1090 : i32 to vector<16xi32>
      %shift_right_arithmetic3A_1092 = arith.shrsi %bitcast3A_1089, %shift_right_arithmetic3A_1091 : vector<16xi32>
      %sub3A_1093 = arith.constant 1597463007 : i32
      %sub3A_1094 = vector.broadcast %sub3A_1093 : i32 to vector<16xi32>
      %sub3A_1095 = arith.subi %sub3A_1094, %shift_right_arithmetic3A_1092 : vector<16xi32>
      %bitcast3A_1096 = vector.bitcast %sub3A_1095 : vector<16xi32> to vector<16xf32>
      %mul3A_1097 = arith.constant 5.000000e-01 : f32
      %mul3A_1098 = vector.broadcast %mul3A_1097 : f32 to vector<16xf32>
      %mul3A_1099 = arith.mulf %mul3A_1098, %gather3A_1047 : vector<16xf32>
      %mul3A_1100 = arith.mulf %mul3A_1099, %bitcast3A_1096 : vector<16xf32>
      %mul3A_1101 = arith.mulf %mul3A_1100, %bitcast3A_1096 : vector<16xf32>
      %sub3A_1102 = arith.constant 1.500000e+00 : f32
      %sub3A_1103 = vector.broadcast %sub3A_1102 : f32 to vector<16xf32>
      %sub3A_1104 = arith.subf %sub3A_1103, %mul3A_1101 : vector<16xf32>
      %mul3A_1105 = arith.mulf %bitcast3A_1096, %sub3A_1104 : vector<16xf32>
      %mul3A_1106 = arith.constant 5.000000e-01 : f32
      %mul3A_1107 = vector.broadcast %mul3A_1106 : f32 to vector<16xf32>
      %mul3A_1108 = arith.mulf %mul3A_1107, %gather3A_1047 : vector<16xf32>
      %mul3A_1109 = arith.mulf %mul3A_1108, %mul3A_1105 : vector<16xf32>
      %mul3A_1110 = arith.mulf %mul3A_1109, %mul3A_1105 : vector<16xf32>
      %sub3A_1111 = arith.constant 1.500000e+00 : f32
      %sub3A_1112 = vector.broadcast %sub3A_1111 : f32 to vector<16xf32>
      %sub3A_1113 = arith.subf %sub3A_1112, %mul3A_1110 : vector<16xf32>
      %mul3A_1114 = arith.mulf %mul3A_1105, %sub3A_1113 : vector<16xf32>
      %mul3A_1115 = arith.constant 5.000000e-01 : f32
      %mul3A_1116 = vector.broadcast %mul3A_1115 : f32 to vector<16xf32>
      %mul3A_1117 = arith.mulf %mul3A_1116, %gather3A_1047 : vector<16xf32>
      %mul3A_1118 = arith.mulf %mul3A_1117, %mul3A_1114 : vector<16xf32>
      %mul3A_1119 = arith.mulf %mul3A_1118, %mul3A_1114 : vector<16xf32>
      %sub3A_1120 = arith.constant 1.500000e+00 : f32
      %sub3A_1121 = vector.broadcast %sub3A_1120 : f32 to vector<16xf32>
      %sub3A_1122 = arith.subf %sub3A_1121, %mul3A_1119 : vector<16xf32>
      %mul3A_1123 = arith.mulf %mul3A_1114, %sub3A_1122 : vector<16xf32>
      %gt3A_1124 = arith.constant 5.000000e-01 : f32
      %gt3A_1125 = vector.broadcast %gt3A_1124 : f32 to vector<16xf32>
      %gt3A_1126 = arith.cmpf ogt, %gather3A_1047, %gt3A_1125 : vector<16xf32>
      %jit3A_1127 = arith.constant 0.000000e+00 : f32
      %broadcast_in_dim3A_1128 = vector.broadcast %jit3A_1127 : f32 to vector<16xf32>
      %select_n3A_1129 = arith.select %gt3A_1126, %mul3A_1123, %broadcast_in_dim3A_1128 : vector<16xi1>, vector<16xf32>
      %mul3A_1130 = arith.mulf %select_n3A_1088, %select_n3A_1129 : vector<16xf32>
      %scan3A_1131 = arith.constant 0 : i32
      %scan3A_1132 = arith.constant 16 : i32
      %scan3A_1133 = arith.addi %scan3A_1131, %scan3A_1132 : i32
      %scan3A_1134 = arith.constant 1 : i32
      %scan3A_1135 = scf.for %scan3A_1983 = %scan3A_1131 to %scan3A_1133 step %scan3A_1134 iter_args(%scan3A_1984 = %broadcast_in_dim3A_1) -> (vector<16xf32>)  : i32 {
        %mul3A_1985 = arith.constant 16 : i32
        %mul3A_1986 = arith.muli %scan3A_1983, %mul3A_1985 : i32
        %get3A_1987 = arith.constant 7 : i32
        %get3A_1988 = arith.index_cast %get3A_1987 : i32 to index
        %get3A_1989 = arith.index_cast %mul3A_1986 : i32 to index
        %get3A_1990 = tpu.vector_load %arg13[%get3A_1988, %get3A_1989] {strides = array<i32>} : memref<16x256xf32, #tpu.memory_space<vmem>>, vector<16xf32>,
        %mul3A_1991 = arith.constant 16 : i32
        %mul3A_1992 = arith.muli %scan3A_1983, %mul3A_1991 : i32
        %get3A_1993 = arith.constant 7 : i32
        %get3A_1994 = arith.index_cast %get3A_1993 : i32 to index
        %get3A_1995 = arith.index_cast %mul3A_1992 : i32 to index
        %get3A_1996 = tpu.vector_load %arg14[%get3A_1994, %get3A_1995] {strides = array<i32>} : memref<16x256xf32, #tpu.memory_space<vmem>>, vector<16xf32>,
        %sub3A_1997 = arith.subf %get3A_1990, %get3A_1996 : vector<16xf32>
        %mul3A_1998 = arith.mulf %sub3A_1997, %sub3A_1997 : vector<16xf32>
        %add3A_1999 = arith.addf %scan3A_1984, %mul3A_1998 : vector<16xf32>
        scf.yield %add3A_1999 : vector<16xf32>
      }
      %scan3A_1136 = arith.constant 16 : i32
      %get3A_1137 = arith.constant 0 : index
      %get3A_1138 = tpu.vector_load %arg17[%get3A_1137] {strides = array<i32>} : memref<16xf32, #tpu.memory_space<vmem>>, vector<16xf32>,
      %mul3A_1139 = arith.mulf %mul3A_1130, %scan3A_1135 : vector<16xf32>
      %add3A_1140 = arith.addf %get3A_1138, %mul3A_1139 : vector<16xf32>
      %swap3A_1141 = arith.constant 0 : index
      %swap3A_1142 = tpu.vector_load %arg17[%swap3A_1141] {strides = array<i32>} : memref<16xf32, #tpu.memory_space<vmem>>, vector<16xf32>,
      tpu.vector_store %arg17[%swap3A_1141], %add3A_1140 {strides = array<i32>} : memref<16xf32, #tpu.memory_space<vmem>>, vector<16xf32>,
      %mul3A_1143 = arith.constant 16 : i32
      %mul3A_1144 = arith.muli %add3A_285, %mul3A_1143 : i32
      %add3A_1145 = arith.constant 8 : i32
      %add3A_1146 = arith.addi %mul3A_1144, %add3A_1145 : i32
      %add3A_1147 = vector.broadcast %add3A_1146 : i32 to vector<16xi32>
      %add3A_1148 = arith.addi %broadcast_in_dim3A_306, %add3A_1147 : vector<16xi32>
      %gather3A_1149 = tpu.vector_load_idx %arg11[%add3A_1148] : memref<10016xi32, #tpu.memory_space<vmem>>[vector<16xi32>], vector<16xi32>,
      %gather3A_1150 = tpu.vector_load_idx %arg12[%add3A_1148] : memref<10016xi32, #tpu.memory_space<vmem>>[vector<16xi32>], vector<16xi32>,
      %gather3A_1151 = tpu.vector_load_idx %arg10[%gather3A_1149] : memref<10240xf32, #tpu.memory_space<vmem>>[vector<16xi32>], vector<16xf32>,
      %gather3A_1152 = tpu.vector_load_idx %arg10[%gather3A_1150] : memref<10240xf32, #tpu.memory_space<vmem>>[vector<16xi32>], vector<16xf32>,
      %bitcast3A_1153 = vector.bitcast %gather3A_1151 : vector<16xf32> to vector<16xi32>
      %shift_right_arithmetic3A_1154 = arith.constant 1 : i32
      %shift_right_arithmetic3A_1155 = vector.broadcast %shift_right_arithmetic3A_1154 : i32 to vector<16xi32>
      %shift_right_arithmetic3A_1156 = arith.shrsi %bitcast3A_1153, %shift_right_arithmetic3A_1155 : vector<16xi32>
      %sub3A_1157 = arith.constant 1597463007 : i32
      %sub3A_1158 = vector.broadcast %sub3A_1157 : i32 to vector<16xi32>
      %sub3A_1159 = arith.subi %sub3A_1158, %shift_right_arithmetic3A_1156 : vector<16xi32>
      %bitcast3A_1160 = vector.bitcast %sub3A_1159 : vector<16xi32> to vector<16xf32>
      %mul3A_1161 = arith.constant 5.000000e-01 : f32
      %mul3A_1162 = vector.broadcast %mul3A_1161 : f32 to vector<16xf32>
      %mul3A_1163 = arith.mulf %mul3A_1162, %gather3A_1151 : vector<16xf32>
      %mul3A_1164 = arith.mulf %mul3A_1163, %bitcast3A_1160 : vector<16xf32>
      %mul3A_1165 = arith.mulf %mul3A_1164, %bitcast3A_1160 : vector<16xf32>
      %sub3A_1166 = arith.constant 1.500000e+00 : f32
      %sub3A_1167 = vector.broadcast %sub3A_1166 : f32 to vector<16xf32>
      %sub3A_1168 = arith.subf %sub3A_1167, %mul3A_1165 : vector<16xf32>
      %mul3A_1169 = arith.mulf %bitcast3A_1160, %sub3A_1168 : vector<16xf32>
      %mul3A_1170 = arith.constant 5.000000e-01 : f32
      %mul3A_1171 = vector.broadcast %mul3A_1170 : f32 to vector<16xf32>
      %mul3A_1172 = arith.mulf %mul3A_1171, %gather3A_1151 : vector<16xf32>
      %mul3A_1173 = arith.mulf %mul3A_1172, %mul3A_1169 : vector<16xf32>
      %mul3A_1174 = arith.mulf %mul3A_1173, %mul3A_1169 : vector<16xf32>
      %sub3A_1175 = arith.constant 1.500000e+00 : f32
      %sub3A_1176 = vector.broadcast %sub3A_1175 : f32 to vector<16xf32>
      %sub3A_1177 = arith.subf %sub3A_1176, %mul3A_1174 : vector<16xf32>
      %mul3A_1178 = arith.mulf %mul3A_1169, %sub3A_1177 : vector<16xf32>
      %mul3A_1179 = arith.constant 5.000000e-01 : f32
      %mul3A_1180 = vector.broadcast %mul3A_1179 : f32 to vector<16xf32>
      %mul3A_1181 = arith.mulf %mul3A_1180, %gather3A_1151 : vector<16xf32>
      %mul3A_1182 = arith.mulf %mul3A_1181, %mul3A_1178 : vector<16xf32>
      %mul3A_1183 = arith.mulf %mul3A_1182, %mul3A_1178 : vector<16xf32>
      %sub3A_1184 = arith.constant 1.500000e+00 : f32
      %sub3A_1185 = vector.broadcast %sub3A_1184 : f32 to vector<16xf32>
      %sub3A_1186 = arith.subf %sub3A_1185, %mul3A_1183 : vector<16xf32>
      %mul3A_1187 = arith.mulf %mul3A_1178, %sub3A_1186 : vector<16xf32>
      %gt3A_1188 = arith.constant 5.000000e-01 : f32
      %gt3A_1189 = vector.broadcast %gt3A_1188 : f32 to vector<16xf32>
      %gt3A_1190 = arith.cmpf ogt, %gather3A_1151, %gt3A_1189 : vector<16xf32>
      %jit3A_1191 = arith.constant 0.000000e+00 : f32
      %broadcast_in_dim3A_1192 = vector.broadcast %jit3A_1191 : f32 to vector<16xf32>
      %select_n3A_1193 = arith.select %gt3A_1190, %mul3A_1187, %broadcast_in_dim3A_1192 : vector<16xi1>, vector<16xf32>
      %bitcast3A_1194 = vector.bitcast %gather3A_1152 : vector<16xf32> to vector<16xi32>
      %shift_right_arithmetic3A_1195 = arith.constant 1 : i32
      %shift_right_arithmetic3A_1196 = vector.broadcast %shift_right_arithmetic3A_1195 : i32 to vector<16xi32>
      %shift_right_arithmetic3A_1197 = arith.shrsi %bitcast3A_1194, %shift_right_arithmetic3A_1196 : vector<16xi32>
      %sub3A_1198 = arith.constant 1597463007 : i32
      %sub3A_1199 = vector.broadcast %sub3A_1198 : i32 to vector<16xi32>
      %sub3A_1200 = arith.subi %sub3A_1199, %shift_right_arithmetic3A_1197 : vector<16xi32>
      %bitcast3A_1201 = vector.bitcast %sub3A_1200 : vector<16xi32> to vector<16xf32>
      %mul3A_1202 = arith.constant 5.000000e-01 : f32
      %mul3A_1203 = vector.broadcast %mul3A_1202 : f32 to vector<16xf32>
      %mul3A_1204 = arith.mulf %mul3A_1203, %gather3A_1152 : vector<16xf32>
      %mul3A_1205 = arith.mulf %mul3A_1204, %bitcast3A_1201 : vector<16xf32>
      %mul3A_1206 = arith.mulf %mul3A_1205, %bitcast3A_1201 : vector<16xf32>
      %sub3A_1207 = arith.constant 1.500000e+00 : f32
      %sub3A_1208 = vector.broadcast %sub3A_1207 : f32 to vector<16xf32>
      %sub3A_1209 = arith.subf %sub3A_1208, %mul3A_1206 : vector<16xf32>
      %mul3A_1210 = arith.mulf %bitcast3A_1201, %sub3A_1209 : vector<16xf32>
      %mul3A_1211 = arith.constant 5.000000e-01 : f32
      %mul3A_1212 = vector.broadcast %mul3A_1211 : f32 to vector<16xf32>
      %mul3A_1213 = arith.mulf %mul3A_1212, %gather3A_1152 : vector<16xf32>
      %mul3A_1214 = arith.mulf %mul3A_1213, %mul3A_1210 : vector<16xf32>
      %mul3A_1215 = arith.mulf %mul3A_1214, %mul3A_1210 : vector<16xf32>
      %sub3A_1216 = arith.constant 1.500000e+00 : f32
      %sub3A_1217 = vector.broadcast %sub3A_1216 : f32 to vector<16xf32>
      %sub3A_1218 = arith.subf %sub3A_1217, %mul3A_1215 : vector<16xf32>
      %mul3A_1219 = arith.mulf %mul3A_1210, %sub3A_1218 : vector<16xf32>
      %mul3A_1220 = arith.constant 5.000000e-01 : f32
      %mul3A_1221 = vector.broadcast %mul3A_1220 : f32 to vector<16xf32>
      %mul3A_1222 = arith.mulf %mul3A_1221, %gather3A_1152 : vector<16xf32>
      %mul3A_1223 = arith.mulf %mul3A_1222, %mul3A_1219 : vector<16xf32>
      %mul3A_1224 = arith.mulf %mul3A_1223, %mul3A_1219 : vector<16xf32>
      %sub3A_1225 = arith.constant 1.500000e+00 : f32
      %sub3A_1226 = vector.broadcast %sub3A_1225 : f32 to vector<16xf32>
      %sub3A_1227 = arith.subf %sub3A_1226, %mul3A_1224 : vector<16xf32>
      %mul3A_1228 = arith.mulf %mul3A_1219, %sub3A_1227 : vector<16xf32>
      %gt3A_1229 = arith.constant 5.000000e-01 : f32
      %gt3A_1230 = vector.broadcast %gt3A_1229 : f32 to vector<16xf32>
      %gt3A_1231 = arith.cmpf ogt, %gather3A_1152, %gt3A_1230 : vector<16xf32>
      %jit3A_1232 = arith.constant 0.000000e+00 : f32
      %broadcast_in_dim3A_1233 = vector.broadcast %jit3A_1232 : f32 to vector<16xf32>
      %select_n3A_1234 = arith.select %gt3A_1231, %mul3A_1228, %broadcast_in_dim3A_1233 : vector<16xi1>, vector<16xf32>
      %mul3A_1235 = arith.mulf %select_n3A_1193, %select_n3A_1234 : vector<16xf32>
      %scan3A_1236 = arith.constant 0 : i32
      %scan3A_1237 = arith.constant 16 : i32
      %scan3A_1238 = arith.addi %scan3A_1236, %scan3A_1237 : i32
      %scan3A_1239 = arith.constant 1 : i32
      %scan3A_1240 = scf.for %scan3A_1983 = %scan3A_1236 to %scan3A_1238 step %scan3A_1239 iter_args(%scan3A_1984 = %broadcast_in_dim3A_1) -> (vector<16xf32>)  : i32 {
        %mul3A_1985 = arith.constant 16 : i32
        %mul3A_1986 = arith.muli %scan3A_1983, %mul3A_1985 : i32
        %get3A_1987 = arith.constant 8 : i32
        %get3A_1988 = arith.index_cast %get3A_1987 : i32 to index
        %get3A_1989 = arith.index_cast %mul3A_1986 : i32 to index
        %get3A_1990 = tpu.vector_load %arg13[%get3A_1988, %get3A_1989] {strides = array<i32>} : memref<16x256xf32, #tpu.memory_space<vmem>>, vector<16xf32>,
        %mul3A_1991 = arith.constant 16 : i32
        %mul3A_1992 = arith.muli %scan3A_1983, %mul3A_1991 : i32
        %get3A_1993 = arith.constant 8 : i32
        %get3A_1994 = arith.index_cast %get3A_1993 : i32 to index
        %get3A_1995 = arith.index_cast %mul3A_1992 : i32 to index
        %get3A_1996 = tpu.vector_load %arg14[%get3A_1994, %get3A_1995] {strides = array<i32>} : memref<16x256xf32, #tpu.memory_space<vmem>>, vector<16xf32>,
        %sub3A_1997 = arith.subf %get3A_1990, %get3A_1996 : vector<16xf32>
        %mul3A_1998 = arith.mulf %sub3A_1997, %sub3A_1997 : vector<16xf32>
        %add3A_1999 = arith.addf %scan3A_1984, %mul3A_1998 : vector<16xf32>
        scf.yield %add3A_1999 : vector<16xf32>
      }
      %scan3A_1241 = arith.constant 16 : i32
      %get3A_1242 = arith.constant 0 : index
      %get3A_1243 = tpu.vector_load %arg17[%get3A_1242] {strides = array<i32>} : memref<16xf32, #tpu.memory_space<vmem>>, vector<16xf32>,
      %mul3A_1244 = arith.mulf %mul3A_1235, %scan3A_1240 : vector<16xf32>
      %add3A_1245 = arith.addf %get3A_1243, %mul3A_1244 : vector<16xf32>
      %swap3A_1246 = arith.constant 0 : index
      %swap3A_1247 = tpu.vector_load %arg17[%swap3A_1246] {strides = array<i32>} : memref<16xf32, #tpu.memory_space<vmem>>, vector<16xf32>,
      tpu.vector_store %arg17[%swap3A_1246], %add3A_1245 {strides = array<i32>} : memref<16xf32, #tpu.memory_space<vmem>>, vector<16xf32>,
      %mul3A_1248 = arith.constant 16 : i32
      %mul3A_1249 = arith.muli %add3A_285, %mul3A_1248 : i32
      %add3A_1250 = arith.constant 9 : i32
      %add3A_1251 = arith.addi %mul3A_1249, %add3A_1250 : i32
      %add3A_1252 = vector.broadcast %add3A_1251 : i32 to vector<16xi32>
      %add3A_1253 = arith.addi %broadcast_in_dim3A_306, %add3A_1252 : vector<16xi32>
      %gather3A_1254 = tpu.vector_load_idx %arg11[%add3A_1253] : memref<10016xi32, #tpu.memory_space<vmem>>[vector<16xi32>], vector<16xi32>,
      %gather3A_1255 = tpu.vector_load_idx %arg12[%add3A_1253] : memref<10016xi32, #tpu.memory_space<vmem>>[vector<16xi32>], vector<16xi32>,
      %gather3A_1256 = tpu.vector_load_idx %arg10[%gather3A_1254] : memref<10240xf32, #tpu.memory_space<vmem>>[vector<16xi32>], vector<16xf32>,
      %gather3A_1257 = tpu.vector_load_idx %arg10[%gather3A_1255] : memref<10240xf32, #tpu.memory_space<vmem>>[vector<16xi32>], vector<16xf32>,
      %bitcast3A_1258 = vector.bitcast %gather3A_1256 : vector<16xf32> to vector<16xi32>
      %shift_right_arithmetic3A_1259 = arith.constant 1 : i32
      %shift_right_arithmetic3A_1260 = vector.broadcast %shift_right_arithmetic3A_1259 : i32 to vector<16xi32>
      %shift_right_arithmetic3A_1261 = arith.shrsi %bitcast3A_1258, %shift_right_arithmetic3A_1260 : vector<16xi32>
      %sub3A_1262 = arith.constant 1597463007 : i32
      %sub3A_1263 = vector.broadcast %sub3A_1262 : i32 to vector<16xi32>
      %sub3A_1264 = arith.subi %sub3A_1263, %shift_right_arithmetic3A_1261 : vector<16xi32>
      %bitcast3A_1265 = vector.bitcast %sub3A_1264 : vector<16xi32> to vector<16xf32>
      %mul3A_1266 = arith.constant 5.000000e-01 : f32
      %mul3A_1267 = vector.broadcast %mul3A_1266 : f32 to vector<16xf32>
      %mul3A_1268 = arith.mulf %mul3A_1267, %gather3A_1256 : vector<16xf32>
      %mul3A_1269 = arith.mulf %mul3A_1268, %bitcast3A_1265 : vector<16xf32>
      %mul3A_1270 = arith.mulf %mul3A_1269, %bitcast3A_1265 : vector<16xf32>
      %sub3A_1271 = arith.constant 1.500000e+00 : f32
      %sub3A_1272 = vector.broadcast %sub3A_1271 : f32 to vector<16xf32>
      %sub3A_1273 = arith.subf %sub3A_1272, %mul3A_1270 : vector<16xf32>
      %mul3A_1274 = arith.mulf %bitcast3A_1265, %sub3A_1273 : vector<16xf32>
      %mul3A_1275 = arith.constant 5.000000e-01 : f32
      %mul3A_1276 = vector.broadcast %mul3A_1275 : f32 to vector<16xf32>
      %mul3A_1277 = arith.mulf %mul3A_1276, %gather3A_1256 : vector<16xf32>
      %mul3A_1278 = arith.mulf %mul3A_1277, %mul3A_1274 : vector<16xf32>
      %mul3A_1279 = arith.mulf %mul3A_1278, %mul3A_1274 : vector<16xf32>
      %sub3A_1280 = arith.constant 1.500000e+00 : f32
      %sub3A_1281 = vector.broadcast %sub3A_1280 : f32 to vector<16xf32>
      %sub3A_1282 = arith.subf %sub3A_1281, %mul3A_1279 : vector<16xf32>
      %mul3A_1283 = arith.mulf %mul3A_1274, %sub3A_1282 : vector<16xf32>
      %mul3A_1284 = arith.constant 5.000000e-01 : f32
      %mul3A_1285 = vector.broadcast %mul3A_1284 : f32 to vector<16xf32>
      %mul3A_1286 = arith.mulf %mul3A_1285, %gather3A_1256 : vector<16xf32>
      %mul3A_1287 = arith.mulf %mul3A_1286, %mul3A_1283 : vector<16xf32>
      %mul3A_1288 = arith.mulf %mul3A_1287, %mul3A_1283 : vector<16xf32>
      %sub3A_1289 = arith.constant 1.500000e+00 : f32
      %sub3A_1290 = vector.broadcast %sub3A_1289 : f32 to vector<16xf32>
      %sub3A_1291 = arith.subf %sub3A_1290, %mul3A_1288 : vector<16xf32>
      %mul3A_1292 = arith.mulf %mul3A_1283, %sub3A_1291 : vector<16xf32>
      %gt3A_1293 = arith.constant 5.000000e-01 : f32
      %gt3A_1294 = vector.broadcast %gt3A_1293 : f32 to vector<16xf32>
      %gt3A_1295 = arith.cmpf ogt, %gather3A_1256, %gt3A_1294 : vector<16xf32>
      %jit3A_1296 = arith.constant 0.000000e+00 : f32
      %broadcast_in_dim3A_1297 = vector.broadcast %jit3A_1296 : f32 to vector<16xf32>
      %select_n3A_1298 = arith.select %gt3A_1295, %mul3A_1292, %broadcast_in_dim3A_1297 : vector<16xi1>, vector<16xf32>
      %bitcast3A_1299 = vector.bitcast %gather3A_1257 : vector<16xf32> to vector<16xi32>
      %shift_right_arithmetic3A_1300 = arith.constant 1 : i32
      %shift_right_arithmetic3A_1301 = vector.broadcast %shift_right_arithmetic3A_1300 : i32 to vector<16xi32>
      %shift_right_arithmetic3A_1302 = arith.shrsi %bitcast3A_1299, %shift_right_arithmetic3A_1301 : vector<16xi32>
      %sub3A_1303 = arith.constant 1597463007 : i32
      %sub3A_1304 = vector.broadcast %sub3A_1303 : i32 to vector<16xi32>
      %sub3A_1305 = arith.subi %sub3A_1304, %shift_right_arithmetic3A_1302 : vector<16xi32>
      %bitcast3A_1306 = vector.bitcast %sub3A_1305 : vector<16xi32> to vector<16xf32>
      %mul3A_1307 = arith.constant 5.000000e-01 : f32
      %mul3A_1308 = vector.broadcast %mul3A_1307 : f32 to vector<16xf32>
      %mul3A_1309 = arith.mulf %mul3A_1308, %gather3A_1257 : vector<16xf32>
      %mul3A_1310 = arith.mulf %mul3A_1309, %bitcast3A_1306 : vector<16xf32>
      %mul3A_1311 = arith.mulf %mul3A_1310, %bitcast3A_1306 : vector<16xf32>
      %sub3A_1312 = arith.constant 1.500000e+00 : f32
      %sub3A_1313 = vector.broadcast %sub3A_1312 : f32 to vector<16xf32>
      %sub3A_1314 = arith.subf %sub3A_1313, %mul3A_1311 : vector<16xf32>
      %mul3A_1315 = arith.mulf %bitcast3A_1306, %sub3A_1314 : vector<16xf32>
      %mul3A_1316 = arith.constant 5.000000e-01 : f32
      %mul3A_1317 = vector.broadcast %mul3A_1316 : f32 to vector<16xf32>
      %mul3A_1318 = arith.mulf %mul3A_1317, %gather3A_1257 : vector<16xf32>
      %mul3A_1319 = arith.mulf %mul3A_1318, %mul3A_1315 : vector<16xf32>
      %mul3A_1320 = arith.mulf %mul3A_1319, %mul3A_1315 : vector<16xf32>
      %sub3A_1321 = arith.constant 1.500000e+00 : f32
      %sub3A_1322 = vector.broadcast %sub3A_1321 : f32 to vector<16xf32>
      %sub3A_1323 = arith.subf %sub3A_1322, %mul3A_1320 : vector<16xf32>
      %mul3A_1324 = arith.mulf %mul3A_1315, %sub3A_1323 : vector<16xf32>
      %mul3A_1325 = arith.constant 5.000000e-01 : f32
      %mul3A_1326 = vector.broadcast %mul3A_1325 : f32 to vector<16xf32>
      %mul3A_1327 = arith.mulf %mul3A_1326, %gather3A_1257 : vector<16xf32>
      %mul3A_1328 = arith.mulf %mul3A_1327, %mul3A_1324 : vector<16xf32>
      %mul3A_1329 = arith.mulf %mul3A_1328, %mul3A_1324 : vector<16xf32>
      %sub3A_1330 = arith.constant 1.500000e+00 : f32
      %sub3A_1331 = vector.broadcast %sub3A_1330 : f32 to vector<16xf32>
      %sub3A_1332 = arith.subf %sub3A_1331, %mul3A_1329 : vector<16xf32>
      %mul3A_1333 = arith.mulf %mul3A_1324, %sub3A_1332 : vector<16xf32>
      %gt3A_1334 = arith.constant 5.000000e-01 : f32
      %gt3A_1335 = vector.broadcast %gt3A_1334 : f32 to vector<16xf32>
      %gt3A_1336 = arith.cmpf ogt, %gather3A_1257, %gt3A_1335 : vector<16xf32>
      %jit3A_1337 = arith.constant 0.000000e+00 : f32
      %broadcast_in_dim3A_1338 = vector.broadcast %jit3A_1337 : f32 to vector<16xf32>
      %select_n3A_1339 = arith.select %gt3A_1336, %mul3A_1333, %broadcast_in_dim3A_1338 : vector<16xi1>, vector<16xf32>
      %mul3A_1340 = arith.mulf %select_n3A_1298, %select_n3A_1339 : vector<16xf32>
      %scan3A_1341 = arith.constant 0 : i32
      %scan3A_1342 = arith.constant 16 : i32
      %scan3A_1343 = arith.addi %scan3A_1341, %scan3A_1342 : i32
      %scan3A_1344 = arith.constant 1 : i32
      %scan3A_1345 = scf.for %scan3A_1983 = %scan3A_1341 to %scan3A_1343 step %scan3A_1344 iter_args(%scan3A_1984 = %broadcast_in_dim3A_1) -> (vector<16xf32>)  : i32 {
        %mul3A_1985 = arith.constant 16 : i32
        %mul3A_1986 = arith.muli %scan3A_1983, %mul3A_1985 : i32
        %get3A_1987 = arith.constant 9 : i32
        %get3A_1988 = arith.index_cast %get3A_1987 : i32 to index
        %get3A_1989 = arith.index_cast %mul3A_1986 : i32 to index
        %get3A_1990 = tpu.vector_load %arg13[%get3A_1988, %get3A_1989] {strides = array<i32>} : memref<16x256xf32, #tpu.memory_space<vmem>>, vector<16xf32>,
        %mul3A_1991 = arith.constant 16 : i32
        %mul3A_1992 = arith.muli %scan3A_1983, %mul3A_1991 : i32
        %get3A_1993 = arith.constant 9 : i32
        %get3A_1994 = arith.index_cast %get3A_1993 : i32 to index
        %get3A_1995 = arith.index_cast %mul3A_1992 : i32 to index
        %get3A_1996 = tpu.vector_load %arg14[%get3A_1994, %get3A_1995] {strides = array<i32>} : memref<16x256xf32, #tpu.memory_space<vmem>>, vector<16xf32>,
        %sub3A_1997 = arith.subf %get3A_1990, %get3A_1996 : vector<16xf32>
        %mul3A_1998 = arith.mulf %sub3A_1997, %sub3A_1997 : vector<16xf32>
        %add3A_1999 = arith.addf %scan3A_1984, %mul3A_1998 : vector<16xf32>
        scf.yield %add3A_1999 : vector<16xf32>
      }
      %scan3A_1346 = arith.constant 16 : i32
      %get3A_1347 = arith.constant 0 : index
      %get3A_1348 = tpu.vector_load %arg17[%get3A_1347] {strides = array<i32>} : memref<16xf32, #tpu.memory_space<vmem>>, vector<16xf32>,
      %mul3A_1349 = arith.mulf %mul3A_1340, %scan3A_1345 : vector<16xf32>
      %add3A_1350 = arith.addf %get3A_1348, %mul3A_1349 : vector<16xf32>
      %swap3A_1351 = arith.constant 0 : index
      %swap3A_1352 = tpu.vector_load %arg17[%swap3A_1351] {strides = array<i32>} : memref<16xf32, #tpu.memory_space<vmem>>, vector<16xf32>,
      tpu.vector_store %arg17[%swap3A_1351], %add3A_1350 {strides = array<i32>} : memref<16xf32, #tpu.memory_space<vmem>>, vector<16xf32>,
      %mul3A_1353 = arith.constant 16 : i32
      %mul3A_1354 = arith.muli %add3A_285, %mul3A_1353 : i32
      %add3A_1355 = arith.constant 10 : i32
      %add3A_1356 = arith.addi %mul3A_1354, %add3A_1355 : i32
      %add3A_1357 = vector.broadcast %add3A_1356 : i32 to vector<16xi32>
      %add3A_1358 = arith.addi %broadcast_in_dim3A_306, %add3A_1357 : vector<16xi32>
      %gather3A_1359 = tpu.vector_load_idx %arg11[%add3A_1358] : memref<10016xi32, #tpu.memory_space<vmem>>[vector<16xi32>], vector<16xi32>,
      %gather3A_1360 = tpu.vector_load_idx %arg12[%add3A_1358] : memref<10016xi32, #tpu.memory_space<vmem>>[vector<16xi32>], vector<16xi32>,
      %gather3A_1361 = tpu.vector_load_idx %arg10[%gather3A_1359] : memref<10240xf32, #tpu.memory_space<vmem>>[vector<16xi32>], vector<16xf32>,
      %gather3A_1362 = tpu.vector_load_idx %arg10[%gather3A_1360] : memref<10240xf32, #tpu.memory_space<vmem>>[vector<16xi32>], vector<16xf32>,
      %bitcast3A_1363 = vector.bitcast %gather3A_1361 : vector<16xf32> to vector<16xi32>
      %shift_right_arithmetic3A_1364 = arith.constant 1 : i32
      %shift_right_arithmetic3A_1365 = vector.broadcast %shift_right_arithmetic3A_1364 : i32 to vector<16xi32>
      %shift_right_arithmetic3A_1366 = arith.shrsi %bitcast3A_1363, %shift_right_arithmetic3A_1365 : vector<16xi32>
      %sub3A_1367 = arith.constant 1597463007 : i32
      %sub3A_1368 = vector.broadcast %sub3A_1367 : i32 to vector<16xi32>
      %sub3A_1369 = arith.subi %sub3A_1368, %shift_right_arithmetic3A_1366 : vector<16xi32>
      %bitcast3A_1370 = vector.bitcast %sub3A_1369 : vector<16xi32> to vector<16xf32>
      %mul3A_1371 = arith.constant 5.000000e-01 : f32
      %mul3A_1372 = vector.broadcast %mul3A_1371 : f32 to vector<16xf32>
      %mul3A_1373 = arith.mulf %mul3A_1372, %gather3A_1361 : vector<16xf32>
      %mul3A_1374 = arith.mulf %mul3A_1373, %bitcast3A_1370 : vector<16xf32>
      %mul3A_1375 = arith.mulf %mul3A_1374, %bitcast3A_1370 : vector<16xf32>
      %sub3A_1376 = arith.constant 1.500000e+00 : f32
      %sub3A_1377 = vector.broadcast %sub3A_1376 : f32 to vector<16xf32>
      %sub3A_1378 = arith.subf %sub3A_1377, %mul3A_1375 : vector<16xf32>
      %mul3A_1379 = arith.mulf %bitcast3A_1370, %sub3A_1378 : vector<16xf32>
      %mul3A_1380 = arith.constant 5.000000e-01 : f32
      %mul3A_1381 = vector.broadcast %mul3A_1380 : f32 to vector<16xf32>
      %mul3A_1382 = arith.mulf %mul3A_1381, %gather3A_1361 : vector<16xf32>
      %mul3A_1383 = arith.mulf %mul3A_1382, %mul3A_1379 : vector<16xf32>
      %mul3A_1384 = arith.mulf %mul3A_1383, %mul3A_1379 : vector<16xf32>
      %sub3A_1385 = arith.constant 1.500000e+00 : f32
      %sub3A_1386 = vector.broadcast %sub3A_1385 : f32 to vector<16xf32>
      %sub3A_1387 = arith.subf %sub3A_1386, %mul3A_1384 : vector<16xf32>
      %mul3A_1388 = arith.mulf %mul3A_1379, %sub3A_1387 : vector<16xf32>
      %mul3A_1389 = arith.constant 5.000000e-01 : f32
      %mul3A_1390 = vector.broadcast %mul3A_1389 : f32 to vector<16xf32>
      %mul3A_1391 = arith.mulf %mul3A_1390, %gather3A_1361 : vector<16xf32>
      %mul3A_1392 = arith.mulf %mul3A_1391, %mul3A_1388 : vector<16xf32>
      %mul3A_1393 = arith.mulf %mul3A_1392, %mul3A_1388 : vector<16xf32>
      %sub3A_1394 = arith.constant 1.500000e+00 : f32
      %sub3A_1395 = vector.broadcast %sub3A_1394 : f32 to vector<16xf32>
      %sub3A_1396 = arith.subf %sub3A_1395, %mul3A_1393 : vector<16xf32>
      %mul3A_1397 = arith.mulf %mul3A_1388, %sub3A_1396 : vector<16xf32>
      %gt3A_1398 = arith.constant 5.000000e-01 : f32
      %gt3A_1399 = vector.broadcast %gt3A_1398 : f32 to vector<16xf32>
      %gt3A_1400 = arith.cmpf ogt, %gather3A_1361, %gt3A_1399 : vector<16xf32>
      %jit3A_1401 = arith.constant 0.000000e+00 : f32
      %broadcast_in_dim3A_1402 = vector.broadcast %jit3A_1401 : f32 to vector<16xf32>
      %select_n3A_1403 = arith.select %gt3A_1400, %mul3A_1397, %broadcast_in_dim3A_1402 : vector<16xi1>, vector<16xf32>
      %bitcast3A_1404 = vector.bitcast %gather3A_1362 : vector<16xf32> to vector<16xi32>
      %shift_right_arithmetic3A_1405 = arith.constant 1 : i32
      %shift_right_arithmetic3A_1406 = vector.broadcast %shift_right_arithmetic3A_1405 : i32 to vector<16xi32>
      %shift_right_arithmetic3A_1407 = arith.shrsi %bitcast3A_1404, %shift_right_arithmetic3A_1406 : vector<16xi32>
      %sub3A_1408 = arith.constant 1597463007 : i32
      %sub3A_1409 = vector.broadcast %sub3A_1408 : i32 to vector<16xi32>
      %sub3A_1410 = arith.subi %sub3A_1409, %shift_right_arithmetic3A_1407 : vector<16xi32>
      %bitcast3A_1411 = vector.bitcast %sub3A_1410 : vector<16xi32> to vector<16xf32>
      %mul3A_1412 = arith.constant 5.000000e-01 : f32
      %mul3A_1413 = vector.broadcast %mul3A_1412 : f32 to vector<16xf32>
      %mul3A_1414 = arith.mulf %mul3A_1413, %gather3A_1362 : vector<16xf32>
      %mul3A_1415 = arith.mulf %mul3A_1414, %bitcast3A_1411 : vector<16xf32>
      %mul3A_1416 = arith.mulf %mul3A_1415, %bitcast3A_1411 : vector<16xf32>
      %sub3A_1417 = arith.constant 1.500000e+00 : f32
      %sub3A_1418 = vector.broadcast %sub3A_1417 : f32 to vector<16xf32>
      %sub3A_1419 = arith.subf %sub3A_1418, %mul3A_1416 : vector<16xf32>
      %mul3A_1420 = arith.mulf %bitcast3A_1411, %sub3A_1419 : vector<16xf32>
      %mul3A_1421 = arith.constant 5.000000e-01 : f32
      %mul3A_1422 = vector.broadcast %mul3A_1421 : f32 to vector<16xf32>
      %mul3A_1423 = arith.mulf %mul3A_1422, %gather3A_1362 : vector<16xf32>
      %mul3A_1424 = arith.mulf %mul3A_1423, %mul3A_1420 : vector<16xf32>
      %mul3A_1425 = arith.mulf %mul3A_1424, %mul3A_1420 : vector<16xf32>
      %sub3A_1426 = arith.constant 1.500000e+00 : f32
      %sub3A_1427 = vector.broadcast %sub3A_1426 : f32 to vector<16xf32>
      %sub3A_1428 = arith.subf %sub3A_1427, %mul3A_1425 : vector<16xf32>
      %mul3A_1429 = arith.mulf %mul3A_1420, %sub3A_1428 : vector<16xf32>
      %mul3A_1430 = arith.constant 5.000000e-01 : f32
      %mul3A_1431 = vector.broadcast %mul3A_1430 : f32 to vector<16xf32>
      %mul3A_1432 = arith.mulf %mul3A_1431, %gather3A_1362 : vector<16xf32>
      %mul3A_1433 = arith.mulf %mul3A_1432, %mul3A_1429 : vector<16xf32>
      %mul3A_1434 = arith.mulf %mul3A_1433, %mul3A_1429 : vector<16xf32>
      %sub3A_1435 = arith.constant 1.500000e+00 : f32
      %sub3A_1436 = vector.broadcast %sub3A_1435 : f32 to vector<16xf32>
      %sub3A_1437 = arith.subf %sub3A_1436, %mul3A_1434 : vector<16xf32>
      %mul3A_1438 = arith.mulf %mul3A_1429, %sub3A_1437 : vector<16xf32>
      %gt3A_1439 = arith.constant 5.000000e-01 : f32
      %gt3A_1440 = vector.broadcast %gt3A_1439 : f32 to vector<16xf32>
      %gt3A_1441 = arith.cmpf ogt, %gather3A_1362, %gt3A_1440 : vector<16xf32>
      %jit3A_1442 = arith.constant 0.000000e+00 : f32
      %broadcast_in_dim3A_1443 = vector.broadcast %jit3A_1442 : f32 to vector<16xf32>
      %select_n3A_1444 = arith.select %gt3A_1441, %mul3A_1438, %broadcast_in_dim3A_1443 : vector<16xi1>, vector<16xf32>
      %mul3A_1445 = arith.mulf %select_n3A_1403, %select_n3A_1444 : vector<16xf32>
      %scan3A_1446 = arith.constant 0 : i32
      %scan3A_1447 = arith.constant 16 : i32
      %scan3A_1448 = arith.addi %scan3A_1446, %scan3A_1447 : i32
      %scan3A_1449 = arith.constant 1 : i32
      %scan3A_1450 = scf.for %scan3A_1983 = %scan3A_1446 to %scan3A_1448 step %scan3A_1449 iter_args(%scan3A_1984 = %broadcast_in_dim3A_1) -> (vector<16xf32>)  : i32 {
        %mul3A_1985 = arith.constant 16 : i32
        %mul3A_1986 = arith.muli %scan3A_1983, %mul3A_1985 : i32
        %get3A_1987 = arith.constant 10 : i32
        %get3A_1988 = arith.index_cast %get3A_1987 : i32 to index
        %get3A_1989 = arith.index_cast %mul3A_1986 : i32 to index
        %get3A_1990 = tpu.vector_load %arg13[%get3A_1988, %get3A_1989] {strides = array<i32>} : memref<16x256xf32, #tpu.memory_space<vmem>>, vector<16xf32>,
        %mul3A_1991 = arith.constant 16 : i32
        %mul3A_1992 = arith.muli %scan3A_1983, %mul3A_1991 : i32
        %get3A_1993 = arith.constant 10 : i32
        %get3A_1994 = arith.index_cast %get3A_1993 : i32 to index
        %get3A_1995 = arith.index_cast %mul3A_1992 : i32 to index
        %get3A_1996 = tpu.vector_load %arg14[%get3A_1994, %get3A_1995] {strides = array<i32>} : memref<16x256xf32, #tpu.memory_space<vmem>>, vector<16xf32>,
        %sub3A_1997 = arith.subf %get3A_1990, %get3A_1996 : vector<16xf32>
        %mul3A_1998 = arith.mulf %sub3A_1997, %sub3A_1997 : vector<16xf32>
        %add3A_1999 = arith.addf %scan3A_1984, %mul3A_1998 : vector<16xf32>
        scf.yield %add3A_1999 : vector<16xf32>
      }
      %scan3A_1451 = arith.constant 16 : i32
      %get3A_1452 = arith.constant 0 : index
      %get3A_1453 = tpu.vector_load %arg17[%get3A_1452] {strides = array<i32>} : memref<16xf32, #tpu.memory_space<vmem>>, vector<16xf32>,
      %mul3A_1454 = arith.mulf %mul3A_1445, %scan3A_1450 : vector<16xf32>
      %add3A_1455 = arith.addf %get3A_1453, %mul3A_1454 : vector<16xf32>
      %swap3A_1456 = arith.constant 0 : index
      %swap3A_1457 = tpu.vector_load %arg17[%swap3A_1456] {strides = array<i32>} : memref<16xf32, #tpu.memory_space<vmem>>, vector<16xf32>,
      tpu.vector_store %arg17[%swap3A_1456], %add3A_1455 {strides = array<i32>} : memref<16xf32, #tpu.memory_space<vmem>>, vector<16xf32>,
      %mul3A_1458 = arith.constant 16 : i32
      %mul3A_1459 = arith.muli %add3A_285, %mul3A_1458 : i32
      %add3A_1460 = arith.constant 11 : i32
      %add3A_1461 = arith.addi %mul3A_1459, %add3A_1460 : i32
      %add3A_1462 = vector.broadcast %add3A_1461 : i32 to vector<16xi32>
      %add3A_1463 = arith.addi %broadcast_in_dim3A_306, %add3A_1462 : vector<16xi32>
      %gather3A_1464 = tpu.vector_load_idx %arg11[%add3A_1463] : memref<10016xi32, #tpu.memory_space<vmem>>[vector<16xi32>], vector<16xi32>,
      %gather3A_1465 = tpu.vector_load_idx %arg12[%add3A_1463] : memref<10016xi32, #tpu.memory_space<vmem>>[vector<16xi32>], vector<16xi32>,
      %gather3A_1466 = tpu.vector_load_idx %arg10[%gather3A_1464] : memref<10240xf32, #tpu.memory_space<vmem>>[vector<16xi32>], vector<16xf32>,
      %gather3A_1467 = tpu.vector_load_idx %arg10[%gather3A_1465] : memref<10240xf32, #tpu.memory_space<vmem>>[vector<16xi32>], vector<16xf32>,
      %bitcast3A_1468 = vector.bitcast %gather3A_1466 : vector<16xf32> to vector<16xi32>
      %shift_right_arithmetic3A_1469 = arith.constant 1 : i32
      %shift_right_arithmetic3A_1470 = vector.broadcast %shift_right_arithmetic3A_1469 : i32 to vector<16xi32>
      %shift_right_arithmetic3A_1471 = arith.shrsi %bitcast3A_1468, %shift_right_arithmetic3A_1470 : vector<16xi32>
      %sub3A_1472 = arith.constant 1597463007 : i32
      %sub3A_1473 = vector.broadcast %sub3A_1472 : i32 to vector<16xi32>
      %sub3A_1474 = arith.subi %sub3A_1473, %shift_right_arithmetic3A_1471 : vector<16xi32>
      %bitcast3A_1475 = vector.bitcast %sub3A_1474 : vector<16xi32> to vector<16xf32>
      %mul3A_1476 = arith.constant 5.000000e-01 : f32
      %mul3A_1477 = vector.broadcast %mul3A_1476 : f32 to vector<16xf32>
      %mul3A_1478 = arith.mulf %mul3A_1477, %gather3A_1466 : vector<16xf32>
      %mul3A_1479 = arith.mulf %mul3A_1478, %bitcast3A_1475 : vector<16xf32>
      %mul3A_1480 = arith.mulf %mul3A_1479, %bitcast3A_1475 : vector<16xf32>
      %sub3A_1481 = arith.constant 1.500000e+00 : f32
      %sub3A_1482 = vector.broadcast %sub3A_1481 : f32 to vector<16xf32>
      %sub3A_1483 = arith.subf %sub3A_1482, %mul3A_1480 : vector<16xf32>
      %mul3A_1484 = arith.mulf %bitcast3A_1475, %sub3A_1483 : vector<16xf32>
      %mul3A_1485 = arith.constant 5.000000e-01 : f32
      %mul3A_1486 = vector.broadcast %mul3A_1485 : f32 to vector<16xf32>
      %mul3A_1487 = arith.mulf %mul3A_1486, %gather3A_1466 : vector<16xf32>
      %mul3A_1488 = arith.mulf %mul3A_1487, %mul3A_1484 : vector<16xf32>
      %mul3A_1489 = arith.mulf %mul3A_1488, %mul3A_1484 : vector<16xf32>
      %sub3A_1490 = arith.constant 1.500000e+00 : f32
      %sub3A_1491 = vector.broadcast %sub3A_1490 : f32 to vector<16xf32>
      %sub3A_1492 = arith.subf %sub3A_1491, %mul3A_1489 : vector<16xf32>
      %mul3A_1493 = arith.mulf %mul3A_1484, %sub3A_1492 : vector<16xf32>
      %mul3A_1494 = arith.constant 5.000000e-01 : f32
      %mul3A_1495 = vector.broadcast %mul3A_1494 : f32 to vector<16xf32>
      %mul3A_1496 = arith.mulf %mul3A_1495, %gather3A_1466 : vector<16xf32>
      %mul3A_1497 = arith.mulf %mul3A_1496, %mul3A_1493 : vector<16xf32>
      %mul3A_1498 = arith.mulf %mul3A_1497, %mul3A_1493 : vector<16xf32>
      %sub3A_1499 = arith.constant 1.500000e+00 : f32
      %sub3A_1500 = vector.broadcast %sub3A_1499 : f32 to vector<16xf32>
      %sub3A_1501 = arith.subf %sub3A_1500, %mul3A_1498 : vector<16xf32>
      %mul3A_1502 = arith.mulf %mul3A_1493, %sub3A_1501 : vector<16xf32>
      %gt3A_1503 = arith.constant 5.000000e-01 : f32
      %gt3A_1504 = vector.broadcast %gt3A_1503 : f32 to vector<16xf32>
      %gt3A_1505 = arith.cmpf ogt, %gather3A_1466, %gt3A_1504 : vector<16xf32>
      %jit3A_1506 = arith.constant 0.000000e+00 : f32
      %broadcast_in_dim3A_1507 = vector.broadcast %jit3A_1506 : f32 to vector<16xf32>
      %select_n3A_1508 = arith.select %gt3A_1505, %mul3A_1502, %broadcast_in_dim3A_1507 : vector<16xi1>, vector<16xf32>
      %bitcast3A_1509 = vector.bitcast %gather3A_1467 : vector<16xf32> to vector<16xi32>
      %shift_right_arithmetic3A_1510 = arith.constant 1 : i32
      %shift_right_arithmetic3A_1511 = vector.broadcast %shift_right_arithmetic3A_1510 : i32 to vector<16xi32>
      %shift_right_arithmetic3A_1512 = arith.shrsi %bitcast3A_1509, %shift_right_arithmetic3A_1511 : vector<16xi32>
      %sub3A_1513 = arith.constant 1597463007 : i32
      %sub3A_1514 = vector.broadcast %sub3A_1513 : i32 to vector<16xi32>
      %sub3A_1515 = arith.subi %sub3A_1514, %shift_right_arithmetic3A_1512 : vector<16xi32>
      %bitcast3A_1516 = vector.bitcast %sub3A_1515 : vector<16xi32> to vector<16xf32>
      %mul3A_1517 = arith.constant 5.000000e-01 : f32
      %mul3A_1518 = vector.broadcast %mul3A_1517 : f32 to vector<16xf32>
      %mul3A_1519 = arith.mulf %mul3A_1518, %gather3A_1467 : vector<16xf32>
      %mul3A_1520 = arith.mulf %mul3A_1519, %bitcast3A_1516 : vector<16xf32>
      %mul3A_1521 = arith.mulf %mul3A_1520, %bitcast3A_1516 : vector<16xf32>
      %sub3A_1522 = arith.constant 1.500000e+00 : f32
      %sub3A_1523 = vector.broadcast %sub3A_1522 : f32 to vector<16xf32>
      %sub3A_1524 = arith.subf %sub3A_1523, %mul3A_1521 : vector<16xf32>
      %mul3A_1525 = arith.mulf %bitcast3A_1516, %sub3A_1524 : vector<16xf32>
      %mul3A_1526 = arith.constant 5.000000e-01 : f32
      %mul3A_1527 = vector.broadcast %mul3A_1526 : f32 to vector<16xf32>
      %mul3A_1528 = arith.mulf %mul3A_1527, %gather3A_1467 : vector<16xf32>
      %mul3A_1529 = arith.mulf %mul3A_1528, %mul3A_1525 : vector<16xf32>
      %mul3A_1530 = arith.mulf %mul3A_1529, %mul3A_1525 : vector<16xf32>
      %sub3A_1531 = arith.constant 1.500000e+00 : f32
      %sub3A_1532 = vector.broadcast %sub3A_1531 : f32 to vector<16xf32>
      %sub3A_1533 = arith.subf %sub3A_1532, %mul3A_1530 : vector<16xf32>
      %mul3A_1534 = arith.mulf %mul3A_1525, %sub3A_1533 : vector<16xf32>
      %mul3A_1535 = arith.constant 5.000000e-01 : f32
      %mul3A_1536 = vector.broadcast %mul3A_1535 : f32 to vector<16xf32>
      %mul3A_1537 = arith.mulf %mul3A_1536, %gather3A_1467 : vector<16xf32>
      %mul3A_1538 = arith.mulf %mul3A_1537, %mul3A_1534 : vector<16xf32>
      %mul3A_1539 = arith.mulf %mul3A_1538, %mul3A_1534 : vector<16xf32>
      %sub3A_1540 = arith.constant 1.500000e+00 : f32
      %sub3A_1541 = vector.broadcast %sub3A_1540 : f32 to vector<16xf32>
      %sub3A_1542 = arith.subf %sub3A_1541, %mul3A_1539 : vector<16xf32>
      %mul3A_1543 = arith.mulf %mul3A_1534, %sub3A_1542 : vector<16xf32>
      %gt3A_1544 = arith.constant 5.000000e-01 : f32
      %gt3A_1545 = vector.broadcast %gt3A_1544 : f32 to vector<16xf32>
      %gt3A_1546 = arith.cmpf ogt, %gather3A_1467, %gt3A_1545 : vector<16xf32>
      %jit3A_1547 = arith.constant 0.000000e+00 : f32
      %broadcast_in_dim3A_1548 = vector.broadcast %jit3A_1547 : f32 to vector<16xf32>
      %select_n3A_1549 = arith.select %gt3A_1546, %mul3A_1543, %broadcast_in_dim3A_1548 : vector<16xi1>, vector<16xf32>
      %mul3A_1550 = arith.mulf %select_n3A_1508, %select_n3A_1549 : vector<16xf32>
      %scan3A_1551 = arith.constant 0 : i32
      %scan3A_1552 = arith.constant 16 : i32
      %scan3A_1553 = arith.addi %scan3A_1551, %scan3A_1552 : i32
      %scan3A_1554 = arith.constant 1 : i32
      %scan3A_1555 = scf.for %scan3A_1983 = %scan3A_1551 to %scan3A_1553 step %scan3A_1554 iter_args(%scan3A_1984 = %broadcast_in_dim3A_1) -> (vector<16xf32>)  : i32 {
        %mul3A_1985 = arith.constant 16 : i32
        %mul3A_1986 = arith.muli %scan3A_1983, %mul3A_1985 : i32
        %get3A_1987 = arith.constant 11 : i32
        %get3A_1988 = arith.index_cast %get3A_1987 : i32 to index
        %get3A_1989 = arith.index_cast %mul3A_1986 : i32 to index
        %get3A_1990 = tpu.vector_load %arg13[%get3A_1988, %get3A_1989] {strides = array<i32>} : memref<16x256xf32, #tpu.memory_space<vmem>>, vector<16xf32>,
        %mul3A_1991 = arith.constant 16 : i32
        %mul3A_1992 = arith.muli %scan3A_1983, %mul3A_1991 : i32
        %get3A_1993 = arith.constant 11 : i32
        %get3A_1994 = arith.index_cast %get3A_1993 : i32 to index
        %get3A_1995 = arith.index_cast %mul3A_1992 : i32 to index
        %get3A_1996 = tpu.vector_load %arg14[%get3A_1994, %get3A_1995] {strides = array<i32>} : memref<16x256xf32, #tpu.memory_space<vmem>>, vector<16xf32>,
        %sub3A_1997 = arith.subf %get3A_1990, %get3A_1996 : vector<16xf32>
        %mul3A_1998 = arith.mulf %sub3A_1997, %sub3A_1997 : vector<16xf32>
        %add3A_1999 = arith.addf %scan3A_1984, %mul3A_1998 : vector<16xf32>
        scf.yield %add3A_1999 : vector<16xf32>
      }
      %scan3A_1556 = arith.constant 16 : i32
      %get3A_1557 = arith.constant 0 : index
      %get3A_1558 = tpu.vector_load %arg17[%get3A_1557] {strides = array<i32>} : memref<16xf32, #tpu.memory_space<vmem>>, vector<16xf32>,
      %mul3A_1559 = arith.mulf %mul3A_1550, %scan3A_1555 : vector<16xf32>
      %add3A_1560 = arith.addf %get3A_1558, %mul3A_1559 : vector<16xf32>
      %swap3A_1561 = arith.constant 0 : index
      %swap3A_1562 = tpu.vector_load %arg17[%swap3A_1561] {strides = array<i32>} : memref<16xf32, #tpu.memory_space<vmem>>, vector<16xf32>,
      tpu.vector_store %arg17[%swap3A_1561], %add3A_1560 {strides = array<i32>} : memref<16xf32, #tpu.memory_space<vmem>>, vector<16xf32>,
      %mul3A_1563 = arith.constant 16 : i32
      %mul3A_1564 = arith.muli %add3A_285, %mul3A_1563 : i32
      %add3A_1565 = arith.constant 12 : i32
      %add3A_1566 = arith.addi %mul3A_1564, %add3A_1565 : i32
      %add3A_1567 = vector.broadcast %add3A_1566 : i32 to vector<16xi32>
      %add3A_1568 = arith.addi %broadcast_in_dim3A_306, %add3A_1567 : vector<16xi32>
      %gather3A_1569 = tpu.vector_load_idx %arg11[%add3A_1568] : memref<10016xi32, #tpu.memory_space<vmem>>[vector<16xi32>], vector<16xi32>,
      %gather3A_1570 = tpu.vector_load_idx %arg12[%add3A_1568] : memref<10016xi32, #tpu.memory_space<vmem>>[vector<16xi32>], vector<16xi32>,
      %gather3A_1571 = tpu.vector_load_idx %arg10[%gather3A_1569] : memref<10240xf32, #tpu.memory_space<vmem>>[vector<16xi32>], vector<16xf32>,
      %gather3A_1572 = tpu.vector_load_idx %arg10[%gather3A_1570] : memref<10240xf32, #tpu.memory_space<vmem>>[vector<16xi32>], vector<16xf32>,
      %bitcast3A_1573 = vector.bitcast %gather3A_1571 : vector<16xf32> to vector<16xi32>
      %shift_right_arithmetic3A_1574 = arith.constant 1 : i32
      %shift_right_arithmetic3A_1575 = vector.broadcast %shift_right_arithmetic3A_1574 : i32 to vector<16xi32>
      %shift_right_arithmetic3A_1576 = arith.shrsi %bitcast3A_1573, %shift_right_arithmetic3A_1575 : vector<16xi32>
      %sub3A_1577 = arith.constant 1597463007 : i32
      %sub3A_1578 = vector.broadcast %sub3A_1577 : i32 to vector<16xi32>
      %sub3A_1579 = arith.subi %sub3A_1578, %shift_right_arithmetic3A_1576 : vector<16xi32>
      %bitcast3A_1580 = vector.bitcast %sub3A_1579 : vector<16xi32> to vector<16xf32>
      %mul3A_1581 = arith.constant 5.000000e-01 : f32
      %mul3A_1582 = vector.broadcast %mul3A_1581 : f32 to vector<16xf32>
      %mul3A_1583 = arith.mulf %mul3A_1582, %gather3A_1571 : vector<16xf32>
      %mul3A_1584 = arith.mulf %mul3A_1583, %bitcast3A_1580 : vector<16xf32>
      %mul3A_1585 = arith.mulf %mul3A_1584, %bitcast3A_1580 : vector<16xf32>
      %sub3A_1586 = arith.constant 1.500000e+00 : f32
      %sub3A_1587 = vector.broadcast %sub3A_1586 : f32 to vector<16xf32>
      %sub3A_1588 = arith.subf %sub3A_1587, %mul3A_1585 : vector<16xf32>
      %mul3A_1589 = arith.mulf %bitcast3A_1580, %sub3A_1588 : vector<16xf32>
      %mul3A_1590 = arith.constant 5.000000e-01 : f32
      %mul3A_1591 = vector.broadcast %mul3A_1590 : f32 to vector<16xf32>
      %mul3A_1592 = arith.mulf %mul3A_1591, %gather3A_1571 : vector<16xf32>
      %mul3A_1593 = arith.mulf %mul3A_1592, %mul3A_1589 : vector<16xf32>
      %mul3A_1594 = arith.mulf %mul3A_1593, %mul3A_1589 : vector<16xf32>
      %sub3A_1595 = arith.constant 1.500000e+00 : f32
      %sub3A_1596 = vector.broadcast %sub3A_1595 : f32 to vector<16xf32>
      %sub3A_1597 = arith.subf %sub3A_1596, %mul3A_1594 : vector<16xf32>
      %mul3A_1598 = arith.mulf %mul3A_1589, %sub3A_1597 : vector<16xf32>
      %mul3A_1599 = arith.constant 5.000000e-01 : f32
      %mul3A_1600 = vector.broadcast %mul3A_1599 : f32 to vector<16xf32>
      %mul3A_1601 = arith.mulf %mul3A_1600, %gather3A_1571 : vector<16xf32>
      %mul3A_1602 = arith.mulf %mul3A_1601, %mul3A_1598 : vector<16xf32>
      %mul3A_1603 = arith.mulf %mul3A_1602, %mul3A_1598 : vector<16xf32>
      %sub3A_1604 = arith.constant 1.500000e+00 : f32
      %sub3A_1605 = vector.broadcast %sub3A_1604 : f32 to vector<16xf32>
      %sub3A_1606 = arith.subf %sub3A_1605, %mul3A_1603 : vector<16xf32>
      %mul3A_1607 = arith.mulf %mul3A_1598, %sub3A_1606 : vector<16xf32>
      %gt3A_1608 = arith.constant 5.000000e-01 : f32
      %gt3A_1609 = vector.broadcast %gt3A_1608 : f32 to vector<16xf32>
      %gt3A_1610 = arith.cmpf ogt, %gather3A_1571, %gt3A_1609 : vector<16xf32>
      %jit3A_1611 = arith.constant 0.000000e+00 : f32
      %broadcast_in_dim3A_1612 = vector.broadcast %jit3A_1611 : f32 to vector<16xf32>
      %select_n3A_1613 = arith.select %gt3A_1610, %mul3A_1607, %broadcast_in_dim3A_1612 : vector<16xi1>, vector<16xf32>
      %bitcast3A_1614 = vector.bitcast %gather3A_1572 : vector<16xf32> to vector<16xi32>
      %shift_right_arithmetic3A_1615 = arith.constant 1 : i32
      %shift_right_arithmetic3A_1616 = vector.broadcast %shift_right_arithmetic3A_1615 : i32 to vector<16xi32>
      %shift_right_arithmetic3A_1617 = arith.shrsi %bitcast3A_1614, %shift_right_arithmetic3A_1616 : vector<16xi32>
      %sub3A_1618 = arith.constant 1597463007 : i32
      %sub3A_1619 = vector.broadcast %sub3A_1618 : i32 to vector<16xi32>
      %sub3A_1620 = arith.subi %sub3A_1619, %shift_right_arithmetic3A_1617 : vector<16xi32>
      %bitcast3A_1621 = vector.bitcast %sub3A_1620 : vector<16xi32> to vector<16xf32>
      %mul3A_1622 = arith.constant 5.000000e-01 : f32
      %mul3A_1623 = vector.broadcast %mul3A_1622 : f32 to vector<16xf32>
      %mul3A_1624 = arith.mulf %mul3A_1623, %gather3A_1572 : vector<16xf32>
      %mul3A_1625 = arith.mulf %mul3A_1624, %bitcast3A_1621 : vector<16xf32>
      %mul3A_1626 = arith.mulf %mul3A_1625, %bitcast3A_1621 : vector<16xf32>
      %sub3A_1627 = arith.constant 1.500000e+00 : f32
      %sub3A_1628 = vector.broadcast %sub3A_1627 : f32 to vector<16xf32>
      %sub3A_1629 = arith.subf %sub3A_1628, %mul3A_1626 : vector<16xf32>
      %mul3A_1630 = arith.mulf %bitcast3A_1621, %sub3A_1629 : vector<16xf32>
      %mul3A_1631 = arith.constant 5.000000e-01 : f32
      %mul3A_1632 = vector.broadcast %mul3A_1631 : f32 to vector<16xf32>
      %mul3A_1633 = arith.mulf %mul3A_1632, %gather3A_1572 : vector<16xf32>
      %mul3A_1634 = arith.mulf %mul3A_1633, %mul3A_1630 : vector<16xf32>
      %mul3A_1635 = arith.mulf %mul3A_1634, %mul3A_1630 : vector<16xf32>
      %sub3A_1636 = arith.constant 1.500000e+00 : f32
      %sub3A_1637 = vector.broadcast %sub3A_1636 : f32 to vector<16xf32>
      %sub3A_1638 = arith.subf %sub3A_1637, %mul3A_1635 : vector<16xf32>
      %mul3A_1639 = arith.mulf %mul3A_1630, %sub3A_1638 : vector<16xf32>
      %mul3A_1640 = arith.constant 5.000000e-01 : f32
      %mul3A_1641 = vector.broadcast %mul3A_1640 : f32 to vector<16xf32>
      %mul3A_1642 = arith.mulf %mul3A_1641, %gather3A_1572 : vector<16xf32>
      %mul3A_1643 = arith.mulf %mul3A_1642, %mul3A_1639 : vector<16xf32>
      %mul3A_1644 = arith.mulf %mul3A_1643, %mul3A_1639 : vector<16xf32>
      %sub3A_1645 = arith.constant 1.500000e+00 : f32
      %sub3A_1646 = vector.broadcast %sub3A_1645 : f32 to vector<16xf32>
      %sub3A_1647 = arith.subf %sub3A_1646, %mul3A_1644 : vector<16xf32>
      %mul3A_1648 = arith.mulf %mul3A_1639, %sub3A_1647 : vector<16xf32>
      %gt3A_1649 = arith.constant 5.000000e-01 : f32
      %gt3A_1650 = vector.broadcast %gt3A_1649 : f32 to vector<16xf32>
      %gt3A_1651 = arith.cmpf ogt, %gather3A_1572, %gt3A_1650 : vector<16xf32>
      %jit3A_1652 = arith.constant 0.000000e+00 : f32
      %broadcast_in_dim3A_1653 = vector.broadcast %jit3A_1652 : f32 to vector<16xf32>
      %select_n3A_1654 = arith.select %gt3A_1651, %mul3A_1648, %broadcast_in_dim3A_1653 : vector<16xi1>, vector<16xf32>
      %mul3A_1655 = arith.mulf %select_n3A_1613, %select_n3A_1654 : vector<16xf32>
      %scan3A_1656 = arith.constant 0 : i32
      %scan3A_1657 = arith.constant 16 : i32
      %scan3A_1658 = arith.addi %scan3A_1656, %scan3A_1657 : i32
      %scan3A_1659 = arith.constant 1 : i32
      %scan3A_1660 = scf.for %scan3A_1983 = %scan3A_1656 to %scan3A_1658 step %scan3A_1659 iter_args(%scan3A_1984 = %broadcast_in_dim3A_1) -> (vector<16xf32>)  : i32 {
        %mul3A_1985 = arith.constant 16 : i32
        %mul3A_1986 = arith.muli %scan3A_1983, %mul3A_1985 : i32
        %get3A_1987 = arith.constant 12 : i32
        %get3A_1988 = arith.index_cast %get3A_1987 : i32 to index
        %get3A_1989 = arith.index_cast %mul3A_1986 : i32 to index
        %get3A_1990 = tpu.vector_load %arg13[%get3A_1988, %get3A_1989] {strides = array<i32>} : memref<16x256xf32, #tpu.memory_space<vmem>>, vector<16xf32>,
        %mul3A_1991 = arith.constant 16 : i32
        %mul3A_1992 = arith.muli %scan3A_1983, %mul3A_1991 : i32
        %get3A_1993 = arith.constant 12 : i32
        %get3A_1994 = arith.index_cast %get3A_1993 : i32 to index
        %get3A_1995 = arith.index_cast %mul3A_1992 : i32 to index
        %get3A_1996 = tpu.vector_load %arg14[%get3A_1994, %get3A_1995] {strides = array<i32>} : memref<16x256xf32, #tpu.memory_space<vmem>>, vector<16xf32>,
        %sub3A_1997 = arith.subf %get3A_1990, %get3A_1996 : vector<16xf32>
        %mul3A_1998 = arith.mulf %sub3A_1997, %sub3A_1997 : vector<16xf32>
        %add3A_1999 = arith.addf %scan3A_1984, %mul3A_1998 : vector<16xf32>
        scf.yield %add3A_1999 : vector<16xf32>
      }
      %scan3A_1661 = arith.constant 16 : i32
      %get3A_1662 = arith.constant 0 : index
      %get3A_1663 = tpu.vector_load %arg17[%get3A_1662] {strides = array<i32>} : memref<16xf32, #tpu.memory_space<vmem>>, vector<16xf32>,
      %mul3A_1664 = arith.mulf %mul3A_1655, %scan3A_1660 : vector<16xf32>
      %add3A_1665 = arith.addf %get3A_1663, %mul3A_1664 : vector<16xf32>
      %swap3A_1666 = arith.constant 0 : index
      %swap3A_1667 = tpu.vector_load %arg17[%swap3A_1666] {strides = array<i32>} : memref<16xf32, #tpu.memory_space<vmem>>, vector<16xf32>,
      tpu.vector_store %arg17[%swap3A_1666], %add3A_1665 {strides = array<i32>} : memref<16xf32, #tpu.memory_space<vmem>>, vector<16xf32>,
      %mul3A_1668 = arith.constant 16 : i32
      %mul3A_1669 = arith.muli %add3A_285, %mul3A_1668 : i32
      %add3A_1670 = arith.constant 13 : i32
      %add3A_1671 = arith.addi %mul3A_1669, %add3A_1670 : i32
      %add3A_1672 = vector.broadcast %add3A_1671 : i32 to vector<16xi32>
      %add3A_1673 = arith.addi %broadcast_in_dim3A_306, %add3A_1672 : vector<16xi32>
      %gather3A_1674 = tpu.vector_load_idx %arg11[%add3A_1673] : memref<10016xi32, #tpu.memory_space<vmem>>[vector<16xi32>], vector<16xi32>,
      %gather3A_1675 = tpu.vector_load_idx %arg12[%add3A_1673] : memref<10016xi32, #tpu.memory_space<vmem>>[vector<16xi32>], vector<16xi32>,
      %gather3A_1676 = tpu.vector_load_idx %arg10[%gather3A_1674] : memref<10240xf32, #tpu.memory_space<vmem>>[vector<16xi32>], vector<16xf32>,
      %gather3A_1677 = tpu.vector_load_idx %arg10[%gather3A_1675] : memref<10240xf32, #tpu.memory_space<vmem>>[vector<16xi32>], vector<16xf32>,
      %bitcast3A_1678 = vector.bitcast %gather3A_1676 : vector<16xf32> to vector<16xi32>
      %shift_right_arithmetic3A_1679 = arith.constant 1 : i32
      %shift_right_arithmetic3A_1680 = vector.broadcast %shift_right_arithmetic3A_1679 : i32 to vector<16xi32>
      %shift_right_arithmetic3A_1681 = arith.shrsi %bitcast3A_1678, %shift_right_arithmetic3A_1680 : vector<16xi32>
      %sub3A_1682 = arith.constant 1597463007 : i32
      %sub3A_1683 = vector.broadcast %sub3A_1682 : i32 to vector<16xi32>
      %sub3A_1684 = arith.subi %sub3A_1683, %shift_right_arithmetic3A_1681 : vector<16xi32>
      %bitcast3A_1685 = vector.bitcast %sub3A_1684 : vector<16xi32> to vector<16xf32>
      %mul3A_1686 = arith.constant 5.000000e-01 : f32
      %mul3A_1687 = vector.broadcast %mul3A_1686 : f32 to vector<16xf32>
      %mul3A_1688 = arith.mulf %mul3A_1687, %gather3A_1676 : vector<16xf32>
      %mul3A_1689 = arith.mulf %mul3A_1688, %bitcast3A_1685 : vector<16xf32>
      %mul3A_1690 = arith.mulf %mul3A_1689, %bitcast3A_1685 : vector<16xf32>
      %sub3A_1691 = arith.constant 1.500000e+00 : f32
      %sub3A_1692 = vector.broadcast %sub3A_1691 : f32 to vector<16xf32>
      %sub3A_1693 = arith.subf %sub3A_1692, %mul3A_1690 : vector<16xf32>
      %mul3A_1694 = arith.mulf %bitcast3A_1685, %sub3A_1693 : vector<16xf32>
      %mul3A_1695 = arith.constant 5.000000e-01 : f32
      %mul3A_1696 = vector.broadcast %mul3A_1695 : f32 to vector<16xf32>
      %mul3A_1697 = arith.mulf %mul3A_1696, %gather3A_1676 : vector<16xf32>
      %mul3A_1698 = arith.mulf %mul3A_1697, %mul3A_1694 : vector<16xf32>
      %mul3A_1699 = arith.mulf %mul3A_1698, %mul3A_1694 : vector<16xf32>
      %sub3A_1700 = arith.constant 1.500000e+00 : f32
      %sub3A_1701 = vector.broadcast %sub3A_1700 : f32 to vector<16xf32>
      %sub3A_1702 = arith.subf %sub3A_1701, %mul3A_1699 : vector<16xf32>
      %mul3A_1703 = arith.mulf %mul3A_1694, %sub3A_1702 : vector<16xf32>
      %mul3A_1704 = arith.constant 5.000000e-01 : f32
      %mul3A_1705 = vector.broadcast %mul3A_1704 : f32 to vector<16xf32>
      %mul3A_1706 = arith.mulf %mul3A_1705, %gather3A_1676 : vector<16xf32>
      %mul3A_1707 = arith.mulf %mul3A_1706, %mul3A_1703 : vector<16xf32>
      %mul3A_1708 = arith.mulf %mul3A_1707, %mul3A_1703 : vector<16xf32>
      %sub3A_1709 = arith.constant 1.500000e+00 : f32
      %sub3A_1710 = vector.broadcast %sub3A_1709 : f32 to vector<16xf32>
      %sub3A_1711 = arith.subf %sub3A_1710, %mul3A_1708 : vector<16xf32>
      %mul3A_1712 = arith.mulf %mul3A_1703, %sub3A_1711 : vector<16xf32>
      %gt3A_1713 = arith.constant 5.000000e-01 : f32
      %gt3A_1714 = vector.broadcast %gt3A_1713 : f32 to vector<16xf32>
      %gt3A_1715 = arith.cmpf ogt, %gather3A_1676, %gt3A_1714 : vector<16xf32>
      %jit3A_1716 = arith.constant 0.000000e+00 : f32
      %broadcast_in_dim3A_1717 = vector.broadcast %jit3A_1716 : f32 to vector<16xf32>
      %select_n3A_1718 = arith.select %gt3A_1715, %mul3A_1712, %broadcast_in_dim3A_1717 : vector<16xi1>, vector<16xf32>
      %bitcast3A_1719 = vector.bitcast %gather3A_1677 : vector<16xf32> to vector<16xi32>
      %shift_right_arithmetic3A_1720 = arith.constant 1 : i32
      %shift_right_arithmetic3A_1721 = vector.broadcast %shift_right_arithmetic3A_1720 : i32 to vector<16xi32>
      %shift_right_arithmetic3A_1722 = arith.shrsi %bitcast3A_1719, %shift_right_arithmetic3A_1721 : vector<16xi32>
      %sub3A_1723 = arith.constant 1597463007 : i32
      %sub3A_1724 = vector.broadcast %sub3A_1723 : i32 to vector<16xi32>
      %sub3A_1725 = arith.subi %sub3A_1724, %shift_right_arithmetic3A_1722 : vector<16xi32>
      %bitcast3A_1726 = vector.bitcast %sub3A_1725 : vector<16xi32> to vector<16xf32>
      %mul3A_1727 = arith.constant 5.000000e-01 : f32
      %mul3A_1728 = vector.broadcast %mul3A_1727 : f32 to vector<16xf32>
      %mul3A_1729 = arith.mulf %mul3A_1728, %gather3A_1677 : vector<16xf32>
      %mul3A_1730 = arith.mulf %mul3A_1729, %bitcast3A_1726 : vector<16xf32>
      %mul3A_1731 = arith.mulf %mul3A_1730, %bitcast3A_1726 : vector<16xf32>
      %sub3A_1732 = arith.constant 1.500000e+00 : f32
      %sub3A_1733 = vector.broadcast %sub3A_1732 : f32 to vector<16xf32>
      %sub3A_1734 = arith.subf %sub3A_1733, %mul3A_1731 : vector<16xf32>
      %mul3A_1735 = arith.mulf %bitcast3A_1726, %sub3A_1734 : vector<16xf32>
      %mul3A_1736 = arith.constant 5.000000e-01 : f32
      %mul3A_1737 = vector.broadcast %mul3A_1736 : f32 to vector<16xf32>
      %mul3A_1738 = arith.mulf %mul3A_1737, %gather3A_1677 : vector<16xf32>
      %mul3A_1739 = arith.mulf %mul3A_1738, %mul3A_1735 : vector<16xf32>
      %mul3A_1740 = arith.mulf %mul3A_1739, %mul3A_1735 : vector<16xf32>
      %sub3A_1741 = arith.constant 1.500000e+00 : f32
      %sub3A_1742 = vector.broadcast %sub3A_1741 : f32 to vector<16xf32>
      %sub3A_1743 = arith.subf %sub3A_1742, %mul3A_1740 : vector<16xf32>
      %mul3A_1744 = arith.mulf %mul3A_1735, %sub3A_1743 : vector<16xf32>
      %mul3A_1745 = arith.constant 5.000000e-01 : f32
      %mul3A_1746 = vector.broadcast %mul3A_1745 : f32 to vector<16xf32>
      %mul3A_1747 = arith.mulf %mul3A_1746, %gather3A_1677 : vector<16xf32>
      %mul3A_1748 = arith.mulf %mul3A_1747, %mul3A_1744 : vector<16xf32>
      %mul3A_1749 = arith.mulf %mul3A_1748, %mul3A_1744 : vector<16xf32>
      %sub3A_1750 = arith.constant 1.500000e+00 : f32
      %sub3A_1751 = vector.broadcast %sub3A_1750 : f32 to vector<16xf32>
      %sub3A_1752 = arith.subf %sub3A_1751, %mul3A_1749 : vector<16xf32>
      %mul3A_1753 = arith.mulf %mul3A_1744, %sub3A_1752 : vector<16xf32>
      %gt3A_1754 = arith.constant 5.000000e-01 : f32
      %gt3A_1755 = vector.broadcast %gt3A_1754 : f32 to vector<16xf32>
      %gt3A_1756 = arith.cmpf ogt, %gather3A_1677, %gt3A_1755 : vector<16xf32>
      %jit3A_1757 = arith.constant 0.000000e+00 : f32
      %broadcast_in_dim3A_1758 = vector.broadcast %jit3A_1757 : f32 to vector<16xf32>
      %select_n3A_1759 = arith.select %gt3A_1756, %mul3A_1753, %broadcast_in_dim3A_1758 : vector<16xi1>, vector<16xf32>
      %mul3A_1760 = arith.mulf %select_n3A_1718, %select_n3A_1759 : vector<16xf32>
      %scan3A_1761 = arith.constant 0 : i32
      %scan3A_1762 = arith.constant 16 : i32
      %scan3A_1763 = arith.addi %scan3A_1761, %scan3A_1762 : i32
      %scan3A_1764 = arith.constant 1 : i32
      %scan3A_1765 = scf.for %scan3A_1983 = %scan3A_1761 to %scan3A_1763 step %scan3A_1764 iter_args(%scan3A_1984 = %broadcast_in_dim3A_1) -> (vector<16xf32>)  : i32 {
        %mul3A_1985 = arith.constant 16 : i32
        %mul3A_1986 = arith.muli %scan3A_1983, %mul3A_1985 : i32
        %get3A_1987 = arith.constant 13 : i32
        %get3A_1988 = arith.index_cast %get3A_1987 : i32 to index
        %get3A_1989 = arith.index_cast %mul3A_1986 : i32 to index
        %get3A_1990 = tpu.vector_load %arg13[%get3A_1988, %get3A_1989] {strides = array<i32>} : memref<16x256xf32, #tpu.memory_space<vmem>>, vector<16xf32>,
        %mul3A_1991 = arith.constant 16 : i32
        %mul3A_1992 = arith.muli %scan3A_1983, %mul3A_1991 : i32
        %get3A_1993 = arith.constant 13 : i32
        %get3A_1994 = arith.index_cast %get3A_1993 : i32 to index
        %get3A_1995 = arith.index_cast %mul3A_1992 : i32 to index
        %get3A_1996 = tpu.vector_load %arg14[%get3A_1994, %get3A_1995] {strides = array<i32>} : memref<16x256xf32, #tpu.memory_space<vmem>>, vector<16xf32>,
        %sub3A_1997 = arith.subf %get3A_1990, %get3A_1996 : vector<16xf32>
        %mul3A_1998 = arith.mulf %sub3A_1997, %sub3A_1997 : vector<16xf32>
        %add3A_1999 = arith.addf %scan3A_1984, %mul3A_1998 : vector<16xf32>
        scf.yield %add3A_1999 : vector<16xf32>
      }
      %scan3A_1766 = arith.constant 16 : i32
      %get3A_1767 = arith.constant 0 : index
      %get3A_1768 = tpu.vector_load %arg17[%get3A_1767] {strides = array<i32>} : memref<16xf32, #tpu.memory_space<vmem>>, vector<16xf32>,
      %mul3A_1769 = arith.mulf %mul3A_1760, %scan3A_1765 : vector<16xf32>
      %add3A_1770 = arith.addf %get3A_1768, %mul3A_1769 : vector<16xf32>
      %swap3A_1771 = arith.constant 0 : index
      %swap3A_1772 = tpu.vector_load %arg17[%swap3A_1771] {strides = array<i32>} : memref<16xf32, #tpu.memory_space<vmem>>, vector<16xf32>,
      tpu.vector_store %arg17[%swap3A_1771], %add3A_1770 {strides = array<i32>} : memref<16xf32, #tpu.memory_space<vmem>>, vector<16xf32>,
      %mul3A_1773 = arith.constant 16 : i32
      %mul3A_1774 = arith.muli %add3A_285, %mul3A_1773 : i32
      %add3A_1775 = arith.constant 14 : i32
      %add3A_1776 = arith.addi %mul3A_1774, %add3A_1775 : i32
      %add3A_1777 = vector.broadcast %add3A_1776 : i32 to vector<16xi32>
      %add3A_1778 = arith.addi %broadcast_in_dim3A_306, %add3A_1777 : vector<16xi32>
      %gather3A_1779 = tpu.vector_load_idx %arg11[%add3A_1778] : memref<10016xi32, #tpu.memory_space<vmem>>[vector<16xi32>], vector<16xi32>,
      %gather3A_1780 = tpu.vector_load_idx %arg12[%add3A_1778] : memref<10016xi32, #tpu.memory_space<vmem>>[vector<16xi32>], vector<16xi32>,
      %gather3A_1781 = tpu.vector_load_idx %arg10[%gather3A_1779] : memref<10240xf32, #tpu.memory_space<vmem>>[vector<16xi32>], vector<16xf32>,
      %gather3A_1782 = tpu.vector_load_idx %arg10[%gather3A_1780] : memref<10240xf32, #tpu.memory_space<vmem>>[vector<16xi32>], vector<16xf32>,
      %bitcast3A_1783 = vector.bitcast %gather3A_1781 : vector<16xf32> to vector<16xi32>
      %shift_right_arithmetic3A_1784 = arith.constant 1 : i32
      %shift_right_arithmetic3A_1785 = vector.broadcast %shift_right_arithmetic3A_1784 : i32 to vector<16xi32>
      %shift_right_arithmetic3A_1786 = arith.shrsi %bitcast3A_1783, %shift_right_arithmetic3A_1785 : vector<16xi32>
      %sub3A_1787 = arith.constant 1597463007 : i32
      %sub3A_1788 = vector.broadcast %sub3A_1787 : i32 to vector<16xi32>
      %sub3A_1789 = arith.subi %sub3A_1788, %shift_right_arithmetic3A_1786 : vector<16xi32>
      %bitcast3A_1790 = vector.bitcast %sub3A_1789 : vector<16xi32> to vector<16xf32>
      %mul3A_1791 = arith.constant 5.000000e-01 : f32
      %mul3A_1792 = vector.broadcast %mul3A_1791 : f32 to vector<16xf32>
      %mul3A_1793 = arith.mulf %mul3A_1792, %gather3A_1781 : vector<16xf32>
      %mul3A_1794 = arith.mulf %mul3A_1793, %bitcast3A_1790 : vector<16xf32>
      %mul3A_1795 = arith.mulf %mul3A_1794, %bitcast3A_1790 : vector<16xf32>
      %sub3A_1796 = arith.constant 1.500000e+00 : f32
      %sub3A_1797 = vector.broadcast %sub3A_1796 : f32 to vector<16xf32>
      %sub3A_1798 = arith.subf %sub3A_1797, %mul3A_1795 : vector<16xf32>
      %mul3A_1799 = arith.mulf %bitcast3A_1790, %sub3A_1798 : vector<16xf32>
      %mul3A_1800 = arith.constant 5.000000e-01 : f32
      %mul3A_1801 = vector.broadcast %mul3A_1800 : f32 to vector<16xf32>
      %mul3A_1802 = arith.mulf %mul3A_1801, %gather3A_1781 : vector<16xf32>
      %mul3A_1803 = arith.mulf %mul3A_1802, %mul3A_1799 : vector<16xf32>
      %mul3A_1804 = arith.mulf %mul3A_1803, %mul3A_1799 : vector<16xf32>
      %sub3A_1805 = arith.constant 1.500000e+00 : f32
      %sub3A_1806 = vector.broadcast %sub3A_1805 : f32 to vector<16xf32>
      %sub3A_1807 = arith.subf %sub3A_1806, %mul3A_1804 : vector<16xf32>
      %mul3A_1808 = arith.mulf %mul3A_1799, %sub3A_1807 : vector<16xf32>
      %mul3A_1809 = arith.constant 5.000000e-01 : f32
      %mul3A_1810 = vector.broadcast %mul3A_1809 : f32 to vector<16xf32>
      %mul3A_1811 = arith.mulf %mul3A_1810, %gather3A_1781 : vector<16xf32>
      %mul3A_1812 = arith.mulf %mul3A_1811, %mul3A_1808 : vector<16xf32>
      %mul3A_1813 = arith.mulf %mul3A_1812, %mul3A_1808 : vector<16xf32>
      %sub3A_1814 = arith.constant 1.500000e+00 : f32
      %sub3A_1815 = vector.broadcast %sub3A_1814 : f32 to vector<16xf32>
      %sub3A_1816 = arith.subf %sub3A_1815, %mul3A_1813 : vector<16xf32>
      %mul3A_1817 = arith.mulf %mul3A_1808, %sub3A_1816 : vector<16xf32>
      %gt3A_1818 = arith.constant 5.000000e-01 : f32
      %gt3A_1819 = vector.broadcast %gt3A_1818 : f32 to vector<16xf32>
      %gt3A_1820 = arith.cmpf ogt, %gather3A_1781, %gt3A_1819 : vector<16xf32>
      %jit3A_1821 = arith.constant 0.000000e+00 : f32
      %broadcast_in_dim3A_1822 = vector.broadcast %jit3A_1821 : f32 to vector<16xf32>
      %select_n3A_1823 = arith.select %gt3A_1820, %mul3A_1817, %broadcast_in_dim3A_1822 : vector<16xi1>, vector<16xf32>
      %bitcast3A_1824 = vector.bitcast %gather3A_1782 : vector<16xf32> to vector<16xi32>
      %shift_right_arithmetic3A_1825 = arith.constant 1 : i32
      %shift_right_arithmetic3A_1826 = vector.broadcast %shift_right_arithmetic3A_1825 : i32 to vector<16xi32>
      %shift_right_arithmetic3A_1827 = arith.shrsi %bitcast3A_1824, %shift_right_arithmetic3A_1826 : vector<16xi32>
      %sub3A_1828 = arith.constant 1597463007 : i32
      %sub3A_1829 = vector.broadcast %sub3A_1828 : i32 to vector<16xi32>
      %sub3A_1830 = arith.subi %sub3A_1829, %shift_right_arithmetic3A_1827 : vector<16xi32>
      %bitcast3A_1831 = vector.bitcast %sub3A_1830 : vector<16xi32> to vector<16xf32>
      %mul3A_1832 = arith.constant 5.000000e-01 : f32
      %mul3A_1833 = vector.broadcast %mul3A_1832 : f32 to vector<16xf32>
      %mul3A_1834 = arith.mulf %mul3A_1833, %gather3A_1782 : vector<16xf32>
      %mul3A_1835 = arith.mulf %mul3A_1834, %bitcast3A_1831 : vector<16xf32>
      %mul3A_1836 = arith.mulf %mul3A_1835, %bitcast3A_1831 : vector<16xf32>
      %sub3A_1837 = arith.constant 1.500000e+00 : f32
      %sub3A_1838 = vector.broadcast %sub3A_1837 : f32 to vector<16xf32>
      %sub3A_1839 = arith.subf %sub3A_1838, %mul3A_1836 : vector<16xf32>
      %mul3A_1840 = arith.mulf %bitcast3A_1831, %sub3A_1839 : vector<16xf32>
      %mul3A_1841 = arith.constant 5.000000e-01 : f32
      %mul3A_1842 = vector.broadcast %mul3A_1841 : f32 to vector<16xf32>
      %mul3A_1843 = arith.mulf %mul3A_1842, %gather3A_1782 : vector<16xf32>
      %mul3A_1844 = arith.mulf %mul3A_1843, %mul3A_1840 : vector<16xf32>
      %mul3A_1845 = arith.mulf %mul3A_1844, %mul3A_1840 : vector<16xf32>
      %sub3A_1846 = arith.constant 1.500000e+00 : f32
      %sub3A_1847 = vector.broadcast %sub3A_1846 : f32 to vector<16xf32>
      %sub3A_1848 = arith.subf %sub3A_1847, %mul3A_1845 : vector<16xf32>
      %mul3A_1849 = arith.mulf %mul3A_1840, %sub3A_1848 : vector<16xf32>
      %mul3A_1850 = arith.constant 5.000000e-01 : f32
      %mul3A_1851 = vector.broadcast %mul3A_1850 : f32 to vector<16xf32>
      %mul3A_1852 = arith.mulf %mul3A_1851, %gather3A_1782 : vector<16xf32>
      %mul3A_1853 = arith.mulf %mul3A_1852, %mul3A_1849 : vector<16xf32>
      %mul3A_1854 = arith.mulf %mul3A_1853, %mul3A_1849 : vector<16xf32>
      %sub3A_1855 = arith.constant 1.500000e+00 : f32
      %sub3A_1856 = vector.broadcast %sub3A_1855 : f32 to vector<16xf32>
      %sub3A_1857 = arith.subf %sub3A_1856, %mul3A_1854 : vector<16xf32>
      %mul3A_1858 = arith.mulf %mul3A_1849, %sub3A_1857 : vector<16xf32>
      %gt3A_1859 = arith.constant 5.000000e-01 : f32
      %gt3A_1860 = vector.broadcast %gt3A_1859 : f32 to vector<16xf32>
      %gt3A_1861 = arith.cmpf ogt, %gather3A_1782, %gt3A_1860 : vector<16xf32>
      %jit3A_1862 = arith.constant 0.000000e+00 : f32
      %broadcast_in_dim3A_1863 = vector.broadcast %jit3A_1862 : f32 to vector<16xf32>
      %select_n3A_1864 = arith.select %gt3A_1861, %mul3A_1858, %broadcast_in_dim3A_1863 : vector<16xi1>, vector<16xf32>
      %mul3A_1865 = arith.mulf %select_n3A_1823, %select_n3A_1864 : vector<16xf32>
      %scan3A_1866 = arith.constant 0 : i32
      %scan3A_1867 = arith.constant 16 : i32
      %scan3A_1868 = arith.addi %scan3A_1866, %scan3A_1867 : i32
      %scan3A_1869 = arith.constant 1 : i32
      %scan3A_1870 = scf.for %scan3A_1983 = %scan3A_1866 to %scan3A_1868 step %scan3A_1869 iter_args(%scan3A_1984 = %broadcast_in_dim3A_1) -> (vector<16xf32>)  : i32 {
        %mul3A_1985 = arith.constant 16 : i32
        %mul3A_1986 = arith.muli %scan3A_1983, %mul3A_1985 : i32
        %get3A_1987 = arith.constant 14 : i32
        %get3A_1988 = arith.index_cast %get3A_1987 : i32 to index
        %get3A_1989 = arith.index_cast %mul3A_1986 : i32 to index
        %get3A_1990 = tpu.vector_load %arg13[%get3A_1988, %get3A_1989] {strides = array<i32>} : memref<16x256xf32, #tpu.memory_space<vmem>>, vector<16xf32>,
        %mul3A_1991 = arith.constant 16 : i32
        %mul3A_1992 = arith.muli %scan3A_1983, %mul3A_1991 : i32
        %get3A_1993 = arith.constant 14 : i32
        %get3A_1994 = arith.index_cast %get3A_1993 : i32 to index
        %get3A_1995 = arith.index_cast %mul3A_1992 : i32 to index
        %get3A_1996 = tpu.vector_load %arg14[%get3A_1994, %get3A_1995] {strides = array<i32>} : memref<16x256xf32, #tpu.memory_space<vmem>>, vector<16xf32>,
        %sub3A_1997 = arith.subf %get3A_1990, %get3A_1996 : vector<16xf32>
        %mul3A_1998 = arith.mulf %sub3A_1997, %sub3A_1997 : vector<16xf32>
        %add3A_1999 = arith.addf %scan3A_1984, %mul3A_1998 : vector<16xf32>
        scf.yield %add3A_1999 : vector<16xf32>
      }
      %scan3A_1871 = arith.constant 16 : i32
      %get3A_1872 = arith.constant 0 : index
      %get3A_1873 = tpu.vector_load %arg17[%get3A_1872] {strides = array<i32>} : memref<16xf32, #tpu.memory_space<vmem>>, vector<16xf32>,
      %mul3A_1874 = arith.mulf %mul3A_1865, %scan3A_1870 : vector<16xf32>
      %add3A_1875 = arith.addf %get3A_1873, %mul3A_1874 : vector<16xf32>
      %swap3A_1876 = arith.constant 0 : index
      %swap3A_1877 = tpu.vector_load %arg17[%swap3A_1876] {strides = array<i32>} : memref<16xf32, #tpu.memory_space<vmem>>, vector<16xf32>,
      tpu.vector_store %arg17[%swap3A_1876], %add3A_1875 {strides = array<i32>} : memref<16xf32, #tpu.memory_space<vmem>>, vector<16xf32>,
      %mul3A_1878 = arith.constant 16 : i32
      %mul3A_1879 = arith.muli %add3A_285, %mul3A_1878 : i32
      %add3A_1880 = arith.constant 15 : i32
      %add3A_1881 = arith.addi %mul3A_1879, %add3A_1880 : i32
      %add3A_1882 = vector.broadcast %add3A_1881 : i32 to vector<16xi32>
      %add3A_1883 = arith.addi %broadcast_in_dim3A_306, %add3A_1882 : vector<16xi32>
      %gather3A_1884 = tpu.vector_load_idx %arg11[%add3A_1883] : memref<10016xi32, #tpu.memory_space<vmem>>[vector<16xi32>], vector<16xi32>,
      %gather3A_1885 = tpu.vector_load_idx %arg12[%add3A_1883] : memref<10016xi32, #tpu.memory_space<vmem>>[vector<16xi32>], vector<16xi32>,
      %gather3A_1886 = tpu.vector_load_idx %arg10[%gather3A_1884] : memref<10240xf32, #tpu.memory_space<vmem>>[vector<16xi32>], vector<16xf32>,
      %gather3A_1887 = tpu.vector_load_idx %arg10[%gather3A_1885] : memref<10240xf32, #tpu.memory_space<vmem>>[vector<16xi32>], vector<16xf32>,
      %bitcast3A_1888 = vector.bitcast %gather3A_1886 : vector<16xf32> to vector<16xi32>
      %shift_right_arithmetic3A_1889 = arith.constant 1 : i32
      %shift_right_arithmetic3A_1890 = vector.broadcast %shift_right_arithmetic3A_1889 : i32 to vector<16xi32>
      %shift_right_arithmetic3A_1891 = arith.shrsi %bitcast3A_1888, %shift_right_arithmetic3A_1890 : vector<16xi32>
      %sub3A_1892 = arith.constant 1597463007 : i32
      %sub3A_1893 = vector.broadcast %sub3A_1892 : i32 to vector<16xi32>
      %sub3A_1894 = arith.subi %sub3A_1893, %shift_right_arithmetic3A_1891 : vector<16xi32>
      %bitcast3A_1895 = vector.bitcast %sub3A_1894 : vector<16xi32> to vector<16xf32>
      %mul3A_1896 = arith.constant 5.000000e-01 : f32
      %mul3A_1897 = vector.broadcast %mul3A_1896 : f32 to vector<16xf32>
      %mul3A_1898 = arith.mulf %mul3A_1897, %gather3A_1886 : vector<16xf32>
      %mul3A_1899 = arith.mulf %mul3A_1898, %bitcast3A_1895 : vector<16xf32>
      %mul3A_1900 = arith.mulf %mul3A_1899, %bitcast3A_1895 : vector<16xf32>
      %sub3A_1901 = arith.constant 1.500000e+00 : f32
      %sub3A_1902 = vector.broadcast %sub3A_1901 : f32 to vector<16xf32>
      %sub3A_1903 = arith.subf %sub3A_1902, %mul3A_1900 : vector<16xf32>
      %mul3A_1904 = arith.mulf %bitcast3A_1895, %sub3A_1903 : vector<16xf32>
      %mul3A_1905 = arith.constant 5.000000e-01 : f32
      %mul3A_1906 = vector.broadcast %mul3A_1905 : f32 to vector<16xf32>
      %mul3A_1907 = arith.mulf %mul3A_1906, %gather3A_1886 : vector<16xf32>
      %mul3A_1908 = arith.mulf %mul3A_1907, %mul3A_1904 : vector<16xf32>
      %mul3A_1909 = arith.mulf %mul3A_1908, %mul3A_1904 : vector<16xf32>
      %sub3A_1910 = arith.constant 1.500000e+00 : f32
      %sub3A_1911 = vector.broadcast %sub3A_1910 : f32 to vector<16xf32>
      %sub3A_1912 = arith.subf %sub3A_1911, %mul3A_1909 : vector<16xf32>
      %mul3A_1913 = arith.mulf %mul3A_1904, %sub3A_1912 : vector<16xf32>
      %mul3A_1914 = arith.constant 5.000000e-01 : f32
      %mul3A_1915 = vector.broadcast %mul3A_1914 : f32 to vector<16xf32>
      %mul3A_1916 = arith.mulf %mul3A_1915, %gather3A_1886 : vector<16xf32>
      %mul3A_1917 = arith.mulf %mul3A_1916, %mul3A_1913 : vector<16xf32>
      %mul3A_1918 = arith.mulf %mul3A_1917, %mul3A_1913 : vector<16xf32>
      %sub3A_1919 = arith.constant 1.500000e+00 : f32
      %sub3A_1920 = vector.broadcast %sub3A_1919 : f32 to vector<16xf32>
      %sub3A_1921 = arith.subf %sub3A_1920, %mul3A_1918 : vector<16xf32>
      %mul3A_1922 = arith.mulf %mul3A_1913, %sub3A_1921 : vector<16xf32>
      %gt3A_1923 = arith.constant 5.000000e-01 : f32
      %gt3A_1924 = vector.broadcast %gt3A_1923 : f32 to vector<16xf32>
      %gt3A_1925 = arith.cmpf ogt, %gather3A_1886, %gt3A_1924 : vector<16xf32>
      %jit3A_1926 = arith.constant 0.000000e+00 : f32
      %broadcast_in_dim3A_1927 = vector.broadcast %jit3A_1926 : f32 to vector<16xf32>
      %select_n3A_1928 = arith.select %gt3A_1925, %mul3A_1922, %broadcast_in_dim3A_1927 : vector<16xi1>, vector<16xf32>
      %bitcast3A_1929 = vector.bitcast %gather3A_1887 : vector<16xf32> to vector<16xi32>
      %shift_right_arithmetic3A_1930 = arith.constant 1 : i32
      %shift_right_arithmetic3A_1931 = vector.broadcast %shift_right_arithmetic3A_1930 : i32 to vector<16xi32>
      %shift_right_arithmetic3A_1932 = arith.shrsi %bitcast3A_1929, %shift_right_arithmetic3A_1931 : vector<16xi32>
      %sub3A_1933 = arith.constant 1597463007 : i32
      %sub3A_1934 = vector.broadcast %sub3A_1933 : i32 to vector<16xi32>
      %sub3A_1935 = arith.subi %sub3A_1934, %shift_right_arithmetic3A_1932 : vector<16xi32>
      %bitcast3A_1936 = vector.bitcast %sub3A_1935 : vector<16xi32> to vector<16xf32>
      %mul3A_1937 = arith.constant 5.000000e-01 : f32
      %mul3A_1938 = vector.broadcast %mul3A_1937 : f32 to vector<16xf32>
      %mul3A_1939 = arith.mulf %mul3A_1938, %gather3A_1887 : vector<16xf32>
      %mul3A_1940 = arith.mulf %mul3A_1939, %bitcast3A_1936 : vector<16xf32>
      %mul3A_1941 = arith.mulf %mul3A_1940, %bitcast3A_1936 : vector<16xf32>
      %sub3A_1942 = arith.constant 1.500000e+00 : f32
      %sub3A_1943 = vector.broadcast %sub3A_1942 : f32 to vector<16xf32>
      %sub3A_1944 = arith.subf %sub3A_1943, %mul3A_1941 : vector<16xf32>
      %mul3A_1945 = arith.mulf %bitcast3A_1936, %sub3A_1944 : vector<16xf32>
      %mul3A_1946 = arith.constant 5.000000e-01 : f32
      %mul3A_1947 = vector.broadcast %mul3A_1946 : f32 to vector<16xf32>
      %mul3A_1948 = arith.mulf %mul3A_1947, %gather3A_1887 : vector<16xf32>
      %mul3A_1949 = arith.mulf %mul3A_1948, %mul3A_1945 : vector<16xf32>
      %mul3A_1950 = arith.mulf %mul3A_1949, %mul3A_1945 : vector<16xf32>
      %sub3A_1951 = arith.constant 1.500000e+00 : f32
      %sub3A_1952 = vector.broadcast %sub3A_1951 : f32 to vector<16xf32>
      %sub3A_1953 = arith.subf %sub3A_1952, %mul3A_1950 : vector<16xf32>
      %mul3A_1954 = arith.mulf %mul3A_1945, %sub3A_1953 : vector<16xf32>
      %mul3A_1955 = arith.constant 5.000000e-01 : f32
      %mul3A_1956 = vector.broadcast %mul3A_1955 : f32 to vector<16xf32>
      %mul3A_1957 = arith.mulf %mul3A_1956, %gather3A_1887 : vector<16xf32>
      %mul3A_1958 = arith.mulf %mul3A_1957, %mul3A_1954 : vector<16xf32>
      %mul3A_1959 = arith.mulf %mul3A_1958, %mul3A_1954 : vector<16xf32>
      %sub3A_1960 = arith.constant 1.500000e+00 : f32
      %sub3A_1961 = vector.broadcast %sub3A_1960 : f32 to vector<16xf32>
      %sub3A_1962 = arith.subf %sub3A_1961, %mul3A_1959 : vector<16xf32>
      %mul3A_1963 = arith.mulf %mul3A_1954, %sub3A_1962 : vector<16xf32>
      %gt3A_1964 = arith.constant 5.000000e-01 : f32
      %gt3A_1965 = vector.broadcast %gt3A_1964 : f32 to vector<16xf32>
      %gt3A_1966 = arith.cmpf ogt, %gather3A_1887, %gt3A_1965 : vector<16xf32>
      %jit3A_1967 = arith.constant 0.000000e+00 : f32
      %broadcast_in_dim3A_1968 = vector.broadcast %jit3A_1967 : f32 to vector<16xf32>
      %select_n3A_1969 = arith.select %gt3A_1966, %mul3A_1963, %broadcast_in_dim3A_1968 : vector<16xi1>, vector<16xf32>
      %mul3A_1970 = arith.mulf %select_n3A_1928, %select_n3A_1969 : vector<16xf32>
      %scan3A_1971 = arith.constant 0 : i32
      %scan3A_1972 = arith.constant 16 : i32
      %scan3A_1973 = arith.addi %scan3A_1971, %scan3A_1972 : i32
      %scan3A_1974 = arith.constant 1 : i32
      %scan3A_1975 = scf.for %scan3A_1983 = %scan3A_1971 to %scan3A_1973 step %scan3A_1974 iter_args(%scan3A_1984 = %broadcast_in_dim3A_1) -> (vector<16xf32>)  : i32 {
        %mul3A_1985 = arith.constant 16 : i32
        %mul3A_1986 = arith.muli %scan3A_1983, %mul3A_1985 : i32
        %get3A_1987 = arith.constant 15 : i32
        %get3A_1988 = arith.index_cast %get3A_1987 : i32 to index
        %get3A_1989 = arith.index_cast %mul3A_1986 : i32 to index
        %get3A_1990 = tpu.vector_load %arg13[%get3A_1988, %get3A_1989] {strides = array<i32>} : memref<16x256xf32, #tpu.memory_space<vmem>>, vector<16xf32>,
        %mul3A_1991 = arith.constant 16 : i32
        %mul3A_1992 = arith.muli %scan3A_1983, %mul3A_1991 : i32
        %get3A_1993 = arith.constant 15 : i32
        %get3A_1994 = arith.index_cast %get3A_1993 : i32 to index
        %get3A_1995 = arith.index_cast %mul3A_1992 : i32 to index
        %get3A_1996 = tpu.vector_load %arg14[%get3A_1994, %get3A_1995] {strides = array<i32>} : memref<16x256xf32, #tpu.memory_space<vmem>>, vector<16xf32>,
        %sub3A_1997 = arith.subf %get3A_1990, %get3A_1996 : vector<16xf32>
        %mul3A_1998 = arith.mulf %sub3A_1997, %sub3A_1997 : vector<16xf32>
        %add3A_1999 = arith.addf %scan3A_1984, %mul3A_1998 : vector<16xf32>
        scf.yield %add3A_1999 : vector<16xf32>
      }
      %scan3A_1976 = arith.constant 16 : i32
      %get3A_1977 = arith.constant 0 : index
      %get3A_1978 = tpu.vector_load %arg17[%get3A_1977] {strides = array<i32>} : memref<16xf32, #tpu.memory_space<vmem>>, vector<16xf32>,
      %mul3A_1979 = arith.mulf %mul3A_1970, %scan3A_1975 : vector<16xf32>
      %add3A_1980 = arith.addf %get3A_1978, %mul3A_1979 : vector<16xf32>
      %swap3A_1981 = arith.constant 0 : index
      %swap3A_1982 = tpu.vector_load %arg17[%swap3A_1981] {strides = array<i32>} : memref<16xf32, #tpu.memory_space<vmem>>, vector<16xf32>,
      tpu.vector_store %arg17[%swap3A_1981], %add3A_1980 {strides = array<i32>} : memref<16xf32, #tpu.memory_space<vmem>>, vector<16xf32>,
    }
    "tpu.region"() ({
      %run_scoped3A = tpu.sem_alloc : memref<!tpu.dma_semaphore, #tpu.memory_space<semaphore_mem>>
      %dma_start3A_282 = arith.constant 0 : i32
      %dma_start3A_283 = tpu.memref_slice %arg6[%add3A, %dma_start3A_282] : memref<32x16xf32, #tpu.memory_space<hbm>> -> memref<1x16xf32, #tpu.memory_space<hbm>>
      %dma_start3A_284 = tpu.memref_squeeze %dma_start3A_283 : memref<1x16xf32, #tpu.memory_space<hbm>> -> memref<16xf32, #tpu.memory_space<hbm>>
      %dma_start3A_285 = arith.constant 0 : i32
      %dma_start3A_286 = tpu.memref_slice %arg6[%add3A, %dma_start3A_285] : memref<32x16xf32, #tpu.memory_space<hbm>> -> memref<1x16xf32, #tpu.memory_space<hbm>>
      %dma_start3A_287 = tpu.memref_squeeze %dma_start3A_286 : memref<1x16xf32, #tpu.memory_space<hbm>> -> memref<16xf32, #tpu.memory_space<hbm>>
      tpu.enqueue_dma source(%arg17 : memref<16xf32, #tpu.memory_space<vmem>>) target(%dma_start3A_287 : memref<16xf32, #tpu.memory_space<hbm>>) target_semaphore(%run_scoped3A : memref<!tpu.dma_semaphore, #tpu.memory_space<semaphore_mem>>)
      %dma_wait3A_288 = arith.constant 0 : i32
      %dma_wait3A_289 = tpu.memref_slice %arg6[%add3A, %dma_wait3A_288] : memref<32x16xf32, #tpu.memory_space<hbm>> -> memref<1x16xf32, #tpu.memory_space<hbm>>
      %dma_wait3A_290 = tpu.memref_squeeze %dma_wait3A_289 : memref<1x16xf32, #tpu.memory_space<hbm>> -> memref<16xf32, #tpu.memory_space<hbm>>
      %dma_wait3A_291 = arith.constant 0 : i32
      %dma_wait3A_292 = tpu.memref_slice %arg6[%add3A, %dma_wait3A_291] : memref<32x16xf32, #tpu.memory_space<hbm>> -> memref<1x16xf32, #tpu.memory_space<hbm>>
      %dma_wait3A_293 = tpu.memref_squeeze %dma_wait3A_292 : memref<1x16xf32, #tpu.memory_space<hbm>> -> memref<16xf32, #tpu.memory_space<hbm>>
      tpu.wait_dma2 semaphore(%run_scoped3A : memref<!tpu.dma_semaphore, #tpu.memory_space<semaphore_mem>>) src(%arg17 : memref<16xf32, #tpu.memory_space<vmem>>) dst(%dma_wait3A_293 : memref<16xf32, #tpu.memory_space<hbm>>)
      tpu.yield
    }) : () -> ()
    return
  }
}

module attributes {stable_mosaic.version = 14 : i64} {
  func.func @_combine_body(%arg0: memref<128x10xf32, #tpu.memory_space<vmem>>, %arg1: memref<128x1xi32, #tpu.memory_space<vmem>>, %arg2: memref<32x16xf32, #tpu.memory_space<vmem>>, %arg3: memref<1x1xi32, #tpu.memory_space<smem>>, %arg4: memref<1x1xf32, #tpu.memory_space<smem>>) attributes {dimension_semantics = [], scalar_prefetch = 0 : i64, scratch_operands = 0 : i64, tpu.core_type = #tpu.core_type<tc>} {
    %get3A = arith.constant 0 : index
    %get3A_0 = arith.constant 0 : index
    %get3A_1 = vector.load %arg0[%get3A, %get3A_0] : memref<128x10xf32, #tpu.memory_space<vmem>>, vector<128x10xf32>
    %reduce_max3A = arith.constant dense<0xFF800000> : vector<128xf32>
    %reduce_max3A_2 = vector.multi_reduction <maximumf>, %get3A_1, %reduce_max3A [1] : vector<128x10xf32> to vector<128xf32>
    %broadcast_in_dim3A = vector.shape_cast %reduce_max3A_2 : vector<128xf32> to vector<128x1xf32>
    %sub3A = vector.broadcast %broadcast_in_dim3A : vector<128x1xf32> to vector<128x10xf32>
    %sub3A_3 = arith.subf %get3A_1, %sub3A : vector<128x10xf32>
    %exp3A = math.exp %sub3A_3 : vector<128x10xf32>
    %reduce_sum3A = arith.constant dense<0.000000e+00> : vector<128xf32>
    %reduce_sum3A_4 = vector.multi_reduction <add>, %exp3A, %reduce_sum3A [1] : vector<128x10xf32> to vector<128xf32>
    %broadcast_in_dim3A_5 = vector.shape_cast %reduce_sum3A_4 : vector<128xf32> to vector<128x1xf32>
    %log3A = math.log %broadcast_in_dim3A_5 : vector<128x1xf32>
    %add3A = arith.addf %log3A, %broadcast_in_dim3A : vector<128x1xf32>
    %iota3A = tpu.iota {dimensions = array<i32: 1>} : vector<128x10xi32>
    %get3A_6 = arith.constant 0 : index
    %get3A_7 = arith.constant 0 : index
    %get3A_8 = vector.load %arg1[%get3A_6, %get3A_7] : memref<128x1xi32, #tpu.memory_space<vmem>>, vector<128x1xi32>
    %eq3A = vector.broadcast %get3A_8 : vector<128x1xi32> to vector<128x10xi32>
    %eq3A_9 = arith.cmpi eq, %iota3A, %eq3A : vector<128x10xi32>
    %jit3A = arith.constant 0.000000e+00 : f32
    %broadcast_in_dim3A_10 = vector.broadcast %jit3A : f32 to vector<128x10xf32>
    %select_n3A = arith.select %eq3A_9, %get3A_1, %broadcast_in_dim3A_10 : vector<128x10xi1>, vector<128x10xf32>
    %reduce_sum3A_11 = arith.constant dense<0.000000e+00> : vector<128xf32>
    %reduce_sum3A_12 = vector.multi_reduction <add>, %select_n3A, %reduce_sum3A_11 [1] : vector<128x10xf32> to vector<128xf32>
    %broadcast_in_dim3A_13 = vector.shape_cast %reduce_sum3A_12 : vector<128xf32> to vector<128x1xf32>
    %sub3A_14 = arith.subf %add3A, %broadcast_in_dim3A_13 : vector<128x1xf32>
    %reduce_sum3A_15 = vector.shape_cast %sub3A_14 : vector<128x1xf32> to vector<1x128x1xf32>
    %reduce_sum3A_16 = arith.constant dense<0.000000e+00> : vector<1xf32>
    %reduce_sum3A_17 = vector.multi_reduction <add>, %reduce_sum3A_15, %reduce_sum3A_16 [1, 2] : vector<1x128x1xf32> to vector<1xf32>
    %reduce_sum3A_18 = vector.shape_cast %reduce_sum3A_17 : vector<1xf32> to vector<1x1x1xf32>
    %reduce_sum3A_19 = vector.extract %reduce_sum3A_18[0, 0, 0] : f32 from vector<1x1x1xf32>
    %div3A = arith.constant 1.280000e+02 : f32
    %div3A_20 = arith.divf %reduce_sum3A_19, %div3A : f32
    %get3A_21 = arith.constant 0 : index
    %get3A_22 = arith.constant 0 : index
    %get3A_23 = vector.load %arg2[%get3A_21, %get3A_22] : memref<32x16xf32, #tpu.memory_space<vmem>>, vector<32x16xf32>
    %reduce_sum3A_24 = vector.shape_cast %get3A_23 : vector<32x16xf32> to vector<1x32x16xf32>
    %reduce_sum3A_25 = arith.constant dense<0.000000e+00> : vector<1xf32>
    %reduce_sum3A_26 = vector.multi_reduction <add>, %reduce_sum3A_24, %reduce_sum3A_25 [1, 2] : vector<1x32x16xf32> to vector<1xf32>
    %reduce_sum3A_27 = vector.shape_cast %reduce_sum3A_26 : vector<1xf32> to vector<1x1x1xf32>
    %reduce_sum3A_28 = vector.extract %reduce_sum3A_27[0, 0, 0] : f32 from vector<1x1x1xf32>
    %get3A_29 = arith.constant 0 : index
    %get3A_30 = arith.constant 0 : index
    %get3A_31 = memref.load %arg3[%get3A_29, %get3A_30] : memref<1x1xi32, #tpu.memory_space<smem>>
    %add3A_32 = arith.constant 1 : i32
    %add3A_33 = arith.addi %get3A_31, %add3A_32 : i32
    %convert_element_type3A = arith.sitofp %add3A_33 : i32 to f32
    %div3A_34 = arith.divf %reduce_sum3A_28, %convert_element_type3A : f32
    %add3A_35 = arith.addf %div3A_20, %div3A_34 : f32
    %swap3A = arith.constant 0 : index
    %swap3A_36 = arith.constant 0 : index
    %swap3A_37 = memref.load %arg4[%swap3A, %swap3A_36] : memref<1x1xf32, #tpu.memory_space<smem>>
    memref.store %add3A_35, %arg4[%swap3A, %swap3A_36] : memref<1x1xf32, #tpu.memory_space<smem>>
    return
  }
}

</mosaic_0001>

<sc_bundles>
// kernel: kernel.4.cloned.1.call-start
scs
__scs_entry_jumppad:
0x0: {  	(pc) =	sbr.rel $0x88, $3  }
0x1: {  	(tag) =	ssettag $0x0;
	lr =	simm.s32 $0x1  }
0x2: {  	[smem:$0x3F9C] =	sst lr;
	_ =	strace $0xD0000000  }
0x3: {  	_ = 	snop  }
0x4: {  	_ = 	snop  }
0x5: {  	_ = 	snop  }
0x6: {  	_ = 	snop  }
0x7: {  	_ = 	snop  }
__scs_overlays_trampoline_lowered:
0x8: {  	[smem:$0x3FAB] =	sst s0  }
0x9: {  	[smem:$0x3FAC] =	sst s1  }
0xa: {  	[smem:$0x3FAD] =	sst s2  }
0xb: {  	[smem:$0x3FAE] =	sst s3  }
0xc: {  	[smem:$0x3FAF] =	sst s4  }
0xd: {  	[smem:$0x3FB0] =	sst s5  }
0xe: {  	[smem:$0x3FB1] =	sst s6  }
0xf: {  	[smem:$0x3FB2] =	sst s7  }
0x10: {  	[smem:$0x3FB3] =	sst s8  }
0x11: {  	[smem:$0x3FB4] =	sst s9;
	s0 =	simm.s32 @!p0 $0x0  }
0x12: {  	s1 =	sld [smem:$0x3F9A];
	s0 =	simm.s32 @p0 $0x1  }
0x13: {  	[smem:$0x3FB5] =	sst s0;
	s0 =	simm.s32 @!p1 $0x0  }
0x14: {  	s2 =	sld [smem:$0x3F99];
	s0 =	simm.s32 @p1 $0x1  }
0x15: {  	[smem:$0x3FB6] =	sst s0;
	s0 =	simm.s32 @!p2 $0x0  }
0x16: {  	s3 =	sld [smem:$0x3FDB];
	s0 =	simm.s32 @p2 $0x1  }
0x17: {  	s4 =	simm.s32 $0x1BF5;
	[smem:$0x3FB8] =	sst s0  }
0x18: {  	s0 =	sld [smem:$0x3F9B];
	_ =	swait.ge [sflag:s4], $0x0  }
0x19: {  	s7 =	sld [smem:$0x3F9C]  }
0x1a: {  	s8 =	sadd.s32 $0xFFFFE003, lr  }
0x1b: {  	s9 =	sadd.s32 $0xFFFFFEF7, lr;
	s5 =	simm.s32 $0xFFFFFFFF;
	p2 =	slt.u32 s8, $0xFFFFF086  }
0x1c: {  	p1 =	slt.u32 s9, $0xF7A;
	s5 =	simm.s32 @!p2 $0x0  }
0x1d: {  	s5 =	simm.s32 @p1 $0x1;
	p0 =	seq.s32 s7, s2  }
0x1e: {  	s7 =	smul.u32 @!p0 $0xF7A, s2;
	p2 =	seq.s32 @!p0 s5, $0x0  }
0x1f: {  	s9 =	smul.u32 $0xF7A, s1;
	s8 =	simm.s32 @!p0 $0x1BF5;
	p2 =	por !p2, p0  }
0x20: {  	[sflag:s8] =	ssyncset.s32 @!p0 $0xFFFFF086;
	s6 =	sadd.s32 @!p0 s3, s7;
	s7 =	simm.s32 @!p0 $0x108  }
0x21: {  	s3 =	sadd.s32 s3, s9;
	s6 =	sadd.s32 @!p0 $0x88, s6;
	s7 =	simm.s32 @p2 $0x1082  }
0x22: {  	[simem:s7], [sflag:s8] =	dma.local @!p0 [hbm:s6], $0xF7A  }
0x23: {  	s9 =	sor.u32 $0xD0000000, s2;
	s6 =	simm.s32 $0x108;
	_ =	swait.ge @!p0 [sflag:s8], $0x0  }
0x24: {  	s3 =	sadd.s32 $0x88, s3;
	s6 =	simm.s32 @!p1 $0x1082;
	[sflag:s4] =	ssyncset.s32 $0xFFFFF086  }
0x25: {  	[simem:s6], [sflag:s4] =	dma.local [hbm:s3], $0xF7A  }
0x26: {  	[smem:$0x3F9C] =	sst s1;
	(tag) =	ssettag s2;
	_ =	strace s9  }
0x27: {  	s1 =	sld [smem:$0x3FAC]  }
0x28: {  	s2 =	sld [smem:$0x3FAD]  }
0x29: {  	s4 =	sld [smem:$0x3FAF]  }
0x2a: {  	p0 =	seq.s32 s5, $0x0;
	s5 =	sld [smem:$0x3FB0]  }
0x2b: {  	s6 =	sld [smem:$0x3FB1]  }
0x2c: {  	s7 =	sld [smem:$0x3FB2]  }
0x2d: {  	s3 =	simm.s32 $0x108;
	s8 =	sld [smem:$0x3FB3]  }
0x2e: {  	s3 =	simm.s32 @!p0 $0x1082;
	s9 =	sld [smem:$0x3FB4]  }
0x2f: {  	lr =	sadd.s32 s0, s3;
	s0 =	sld [smem:$0x3FAB]  }
0x30: {  	s3 =	sld [smem:$0x3FAE]  }
0x31: {  	[smem:$0x3FB7] =	sst s10  }
0x32: {  	s10 =	sld [smem:$0x3FB5];
	_ =	sdelay $0x3  }
0x33: {  	p0 =	seq.s32 s10, $0x1;
	s10 =	sld [smem:$0x3FB7];
	_ =	sdelay $0x3  }
0x34: {  	[smem:$0x3FB7] =	sst s10  }
0x35: {  	s10 =	sld [smem:$0x3FB6];
	_ =	sdelay $0x3  }
0x36: {  	p1 =	seq.s32 s10, $0x1;
	s10 =	sld [smem:$0x3FB7];
	_ =	sdelay $0x3  }
0x37: {  	[smem:$0x3FB7] =	sst s10  }
0x38: {  	s10 =	sld [smem:$0x3FB8]  }
0x39: {  	_ = 	snop;
	(pc) =	sbr.ind lr, $3  }
0x3a: {  	_ = 	snop  }
0x3b: {  	_ = 	snop  }
0x3c: {  	p2 =	seq.s32 s10, $0x1;
	s10 =	sld [smem:$0x3FB7]  }
0x3d: {  	_ =	shalt  }
0x3e: {  	_ =	shalt  }
0x3f: {  	_ =	shalt  }
0x40: {  	_ =	shalt  }
0x41: {  	_ =	shalt  }
0x42: {  	_ =	shalt  }
0x43: {  	_ =	shalt  }
0x44: {  	_ =	shalt  }
0x45: {  	_ =	shalt  }
0x46: {  	_ =	shalt  }
0x47: {  	_ =	shalt  }
0x48: {  	_ =	shalt  }
0x49: {  	_ =	shalt  }
0x4a: {  	_ =	shalt  }
0x4b: {  	_ =	shalt  }
0x4c: {  	_ =	shalt  }
0x4d: {  	_ =	shalt  }
0x4e: {  	_ =	shalt  }
0x4f: {  	_ =	shalt  }
0x50: {  	_ =	shalt  }
0x51: {  	_ =	shalt  }
0x52: {  	_ =	shalt  }
0x53: {  	_ =	shalt  }
0x54: {  	_ =	shalt  }
0x55: {  	_ =	shalt  }
0x56: {  	_ =	shalt  }
0x57: {  	_ =	shalt  }
0x58: {  	_ =	shalt  }
0x59: {  	_ =	shalt  }
0x5a: {  	_ =	shalt  }
0x5b: {  	_ =	shalt  }
0x5c: {  	_ =	shalt  }
0x5d: {  	_ =	shalt  }
0x5e: {  	_ =	shalt  }
0x5f: {  	_ =	shalt  }
0x60: {  	_ =	shalt  }
0x61: {  	_ =	shalt  }
0x62: {  	_ =	shalt  }
0x63: {  	_ =	shalt  }
0x64: {  	_ =	shalt  }
0x65: {  	_ =	shalt  }
0x66: {  	_ =	shalt  }
0x67: {  	_ =	shalt  }
0x68: {  	_ =	shalt  }
0x69: {  	_ =	shalt  }
0x6a: {  	_ =	shalt  }
0x6b: {  	_ =	shalt  }
0x6c: {  	_ =	shalt  }
0x6d: {  	_ =	shalt  }
0x6e: {  	_ =	shalt  }
0x6f: {  	_ =	shalt  }
0x70: {  	_ =	shalt  }
0x71: {  	_ =	shalt  }
0x72: {  	_ =	shalt  }
0x73: {  	_ =	shalt  }
0x74: {  	_ =	shalt  }
0x75: {  	_ =	shalt  }
0x76: {  	_ =	shalt  }
0x77: {  	_ =	shalt  }
0x78: {  	_ =	shalt  }
0x79: {  	_ =	shalt  }
0x7a: {  	_ =	shalt  }
0x7b: {  	_ =	shalt  }
0x7c: {  	_ =	shalt  }
0x7d: {  	_ =	shalt  }
0x7e: {  	_ =	shalt  }
0x7f: {  	_ =	shalt  }
0x80: {  	_ =	shalt  }
0x81: {  	_ =	shalt  }
0x82: {  	_ =	shalt  }
0x83: {  	_ =	shalt  }
0x84: {  	_ =	shalt  }
0x85: {  	_ =	shalt  }
0x86: {  	_ =	shalt  }
0x87: {  	_ =	shalt  }
.Lfunc_end0:
.L_simem_size_0:
called_computation_lowered:
.L_overlay_start_0:
0x88: {  	s2 =	sld [smem:$0x3FD9]  }
0x89: {  	s3 =	sld [smem:$0x3FFE];
	_ =	sdelay $0x1  }
0x8a: {  	s1 =	srdreg.scid  }
0x8b: {  	s0 =	sand.u32 $0x1, s1  }
0x8c: {  	s17 =	sshll.u32 s0, $0xA;
	s2 =	sadd.s32 s3, s2  }
0x8d: {  	s2 =	sadd.s32 s2, s17  }
0x8e: {  	[smem:$0x3FC3] =	sst s2  }
0x8f: {  	_ = 	snop  }
0x90: {  	s2 =	sld [smem:$0x3FC7]  }
0x91: {  	s18 =	sld [smem:$0x3FC5];
	(tm) =	ssettm $0x1  }
0x92: {  	s4 =	sld [smem:$0x3FFB];
	_ =	sdelay $0x3  }
0x93: {  	_ =	strace s4  }
0x94: {  	s4 =	sld [smem:$0x3FFC];
	_ =	sdelay $0x3  }
0x95: {  	_ =	strace s4  }
0x96: {  	s4 =	sld [smem:$0x3FFD];
	_ =	sdelay $0x3  }
0x97: {  	_ =	strace s4  }
0x98: {  	_ =	strace $0x8FFFFFFF  }
0x99: {  	s19 =	sld [smem:$0x3FDB];
	_ =	sdelay $0x1  }
0x9a: {  	s5 =	simm.s32 $_scs_section_size  }
0x9b: {  	s6 =	simm.s32 $_size__tile_overlayer_lowered;
	s7 =	simm.s32 $_tile_overlayer_lowered  }
0x9c: {  	s22 =	simm.s32 $0x1BFF;
	s21 =	sshll.u32 s7, $0x1;
	s4 =	sadd.s32 s5, s19  }
0x9d: {  	s8 =	simm.s32 $0x0;
	s20 =	sshll.u32 s6, $0x1;
	s6 =	sadd.s32 s21, s4  }
0x9e: {  	[timem:s8], [sflag:s22] =	dma.local [hbm:s6], s20  }
0x9f: {  	_ =	swait.ge [sflag:s22], s20  }
0xa0: {  	s5 =	ssub.s32 $0x0, s20;
	[sflag:s22] =	ssyncset.done $0x0  }
0xa1: {  	[sflag:s22] =	ssyncadd.s32 s5;
	_ =	sdelay $0x1  }
0xa2: {  	s23 =	simm.s32 $0x1B8B  }
0xa3: {  	_ =	swait.ge [sflag:s23], $0x1  }
0xa4: {  	[sflag:s23] =	ssyncset.done $0x0  }
0xa5: {  	s25 =	simm.s32 $0x1B8E;
	s24 =	sld [smem:$0x3FFE];
	[sflag:s23] =	ssyncadd.s32 $0xFFFFFFFF  }
0xa6: {  	s26 =	simm.s32 $execute0_lowered;
	[smem:$0x3FD2] =	sst s25  }
0xa7: {  	s6 =	sshll.u32 s26, $0x1;
	_ =	strace $0x80000046;
	[dreg:$0x1] =	wrdreg $0xFFFFFFFF  }
0xa8: {  	s28 =	simm.s32 $_size_execute0_lowered;
	s4 =	sadd.s32 s4, s6;
	[dreg:$0x0] =	wrdreg $0x0  }
0xa9: {  	s6 =	sshll.u32 s28, $0x1;
	[dreg:$0x2] =	wrdreg s4  }
0xaa: {  	[dreg:$0x3] =	wrdreg s6  }
0xab: {  	[dreg:$0x4] =	wrdreg $0xC0  }
0xac: {  	_ =	task [dreg:s8], $0x5FFFF  }
0xad: {  	[dreg:$0x1] =	wrdreg $0xFFFFFFFF  }
0xae: {  	[dreg:$0x0] =	wrdreg $0x60  }
0xaf: {  	[dreg:$0x2] =	wrdreg s24  }
0xb0: {  	[dreg:$0x3] =	wrdreg s18  }
0xb1: {  	[dreg:$0x4] =	wrdreg s2  }
0xb2: {  	[dreg:$0x5] =	wrdreg $0x113000  }
0xb3: {  	[dreg:$0x6] =	wrdreg $0x9  }
0xb4: {  	_ =	task.clear_ibuf [dreg:s8], $0x7FFFF;
	_ =	strace $0x90000046  }
0xb5: {  	s29 =	simm.s32 $0x9;
	_ =	strace $0x80000048  }
0xb6: {  	_ =	swait.ge [sflag:s29], $0x1  }
0xb7: {  	[sflag:s29] =	ssyncadd.s32 $0xFFFFFFFF  }
0xb8: {  	_ =	strace $0x90000048  }
0xb9: {  	_ =	sfence  }
0xba: {  	s30 =	sld [smem:$0x0];
	_ =	sdelay $0x2  }
0xbb: {  	s31 =	sshll.u32 s1, $0xD;
	s1 =	sshrl.u32 s1, $0x2  }
0xbc: {  	s3 =	sand.u32 $0x4000, s31;
	s1 =	sadd.s32 s1, s30  }
0xbd: {  	s0 =	sor.u32 s3, s0;
	s1 =	sshll.u32 s1, $0x11  }
0xbe: {  	s0 =	sor.u32 s1, s0  }
0xbf: {  	s0 =	sadd.s32 $0x8F2B, s0  }
0xc0: {  	[sflag:s0] =	ssyncadd.remote.s32 $0x1  }
0xc1: {  	_ =	sfence.sel $0xFFFF  }
0xc2: {  	[dreg:$0x0] =	wrdreg $0xFFFFFFFF;
	(pc) =	sbr.abs _section_cstart, $3  }
0xc3: {  	[dreg:$0x1] =	wrdreg $0xFFFFFFFF  }
0xc4: {  	_ =	task.clear_ibuf [dreg:s8], $0x2FFFF;
	_ =	strace $0x9FFFFFFF  }
0xc5: {  	(tm) =	ssettm $0x7FFFFFFF  }
tec
execute0_lowered:
.L_overlay_start_1:
0x0: {  	(tag) =	ssettag $0x1  }
0x1: {  	s0 =	rddreg [dreg:$0x0]  }
0x2: {  	s2 =	rddreg [dreg:$0x2]  }
0x3: {  	s1 =	rddreg [dreg:$0x3];
	s11 =	stileid.u32  }
0x4: {  	s4 =	simm.s32 $0x0;
	s5 =	srdreg.scid;
	s3 =	smul.u32 $0x4E2, s11  }
0x5: {  	s31 =	simm.s32 $0x3;
	[smem:$0x7FF] =	sst s4;
	s8 =	smul.u32 $0xA00, s11  }
0x6: {  	s5 =	sand.u32 $0x1, s5;
	s10 =	smul.u32 $0xA000, s11;
	s23 =	sshll.u32 s11, $0x5  }
0x7: {  	s11 =	simm.s32 $0x10D80;
	_ =	strace $0x80000047;
	s3 =	sadd.s32 s3, s0  }
0x8: {  	s7 =	ssub.s32 $0x2, s5;
	s6 =	sshll.u32 s5, $0x4;
	s26 =	sadd.s32 $0x5200, s3  }
0x9: {  	s12 =	sshrl.u32 s10, $0x2;
	s3 =	sadd.s32 $0x200, s3;
	[dreg:$0x5] =	wrdreg s26  }
0xa: {  	s8 =	sshrl.u32 s8, $0x2;
	s13 =	sadd.s32 s12, s1;
	[dreg:$0x6] =	wrdreg s3  }
0xb: {  	s8 =	sadd.s32 s8, s1;
	s1 =	sadd.s32 $0x28000, s1;
	[dreg:$0x7] =	wrdreg s13  }
0xc: {  	s9 =	sshrl.u32 s7, $0x1;
	s14 =	sadd.s32 $0x2800, s8;
	[dreg:$0x14] =	wrdreg s1  }
0xd: {  	s0 =	sadd.s32 s6, s0;
	s15 =	sadd.s32 $0x5000, s8;
	[dreg:$0x8] =	wrdreg s14  }
0xe: {  	s10 =	simm.s32 $0x7680;
	s16 =	sadd.s32 $0x7800, s8;
	[dreg:$0x9] =	wrdreg s15  }
0xf: {  	s7 =	ssub.s32 s7, s9;
	s17 =	sadd.s32 $0xA000, s8;
	[dreg:$0xa] =	wrdreg s16  }
0x10: {  	s0 =	sadd.s32 s23, s0;
	s18 =	sadd.s32 $0xC800, s8;
	[dreg:$0xb] =	wrdreg s17  }
0x11: {  	s9 =	simm.s32 $0xC600;
	s19 =	sadd.s32 $0xF000, s8;
	[dreg:$0xc] =	wrdreg s18  }
0x12: {  	s12 =	simm.s32 $0xED80;
	s20 =	sadd.s32 $0x11800, s8;
	[dreg:$0xd] =	wrdreg s19  }
0x13: {  	s21 =	sadd.s32 $0x14000, s8;
	s22 =	sadd.s32 $0x16800, s8;
	[dreg:$0xe] =	wrdreg s20  }
0x14: {  	v0 =	vimm.f32 $0.0e+00;
	v1 =	vimm.s32 $0x0;
	s24 =	sadd.s32 $0x19000, s8;
	s25 =	sadd.s32 $0x1B800, s8;
	[dreg:$0xf] =	wrdreg s21  }
0x15: {  	v2 =	vlaneseq.u32;
	vm12 =	vmmov $0x1;
	v3 =	vimm.f32 $1.000000000e+00;
	s26 =	sadd.s32 $0x1E000, s8;
	s0 =	sadd.s32 $0xA200, s0;
	[dreg:$0x10] =	wrdreg s22  }
0x16: {  	vm3 =	vcmask $0x704;
	vm4 =	vcmask $0xB08;
	vm5 =	vcmask $0xF0C;
	s28 =	sadd.s32 $0x23000, s8;
	s29 =	sadd.s32 $0x25800, s8;
	[dreg:$0x11] =	wrdreg s24  }
.Ltmp0:
0x17: {  	vm6 =	vcmask $0x1310;
	vm7 =	vcmask $0x1714;
	vm15 =	vcmask $0x2724;
	s30 =	sadd.s32 $0x28000, s8;
	[dreg:$0x12] =	wrdreg s25;
	(pc) =	sbr.rel .LBB2_1-.Ltmp0, $4  }
0x18: {  	vm13 =	vcmask $0x2F2C;
	vm14 =	vcmask $0x3330;
	vm11 =	vcmask $0x3734;
	s3 =	simm.s32 $0x2;
	s1 =	simm.s32 $0x4F00;
	[dreg:$0x13] =	wrdreg s26  }
0x19: {  	vm10 =	vcmask $0x3B38;
	vm1 =	vmmov $0xffff;
	v7 =	vimm.s32 $0x0;
	s13 =	simm.s32 $0xF580;
	[dreg:$0x15] =	wrdreg s0;
	s25 =	smax.u32 s7, $0x1  }
0x1a: {  	vm9 =	vcmask $0x3F3C;
	v5 =	vshrl.u32 v2, $0x3;
	v7 =	vsel vm1, $0xFFFFFFFF, v7;
	s26 =	sadd.s32 $0x20800, s8;
	s0 =	simm.s32 $0x1;
	s7 =	simm.s32 $0x9E80  }
0x1b: {  	v4 =	vand.u32 $0x7, v2;
	v6 =	vor.u32 $0x8, v2;
	v5 =	vmul.u32 $0x8, v5;
	[tilespmem:$0x1FFF0] =	vst v7;
	s14 =	simm.s32 $0xFD80;
	s15 =	simm.s32 $0x10580;
	s16 =	simm.s32 $0x0  }
.LBB2_75:
0x1c: {  	s16 =	sadd.s32 $0x1, s16  }
0x1d: {  	p0 =	sne.s32 s16, s25  }
.Ltmp1:
0x1e: {  	s17 =	rddreg [dreg:$0x15];
	s18 =	simm.s32 $0x11280;
	(pc) =	sbr.rel @!p0 .LBB2_76-.Ltmp1, $4  }
0x1f: {  	[hbm4b:s17+s4] =	stream.linear.scatter [tilespmem:s18], [sflag:$0x3], $0x80, $0x38;
	[tilespmem:$0x13D80] =	vst v63  }
0x20: {  	_ =	swait.ge [sflag:s31], $0x80  }
0x21: {  	[sflag:s31] =	ssyncset.done $0x0  }
0x22: {  	[sflag:s31] =	ssyncadd.s32 $0xFFFFFF80  }
.LBB2_1:
0x23: {  	s17 =	rddreg [dreg:$0x5]  }
0x24: {  	[tilespmem:s4], [sflag:$0x1] =	stream.linear.gather [hbm4b:s17+s4], $0x2710, $0x38;
	[tilespmem:$0x13D80] =	vst v63  }
0x25: {  	s23 =	rddreg [dreg:$0x6];
	s18 =	simm.s32 $0x2780  }
0x26: {  	[tilespmem:s18], [sflag:$0x2] =	stream.linear.gather [hbm4b:s23+s4], $0x2710, $0x38;
	[tilespmem:$0x13D80] =	vst v63  }
0x27: {  	_ =	swait.ge [sflag:s0], $0x2710  }
0x28: {  	[sflag:s0] =	ssyncset.done $0x0  }
0x29: {  	[sflag:s0] =	ssyncadd.s32 $0xFFFFD8F0  }
0x2a: {  	_ =	swait.ge [sflag:s3], $0x2710  }
0x2b: {  	[sflag:s3] =	ssyncset.done $0x0  }
0x2c: {  	[sflag:s3] =	ssyncadd.s32 $0xFFFFD8F0  }
0x2d: {  	s24 =	rddreg [dreg:$0x1]  }
0x2e: {  	[tilespmem:s1], [sflag:$0x3] =	stream.linear.gather [hbm4b:s24+s4], $0x2780, $0x38;
	[tilespmem:$0x13D80] =	vst v63  }
0x2f: {  	_ =	swait.ge [sflag:s31], $0x2780  }
0x30: {  	[sflag:s31] =	ssyncset.done $0x0  }
0x31: {  	s17 =	simm.s32 $0x0;
	[sflag:s31] =	ssyncadd.s32 $0xFFFFD880  }
.LBB2_2:
0x32: {  	p0 =	sne.s32 s17, $0x9FC0  }
.Ltmp2:
0x33: {  	_ = 	snop;
	(pc) =	sbr.rel @p0 .LBB2_2-.Ltmp2, $3  }
0x34: {  	_ =	sdelay $0x1  }
0x35: {  	s18 =	sshra.s32 s17, $0x2  }
0x36: {  	s17 =	sadd.s32 $0x40, s17;
	[tilespmem:s18+$0x7680] =	vst v0  }
0x37: {  	s17 =	simm.s32 $0x0  }
0x38: {  	v7 =	vld [tilespmem:s17+$0x0]  }
0x39: {  	v8 =	vld [tilespmem:s17+$0x2780];
	_ =	sdelay $0x6  }
0x3a: {  	v9 =	vld.idx.msk [tilespmem:v7+s1+$0x0], $0xffff  }
0x3b: {  	v10 =	vld.idx.msk [tilespmem:v8+s1+$0x0], $0xffff;
	_ =	sdelay $0x4  }
0x3c: {  	vm1 =	veq.s32 v9, v10  }
0x3d: {  	v9 =	vsel vm1, $0x1, v1  }
0x3e: {  	(xrf0) =	vadd.scan.msk.s32 $0xffff, v9;
	_ =	sdelay $0x4  }
0x3f: {  	s17 =	simm.s32 $0x0;
	v9 =	vsel vm1, $0xFFFFFFFF, v1  }
0x40: {  	v9 =	vadd.s32 s17, v9;
	v10, _, _ =	vpop (xrf0)  }
0x41: {  	v9 =	vadd.s32 v10, v9;
	(v2sf) =	vpush v10, $0xF;
	_ =	sdelay $0x4  }
0x42: {  	[tilespmem:v9+s7+$0x0] =	vst.idx.msk vm1, v7  }
0x43: {  	s19 =	simm.s32 $0x10;
	[tilespmem:v9+s9+$0x0] =	vst.idx.msk vm1, v8  }
0x44: {  	v8 =	vld [tilespmem:s19+$0x0]  }
0x45: {  	s18 =	simm.s32 $0x80;
	v7 =	vld [tilespmem:s19+$0x2780]  }
.LBB2_4:
0x46: {  	_ =	sdelay $0x4  }
0x47: {  	p0 =	sne.s32 s18, $0x9C00  }
0x48: {  	s20 =	smov.u32 s18;
	s18 =	sadd.s32 $0x40, s18;
	v9 =	vld.idx.msk [tilespmem:v8+s1+$0x0], $0xffff;
	s19 =	spop (v2sf)  }
0x49: {  	v10 =	vld.idx.msk [tilespmem:v7+s1+$0x0], $0xffff;
	s17 =	sadd.s32 s17, s19;
	_ =	sdelay $0x5  }
0x4a: {  	vm1 =	veq.s32 v9, v10  }
0x4b: {  	v9 =	vsel vm1, $0xFFFFFFFF, v1;
	v10 =	vsel vm1, $0x1, v1  }
0x4c: {  	(xrf0) =	vadd.scan.msk.s32 $0xffff, v10;
	_ =	sdelay $0x5  }
0x4d: {  	v9 =	vadd.s32 s17, v9;
	v10, _, _ =	vpop (xrf0)  }
0x4e: {  	v9 =	vadd.s32 v10, v9;
	(v2sf) =	vpush v10, $0xF;
	_ =	sdelay $0x3  }
.Ltmp3:
0x4f: {  	(pc) =	sbr.rel @p0 .LBB2_4-.Ltmp3, $4  }
0x50: {  	[tilespmem:v9+s7+$0x0] =	vst.idx.msk vm1, v8  }
0x51: {  	s19 =	sshra.s32 s20, $0x2;
	[tilespmem:v9+s9+$0x0] =	vst.idx.msk vm1, v7  }
0x52: {  	v8 =	vld [tilespmem:s19+$0x0]  }
0x53: {  	v7 =	vld [tilespmem:s19+$0x2780]  }
0x54: {  	_ =	sdelay $0x6  }
0x55: {  	v9 =	vld.idx.msk [tilespmem:v8+s1+$0x0], $0xffff  }
0x56: {  	v10 =	vld.idx.msk [tilespmem:v7+s1+$0x0], $0xffff;
	_ =	sdelay $0x4  }
0x57: {  	vm1 =	veq.s32 v9, v10  }
0x58: {  	v9 =	vsel vm1, $0x1, v1  }
0x59: {  	(xrf0) =	vadd.scan.msk.s32 $0xffff, v9;
	_ =	sdelay $0x5  }
0x5a: {  	v9, _, _ =	vpop (xrf0)  }
0x5b: {  	(v2sf) =	vpush v9, $0xF;
	_ =	sdelay $0xd  }
0x5c: {  	s18 =	spop (v2sf)  }
0x5d: {  	s18 =	sadd.s32 s17, s18;
	s19 =	spop (v2sf)  }
0x5e: {  	s17 =	sadd.s32 s18, s19  }
0x5f: {  	s20 =	sadd.s32 $0xF, s17  }
0x60: {  	s21 =	sand.u32 $0xF, s20  }
0x61: {  	v10 =	vsel vm1, $0xFFFFFFFF, v1;
	s24 =	sshra.s32 s20, $0x1F;
	p1 =	slt.s32 s20, $0x1;
	p0 =	sne.s32 s21, $0x0  }
0x62: {  	v10 =	vadd.s32 s18, v10;
	v63 =	vadd.s32 s17, v2;
	s17 =	sshrl.u32 s24, $0x1C;
	p0 =	por !p1, !p0  }
0x63: {  	v9 =	vadd.s32 v9, v10;
	s17 =	sadd.s32 s17, s20;
	s20 =	simm.s32 $0x1;
	p0 =	por !p0, !p0  }
0x64: {  	s17 =	sshra.s32 s17, $0x4;
	s20 =	simm.s32 @!p0 $0x0  }
0x65: {  	s17 =	ssub.s32 s17, s20  }
0x66: {  	p0 =	slt.s32 s17, $0x1  }
.Ltmp4:
0x67: {  	_ = 	snop;
	(pc) =	sbr.rel @p0 .LBB2_9-.Ltmp4, $4  }
0x68: {  	[tilespmem:v9+s7+$0x0] =	vst.idx.msk vm1, v8  }
0x69: {  	[tilespmem:v9+s9+$0x0] =	vst.idx.msk vm1, v7  }
0x6a: {  	[tilespmem:v63+s7+$0x0] =	vst.idx.msk $0xffff, v1  }
0x6b: {  	[tilespmem:v63+s9+$0x0] =	vst.idx.msk $0xffff, v1  }
0x6c: {  	s18 =	sadd.s32 s18, s19  }
0x6d: {  	v8 =	vmov s18  }
0x6e: {  	vm1 =	vgt.s32 v8, v2  }
0x6f: {  	v8 =	vimm.s32 $0x0;
	vm2 =	vmand vm1, vm3  }
0x70: {  	v8 =	vsel vm2, $0xFFFFFFFF, v8  }
0x71: {  	vm2 =	vmand vm1, vm4;
	[tilespmem:$0x1FF50] =	vst v8;
	v8 =	vimm.s32 $0x0  }
0x72: {  	v8 =	vsel vm2, $0xFFFFFFFF, v8  }
0x73: {  	vm2 =	vmand vm1, vm5;
	[tilespmem:$0x1FF60] =	vst v8;
	v8 =	vimm.s32 $0x0  }
0x74: {  	v8 =	vsel vm2, $0xFFFFFFFF, v8  }
0x75: {  	vm2 =	vmand vm1, vm6;
	[tilespmem:$0x1FF70] =	vst v8;
	v8 =	vimm.s32 $0x0  }
0x76: {  	v8 =	vsel vm2, $0xFFFFFFFF, v8  }
0x77: {  	vm2 =	vmand vm1, vm7;
	[tilespmem:$0x1FF80] =	vst v8;
	v8 =	vimm.s32 $0x0  }
0x78: {  	vm8 =	vcmask $0x1B18;
	v8 =	vsel vm2, $0xFFFFFFFF, v8  }
0x79: {  	vm9 =	vmand vm1, vm8;
	[tilespmem:$0x1FF90] =	vst v8;
	v8 =	vimm.s32 $0x0  }
0x7a: {  	v8 =	vsel vm9, $0xFFFFFFFF, v8  }
0x7b: {  	[tilespmem:$0x1FFA0] =	vst v8;
	v8 =	vld [tilespmem:$0x1FF50]  }
0x7c: {  	s19 =	simm.s32 $0x9E80  }
0x7d: {  	v7 =	vld [tilespmem:s19+$0x0];
	_ =	sdelay $0x1  }
0x7e: {  	vm0 =	vmand vm1, vm12  }
0x7f: {  	vm2 =	vnez.u8 v8;
	_ =	sdelay $0x4  }
0x80: {  	[tilespmem:v7+s10+$0x0] =	vst.idx.add.f32.msk vm0, v3;
	vm9 =	vmmov vm10;
	vm10 =	vcmask $0x1F1C;
	v8 =	vimm.s32 $0x0  }
0x81: {  	[tilespmem:v7+s10+$0x0] =	vst.idx.add.f32.msk vm2, v3;
	vm2 =	vmmov vm14;
	vm14 =	vmmov vm13;
	vm13 =	vmand vm1, vm10  }
0x82: {  	v8 =	vsel vm13, $0xFFFFFFFF, v8  }
0x83: {  	[tilespmem:$0x1FFB0] =	vst v8;
	v8 =	vld [tilespmem:$0x1FF60];
	_ =	sdelay $0x4  }
0x84: {  	vm13 =	vnez.u8 v8;
	_ =	sdelay $0x4  }
0x85: {  	vm0 =	vmmov vm15;
	vm15 =	vcmask $0x2320  }
0x86: {  	v8 =	vimm.s32 $0x0;
	[tilespmem:v7+s10+$0x0] =	vst.idx.add.f32.msk vm13, v3;
	vm13 =	vmand vm1, vm15  }
0x87: {  	v8 =	vsel vm13, $0xFFFFFFFF, v8  }
0x88: {  	[tilespmem:$0x1FFC0] =	vst v8;
	v8 =	vld [tilespmem:$0x1FF70];
	_ =	sdelay $0x4  }
0x89: {  	vm0 =	vmand vm1, vm0;
	vm13 =	vnez.u8 v8;
	v8 =	vimm.s32 $0x0  }
0x8a: {  	v8 =	vsel vm0, $0xFFFFFFFF, v8  }
0x8b: {  	[tilespmem:$0x1FFD0] =	vst v8;
	v8 =	vld [tilespmem:$0x1FF80];
	_ =	sdelay $0x4  }
0x8c: {  	vm0 =	vnez.u8 v8;
	_ =	sdelay $0x4  }
0x8d: {  	[tilespmem:v7+s10+$0x0] =	vst.idx.add.f32.msk vm13, v3  }
0x8e: {  	[tilespmem:v7+s10+$0x0] =	vst.idx.add.f32.msk vm0, v3;
	vm0 =	vcmask $0x2B28  }
0x8f: {  	v8 =	vimm.s32 $0x0;
	vm0 =	vmand vm1, vm0  }
0x90: {  	v8 =	vsel vm0, $0xFFFFFFFF, v8  }
0x91: {  	[tilespmem:$0x1FFE0] =	vst v8;
	v8 =	vld [tilespmem:$0x1FF90];
	_ =	sdelay $0x4  }
0x92: {  	vm0 =	vnez.u8 v8  }
0x93: {  	v8 =	vld [tilespmem:$0x1FFA0];
	_ =	sdelay $0x4  }
0x94: {  	[tilespmem:v7+s10+$0x0] =	vst.idx.add.f32.msk vm0, v3;
	vm0 =	vnez.u8 v8  }
0x95: {  	v8 =	vld [tilespmem:$0x1FFB0];
	_ =	sdelay $0x4  }
0x96: {  	[tilespmem:v7+s10+$0x0] =	vst.idx.add.f32.msk vm0, v3;
	vm0 =	vnez.u8 v8  }
0x97: {  	v8 =	vld [tilespmem:$0x1FFC0];
	_ =	sdelay $0x4  }
0x98: {  	[tilespmem:v7+s10+$0x0] =	vst.idx.add.f32.msk vm0, v3;
	vm0 =	vnez.u8 v8  }
0x99: {  	v8 =	vld [tilespmem:$0x1FFD0];
	_ =	sdelay $0x4  }
0x9a: {  	[tilespmem:v7+s10+$0x0] =	vst.idx.add.f32.msk vm0, v3;
	vm0 =	vnez.u8 v8  }
0x9b: {  	v8 =	vld [tilespmem:$0x1FFE0];
	_ =	sdelay $0x4  }
0x9c: {  	[tilespmem:v7+s10+$0x0] =	vst.idx.add.f32.msk vm0, v3;
	vm0 =	vnez.u8 v8;
	_ =	sdelay $0x2  }
0x9d: {  	vm13 =	vmand vm1, vm14  }
0x9e: {  	vm2 =	vmand vm1, vm2  }
0x9f: {  	vm11 =	vmand vm1, vm11  }
0xa0: {  	vm9 =	vmand vm1, vm9;
	[tilespmem:v7+s10+$0x0] =	vst.idx.add.f32.msk vm0, v3;
	vm0 =	vcmask $0x3F3C  }
0xa1: {  	p0 =	sne.s32 s17, $0x1;
	vm1 =	vmand vm1, vm0  }
.Ltmp5:
0xa2: {  	_ = 	snop;
	(pc) =	sbr.rel @!p0 .LBB2_8-.Ltmp5, $4  }
0xa3: {  	[tilespmem:v7+s10+$0x0] =	vst.idx.add.f32.msk vm13, v3  }
0xa4: {  	[tilespmem:v7+s10+$0x0] =	vst.idx.add.f32.msk vm2, v3  }
0xa5: {  	[tilespmem:v7+s10+$0x0] =	vst.idx.add.f32.msk vm11, v3  }
0xa6: {  	s20 =	sadd.s32 $0xFFFFFFFF, s17;
	vm14 =	vmmov vm10;
	vm13 =	vmmov vm8;
	[tilespmem:v7+s10+$0x0] =	vst.idx.add.f32.msk vm9, v3  }
.LBB2_7:
0xa7: {  	p0 =	sne.s32 s20, $0x1;
	[tilespmem:v7+s10+$0x0] =	vst.idx.add.f32.msk vm1, v3;
	s19 =	sadd.s32 $0x10, s19;
	s18 =	sadd.s32 $0xFFFFFFF0, s18  }
0xa8: {  	s20 =	sadd.s32 $0xFFFFFFFF, s20;
	v7 =	vld [tilespmem:s19+$0x0];
	v8 =	vmov s18  }
0xa9: {  	vm1 =	vgt.s32 v8, v2  }
0xaa: {  	vm2 =	vmand vm1, vm12  }
0xab: {  	vm8 =	vmmov vm3;
	vm3 =	vmand vm1, vm3  }
0xac: {  	vm9 =	vmmov vm4;
	vm4 =	vmand vm1, vm4  }
0xad: {  	vm10 =	vmand vm1, vm5  }
0xae: {  	vm11 =	vmand vm1, vm6  }
0xaf: {  	vm0 =	vmmov vm12;
	vm12 =	vmand vm1, vm7  }
0xb0: {  	[tilespmem:v7+s10+$0x0] =	vst.idx.add.f32.msk vm2, v3;
	vm2 =	vmand vm1, vm13  }
0xb1: {  	[tilespmem:v7+s10+$0x0] =	vst.idx.add.f32.msk vm3, v3;
	vm3 =	vmand vm1, vm14  }
0xb2: {  	[tilespmem:v7+s10+$0x0] =	vst.idx.add.f32.msk vm4, v3;
	vm4 =	vmand vm1, vm15  }
0xb3: {  	[tilespmem:v7+s10+$0x0] =	vst.idx.add.f32.msk vm10, v3;
	vm10 =	vcmask $0x2724  }
0xb4: {  	vm10 =	vmand vm1, vm10  }
0xb5: {  	[tilespmem:v7+s10+$0x0] =	vst.idx.add.f32.msk vm11, v3;
	vm11 =	vcmask $0x2B28  }
0xb6: {  	vm11 =	vmand vm1, vm11  }
0xb7: {  	[tilespmem:v7+s10+$0x0] =	vst.idx.add.f32.msk vm12, v3;
	vm12 =	vcmask $0x2F2C  }
0xb8: {  	vm12 =	vmand vm1, vm12  }
0xb9: {  	[tilespmem:v7+s10+$0x0] =	vst.idx.add.f32.msk vm2, v3;
	vm2 =	vcmask $0x3330  }
0xba: {  	vm2 =	vmand vm1, vm2  }
0xbb: {  	[tilespmem:v7+s10+$0x0] =	vst.idx.add.f32.msk vm3, v3;
	vm3 =	vcmask $0x3734  }
0xbc: {  	vm3 =	vmand vm1, vm3  }
0xbd: {  	[tilespmem:v7+s10+$0x0] =	vst.idx.add.f32.msk vm4, v3;
	vm4 =	vcmask $0x3B38  }
0xbe: {  	vm4 =	vmand vm1, vm4  }
0xbf: {  	[tilespmem:v7+s10+$0x0] =	vst.idx.add.f32.msk vm10, v3;
	vm10 =	vcmask $0x3F3C  }
0xc0: {  	vm1 =	vmand vm1, vm10  }
.Ltmp6:
0xc1: {  	[tilespmem:v7+s10+$0x0] =	vst.idx.add.f32.msk vm11, v3;
	(pc) =	sbr.rel @p0 .LBB2_7-.Ltmp6, $4  }
0xc2: {  	[tilespmem:v7+s10+$0x0] =	vst.idx.add.f32.msk vm12, v3;
	vm12 =	vmmov vm0  }
0xc3: {  	[tilespmem:v7+s10+$0x0] =	vst.idx.add.f32.msk vm2, v3  }
0xc4: {  	[tilespmem:v7+s10+$0x0] =	vst.idx.add.f32.msk vm3, v3;
	vm3 =	vmmov vm8  }
0xc5: {  	[tilespmem:v7+s10+$0x0] =	vst.idx.add.f32.msk vm4, v3;
	vm4 =	vmmov vm9  }
.LBB2_8:
0xc6: {  	_ =	sdelay $0x3  }
0xc7: {  	vm15 =	vcmask $0x2724;
	vm13 =	vcmask $0x2F2C;
	vm14 =	vcmask $0x3330  }
0xc8: {  	[tilespmem:v7+s10+$0x0] =	vst.idx.add.f32.msk vm1, v3;
	vm11 =	vcmask $0x3734;
	vm10 =	vcmask $0x3B38;
	vm9 =	vcmask $0x3F3C  }
.LBB2_9:
0xc9: {  	s18 =	rddreg [dreg:$0x7]  }
0xca: {  	[spmem:s18] =	stream.linear.scatter [tilespmem:s10], [sflag:$0x3], $0x2800, $0x38;
	[tilespmem:$0x13D80] =	vst v63  }
0xcb: {  	_ =	swait.ge [sflag:s31], $0x2800  }
0xcc: {  	[sflag:s31] =	ssyncset.done $0x0  }
0xcd: {  	[sflag:s31] =	ssyncadd.s32 $0xFFFFD800  }
0xce: {  	[bflag:$0x0] =	sbarrier.arrive $0xFFFF  }
0xcf: {  	[tilespmem:s11], [sflag:$0x3] =	stream.linear.gather [spmem:s8], $0x280, $0x38;
	[tilespmem:$0x13D80] =	vst v63  }
0xd0: {  	_ =	swait.ge [sflag:s31], $0x280  }
0xd1: {  	[sflag:s31] =	ssyncset.done $0x0  }
0xd2: {  	s18 =	simm.s32 $0x0;
	[sflag:s31] =	ssyncadd.s32 $0xFFFFFD80  }
0xd3: {  	s19 =	simm.s32 $0x40;
	v7 =	vld [tilespmem:s18+$0x10D80]  }
.LBB2_10:
0xd4: {  	p0 =	sne.s32 s19, $0x9C0  }
.Ltmp7:
0xd5: {  	_ = 	snop;
	(pc) =	sbr.rel @p0 .LBB2_10-.Ltmp7, $3  }
0xd6: {  	_ =	sdelay $0x1  }
0xd7: {  	[tilespmem:s18+$0x11000] =	vst v7;
	s18 =	sshra.s32 s19, $0x2;
	s19 =	sadd.s32 $0x40, s19  }
0xd8: {  	v7 =	vld [tilespmem:s18+$0x10D80]  }
0xd9: {  	_ =	sdelay $0x3  }
0xda: {  	s24 =	rddreg [dreg:$0x8];
	[tilespmem:s18+$0x11000] =	vst v7  }
0xdb: {  	[tilespmem:s11], [sflag:$0x3] =	stream.linear.gather [spmem:s24], $0x280, $0x38;
	[tilespmem:$0x13D80] =	vst v63  }
0xdc: {  	_ =	swait.ge [sflag:s31], $0x280  }
0xdd: {  	[sflag:s31] =	ssyncset.done $0x0  }
0xde: {  	s18 =	simm.s32 $0x0;
	[sflag:s31] =	ssyncadd.s32 $0xFFFFFD80  }
0xdf: {  	s19 =	simm.s32 $0x40;
	v7 =	vld [tilespmem:s18+$0x10D80]  }
.LBB2_12:
0xe0: {  	p0 =	sne.s32 s19, $0x9C0;
	v8 =	vld [tilespmem:s18+$0x11000];
	_ =	sdelay $0x2  }
.Ltmp8:
0xe1: {  	(pc) =	sbr.rel @p0 .LBB2_12-.Ltmp8, $4  }
0xe2: {  	_ = 	snop  }
0xe3: {  	v8 =	vadd.f32 v7, v8  }
0xe4: {  	s20 =	sshra.s32 s19, $0x2  }
0xe5: {  	s19 =	sadd.s32 $0x40, s19;
	v7 =	vld [tilespmem:s20+$0x10D80];
	[tilespmem:s18+$0x11000] =	vst v8;
	s18 =	smov.u32 s20  }
0xe6: {  	v8 =	vld [tilespmem:s18+$0x11000];
	_ =	sdelay $0x4  }
0xe7: {  	v7 =	vadd.f32 v7, v8;
	_ =	sdelay $0x1  }
0xe8: {  	s24 =	rddreg [dreg:$0x9];
	[tilespmem:s18+$0x11000] =	vst v7  }
0xe9: {  	[tilespmem:s11], [sflag:$0x3] =	stream.linear.gather [spmem:s24], $0x280, $0x38;
	[tilespmem:$0x13D80] =	vst v63  }
0xea: {  	_ =	swait.ge [sflag:s31], $0x280  }
0xeb: {  	[sflag:s31] =	ssyncset.done $0x0  }
0xec: {  	s18 =	simm.s32 $0x0;
	[sflag:s31] =	ssyncadd.s32 $0xFFFFFD80  }
0xed: {  	s19 =	simm.s32 $0x40;
	v7 =	vld [tilespmem:s18+$0x10D80]  }
.LBB2_14:
0xee: {  	p0 =	sne.s32 s19, $0x9C0;
	v8 =	vld [tilespmem:s18+$0x11000];
	_ =	sdelay $0x2  }
.Ltmp9:
0xef: {  	(pc) =	sbr.rel @p0 .LBB2_14-.Ltmp9, $4  }
0xf0: {  	_ = 	snop  }
0xf1: {  	v8 =	vadd.f32 v7, v8  }
0xf2: {  	s20 =	sshra.s32 s19, $0x2  }
0xf3: {  	s19 =	sadd.s32 $0x40, s19;
	v7 =	vld [tilespmem:s20+$0x10D80];
	[tilespmem:s18+$0x11000] =	vst v8;
	s18 =	smov.u32 s20  }
0xf4: {  	v8 =	vld [tilespmem:s18+$0x11000];
	_ =	sdelay $0x4  }
0xf5: {  	v7 =	vadd.f32 v7, v8;
	_ =	sdelay $0x1  }
0xf6: {  	s24 =	rddreg [dreg:$0xa];
	[tilespmem:s18+$0x11000] =	vst v7  }
0xf7: {  	[tilespmem:s11], [sflag:$0x3] =	stream.linear.gather [spmem:s24], $0x280, $0x38;
	[tilespmem:$0x13D80] =	vst v63  }
0xf8: {  	_ =	swait.ge [sflag:s31], $0x280  }
0xf9: {  	[sflag:s31] =	ssyncset.done $0x0  }
0xfa: {  	s18 =	simm.s32 $0x0;
	[sflag:s31] =	ssyncadd.s32 $0xFFFFFD80  }
0xfb: {  	s19 =	simm.s32 $0x40;
	v7 =	vld [tilespmem:s18+$0x10D80]  }
.LBB2_16:
0xfc: {  	p0 =	sne.s32 s19, $0x9C0;
	v8 =	vld [tilespmem:s18+$0x11000];
	_ =	sdelay $0x2  }
.Ltmp10:
0xfd: {  	(pc) =	sbr.rel @p0 .LBB2_16-.Ltmp10, $4  }
0xfe: {  	_ = 	snop  }
0xff: {  	v8 =	vadd.f32 v7, v8  }
0x100: {  	s20 =	sshra.s32 s19, $0x2  }
0x101: {  	s19 =	sadd.s32 $0x40, s19;
	v7 =	vld [tilespmem:s20+$0x10D80];
	[tilespmem:s18+$0x11000] =	vst v8;
	s18 =	smov.u32 s20  }
0x102: {  	v8 =	vld [tilespmem:s18+$0x11000];
	_ =	sdelay $0x4  }
0x103: {  	v7 =	vadd.f32 v7, v8;
	_ =	sdelay $0x1  }
0x104: {  	s24 =	rddreg [dreg:$0xb];
	[tilespmem:s18+$0x11000] =	vst v7  }
0x105: {  	[tilespmem:s11], [sflag:$0x3] =	stream.linear.gather [spmem:s24], $0x280, $0x38;
	[tilespmem:$0x13D80] =	vst v63  }
0x106: {  	_ =	swait.ge [sflag:s31], $0x280  }
0x107: {  	[sflag:s31] =	ssyncset.done $0x0  }
0x108: {  	s18 =	simm.s32 $0x0;
	[sflag:s31] =	ssyncadd.s32 $0xFFFFFD80  }
0x109: {  	s19 =	simm.s32 $0x40;
	v7 =	vld [tilespmem:s18+$0x10D80]  }
.LBB2_18:
0x10a: {  	p0 =	sne.s32 s19, $0x9C0;
	v8 =	vld [tilespmem:s18+$0x11000];
	_ =	sdelay $0x2  }
.Ltmp11:
0x10b: {  	(pc) =	sbr.rel @p0 .LBB2_18-.Ltmp11, $4  }
0x10c: {  	_ = 	snop  }
0x10d: {  	v8 =	vadd.f32 v7, v8  }
0x10e: {  	s20 =	sshra.s32 s19, $0x2  }
0x10f: {  	s19 =	sadd.s32 $0x40, s19;
	v7 =	vld [tilespmem:s20+$0x10D80];
	[tilespmem:s18+$0x11000] =	vst v8;
	s18 =	smov.u32 s20  }
0x110: {  	v8 =	vld [tilespmem:s18+$0x11000];
	_ =	sdelay $0x4  }
0x111: {  	v7 =	vadd.f32 v7, v8;
	_ =	sdelay $0x1  }
0x112: {  	s24 =	rddreg [dreg:$0xc];
	[tilespmem:s18+$0x11000] =	vst v7  }
0x113: {  	[tilespmem:s11], [sflag:$0x3] =	stream.linear.gather [spmem:s24], $0x280, $0x38;
	[tilespmem:$0x13D80] =	vst v63  }
0x114: {  	_ =	swait.ge [sflag:s31], $0x280  }
0x115: {  	[sflag:s31] =	ssyncset.done $0x0  }
0x116: {  	s18 =	simm.s32 $0x0;
	[sflag:s31] =	ssyncadd.s32 $0xFFFFFD80  }
0x117: {  	s19 =	simm.s32 $0x40;
	v7 =	vld [tilespmem:s18+$0x10D80]  }
.LBB2_20:
0x118: {  	p0 =	sne.s32 s19, $0x9C0;
	v8 =	vld [tilespmem:s18+$0x11000];
	_ =	sdelay $0x2  }
.Ltmp12:
0x119: {  	(pc) =	sbr.rel @p0 .LBB2_20-.Ltmp12, $4  }
0x11a: {  	_ = 	snop  }
0x11b: {  	v8 =	vadd.f32 v7, v8  }
0x11c: {  	s20 =	sshra.s32 s19, $0x2  }
0x11d: {  	s19 =	sadd.s32 $0x40, s19;
	v7 =	vld [tilespmem:s20+$0x10D80];
	[tilespmem:s18+$0x11000] =	vst v8;
	s18 =	smov.u32 s20  }
0x11e: {  	v8 =	vld [tilespmem:s18+$0x11000];
	_ =	sdelay $0x4  }
0x11f: {  	v7 =	vadd.f32 v7, v8;
	_ =	sdelay $0x1  }
0x120: {  	s24 =	rddreg [dreg:$0xd];
	[tilespmem:s18+$0x11000] =	vst v7  }
0x121: {  	[tilespmem:s11], [sflag:$0x3] =	stream.linear.gather [spmem:s24], $0x280, $0x38;
	[tilespmem:$0x13D80] =	vst v63  }
0x122: {  	_ =	swait.ge [sflag:s31], $0x280  }
0x123: {  	[sflag:s31] =	ssyncset.done $0x0  }
0x124: {  	s18 =	simm.s32 $0x0;
	[sflag:s31] =	ssyncadd.s32 $0xFFFFFD80  }
0x125: {  	s19 =	simm.s32 $0x40;
	v7 =	vld [tilespmem:s18+$0x10D80]  }
.LBB2_22:
0x126: {  	p0 =	sne.s32 s19, $0x9C0;
	v8 =	vld [tilespmem:s18+$0x11000];
	_ =	sdelay $0x2  }
.Ltmp13:
0x127: {  	(pc) =	sbr.rel @p0 .LBB2_22-.Ltmp13, $4  }
0x128: {  	_ = 	snop  }
0x129: {  	v8 =	vadd.f32 v7, v8  }
0x12a: {  	s20 =	sshra.s32 s19, $0x2  }
0x12b: {  	s19 =	sadd.s32 $0x40, s19;
	v7 =	vld [tilespmem:s20+$0x10D80];
	[tilespmem:s18+$0x11000] =	vst v8;
	s18 =	smov.u32 s20  }
0x12c: {  	v8 =	vld [tilespmem:s18+$0x11000];
	_ =	sdelay $0x4  }
0x12d: {  	v7 =	vadd.f32 v7, v8;
	_ =	sdelay $0x1  }
0x12e: {  	s24 =	rddreg [dreg:$0xe];
	[tilespmem:s18+$0x11000] =	vst v7  }
0x12f: {  	[tilespmem:s11], [sflag:$0x3] =	stream.linear.gather [spmem:s24], $0x280, $0x38;
	[tilespmem:$0x13D80] =	vst v63  }
0x130: {  	_ =	swait.ge [sflag:s31], $0x280  }
0x131: {  	[sflag:s31] =	ssyncset.done $0x0  }
0x132: {  	s18 =	simm.s32 $0x0;
	[sflag:s31] =	ssyncadd.s32 $0xFFFFFD80  }
0x133: {  	s19 =	simm.s32 $0x40;
	v7 =	vld [tilespmem:s18+$0x10D80]  }
.LBB2_24:
0x134: {  	p0 =	sne.s32 s19, $0x9C0;
	v8 =	vld [tilespmem:s18+$0x11000];
	_ =	sdelay $0x2  }
.Ltmp14:
0x135: {  	(pc) =	sbr.rel @p0 .LBB2_24-.Ltmp14, $4  }
0x136: {  	_ = 	snop  }
0x137: {  	v8 =	vadd.f32 v7, v8  }
0x138: {  	s20 =	sshra.s32 s19, $0x2  }
0x139: {  	s19 =	sadd.s32 $0x40, s19;
	v7 =	vld [tilespmem:s20+$0x10D80];
	[tilespmem:s18+$0x11000] =	vst v8;
	s18 =	smov.u32 s20  }
0x13a: {  	v8 =	vld [tilespmem:s18+$0x11000];
	_ =	sdelay $0x4  }
0x13b: {  	v7 =	vadd.f32 v7, v8;
	_ =	sdelay $0x1  }
0x13c: {  	s24 =	rddreg [dreg:$0xf];
	[tilespmem:s18+$0x11000] =	vst v7  }
0x13d: {  	[tilespmem:s11], [sflag:$0x3] =	stream.linear.gather [spmem:s24], $0x280, $0x38;
	[tilespmem:$0x13D80] =	vst v63  }
0x13e: {  	_ =	swait.ge [sflag:s31], $0x280  }
0x13f: {  	[sflag:s31] =	ssyncset.done $0x0  }
0x140: {  	s18 =	simm.s32 $0x0;
	[sflag:s31] =	ssyncadd.s32 $0xFFFFFD80  }
0x141: {  	s19 =	simm.s32 $0x40;
	v7 =	vld [tilespmem:s18+$0x10D80]  }
.LBB2_26:
0x142: {  	p0 =	sne.s32 s19, $0x9C0;
	v8 =	vld [tilespmem:s18+$0x11000];
	_ =	sdelay $0x2  }
.Ltmp15:
0x143: {  	(pc) =	sbr.rel @p0 .LBB2_26-.Ltmp15, $4  }
0x144: {  	_ = 	snop  }
0x145: {  	v8 =	vadd.f32 v7, v8  }
0x146: {  	s20 =	sshra.s32 s19, $0x2  }
0x147: {  	s19 =	sadd.s32 $0x40, s19;
	v7 =	vld [tilespmem:s20+$0x10D80];
	[tilespmem:s18+$0x11000] =	vst v8;
	s18 =	smov.u32 s20  }
0x148: {  	v8 =	vld [tilespmem:s18+$0x11000];
	_ =	sdelay $0x4  }
0x149: {  	v7 =	vadd.f32 v7, v8;
	_ =	sdelay $0x1  }
0x14a: {  	s24 =	rddreg [dreg:$0x10];
	[tilespmem:s18+$0x11000] =	vst v7  }
0x14b: {  	[tilespmem:s11], [sflag:$0x3] =	stream.linear.gather [spmem:s24], $0x280, $0x38;
	[tilespmem:$0x13D80] =	vst v63  }
0x14c: {  	_ =	swait.ge [sflag:s31], $0x280  }
0x14d: {  	[sflag:s31] =	ssyncset.done $0x0  }
0x14e: {  	s18 =	simm.s32 $0x0;
	[sflag:s31] =	ssyncadd.s32 $0xFFFFFD80  }
0x14f: {  	s19 =	simm.s32 $0x40;
	v7 =	vld [tilespmem:s18+$0x10D80]  }
.LBB2_28:
0x150: {  	p0 =	sne.s32 s19, $0x9C0;
	v8 =	vld [tilespmem:s18+$0x11000];
	_ =	sdelay $0x2  }
.Ltmp16:
0x151: {  	(pc) =	sbr.rel @p0 .LBB2_28-.Ltmp16, $4  }
0x152: {  	_ = 	snop  }
0x153: {  	v8 =	vadd.f32 v7, v8  }
0x154: {  	s20 =	sshra.s32 s19, $0x2  }
0x155: {  	s19 =	sadd.s32 $0x40, s19;
	v7 =	vld [tilespmem:s20+$0x10D80];
	[tilespmem:s18+$0x11000] =	vst v8;
	s18 =	smov.u32 s20  }
0x156: {  	v8 =	vld [tilespmem:s18+$0x11000];
	_ =	sdelay $0x4  }
0x157: {  	v7 =	vadd.f32 v7, v8;
	_ =	sdelay $0x1  }
0x158: {  	s24 =	rddreg [dreg:$0x11];
	[tilespmem:s18+$0x11000] =	vst v7  }
0x159: {  	[tilespmem:s11], [sflag:$0x3] =	stream.linear.gather [spmem:s24], $0x280, $0x38;
	[tilespmem:$0x13D80] =	vst v63  }
0x15a: {  	_ =	swait.ge [sflag:s31], $0x280  }
0x15b: {  	[sflag:s31] =	ssyncset.done $0x0  }
0x15c: {  	s18 =	simm.s32 $0x0;
	[sflag:s31] =	ssyncadd.s32 $0xFFFFFD80  }
0x15d: {  	s19 =	simm.s32 $0x40;
	v7 =	vld [tilespmem:s18+$0x10D80]  }
.LBB2_30:
0x15e: {  	p0 =	sne.s32 s19, $0x9C0;
	v8 =	vld [tilespmem:s18+$0x11000];
	_ =	sdelay $0x2  }
.Ltmp17:
0x15f: {  	(pc) =	sbr.rel @p0 .LBB2_30-.Ltmp17, $4  }
0x160: {  	_ = 	snop  }
0x161: {  	v8 =	vadd.f32 v7, v8  }
0x162: {  	s20 =	sshra.s32 s19, $0x2  }
0x163: {  	s19 =	sadd.s32 $0x40, s19;
	v7 =	vld [tilespmem:s20+$0x10D80];
	[tilespmem:s18+$0x11000] =	vst v8;
	s18 =	smov.u32 s20  }
0x164: {  	v8 =	vld [tilespmem:s18+$0x11000];
	_ =	sdelay $0x4  }
0x165: {  	v7 =	vadd.f32 v7, v8;
	_ =	sdelay $0x1  }
0x166: {  	s24 =	rddreg [dreg:$0x12];
	[tilespmem:s18+$0x11000] =	vst v7  }
0x167: {  	[tilespmem:s11], [sflag:$0x3] =	stream.linear.gather [spmem:s24], $0x280, $0x38;
	[tilespmem:$0x13D80] =	vst v63  }
0x168: {  	_ =	swait.ge [sflag:s31], $0x280  }
0x169: {  	[sflag:s31] =	ssyncset.done $0x0  }
0x16a: {  	s18 =	simm.s32 $0x0;
	[sflag:s31] =	ssyncadd.s32 $0xFFFFFD80  }
0x16b: {  	s19 =	simm.s32 $0x40;
	v7 =	vld [tilespmem:s18+$0x10D80]  }
.LBB2_32:
0x16c: {  	p0 =	sne.s32 s19, $0x9C0;
	v8 =	vld [tilespmem:s18+$0x11000];
	_ =	sdelay $0x2  }
.Ltmp18:
0x16d: {  	(pc) =	sbr.rel @p0 .LBB2_32-.Ltmp18, $4  }
0x16e: {  	_ = 	snop  }
0x16f: {  	v8 =	vadd.f32 v7, v8  }
0x170: {  	s20 =	sshra.s32 s19, $0x2  }
0x171: {  	s19 =	sadd.s32 $0x40, s19;
	v7 =	vld [tilespmem:s20+$0x10D80];
	[tilespmem:s18+$0x11000] =	vst v8;
	s18 =	smov.u32 s20  }
0x172: {  	v8 =	vld [tilespmem:s18+$0x11000];
	_ =	sdelay $0x4  }
0x173: {  	v7 =	vadd.f32 v7, v8;
	_ =	sdelay $0x1  }
0x174: {  	s24 =	rddreg [dreg:$0x13];
	[tilespmem:s18+$0x11000] =	vst v7  }
0x175: {  	[tilespmem:s11], [sflag:$0x3] =	stream.linear.gather [spmem:s24], $0x280, $0x38;
	[tilespmem:$0x13D80] =	vst v63  }
0x176: {  	_ =	swait.ge [sflag:s31], $0x280  }
0x177: {  	[sflag:s31] =	ssyncset.done $0x0  }
0x178: {  	s18 =	simm.s32 $0x0;
	[sflag:s31] =	ssyncadd.s32 $0xFFFFFD80  }
0x179: {  	s19 =	simm.s32 $0x40;
	v7 =	vld [tilespmem:s18+$0x10D80]  }
.LBB2_34:
0x17a: {  	p0 =	sne.s32 s19, $0x9C0;
	v8 =	vld [tilespmem:s18+$0x11000];
	_ =	sdelay $0x2  }
.Ltmp19:
0x17b: {  	(pc) =	sbr.rel @p0 .LBB2_34-.Ltmp19, $4  }
0x17c: {  	_ = 	snop  }
0x17d: {  	v8 =	vadd.f32 v7, v8  }
0x17e: {  	s20 =	sshra.s32 s19, $0x2  }
0x17f: {  	s19 =	sadd.s32 $0x40, s19;
	v7 =	vld [tilespmem:s20+$0x10D80];
	[tilespmem:s18+$0x11000] =	vst v8;
	s18 =	smov.u32 s20  }
0x180: {  	v8 =	vld [tilespmem:s18+$0x11000];
	_ =	sdelay $0x4  }
0x181: {  	v7 =	vadd.f32 v7, v8;
	_ =	sdelay $0x1  }
0x182: {  	[tilespmem:s18+$0x11000] =	vst v7  }
0x183: {  	[tilespmem:s11], [sflag:$0x3] =	stream.linear.gather [spmem:s26], $0x280, $0x38;
	[tilespmem:$0x13D80] =	vst v63  }
0x184: {  	_ =	swait.ge [sflag:s31], $0x280  }
0x185: {  	[sflag:s31] =	ssyncset.done $0x0  }
0x186: {  	s18 =	simm.s32 $0x0;
	[sflag:s31] =	ssyncadd.s32 $0xFFFFFD80  }
0x187: {  	s19 =	simm.s32 $0x40;
	v7 =	vld [tilespmem:s18+$0x10D80]  }
.LBB2_36:
0x188: {  	p0 =	sne.s32 s19, $0x9C0;
	v8 =	vld [tilespmem:s18+$0x11000];
	_ =	sdelay $0x2  }
.Ltmp20:
0x189: {  	(pc) =	sbr.rel @p0 .LBB2_36-.Ltmp20, $4  }
0x18a: {  	_ = 	snop  }
0x18b: {  	v8 =	vadd.f32 v7, v8  }
0x18c: {  	s20 =	sshra.s32 s19, $0x2  }
0x18d: {  	s19 =	sadd.s32 $0x40, s19;
	v7 =	vld [tilespmem:s20+$0x10D80];
	[tilespmem:s18+$0x11000] =	vst v8;
	s18 =	smov.u32 s20  }
0x18e: {  	v8 =	vld [tilespmem:s18+$0x11000];
	_ =	sdelay $0x4  }
0x18f: {  	v7 =	vadd.f32 v7, v8;
	_ =	sdelay $0x1  }
0x190: {  	[tilespmem:s18+$0x11000] =	vst v7  }
0x191: {  	[tilespmem:s11], [sflag:$0x3] =	stream.linear.gather [spmem:s28], $0x280, $0x38;
	[tilespmem:$0x13D80] =	vst v63  }
0x192: {  	_ =	swait.ge [sflag:s31], $0x280  }
0x193: {  	[sflag:s31] =	ssyncset.done $0x0  }
0x194: {  	s18 =	simm.s32 $0x0;
	[sflag:s31] =	ssyncadd.s32 $0xFFFFFD80  }
0x195: {  	s19 =	simm.s32 $0x40;
	v7 =	vld [tilespmem:s18+$0x10D80]  }
.LBB2_38:
0x196: {  	p0 =	sne.s32 s19, $0x9C0;
	v8 =	vld [tilespmem:s18+$0x11000];
	_ =	sdelay $0x2  }
.Ltmp21:
0x197: {  	(pc) =	sbr.rel @p0 .LBB2_38-.Ltmp21, $4  }
0x198: {  	_ = 	snop  }
0x199: {  	v8 =	vadd.f32 v7, v8  }
0x19a: {  	s20 =	sshra.s32 s19, $0x2  }
0x19b: {  	s19 =	sadd.s32 $0x40, s19;
	v7 =	vld [tilespmem:s20+$0x10D80];
	[tilespmem:s18+$0x11000] =	vst v8;
	s18 =	smov.u32 s20  }
0x19c: {  	v8 =	vld [tilespmem:s18+$0x11000];
	_ =	sdelay $0x4  }
0x19d: {  	v7 =	vadd.f32 v7, v8;
	_ =	sdelay $0x1  }
0x19e: {  	[tilespmem:s18+$0x11000] =	vst v7  }
0x19f: {  	[tilespmem:s11], [sflag:$0x3] =	stream.linear.gather [spmem:s29], $0x280, $0x38;
	[tilespmem:$0x13D80] =	vst v63  }
0x1a0: {  	_ =	swait.ge [sflag:s31], $0x280  }
0x1a1: {  	[sflag:s31] =	ssyncset.done $0x0  }
0x1a2: {  	s18 =	simm.s32 $0x0;
	[sflag:s31] =	ssyncadd.s32 $0xFFFFFD80  }
0x1a3: {  	s19 =	simm.s32 $0x40;
	v7 =	vld [tilespmem:s18+$0x10D80]  }
.LBB2_40:
0x1a4: {  	p0 =	sne.s32 s19, $0x9C0;
	v8 =	vld [tilespmem:s18+$0x11000];
	_ =	sdelay $0x2  }
.Ltmp22:
0x1a5: {  	(pc) =	sbr.rel @p0 .LBB2_40-.Ltmp22, $4  }
0x1a6: {  	_ = 	snop  }
0x1a7: {  	v8 =	vadd.f32 v7, v8  }
0x1a8: {  	s20 =	sshra.s32 s19, $0x2  }
0x1a9: {  	s19 =	sadd.s32 $0x40, s19;
	v7 =	vld [tilespmem:s20+$0x10D80];
	[tilespmem:s18+$0x11000] =	vst v8;
	s18 =	smov.u32 s20  }
0x1aa: {  	v8 =	vld [tilespmem:s18+$0x11000];
	_ =	sdelay $0x2  }
0x1ab: {  	s17 =	ssub.s32 s17, s5  }
0x1ac: {  	s22 =	sadd.s32 $0x1, s17;
	p0 =	slt.u32 s17, $0x7FFFFFFF;
	s17 =	simm.s32 $0x1  }
0x1ad: {  	s17 =	simm.s32 @!p0 $0x0;
	s19 =	sshra.s32 s22, $0x1F;
	v7 =	vadd.f32 v7, v8  }
0x1ae: {  	s20 =	simm.s32 $0x11000;
	s23 =	sand.u32 $0x1, s22;
	s17 =	sadd.s32 s17, s19  }
0x1af: {  	s24 =	sshrl.u32 s22, $0x1F;
	p1 =	seq.s32 s23, $0x1;
	p6 =	sne.s32 s17, $0x1;
	[tilespmem:s18+$0x11000] =	vst v7  }
0x1b0: {  	[spmem:s30] =	stream.linear.scatter [tilespmem:s20], [sflag:$0x3], $0x280, $0x38;
	[tilespmem:$0x13D80] =	vst v63  }
0x1b1: {  	s17 =	sadd.s32 s24, s22;
	p0 =	por !p6, !p1;
	_ =	swait.ge [sflag:s31], $0x280  }
0x1b2: {  	p0 =	por !p0, !p0;
	s18 =	simm.s32 $0x1;
	[sflag:s31] =	ssyncset.done $0x0  }
0x1b3: {  	s17 =	sshra.s32 s17, $0x1;
	s18 =	simm.s32 @!p0 $0x0;
	[sflag:s31] =	ssyncadd.s32 $0xFFFFFD80  }
0x1b4: {  	s17 =	ssub.s32 s17, s18;
	[bflag:$0x0] =	sbarrier.arrive $0xFFFF  }
0x1b5: {  	p0 =	slt.s32 s17, $0x1;
	s21 =	rddreg [dreg:$0x14]  }
0x1b6: {  	[tilespmem:s10], [sflag:$0x3] =	stream.linear.gather [spmem:s21], $0x2800, $0x38;
	[tilespmem:$0x13D80] =	vst v63  }
.Ltmp23:
0x1b7: {  	_ = 	snop;
	(pc) =	sbr.rel @p0 .LBB2_75-.Ltmp23, $4  }
0x1b8: {  	_ =	swait.ge [sflag:s31], $0x2800  }
0x1b9: {  	[sflag:s31] =	ssyncset.done $0x0  }
0x1ba: {  	[sflag:s31] =	ssyncadd.s32 $0xFFFFD800  }
0x1bb: {  	s19 =	simm.s32 $0x0;
	s18 =	simm.s32 $0x0;
	[tilespmem:$0x11280] =	vst v0  }
.LBB2_42:
0x1bc: {  	s20 =	sshll.u32 s19, $0x5  }
0x1bd: {  	s20 =	sor.u32 s6, s20  }
0x1be: {  	v7 =	vld [tilespmem:s20+$0x9E80];
	_ =	sdelay $0x3  }
0x1bf: {  	v8 =	vld [tilespmem:s20+$0xC600]  }
0x1c0: {  	v9 =	vshll.u32 v7, $0x1  }
0x1c1: {  	v7 =	vand.u32 $0x7, v7;
	v9 =	vand.u32 $0xFFFFFFF0, v9  }
0x1c2: {  	v7 =	vor.u32 v7, v9  }
0x1c3: {  	v9 =	vperm.xlane v7, v4  }
0x1c4: {  	v11 =	vld [tilespmem:$0x1FFF0];
	v10 =	vshll.u32 v8, $0x1;
	v8 =	vand.u32 $0x7, v8  }
0x1c5: {  	v10 =	vand.u32 $0xFFFFFFF0, v10;
	v7 =	vperm.xlane v7, v6;
	v9 =	vadd.s32 v5, v9  }
0x1c6: {  	v8 =	vor.u32 v8, v10  }
0x1c7: {  	v10 =	vperm.xlane v8, v4;
	v7 =	vadd.s32 v5, v7;
	_ =	sdelay $0x1  }
0x1c8: {  	vm1 =	vnez.u8 v11;
	v8 =	vperm.xlane v8, v6;
	v10 =	vadd.s32 v5, v10  }
0x1c9: {  	[tilespmem:s12], [sflag:$0x1] =	stream.indirect_vreg.gather [hbm4b:s2+s18], $0x80, v9, vm1, $0xb8;
	[tilespmem:$0x13D80] =	vst v63  }
0x1ca: {  	v8 =	vadd.s32 v5, v8  }
0x1cb: {  	[tilespmem:s13], [sflag:$0x1] =	stream.indirect_vreg.gather [hbm4b:s2+s18], $0x80, v7, vm1, $0xb8;
	[tilespmem:$0x13D80] =	vst v63  }
0x1cc: {  	_ = 	snop  }
0x1cd: {  	[tilespmem:s14], [sflag:$0x2] =	stream.indirect_vreg.gather [hbm4b:s2+s18], $0x80, v10, vm1, $0xb8;
	[tilespmem:$0x13D80] =	vst v63  }
0x1ce: {  	v7 =	vmov s20  }
0x1cf: {  	v7 =	vand.u32 $0xFFFFFFF0, v7;
	[tilespmem:s15], [sflag:$0x2] =	stream.indirect_vreg.gather [hbm4b:s2+s18], $0x80, v8, vm1, $0xb8;
	[tilespmem:$0x13D80] =	vst v63  }
0x1d0: {  	v7 =	vbroadcast v7, $0x0;
	_ =	swait.ge [sflag:s0], $0x1000  }
0x1d1: {  	[sflag:s0] =	ssyncset.done $0x0  }
0x1d2: {  	[sflag:s0] =	ssyncadd.s32 $0xFFFFF000  }
0x1d3: {  	_ =	swait.ge [sflag:s3], $0x1000  }
0x1d4: {  	[sflag:s3] =	ssyncset.done $0x0  }
0x1d5: {  	[sflag:s3] =	ssyncadd.s32 $0xFFFFF000  }
0x1d6: {  	s21 =	sand.u32 $0x70, s18;
	s22 =	sand.u32 $0x400, s18;
	v8 =	vld.idx.msk [tilespmem:v7+s7+$0x0], $0xffff  }
0x1d7: {  	s21 =	sor.u32 s21, s22;
	v9 =	vld.idx.msk [tilespmem:v7+s9+$0x0], $0xffff  }
0x1d8: {  	v10 =	vld [tilespmem:s21+$0xED80]  }
0x1d9: {  	v11 =	vld [tilespmem:s21+$0xFD80];
	_ =	sdelay $0x1  }
0x1da: {  	s23 =	simm.s32 $0x10;
	s24 =	simm.s32 $0x80  }
0x1db: {  	s22 =	sand.u32 $0x400, s24;
	s21 =	sand.u32 $0x70, s23  }
0x1dc: {  	s22 =	sor.u32 s21, s22  }
0x1dd: {  	v12 =	vsub.f32 v10, v11;
	v10 =	vld [tilespmem:s22+$0xED80]  }
0x1de: {  	v11 =	vld [tilespmem:s22+$0xFD80]  }
0x1df: {  	v12 =	vmul.f32 v12, v12;
	v7 =	vld.idx.msk [tilespmem:v8+s10+$0x0], $0xffff  }
0x1e0: {  	s21 =	simm.s32 $0x20;
	s22 =	simm.s32 $0x100;
	v8 =	vld.idx.msk [tilespmem:v9+s10+$0x0], $0xffff;
	v9 =	vimm.f32 $0.0e+00  }
.LBB2_43:
0x1e1: {  	s23 =	sand.u32 $0x70, s21;
	s24 =	sand.u32 $0x400, s22;
	v9 =	vadd.f32 v12, v9;
	p0 =	sne.s32 s21, $0xF0  }
.Ltmp24:
0x1e2: {  	s21 =	sadd.s32 $0x10, s21;
	s23 =	sor.u32 s23, s24;
	(pc) =	sbr.rel @p0 .LBB2_43-.Ltmp24, $4  }
0x1e3: {  	v12 =	vsub.f32 v10, v11;
	v10 =	vld [tilespmem:s23+$0xED80]  }
0x1e4: {  	v11 =	vld [tilespmem:s23+$0xFD80]  }
0x1e5: {  	v12 =	vmul.f32 v12, v12  }
0x1e6: {  	s22 =	sadd.s32 $0x80, s22  }
0x1e7: {  	v13 =	vshra.s32 v7, $0x1  }
0x1e8: {  	v14 =	vmul.f32 $5.000000000e-01, v7;
	v15 =	vshra.s32 v8, $0x1;
	v16 =	vmul.f32 $5.000000000e-01, v8  }
0x1e9: {  	v13 =	vsub.s32 $0x5F3759DF, v13;
	v15 =	vsub.s32 $0x5F3759DF, v15  }
0x1ea: {  	v17 =	vmul.f32 v13, v14;
	v18 =	vmul.f32 v15, v16;
	_ =	sdelay $0x1  }
0x1eb: {  	v17 =	vmul.f32 v13, v17;
	v18 =	vmul.f32 v15, v18;
	_ =	sdelay $0x1  }
0x1ec: {  	v17 =	vsub.f32 $1.500000000e+00, v17;
	v18 =	vsub.f32 $1.500000000e+00, v18;
	_ =	sdelay $0x1  }
0x1ed: {  	v13 =	vmul.f32 v13, v17;
	v15 =	vmul.f32 v15, v18;
	_ =	sdelay $0x1  }
0x1ee: {  	v17 =	vmul.f32 v13, v14;
	v18 =	vmul.f32 v15, v16;
	_ =	sdelay $0x1  }
0x1ef: {  	v17 =	vmul.f32 v17, v13;
	v18 =	vmul.f32 v18, v15;
	_ =	sdelay $0x1  }
0x1f0: {  	v17 =	vsub.f32 $1.500000000e+00, v17;
	v18 =	vsub.f32 $1.500000000e+00, v18;
	_ =	sdelay $0x1  }
0x1f1: {  	v13 =	vmul.f32 v17, v13;
	v15 =	vmul.f32 v18, v15;
	_ =	sdelay $0x1  }
0x1f2: {  	v14 =	vmul.f32 v13, v14;
	v16 =	vmul.f32 v15, v16;
	_ =	sdelay $0x1  }
0x1f3: {  	v14 =	vmul.f32 v14, v13;
	v16 =	vmul.f32 v16, v15;
	_ =	sdelay $0x1  }
0x1f4: {  	v14 =	vsub.f32 $1.500000000e+00, v14;
	v16 =	vsub.f32 $1.500000000e+00, v16  }
0x1f5: {  	v10 =	vsub.f32 v10, v11  }
0x1f6: {  	v9 =	vadd.f32 v12, v9;
	v11 =	vmul.f32 v14, v13;
	v12 =	vmul.f32 v16, v15  }
0x1f7: {  	vm1 =	vgt.f32 v7, $5.000000000e-01;
	vm2 =	vgt.f32 v8, $5.000000000e-01;
	s21 =	sor.u32 $0x1, s20;
	v10 =	vmul.f32 v10, v10  }
0x1f8: {  	v7 =	vnsel vm1, $0x0, v11;
	v8 =	vnsel vm2, $0x0, v12;
	v11 =	vld [tilespmem:$0x11280];
	v12 =	vmov s21  }
0x1f9: {  	v9 =	vadd.f32 v10, v9;
	v7 =	vmul.f32 v8, v7;
	v8 =	vand.u32 $0xFFFFFFF1, v12  }
0x1fa: {  	v8 =	vbroadcast v8, $0x0  }
0x1fb: {  	v7 =	vmul.f32 v9, v7;
	_ =	sdelay $0x1  }
0x1fc: {  	v7 =	vadd.f32 v11, v7  }
0x1fd: {  	s23 =	simm.s32 $0x0  }
0x1fe: {  	s21 =	sand.u32 $0xFFFFFC00, s23;
	[tilespmem:$0x11280] =	vst v7  }
0x1ff: {  	s21 =	sadd.s32 $0x0, s21;
	v9 =	vld.idx.msk [tilespmem:v8+s7+$0x0], $0xffff  }
0x200: {  	s21 =	sor.u32 $0x80, s21;
	v10 =	vld.idx.msk [tilespmem:v8+s9+$0x0], $0xffff  }
0x201: {  	v11 =	vld [tilespmem:s21+$0xED80]  }
0x202: {  	v12 =	vld [tilespmem:s21+$0xFD80]  }
0x203: {  	s24 =	simm.s32 $0x80  }
0x204: {  	s21 =	sand.u32 $0xFFFFFC00, s24  }
0x205: {  	s21 =	sadd.s32 $0x10, s21  }
0x206: {  	s23 =	sor.u32 $0x80, s21  }
0x207: {  	v13 =	vsub.f32 v11, v12;
	v11 =	vld [tilespmem:s23+$0xED80]  }
0x208: {  	v12 =	vld [tilespmem:s23+$0xFD80]  }
0x209: {  	v8 =	vld.idx.msk [tilespmem:v9+s10+$0x0], $0xffff  }
0x20a: {  	s22 =	simm.s32 $0x100;
	s21 =	simm.s32 $0x10;
	v13 =	vmul.f32 v13, v13;
	v9 =	vld.idx.msk [tilespmem:v10+s10+$0x0], $0xffff;
	v10 =	vimm.f32 $0.0e+00  }
.LBB2_45:
0x20b: {  	s23 =	sand.u32 $0xFFFFFC00, s22;
	s21 =	sadd.s32 $0x10, s21;
	p0 =	sne.s32 s22, $0x780  }
.Ltmp25:
0x20c: {  	s22 =	sadd.s32 $0x80, s22;
	s23 =	sadd.s32 s23, s21;
	v10 =	vadd.f32 v13, v10;
	(pc) =	sbr.rel @p0 .LBB2_45-.Ltmp25, $4  }
0x20d: {  	s23 =	sor.u32 $0x80, s23  }
0x20e: {  	v13 =	vsub.f32 v11, v12;
	v11 =	vld [tilespmem:s23+$0xED80]  }
0x20f: {  	v12 =	vld [tilespmem:s23+$0xFD80]  }
0x210: {  	v13 =	vmul.f32 v13, v13  }
0x211: {  	v14 =	vshra.s32 v8, $0x1  }
0x212: {  	v15 =	vmul.f32 $5.000000000e-01, v8;
	v16 =	vshra.s32 v9, $0x1;
	v17 =	vmul.f32 $5.000000000e-01, v9  }
0x213: {  	v14 =	vsub.s32 $0x5F3759DF, v14;
	v16 =	vsub.s32 $0x5F3759DF, v16  }
0x214: {  	v18 =	vmul.f32 v14, v15;
	v19 =	vmul.f32 v16, v17;
	_ =	sdelay $0x1  }
0x215: {  	v18 =	vmul.f32 v14, v18;
	v19 =	vmul.f32 v16, v19;
	_ =	sdelay $0x1  }
0x216: {  	v18 =	vsub.f32 $1.500000000e+00, v18;
	v19 =	vsub.f32 $1.500000000e+00, v19;
	_ =	sdelay $0x1  }
0x217: {  	v14 =	vmul.f32 v14, v18;
	v16 =	vmul.f32 v16, v19;
	_ =	sdelay $0x1  }
0x218: {  	v18 =	vmul.f32 v14, v15;
	v19 =	vmul.f32 v16, v17;
	_ =	sdelay $0x1  }
0x219: {  	v18 =	vmul.f32 v18, v14;
	v19 =	vmul.f32 v19, v16;
	_ =	sdelay $0x1  }
0x21a: {  	v18 =	vsub.f32 $1.500000000e+00, v18;
	v19 =	vsub.f32 $1.500000000e+00, v19;
	_ =	sdelay $0x1  }
0x21b: {  	v14 =	vmul.f32 v18, v14;
	v16 =	vmul.f32 v19, v16;
	_ =	sdelay $0x1  }
0x21c: {  	v15 =	vmul.f32 v14, v15;
	v17 =	vmul.f32 v16, v17;
	_ =	sdelay $0x1  }
0x21d: {  	v15 =	vmul.f32 v15, v14;
	v17 =	vmul.f32 v17, v16;
	_ =	sdelay $0x1  }
0x21e: {  	v15 =	vsub.f32 $1.500000000e+00, v15;
	v17 =	vsub.f32 $1.500000000e+00, v17  }
0x21f: {  	v11 =	vsub.f32 v11, v12  }
0x220: {  	v10 =	vadd.f32 v13, v10;
	v12 =	vmul.f32 v15, v14;
	v13 =	vmul.f32 v17, v16  }
0x221: {  	vm1 =	vgt.f32 v8, $5.000000000e-01;
	vm2 =	vgt.f32 v9, $5.000000000e-01;
	s21 =	sor.u32 $0x2, s20;
	v11 =	vmul.f32 v11, v11  }
0x222: {  	v8 =	vnsel vm1, $0x0, v12;
	v9 =	vnsel vm2, $0x0, v13;
	v12 =	vmov s21  }
0x223: {  	v10 =	vadd.f32 v11, v10;
	v8 =	vmul.f32 v9, v8;
	v9 =	vand.u32 $0xFFFFFFF2, v12  }
0x224: {  	v9 =	vbroadcast v9, $0x0  }
0x225: {  	v8 =	vmul.f32 v10, v8;
	_ =	sdelay $0x1  }
0x226: {  	v7 =	vadd.f32 v8, v7;
	_ =	sdelay $0x1  }
0x227: {  	s24 =	simm.s32 $0x0;
	[tilespmem:$0x11280] =	vst v7  }
0x228: {  	s22 =	sand.u32 $0x70, s24;
	s21 =	sand.u32 $0x400, s24;
	v8 =	vld.idx.msk [tilespmem:v9+s7+$0x0], $0xffff  }
0x229: {  	s21 =	sor.u32 s21, s22;
	v9 =	vld.idx.msk [tilespmem:v9+s9+$0x0], $0xffff  }
0x22a: {  	v10 =	vld [tilespmem:s21+$0xEE80]  }
0x22b: {  	v11 =	vld [tilespmem:s21+$0xFE80];
	_ =	sdelay $0x1  }
0x22c: {  	s23 =	simm.s32 $0x10;
	s24 =	simm.s32 $0x80  }
0x22d: {  	s22 =	sand.u32 $0x400, s24;
	s21 =	sand.u32 $0x70, s23  }
0x22e: {  	s22 =	sor.u32 s22, s21  }
0x22f: {  	v12 =	vld [tilespmem:s22+$0xFE80];
	v13 =	vsub.f32 v10, v11  }
0x230: {  	v11 =	vld [tilespmem:s22+$0xEE80]  }
0x231: {  	v13 =	vmul.f32 v13, v13;
	v8 =	vld.idx.msk [tilespmem:v8+s10+$0x0], $0xffff  }
0x232: {  	s21 =	simm.s32 $0x20;
	v10 =	vimm.f32 $0.0e+00;
	s22 =	simm.s32 $0x100;
	v9 =	vld.idx.msk [tilespmem:v9+s10+$0x0], $0xffff  }
.LBB2_47:
0x233: {  	s23 =	sand.u32 $0x70, s21;
	s24 =	sand.u32 $0x400, s22;
	v10 =	vadd.f32 v13, v10;
	p0 =	sne.s32 s21, $0xF0  }
.Ltmp26:
0x234: {  	s21 =	sadd.s32 $0x10, s21;
	s23 =	sor.u32 s24, s23;
	(pc) =	sbr.rel @p0 .LBB2_47-.Ltmp26, $4  }
0x235: {  	v13 =	vsub.f32 v11, v12;
	v11 =	vld [tilespmem:s23+$0xEE80]  }
0x236: {  	v12 =	vld [tilespmem:s23+$0xFE80]  }
0x237: {  	v13 =	vmul.f32 v13, v13  }
0x238: {  	s22 =	sadd.s32 $0x80, s22  }
0x239: {  	v14 =	vshra.s32 v8, $0x1  }
0x23a: {  	v15 =	vmul.f32 $5.000000000e-01, v8;
	v16 =	vshra.s32 v9, $0x1;
	v17 =	vmul.f32 $5.000000000e-01, v9  }
0x23b: {  	v14 =	vsub.s32 $0x5F3759DF, v14;
	v16 =	vsub.s32 $0x5F3759DF, v16  }
0x23c: {  	v18 =	vmul.f32 v14, v15;
	v19 =	vmul.f32 v16, v17;
	_ =	sdelay $0x1  }
0x23d: {  	v18 =	vmul.f32 v14, v18;
	v19 =	vmul.f32 v16, v19;
	_ =	sdelay $0x1  }
0x23e: {  	v18 =	vsub.f32 $1.500000000e+00, v18;
	v19 =	vsub.f32 $1.500000000e+00, v19;
	_ =	sdelay $0x1  }
0x23f: {  	v14 =	vmul.f32 v14, v18;
	v16 =	vmul.f32 v16, v19;
	_ =	sdelay $0x1  }
0x240: {  	v18 =	vmul.f32 v14, v15;
	v19 =	vmul.f32 v16, v17;
	_ =	sdelay $0x1  }
0x241: {  	v18 =	vmul.f32 v18, v14;
	v19 =	vmul.f32 v19, v16;
	_ =	sdelay $0x1  }
0x242: {  	v18 =	vsub.f32 $1.500000000e+00, v18;
	v19 =	vsub.f32 $1.500000000e+00, v19;
	_ =	sdelay $0x1  }
0x243: {  	v14 =	vmul.f32 v18, v14;
	v16 =	vmul.f32 v19, v16;
	_ =	sdelay $0x1  }
0x244: {  	v15 =	vmul.f32 v14, v15;
	v17 =	vmul.f32 v16, v17;
	_ =	sdelay $0x1  }
0x245: {  	v15 =	vmul.f32 v15, v14;
	v17 =	vmul.f32 v17, v16;
	_ =	sdelay $0x1  }
0x246: {  	v15 =	vsub.f32 $1.500000000e+00, v15;
	v17 =	vsub.f32 $1.500000000e+00, v17  }
0x247: {  	v11 =	vsub.f32 v11, v12  }
0x248: {  	v10 =	vadd.f32 v13, v10;
	v12 =	vmul.f32 v15, v14;
	v13 =	vmul.f32 v17, v16  }
0x249: {  	vm1 =	vgt.f32 v8, $5.000000000e-01;
	vm2 =	vgt.f32 v9, $5.000000000e-01;
	s21 =	sor.u32 $0x3, s20;
	v11 =	vmul.f32 v11, v11  }
0x24a: {  	v8 =	vnsel vm1, $0x0, v12;
	v9 =	vnsel vm2, $0x0, v13;
	v12 =	vmov s21  }
0x24b: {  	v10 =	vadd.f32 v11, v10;
	v8 =	vmul.f32 v9, v8;
	v9 =	vand.u32 $0xFFFFFFF3, v12  }
0x24c: {  	v9 =	vbroadcast v9, $0x0  }
0x24d: {  	v8 =	vmul.f32 v10, v8;
	_ =	sdelay $0x1  }
0x24e: {  	v7 =	vadd.f32 v8, v7  }
0x24f: {  	s23 =	simm.s32 $0x0  }
0x250: {  	s21 =	sand.u32 $0xFFFFFC00, s23;
	[tilespmem:$0x11280] =	vst v7  }
0x251: {  	s21 =	sadd.s32 $0x0, s21;
	v8 =	vld.idx.msk [tilespmem:v9+s7+$0x0], $0xffff  }
0x252: {  	s21 =	sor.u32 $0x180, s21;
	v9 =	vld.idx.msk [tilespmem:v9+s9+$0x0], $0xffff  }
0x253: {  	v10 =	vld [tilespmem:s21+$0xED80]  }
0x254: {  	s24 =	simm.s32 $0x80;
	v11 =	vld [tilespmem:s21+$0xFD80]  }
0x255: {  	s21 =	sand.u32 $0xFFFFFC00, s24  }
0x256: {  	s21 =	sadd.s32 $0x10, s21  }
0x257: {  	s23 =	sor.u32 $0x180, s21  }
0x258: {  	v12 =	vld [tilespmem:s23+$0xFD80]  }
0x259: {  	v13 =	vsub.f32 v10, v11;
	v11 =	vld [tilespmem:s23+$0xED80]  }
0x25a: {  	v8 =	vld.idx.msk [tilespmem:v8+s10+$0x0], $0xffff  }
0x25b: {  	s22 =	simm.s32 $0x100;
	s21 =	simm.s32 $0x10;
	v10 =	vimm.f32 $0.0e+00;
	v13 =	vmul.f32 v13, v13;
	v9 =	vld.idx.msk [tilespmem:v9+s10+$0x0], $0xffff  }
.LBB2_49:
0x25c: {  	s23 =	sand.u32 $0xFFFFFC00, s22;
	s21 =	sadd.s32 $0x10, s21;
	p0 =	sne.s32 s22, $0x780  }
.Ltmp27:
0x25d: {  	s22 =	sadd.s32 $0x80, s22;
	s23 =	sadd.s32 s23, s21;
	v10 =	vadd.f32 v13, v10;
	(pc) =	sbr.rel @p0 .LBB2_49-.Ltmp27, $4  }
0x25e: {  	s23 =	sor.u32 $0x180, s23  }
0x25f: {  	v13 =	vsub.f32 v11, v12;
	v11 =	vld [tilespmem:s23+$0xED80]  }
0x260: {  	v12 =	vld [tilespmem:s23+$0xFD80]  }
0x261: {  	v13 =	vmul.f32 v13, v13  }
0x262: {  	v14 =	vshra.s32 v8, $0x1  }
0x263: {  	v15 =	vmul.f32 $5.000000000e-01, v8;
	v16 =	vshra.s32 v9, $0x1;
	v17 =	vmul.f32 $5.000000000e-01, v9  }
0x264: {  	v14 =	vsub.s32 $0x5F3759DF, v14;
	v16 =	vsub.s32 $0x5F3759DF, v16  }
0x265: {  	v18 =	vmul.f32 v14, v15;
	v19 =	vmul.f32 v16, v17;
	_ =	sdelay $0x1  }
0x266: {  	v18 =	vmul.f32 v14, v18;
	v19 =	vmul.f32 v16, v19;
	_ =	sdelay $0x1  }
0x267: {  	v18 =	vsub.f32 $1.500000000e+00, v18;
	v19 =	vsub.f32 $1.500000000e+00, v19;
	_ =	sdelay $0x1  }
0x268: {  	v14 =	vmul.f32 v14, v18;
	v16 =	vmul.f32 v16, v19;
	_ =	sdelay $0x1  }
0x269: {  	v18 =	vmul.f32 v14, v15;
	v19 =	vmul.f32 v16, v17;
	_ =	sdelay $0x1  }
0x26a: {  	v18 =	vmul.f32 v18, v14;
	v19 =	vmul.f32 v19, v16;
	_ =	sdelay $0x1  }
0x26b: {  	v18 =	vsub.f32 $1.500000000e+00, v18;
	v19 =	vsub.f32 $1.500000000e+00, v19;
	_ =	sdelay $0x1  }
0x26c: {  	v14 =	vmul.f32 v18, v14;
	v16 =	vmul.f32 v19, v16;
	_ =	sdelay $0x1  }
0x26d: {  	v15 =	vmul.f32 v14, v15;
	v17 =	vmul.f32 v16, v17;
	_ =	sdelay $0x1  }
0x26e: {  	v15 =	vmul.f32 v15, v14;
	v17 =	vmul.f32 v17, v16;
	_ =	sdelay $0x1  }
0x26f: {  	v15 =	vsub.f32 $1.500000000e+00, v15;
	v17 =	vsub.f32 $1.500000000e+00, v17  }
0x270: {  	v11 =	vsub.f32 v11, v12  }
0x271: {  	v10 =	vadd.f32 v13, v10;
	v12 =	vmul.f32 v15, v14;
	v13 =	vmul.f32 v17, v16  }
0x272: {  	vm1 =	vgt.f32 v8, $5.000000000e-01;
	vm2 =	vgt.f32 v9, $5.000000000e-01;
	s21 =	sor.u32 $0x4, s20;
	v11 =	vmul.f32 v11, v11  }
0x273: {  	v8 =	vnsel vm1, $0x0, v12;
	v9 =	vnsel vm2, $0x0, v13;
	v12 =	vmov s21  }
0x274: {  	v10 =	vadd.f32 v11, v10;
	v8 =	vmul.f32 v9, v8;
	v9 =	vand.u32 $0xFFFFFFF4, v12  }
0x275: {  	v9 =	vbroadcast v9, $0x0  }
0x276: {  	v8 =	vmul.f32 v10, v8;
	_ =	sdelay $0x1  }
0x277: {  	v7 =	vadd.f32 v8, v7;
	_ =	sdelay $0x1  }
0x278: {  	s24 =	simm.s32 $0x0;
	[tilespmem:$0x11280] =	vst v7  }
0x279: {  	s22 =	sand.u32 $0x70, s24;
	s21 =	sand.u32 $0x400, s24;
	v8 =	vld.idx.msk [tilespmem:v9+s7+$0x0], $0xffff  }
0x27a: {  	s21 =	sor.u32 s21, s22;
	v9 =	vld.idx.msk [tilespmem:v9+s9+$0x0], $0xffff  }
0x27b: {  	v10 =	vld [tilespmem:s21+$0xEF80]  }
0x27c: {  	v11 =	vld [tilespmem:s21+$0xFF80];
	_ =	sdelay $0x1  }
0x27d: {  	s23 =	simm.s32 $0x10;
	s24 =	simm.s32 $0x80  }
0x27e: {  	s22 =	sand.u32 $0x400, s24;
	s21 =	sand.u32 $0x70, s23  }
0x27f: {  	s22 =	sor.u32 s22, s21  }
0x280: {  	v12 =	vld [tilespmem:s22+$0xFF80];
	v13 =	vsub.f32 v10, v11  }
0x281: {  	v11 =	vld [tilespmem:s22+$0xEF80]  }
0x282: {  	v13 =	vmul.f32 v13, v13;
	v8 =	vld.idx.msk [tilespmem:v8+s10+$0x0], $0xffff  }
0x283: {  	s21 =	simm.s32 $0x20;
	v10 =	vimm.f32 $0.0e+00;
	s22 =	simm.s32 $0x100;
	v9 =	vld.idx.msk [tilespmem:v9+s10+$0x0], $0xffff  }
.LBB2_51:
0x284: {  	s23 =	sand.u32 $0x70, s21;
	s24 =	sand.u32 $0x400, s22;
	v10 =	vadd.f32 v13, v10;
	p0 =	sne.s32 s21, $0xF0  }
.Ltmp28:
0x285: {  	s21 =	sadd.s32 $0x10, s21;
	s23 =	sor.u32 s24, s23;
	(pc) =	sbr.rel @p0 .LBB2_51-.Ltmp28, $4  }
0x286: {  	v13 =	vsub.f32 v11, v12;
	v11 =	vld [tilespmem:s23+$0xEF80]  }
0x287: {  	v12 =	vld [tilespmem:s23+$0xFF80]  }
0x288: {  	v13 =	vmul.f32 v13, v13  }
0x289: {  	s22 =	sadd.s32 $0x80, s22  }
0x28a: {  	v14 =	vshra.s32 v8, $0x1  }
0x28b: {  	v15 =	vmul.f32 $5.000000000e-01, v8;
	v16 =	vshra.s32 v9, $0x1;
	v17 =	vmul.f32 $5.000000000e-01, v9  }
0x28c: {  	v14 =	vsub.s32 $0x5F3759DF, v14;
	v16 =	vsub.s32 $0x5F3759DF, v16  }
0x28d: {  	v18 =	vmul.f32 v14, v15;
	v19 =	vmul.f32 v16, v17;
	_ =	sdelay $0x1  }
0x28e: {  	v18 =	vmul.f32 v14, v18;
	v19 =	vmul.f32 v16, v19;
	_ =	sdelay $0x1  }
0x28f: {  	v18 =	vsub.f32 $1.500000000e+00, v18;
	v19 =	vsub.f32 $1.500000000e+00, v19;
	_ =	sdelay $0x1  }
0x290: {  	v14 =	vmul.f32 v14, v18;
	v16 =	vmul.f32 v16, v19;
	_ =	sdelay $0x1  }
0x291: {  	v18 =	vmul.f32 v14, v15;
	v19 =	vmul.f32 v16, v17;
	_ =	sdelay $0x1  }
0x292: {  	v18 =	vmul.f32 v18, v14;
	v19 =	vmul.f32 v19, v16;
	_ =	sdelay $0x1  }
0x293: {  	v18 =	vsub.f32 $1.500000000e+00, v18;
	v19 =	vsub.f32 $1.500000000e+00, v19;
	_ =	sdelay $0x1  }
0x294: {  	v14 =	vmul.f32 v18, v14;
	v16 =	vmul.f32 v19, v16;
	_ =	sdelay $0x1  }
0x295: {  	v15 =	vmul.f32 v14, v15;
	v17 =	vmul.f32 v16, v17;
	_ =	sdelay $0x1  }
0x296: {  	v15 =	vmul.f32 v15, v14;
	v17 =	vmul.f32 v17, v16;
	_ =	sdelay $0x1  }
0x297: {  	v15 =	vsub.f32 $1.500000000e+00, v15;
	v17 =	vsub.f32 $1.500000000e+00, v17  }
0x298: {  	v11 =	vsub.f32 v11, v12  }
0x299: {  	v10 =	vadd.f32 v13, v10;
	v12 =	vmul.f32 v15, v14;
	v13 =	vmul.f32 v17, v16  }
0x29a: {  	vm1 =	vgt.f32 v8, $5.000000000e-01;
	vm2 =	vgt.f32 v9, $5.000000000e-01;
	s21 =	sor.u32 $0x5, s20;
	v11 =	vmul.f32 v11, v11  }
0x29b: {  	v8 =	vnsel vm1, $0x0, v12;
	v9 =	vnsel vm2, $0x0, v13;
	v12 =	vmov s21  }
0x29c: {  	v10 =	vadd.f32 v11, v10;
	v8 =	vmul.f32 v9, v8;
	v9 =	vand.u32 $0xFFFFFFF5, v12  }
0x29d: {  	v9 =	vbroadcast v9, $0x0  }
0x29e: {  	v8 =	vmul.f32 v10, v8;
	_ =	sdelay $0x1  }
0x29f: {  	v7 =	vadd.f32 v8, v7  }
0x2a0: {  	s23 =	simm.s32 $0x0  }
0x2a1: {  	s21 =	sand.u32 $0xFFFFFC00, s23;
	[tilespmem:$0x11280] =	vst v7  }
0x2a2: {  	s21 =	sadd.s32 $0x0, s21;
	v8 =	vld.idx.msk [tilespmem:v9+s7+$0x0], $0xffff  }
0x2a3: {  	s21 =	sor.u32 $0x280, s21;
	v9 =	vld.idx.msk [tilespmem:v9+s9+$0x0], $0xffff  }
0x2a4: {  	v10 =	vld [tilespmem:s21+$0xED80]  }
0x2a5: {  	s24 =	simm.s32 $0x80;
	v11 =	vld [tilespmem:s21+$0xFD80]  }
0x2a6: {  	s21 =	sand.u32 $0xFFFFFC00, s24  }
0x2a7: {  	s21 =	sadd.s32 $0x10, s21  }
0x2a8: {  	s23 =	sor.u32 $0x280, s21  }
0x2a9: {  	v12 =	vld [tilespmem:s23+$0xFD80]  }
0x2aa: {  	v13 =	vsub.f32 v10, v11;
	v11 =	vld [tilespmem:s23+$0xED80]  }
0x2ab: {  	v8 =	vld.idx.msk [tilespmem:v8+s10+$0x0], $0xffff  }
0x2ac: {  	s22 =	simm.s32 $0x100;
	s21 =	simm.s32 $0x10;
	v10 =	vimm.f32 $0.0e+00;
	v13 =	vmul.f32 v13, v13;
	v9 =	vld.idx.msk [tilespmem:v9+s10+$0x0], $0xffff  }
.LBB2_53:
0x2ad: {  	s23 =	sand.u32 $0xFFFFFC00, s22;
	s21 =	sadd.s32 $0x10, s21;
	p0 =	sne.s32 s22, $0x780  }
.Ltmp29:
0x2ae: {  	s22 =	sadd.s32 $0x80, s22;
	s23 =	sadd.s32 s23, s21;
	v10 =	vadd.f32 v13, v10;
	(pc) =	sbr.rel @p0 .LBB2_53-.Ltmp29, $4  }
0x2af: {  	s23 =	sor.u32 $0x280, s23  }
0x2b0: {  	v13 =	vsub.f32 v11, v12;
	v11 =	vld [tilespmem:s23+$0xED80]  }
0x2b1: {  	v12 =	vld [tilespmem:s23+$0xFD80]  }
0x2b2: {  	v13 =	vmul.f32 v13, v13  }
0x2b3: {  	v14 =	vshra.s32 v8, $0x1  }
0x2b4: {  	v15 =	vmul.f32 $5.000000000e-01, v8;
	v16 =	vshra.s32 v9, $0x1;
	v17 =	vmul.f32 $5.000000000e-01, v9  }
0x2b5: {  	v14 =	vsub.s32 $0x5F3759DF, v14;
	v16 =	vsub.s32 $0x5F3759DF, v16  }
0x2b6: {  	v18 =	vmul.f32 v14, v15;
	v19 =	vmul.f32 v16, v17;
	_ =	sdelay $0x1  }
0x2b7: {  	v18 =	vmul.f32 v14, v18;
	v19 =	vmul.f32 v16, v19;
	_ =	sdelay $0x1  }
0x2b8: {  	v18 =	vsub.f32 $1.500000000e+00, v18;
	v19 =	vsub.f32 $1.500000000e+00, v19;
	_ =	sdelay $0x1  }
0x2b9: {  	v14 =	vmul.f32 v14, v18;
	v16 =	vmul.f32 v16, v19;
	_ =	sdelay $0x1  }
0x2ba: {  	v18 =	vmul.f32 v14, v15;
	v19 =	vmul.f32 v16, v17;
	_ =	sdelay $0x1  }
0x2bb: {  	v18 =	vmul.f32 v18, v14;
	v19 =	vmul.f32 v19, v16;
	_ =	sdelay $0x1  }
0x2bc: {  	v18 =	vsub.f32 $1.500000000e+00, v18;
	v19 =	vsub.f32 $1.500000000e+00, v19;
	_ =	sdelay $0x1  }
0x2bd: {  	v14 =	vmul.f32 v18, v14;
	v16 =	vmul.f32 v19, v16;
	_ =	sdelay $0x1  }
0x2be: {  	v15 =	vmul.f32 v14, v15;
	v17 =	vmul.f32 v16, v17;
	_ =	sdelay $0x1  }
0x2bf: {  	v15 =	vmul.f32 v15, v14;
	v17 =	vmul.f32 v17, v16;
	_ =	sdelay $0x1  }
0x2c0: {  	v15 =	vsub.f32 $1.500000000e+00, v15;
	v17 =	vsub.f32 $1.500000000e+00, v17  }
0x2c1: {  	v11 =	vsub.f32 v11, v12  }
0x2c2: {  	v10 =	vadd.f32 v13, v10;
	v12 =	vmul.f32 v15, v14;
	v13 =	vmul.f32 v17, v16  }
0x2c3: {  	vm1 =	vgt.f32 v8, $5.000000000e-01;
	vm2 =	vgt.f32 v9, $5.000000000e-01;
	s21 =	sor.u32 $0x6, s20;
	v11 =	vmul.f32 v11, v11  }
0x2c4: {  	v8 =	vnsel vm1, $0x0, v12;
	v9 =	vnsel vm2, $0x0, v13;
	v12 =	vmov s21  }
0x2c5: {  	v10 =	vadd.f32 v11, v10;
	v8 =	vmul.f32 v9, v8;
	v9 =	vand.u32 $0xFFFFFFF6, v12  }
0x2c6: {  	v9 =	vbroadcast v9, $0x0  }
0x2c7: {  	v8 =	vmul.f32 v10, v8;
	_ =	sdelay $0x1  }
0x2c8: {  	v7 =	vadd.f32 v8, v7;
	_ =	sdelay $0x1  }
0x2c9: {  	s24 =	simm.s32 $0x0;
	[tilespmem:$0x11280] =	vst v7  }
0x2ca: {  	s22 =	sand.u32 $0x70, s24;
	s21 =	sand.u32 $0x400, s24;
	v8 =	vld.idx.msk [tilespmem:v9+s7+$0x0], $0xffff  }
0x2cb: {  	s21 =	sor.u32 s21, s22;
	v9 =	vld.idx.msk [tilespmem:v9+s9+$0x0], $0xffff  }
0x2cc: {  	v10 =	vld [tilespmem:s21+$0xF080]  }
0x2cd: {  	v11 =	vld [tilespmem:s21+$0x10080];
	_ =	sdelay $0x1  }
0x2ce: {  	s23 =	simm.s32 $0x10;
	s24 =	simm.s32 $0x80  }
0x2cf: {  	s22 =	sand.u32 $0x400, s24;
	s21 =	sand.u32 $0x70, s23  }
0x2d0: {  	s22 =	sor.u32 s22, s21  }
0x2d1: {  	v12 =	vld [tilespmem:s22+$0x10080];
	v13 =	vsub.f32 v10, v11  }
0x2d2: {  	v11 =	vld [tilespmem:s22+$0xF080]  }
0x2d3: {  	v13 =	vmul.f32 v13, v13;
	v8 =	vld.idx.msk [tilespmem:v8+s10+$0x0], $0xffff  }
0x2d4: {  	s21 =	simm.s32 $0x20;
	v10 =	vimm.f32 $0.0e+00;
	s22 =	simm.s32 $0x100;
	v9 =	vld.idx.msk [tilespmem:v9+s10+$0x0], $0xffff  }
.LBB2_55:
0x2d5: {  	s23 =	sand.u32 $0x70, s21;
	s24 =	sand.u32 $0x400, s22;
	v10 =	vadd.f32 v13, v10;
	p0 =	sne.s32 s21, $0xF0  }
.Ltmp30:
0x2d6: {  	s21 =	sadd.s32 $0x10, s21;
	s23 =	sor.u32 s24, s23;
	(pc) =	sbr.rel @p0 .LBB2_55-.Ltmp30, $4  }
0x2d7: {  	v13 =	vsub.f32 v11, v12;
	v11 =	vld [tilespmem:s23+$0xF080]  }
0x2d8: {  	v12 =	vld [tilespmem:s23+$0x10080]  }
0x2d9: {  	v13 =	vmul.f32 v13, v13  }
0x2da: {  	s22 =	sadd.s32 $0x80, s22  }
0x2db: {  	v14 =	vshra.s32 v8, $0x1  }
0x2dc: {  	v15 =	vmul.f32 $5.000000000e-01, v8;
	v16 =	vshra.s32 v9, $0x1;
	v17 =	vmul.f32 $5.000000000e-01, v9  }
0x2dd: {  	v14 =	vsub.s32 $0x5F3759DF, v14;
	v16 =	vsub.s32 $0x5F3759DF, v16  }
0x2de: {  	v18 =	vmul.f32 v14, v15;
	v19 =	vmul.f32 v16, v17;
	_ =	sdelay $0x1  }
0x2df: {  	v18 =	vmul.f32 v14, v18;
	v19 =	vmul.f32 v16, v19;
	_ =	sdelay $0x1  }
0x2e0: {  	v18 =	vsub.f32 $1.500000000e+00, v18;
	v19 =	vsub.f32 $1.500000000e+00, v19;
	_ =	sdelay $0x1  }
0x2e1: {  	v14 =	vmul.f32 v14, v18;
	v16 =	vmul.f32 v16, v19;
	_ =	sdelay $0x1  }
0x2e2: {  	v18 =	vmul.f32 v14, v15;
	v19 =	vmul.f32 v16, v17;
	_ =	sdelay $0x1  }
0x2e3: {  	v18 =	vmul.f32 v18, v14;
	v19 =	vmul.f32 v19, v16;
	_ =	sdelay $0x1  }
0x2e4: {  	v18 =	vsub.f32 $1.500000000e+00, v18;
	v19 =	vsub.f32 $1.500000000e+00, v19;
	_ =	sdelay $0x1  }
0x2e5: {  	v14 =	vmul.f32 v18, v14;
	v16 =	vmul.f32 v19, v16;
	_ =	sdelay $0x1  }
0x2e6: {  	v15 =	vmul.f32 v14, v15;
	v17 =	vmul.f32 v16, v17;
	_ =	sdelay $0x1  }
0x2e7: {  	v15 =	vmul.f32 v15, v14;
	v17 =	vmul.f32 v17, v16;
	_ =	sdelay $0x1  }
0x2e8: {  	v15 =	vsub.f32 $1.500000000e+00, v15;
	v17 =	vsub.f32 $1.500000000e+00, v17  }
0x2e9: {  	v11 =	vsub.f32 v11, v12  }
0x2ea: {  	v10 =	vadd.f32 v13, v10;
	v12 =	vmul.f32 v15, v14;
	v13 =	vmul.f32 v17, v16  }
0x2eb: {  	vm1 =	vgt.f32 v8, $5.000000000e-01;
	vm2 =	vgt.f32 v9, $5.000000000e-01;
	s21 =	sor.u32 $0x7, s20;
	v11 =	vmul.f32 v11, v11  }
0x2ec: {  	v8 =	vnsel vm1, $0x0, v12;
	v9 =	vnsel vm2, $0x0, v13;
	v12 =	vmov s21  }
0x2ed: {  	v10 =	vadd.f32 v11, v10;
	v8 =	vmul.f32 v9, v8;
	v9 =	vand.u32 $0xFFFFFFF7, v12  }
0x2ee: {  	v9 =	vbroadcast v9, $0x0  }
0x2ef: {  	v8 =	vmul.f32 v10, v8;
	_ =	sdelay $0x1  }
0x2f0: {  	v7 =	vadd.f32 v8, v7;
	_ =	sdelay $0x1  }
0x2f1: {  	s23 =	simm.s32 $0x0;
	[tilespmem:$0x11280] =	vst v7  }
0x2f2: {  	s21 =	sor.u32 s23, s23;
	v8 =	vld.idx.msk [tilespmem:v9+s7+$0x0], $0xffff  }
0x2f3: {  	s21 =	sor.u32 $0x380, s21;
	v9 =	vld.idx.msk [tilespmem:v9+s9+$0x0], $0xffff  }
0x2f4: {  	v10 =	vld [tilespmem:s21+$0xED80]  }
0x2f5: {  	v11 =	vld [tilespmem:s21+$0xFD80];
	_ =	sdelay $0x1  }
0x2f6: {  	s24 =	simm.s32 $0x10;
	s22 =	simm.s32 $0x80  }
0x2f7: {  	s21 =	sor.u32 s22, s24  }
0x2f8: {  	s22 =	sor.u32 $0x380, s21  }
0x2f9: {  	v12 =	vld [tilespmem:s22+$0xFD80];
	v13 =	vsub.f32 v10, v11  }
0x2fa: {  	v11 =	vld [tilespmem:s22+$0xED80]  }
0x2fb: {  	v13 =	vmul.f32 v13, v13;
	v8 =	vld.idx.msk [tilespmem:v8+s10+$0x0], $0xffff  }
0x2fc: {  	s21 =	simm.s32 $0x20;
	v10 =	vimm.f32 $0.0e+00;
	s22 =	simm.s32 $0x100;
	v9 =	vld.idx.msk [tilespmem:v9+s10+$0x0], $0xffff  }
.LBB2_57:
0x2fd: {  	s23 =	sor.u32 s22, s21;
	v10 =	vadd.f32 v13, v10;
	p0 =	sne.s32 s21, $0xF0  }
.Ltmp31:
0x2fe: {  	s21 =	sadd.s32 $0x10, s21;
	s23 =	sor.u32 $0x380, s23;
	(pc) =	sbr.rel @p0 .LBB2_57-.Ltmp31, $4  }
0x2ff: {  	v13 =	vsub.f32 v11, v12;
	v11 =	vld [tilespmem:s23+$0xED80]  }
0x300: {  	v12 =	vld [tilespmem:s23+$0xFD80]  }
0x301: {  	v13 =	vmul.f32 v13, v13  }
0x302: {  	s22 =	sadd.s32 $0x80, s22  }
0x303: {  	v14 =	vshra.s32 v8, $0x1  }
0x304: {  	v15 =	vmul.f32 $5.000000000e-01, v8;
	v16 =	vshra.s32 v9, $0x1;
	v17 =	vmul.f32 $5.000000000e-01, v9  }
0x305: {  	v14 =	vsub.s32 $0x5F3759DF, v14;
	v16 =	vsub.s32 $0x5F3759DF, v16  }
0x306: {  	v18 =	vmul.f32 v14, v15;
	v19 =	vmul.f32 v16, v17;
	_ =	sdelay $0x1  }
0x307: {  	v18 =	vmul.f32 v14, v18;
	v19 =	vmul.f32 v16, v19;
	_ =	sdelay $0x1  }
0x308: {  	v18 =	vsub.f32 $1.500000000e+00, v18;
	v19 =	vsub.f32 $1.500000000e+00, v19;
	_ =	sdelay $0x1  }
0x309: {  	v14 =	vmul.f32 v14, v18;
	v16 =	vmul.f32 v16, v19;
	_ =	sdelay $0x1  }
0x30a: {  	v18 =	vmul.f32 v14, v15;
	v19 =	vmul.f32 v16, v17;
	_ =	sdelay $0x1  }
0x30b: {  	v18 =	vmul.f32 v18, v14;
	v19 =	vmul.f32 v19, v16;
	_ =	sdelay $0x1  }
0x30c: {  	v18 =	vsub.f32 $1.500000000e+00, v18;
	v19 =	vsub.f32 $1.500000000e+00, v19;
	_ =	sdelay $0x1  }
0x30d: {  	v14 =	vmul.f32 v18, v14;
	v16 =	vmul.f32 v19, v16;
	_ =	sdelay $0x1  }
0x30e: {  	v15 =	vmul.f32 v14, v15;
	v17 =	vmul.f32 v16, v17;
	_ =	sdelay $0x1  }
0x30f: {  	v15 =	vmul.f32 v15, v14;
	v17 =	vmul.f32 v17, v16;
	_ =	sdelay $0x1  }
0x310: {  	v15 =	vsub.f32 $1.500000000e+00, v15;
	v17 =	vsub.f32 $1.500000000e+00, v17  }
0x311: {  	v11 =	vsub.f32 v11, v12  }
0x312: {  	v10 =	vadd.f32 v13, v10;
	v12 =	vmul.f32 v15, v14;
	v13 =	vmul.f32 v17, v16  }
0x313: {  	vm1 =	vgt.f32 v8, $5.000000000e-01;
	vm2 =	vgt.f32 v9, $5.000000000e-01;
	s21 =	sor.u32 $0x8, s20;
	v11 =	vmul.f32 v11, v11  }
0x314: {  	v8 =	vnsel vm1, $0x0, v12;
	v9 =	vnsel vm2, $0x0, v13;
	v12 =	vmov s21  }
0x315: {  	v10 =	vadd.f32 v11, v10;
	v8 =	vmul.f32 v9, v8;
	v9 =	vand.u32 $0xFFFFFFF8, v12  }
0x316: {  	v9 =	vbroadcast v9, $0x0  }
0x317: {  	v8 =	vmul.f32 v10, v8;
	_ =	sdelay $0x1  }
0x318: {  	v7 =	vadd.f32 v8, v7;
	_ =	sdelay $0x1  }
0x319: {  	s24 =	simm.s32 $0x0;
	[tilespmem:$0x11280] =	vst v7  }
0x31a: {  	s22 =	sand.u32 $0x70, s24;
	s21 =	sand.u32 $0x400, s24;
	v8 =	vld.idx.msk [tilespmem:v9+s7+$0x0], $0xffff  }
0x31b: {  	s21 =	sor.u32 s21, s22;
	v9 =	vld.idx.msk [tilespmem:v9+s9+$0x0], $0xffff  }
0x31c: {  	v10 =	vld [tilespmem:s21+$0xF580]  }
0x31d: {  	v11 =	vld [tilespmem:s21+$0x10580];
	_ =	sdelay $0x1  }
0x31e: {  	s23 =	simm.s32 $0x10;
	s24 =	simm.s32 $0x80  }
0x31f: {  	s22 =	sand.u32 $0x400, s24;
	s21 =	sand.u32 $0x70, s23  }
0x320: {  	s22 =	sor.u32 s22, s21  }
0x321: {  	v12 =	vld [tilespmem:s22+$0x10580];
	v13 =	vsub.f32 v10, v11  }
0x322: {  	v11 =	vld [tilespmem:s22+$0xF580]  }
0x323: {  	v13 =	vmul.f32 v13, v13;
	v8 =	vld.idx.msk [tilespmem:v8+s10+$0x0], $0xffff  }
0x324: {  	s21 =	simm.s32 $0x20;
	v10 =	vimm.f32 $0.0e+00;
	s22 =	simm.s32 $0x100;
	v9 =	vld.idx.msk [tilespmem:v9+s10+$0x0], $0xffff  }
.LBB2_59:
0x325: {  	s23 =	sand.u32 $0x70, s21;
	s24 =	sand.u32 $0x400, s22;
	v10 =	vadd.f32 v13, v10;
	p0 =	sne.s32 s21, $0xF0  }
.Ltmp32:
0x326: {  	s21 =	sadd.s32 $0x10, s21;
	s23 =	sor.u32 s24, s23;
	(pc) =	sbr.rel @p0 .LBB2_59-.Ltmp32, $4  }
0x327: {  	v13 =	vsub.f32 v11, v12;
	v11 =	vld [tilespmem:s23+$0xF580]  }
0x328: {  	v12 =	vld [tilespmem:s23+$0x10580]  }
0x329: {  	v13 =	vmul.f32 v13, v13  }
0x32a: {  	s22 =	sadd.s32 $0x80, s22  }
0x32b: {  	v14 =	vshra.s32 v8, $0x1  }
0x32c: {  	v15 =	vmul.f32 $5.000000000e-01, v8;
	v16 =	vshra.s32 v9, $0x1;
	v17 =	vmul.f32 $5.000000000e-01, v9  }
0x32d: {  	v14 =	vsub.s32 $0x5F3759DF, v14;
	v16 =	vsub.s32 $0x5F3759DF, v16  }
0x32e: {  	v18 =	vmul.f32 v14, v15;
	v19 =	vmul.f32 v16, v17;
	_ =	sdelay $0x1  }
0x32f: {  	v18 =	vmul.f32 v14, v18;
	v19 =	vmul.f32 v16, v19;
	_ =	sdelay $0x1  }
0x330: {  	v18 =	vsub.f32 $1.500000000e+00, v18;
	v19 =	vsub.f32 $1.500000000e+00, v19;
	_ =	sdelay $0x1  }
0x331: {  	v14 =	vmul.f32 v14, v18;
	v16 =	vmul.f32 v16, v19;
	_ =	sdelay $0x1  }
0x332: {  	v18 =	vmul.f32 v14, v15;
	v19 =	vmul.f32 v16, v17;
	_ =	sdelay $0x1  }
0x333: {  	v18 =	vmul.f32 v18, v14;
	v19 =	vmul.f32 v19, v16;
	_ =	sdelay $0x1  }
0x334: {  	v18 =	vsub.f32 $1.500000000e+00, v18;
	v19 =	vsub.f32 $1.500000000e+00, v19;
	_ =	sdelay $0x1  }
0x335: {  	v14 =	vmul.f32 v18, v14;
	v16 =	vmul.f32 v19, v16;
	_ =	sdelay $0x1  }
0x336: {  	v15 =	vmul.f32 v14, v15;
	v17 =	vmul.f32 v16, v17;
	_ =	sdelay $0x1  }
0x337: {  	v15 =	vmul.f32 v15, v14;
	v17 =	vmul.f32 v17, v16;
	_ =	sdelay $0x1  }
0x338: {  	v15 =	vsub.f32 $1.500000000e+00, v15;
	v17 =	vsub.f32 $1.500000000e+00, v17  }
0x339: {  	v11 =	vsub.f32 v11, v12  }
0x33a: {  	v10 =	vadd.f32 v13, v10;
	v12 =	vmul.f32 v15, v14;
	v13 =	vmul.f32 v17, v16  }
0x33b: {  	vm1 =	vgt.f32 v8, $5.000000000e-01;
	vm2 =	vgt.f32 v9, $5.000000000e-01;
	s21 =	sor.u32 $0x9, s20;
	v11 =	vmul.f32 v11, v11  }
0x33c: {  	v8 =	vnsel vm1, $0x0, v12;
	v9 =	vnsel vm2, $0x0, v13;
	v12 =	vmov s21  }
0x33d: {  	v10 =	vadd.f32 v11, v10;
	v8 =	vmul.f32 v9, v8;
	v9 =	vand.u32 $0xFFFFFFF9, v12  }
0x33e: {  	v9 =	vbroadcast v9, $0x0  }
0x33f: {  	v8 =	vmul.f32 v10, v8;
	_ =	sdelay $0x1  }
0x340: {  	v7 =	vadd.f32 v8, v7  }
0x341: {  	s23 =	simm.s32 $0x0  }
0x342: {  	s21 =	sand.u32 $0xFFFFFC00, s23;
	[tilespmem:$0x11280] =	vst v7  }
0x343: {  	s21 =	sadd.s32 $0x0, s21;
	v8 =	vld.idx.msk [tilespmem:v9+s7+$0x0], $0xffff  }
0x344: {  	s21 =	sor.u32 $0x880, s21;
	v9 =	vld.idx.msk [tilespmem:v9+s9+$0x0], $0xffff  }
0x345: {  	v10 =	vld [tilespmem:s21+$0xED80]  }
0x346: {  	s24 =	simm.s32 $0x80;
	v11 =	vld [tilespmem:s21+$0xFD80]  }
0x347: {  	s21 =	sand.u32 $0xFFFFFC00, s24  }
0x348: {  	s21 =	sadd.s32 $0x10, s21  }
0x349: {  	s23 =	sor.u32 $0x880, s21  }
0x34a: {  	v12 =	vld [tilespmem:s23+$0xFD80]  }
0x34b: {  	v13 =	vsub.f32 v10, v11;
	v11 =	vld [tilespmem:s23+$0xED80]  }
0x34c: {  	v8 =	vld.idx.msk [tilespmem:v8+s10+$0x0], $0xffff  }
0x34d: {  	s22 =	simm.s32 $0x100;
	s21 =	simm.s32 $0x10;
	v10 =	vimm.f32 $0.0e+00;
	v13 =	vmul.f32 v13, v13;
	v9 =	vld.idx.msk [tilespmem:v9+s10+$0x0], $0xffff  }
.LBB2_61:
0x34e: {  	s23 =	sand.u32 $0xFFFFFC00, s22;
	s21 =	sadd.s32 $0x10, s21;
	p0 =	sne.s32 s22, $0x780  }
.Ltmp33:
0x34f: {  	s22 =	sadd.s32 $0x80, s22;
	s23 =	sadd.s32 s23, s21;
	v10 =	vadd.f32 v13, v10;
	(pc) =	sbr.rel @p0 .LBB2_61-.Ltmp33, $4  }
0x350: {  	s23 =	sor.u32 $0x880, s23  }
0x351: {  	v13 =	vsub.f32 v11, v12;
	v11 =	vld [tilespmem:s23+$0xED80]  }
0x352: {  	v12 =	vld [tilespmem:s23+$0xFD80]  }
0x353: {  	v13 =	vmul.f32 v13, v13  }
0x354: {  	v14 =	vshra.s32 v8, $0x1  }
0x355: {  	v15 =	vmul.f32 $5.000000000e-01, v8;
	v16 =	vshra.s32 v9, $0x1;
	v17 =	vmul.f32 $5.000000000e-01, v9  }
0x356: {  	v14 =	vsub.s32 $0x5F3759DF, v14;
	v16 =	vsub.s32 $0x5F3759DF, v16  }
0x357: {  	v18 =	vmul.f32 v14, v15;
	v19 =	vmul.f32 v16, v17;
	_ =	sdelay $0x1  }
0x358: {  	v18 =	vmul.f32 v14, v18;
	v19 =	vmul.f32 v16, v19;
	_ =	sdelay $0x1  }
0x359: {  	v18 =	vsub.f32 $1.500000000e+00, v18;
	v19 =	vsub.f32 $1.500000000e+00, v19;
	_ =	sdelay $0x1  }
0x35a: {  	v14 =	vmul.f32 v14, v18;
	v16 =	vmul.f32 v16, v19;
	_ =	sdelay $0x1  }
0x35b: {  	v18 =	vmul.f32 v14, v15;
	v19 =	vmul.f32 v16, v17;
	_ =	sdelay $0x1  }
0x35c: {  	v18 =	vmul.f32 v18, v14;
	v19 =	vmul.f32 v19, v16;
	_ =	sdelay $0x1  }
0x35d: {  	v18 =	vsub.f32 $1.500000000e+00, v18;
	v19 =	vsub.f32 $1.500000000e+00, v19;
	_ =	sdelay $0x1  }
0x35e: {  	v14 =	vmul.f32 v18, v14;
	v16 =	vmul.f32 v19, v16;
	_ =	sdelay $0x1  }
0x35f: {  	v15 =	vmul.f32 v14, v15;
	v17 =	vmul.f32 v16, v17;
	_ =	sdelay $0x1  }
0x360: {  	v15 =	vmul.f32 v15, v14;
	v17 =	vmul.f32 v17, v16;
	_ =	sdelay $0x1  }
0x361: {  	v15 =	vsub.f32 $1.500000000e+00, v15;
	v17 =	vsub.f32 $1.500000000e+00, v17  }
0x362: {  	v11 =	vsub.f32 v11, v12  }
0x363: {  	v10 =	vadd.f32 v13, v10;
	v12 =	vmul.f32 v15, v14;
	v13 =	vmul.f32 v17, v16  }
0x364: {  	vm1 =	vgt.f32 v8, $5.000000000e-01;
	vm2 =	vgt.f32 v9, $5.000000000e-01;
	s21 =	sor.u32 $0xA, s20;
	v11 =	vmul.f32 v11, v11  }
0x365: {  	v8 =	vnsel vm1, $0x0, v12;
	v9 =	vnsel vm2, $0x0, v13;
	v12 =	vmov s21  }
0x366: {  	v10 =	vadd.f32 v11, v10;
	v8 =	vmul.f32 v9, v8;
	v9 =	vand.u32 $0xFFFFFFFA, v12  }
0x367: {  	v9 =	vbroadcast v9, $0x0  }
0x368: {  	v8 =	vmul.f32 v10, v8;
	_ =	sdelay $0x1  }
0x369: {  	v7 =	vadd.f32 v8, v7;
	_ =	sdelay $0x1  }
0x36a: {  	s24 =	simm.s32 $0x0;
	[tilespmem:$0x11280] =	vst v7  }
0x36b: {  	s22 =	sand.u32 $0x70, s24;
	s21 =	sand.u32 $0x400, s24;
	v8 =	vld.idx.msk [tilespmem:v9+s7+$0x0], $0xffff  }
0x36c: {  	s21 =	sor.u32 s21, s22;
	v9 =	vld.idx.msk [tilespmem:v9+s9+$0x0], $0xffff  }
0x36d: {  	v10 =	vld [tilespmem:s21+$0xF680]  }
0x36e: {  	v11 =	vld [tilespmem:s21+$0x10680];
	_ =	sdelay $0x1  }
0x36f: {  	s23 =	simm.s32 $0x10;
	s24 =	simm.s32 $0x80  }
0x370: {  	s22 =	sand.u32 $0x400, s24;
	s21 =	sand.u32 $0x70, s23  }
0x371: {  	s22 =	sor.u32 s22, s21  }
0x372: {  	v12 =	vld [tilespmem:s22+$0x10680];
	v13 =	vsub.f32 v10, v11  }
0x373: {  	v11 =	vld [tilespmem:s22+$0xF680]  }
0x374: {  	v13 =	vmul.f32 v13, v13;
	v8 =	vld.idx.msk [tilespmem:v8+s10+$0x0], $0xffff  }
0x375: {  	s21 =	simm.s32 $0x20;
	v10 =	vimm.f32 $0.0e+00;
	s22 =	simm.s32 $0x100;
	v9 =	vld.idx.msk [tilespmem:v9+s10+$0x0], $0xffff  }
.LBB2_63:
0x376: {  	s23 =	sand.u32 $0x70, s21;
	s24 =	sand.u32 $0x400, s22;
	v10 =	vadd.f32 v13, v10;
	p0 =	sne.s32 s21, $0xF0  }
.Ltmp34:
0x377: {  	s21 =	sadd.s32 $0x10, s21;
	s23 =	sor.u32 s24, s23;
	(pc) =	sbr.rel @p0 .LBB2_63-.Ltmp34, $4  }
0x378: {  	v13 =	vsub.f32 v11, v12;
	v11 =	vld [tilespmem:s23+$0xF680]  }
0x379: {  	v12 =	vld [tilespmem:s23+$0x10680]  }
0x37a: {  	v13 =	vmul.f32 v13, v13  }
0x37b: {  	s22 =	sadd.s32 $0x80, s22  }
0x37c: {  	v14 =	vshra.s32 v8, $0x1  }
0x37d: {  	v15 =	vmul.f32 $5.000000000e-01, v8;
	v16 =	vshra.s32 v9, $0x1;
	v17 =	vmul.f32 $5.000000000e-01, v9  }
0x37e: {  	v14 =	vsub.s32 $0x5F3759DF, v14;
	v16 =	vsub.s32 $0x5F3759DF, v16  }
0x37f: {  	v18 =	vmul.f32 v14, v15;
	v19 =	vmul.f32 v16, v17;
	_ =	sdelay $0x1  }
0x380: {  	v18 =	vmul.f32 v14, v18;
	v19 =	vmul.f32 v16, v19;
	_ =	sdelay $0x1  }
0x381: {  	v18 =	vsub.f32 $1.500000000e+00, v18;
	v19 =	vsub.f32 $1.500000000e+00, v19;
	_ =	sdelay $0x1  }
0x382: {  	v14 =	vmul.f32 v14, v18;
	v16 =	vmul.f32 v16, v19;
	_ =	sdelay $0x1  }
0x383: {  	v18 =	vmul.f32 v14, v15;
	v19 =	vmul.f32 v16, v17;
	_ =	sdelay $0x1  }
0x384: {  	v18 =	vmul.f32 v18, v14;
	v19 =	vmul.f32 v19, v16;
	_ =	sdelay $0x1  }
0x385: {  	v18 =	vsub.f32 $1.500000000e+00, v18;
	v19 =	vsub.f32 $1.500000000e+00, v19;
	_ =	sdelay $0x1  }
0x386: {  	v14 =	vmul.f32 v18, v14;
	v16 =	vmul.f32 v19, v16;
	_ =	sdelay $0x1  }
0x387: {  	v15 =	vmul.f32 v14, v15;
	v17 =	vmul.f32 v16, v17;
	_ =	sdelay $0x1  }
0x388: {  	v15 =	vmul.f32 v15, v14;
	v17 =	vmul.f32 v17, v16;
	_ =	sdelay $0x1  }
0x389: {  	v15 =	vsub.f32 $1.500000000e+00, v15;
	v17 =	vsub.f32 $1.500000000e+00, v17  }
0x38a: {  	v11 =	vsub.f32 v11, v12  }
0x38b: {  	v10 =	vadd.f32 v13, v10;
	v12 =	vmul.f32 v15, v14;
	v13 =	vmul.f32 v17, v16  }
0x38c: {  	vm1 =	vgt.f32 v8, $5.000000000e-01;
	vm2 =	vgt.f32 v9, $5.000000000e-01;
	s21 =	sor.u32 $0xB, s20;
	v11 =	vmul.f32 v11, v11  }
0x38d: {  	v8 =	vnsel vm1, $0x0, v12;
	v9 =	vnsel vm2, $0x0, v13;
	v12 =	vmov s21  }
0x38e: {  	v10 =	vadd.f32 v11, v10;
	v8 =	vmul.f32 v9, v8;
	v9 =	vand.u32 $0xFFFFFFFB, v12  }
0x38f: {  	v9 =	vbroadcast v9, $0x0  }
0x390: {  	v8 =	vmul.f32 v10, v8;
	_ =	sdelay $0x1  }
0x391: {  	v7 =	vadd.f32 v8, v7  }
0x392: {  	s23 =	simm.s32 $0x0  }
0x393: {  	s21 =	sand.u32 $0xFFFFFC00, s23;
	[tilespmem:$0x11280] =	vst v7  }
0x394: {  	s21 =	sadd.s32 $0x0, s21;
	v8 =	vld.idx.msk [tilespmem:v9+s7+$0x0], $0xffff  }
0x395: {  	s21 =	sor.u32 $0x980, s21;
	v9 =	vld.idx.msk [tilespmem:v9+s9+$0x0], $0xffff  }
0x396: {  	v10 =	vld [tilespmem:s21+$0xED80]  }
0x397: {  	s24 =	simm.s32 $0x80;
	v11 =	vld [tilespmem:s21+$0xFD80]  }
0x398: {  	s21 =	sand.u32 $0xFFFFFC00, s24  }
0x399: {  	s21 =	sadd.s32 $0x10, s21  }
0x39a: {  	s23 =	sor.u32 $0x980, s21  }
0x39b: {  	v12 =	vld [tilespmem:s23+$0xFD80]  }
0x39c: {  	v13 =	vsub.f32 v10, v11;
	v11 =	vld [tilespmem:s23+$0xED80]  }
0x39d: {  	v8 =	vld.idx.msk [tilespmem:v8+s10+$0x0], $0xffff  }
0x39e: {  	s22 =	simm.s32 $0x100;
	s21 =	simm.s32 $0x10;
	v10 =	vimm.f32 $0.0e+00;
	v13 =	vmul.f32 v13, v13;
	v9 =	vld.idx.msk [tilespmem:v9+s10+$0x0], $0xffff  }
.LBB2_65:
0x39f: {  	s23 =	sand.u32 $0xFFFFFC00, s22;
	s21 =	sadd.s32 $0x10, s21;
	p0 =	sne.s32 s22, $0x780  }
.Ltmp35:
0x3a0: {  	s22 =	sadd.s32 $0x80, s22;
	s23 =	sadd.s32 s23, s21;
	v10 =	vadd.f32 v13, v10;
	(pc) =	sbr.rel @p0 .LBB2_65-.Ltmp35, $4  }
0x3a1: {  	s23 =	sor.u32 $0x980, s23  }
0x3a2: {  	v13 =	vsub.f32 v11, v12;
	v11 =	vld [tilespmem:s23+$0xED80]  }
0x3a3: {  	v12 =	vld [tilespmem:s23+$0xFD80]  }
0x3a4: {  	v13 =	vmul.f32 v13, v13  }
0x3a5: {  	v14 =	vshra.s32 v8, $0x1  }
0x3a6: {  	v15 =	vmul.f32 $5.000000000e-01, v8;
	v16 =	vshra.s32 v9, $0x1;
	v17 =	vmul.f32 $5.000000000e-01, v9  }
0x3a7: {  	v14 =	vsub.s32 $0x5F3759DF, v14;
	v16 =	vsub.s32 $0x5F3759DF, v16  }
0x3a8: {  	v18 =	vmul.f32 v14, v15;
	v19 =	vmul.f32 v16, v17;
	_ =	sdelay $0x1  }
0x3a9: {  	v18 =	vmul.f32 v14, v18;
	v19 =	vmul.f32 v16, v19;
	_ =	sdelay $0x1  }
0x3aa: {  	v18 =	vsub.f32 $1.500000000e+00, v18;
	v19 =	vsub.f32 $1.500000000e+00, v19;
	_ =	sdelay $0x1  }
0x3ab: {  	v14 =	vmul.f32 v14, v18;
	v16 =	vmul.f32 v16, v19;
	_ =	sdelay $0x1  }
0x3ac: {  	v18 =	vmul.f32 v14, v15;
	v19 =	vmul.f32 v16, v17;
	_ =	sdelay $0x1  }
0x3ad: {  	v18 =	vmul.f32 v18, v14;
	v19 =	vmul.f32 v19, v16;
	_ =	sdelay $0x1  }
0x3ae: {  	v18 =	vsub.f32 $1.500000000e+00, v18;
	v19 =	vsub.f32 $1.500000000e+00, v19;
	_ =	sdelay $0x1  }
0x3af: {  	v14 =	vmul.f32 v18, v14;
	v16 =	vmul.f32 v19, v16;
	_ =	sdelay $0x1  }
0x3b0: {  	v15 =	vmul.f32 v14, v15;
	v17 =	vmul.f32 v16, v17;
	_ =	sdelay $0x1  }
0x3b1: {  	v15 =	vmul.f32 v15, v14;
	v17 =	vmul.f32 v17, v16;
	_ =	sdelay $0x1  }
0x3b2: {  	v15 =	vsub.f32 $1.500000000e+00, v15;
	v17 =	vsub.f32 $1.500000000e+00, v17  }
0x3b3: {  	v11 =	vsub.f32 v11, v12  }
0x3b4: {  	v10 =	vadd.f32 v13, v10;
	v12 =	vmul.f32 v15, v14;
	v13 =	vmul.f32 v17, v16  }
0x3b5: {  	vm1 =	vgt.f32 v8, $5.000000000e-01;
	vm2 =	vgt.f32 v9, $5.000000000e-01;
	s21 =	sor.u32 $0xC, s20;
	v11 =	vmul.f32 v11, v11  }
0x3b6: {  	v8 =	vnsel vm1, $0x0, v12;
	v9 =	vnsel vm2, $0x0, v13;
	v12 =	vmov s21  }
0x3b7: {  	v10 =	vadd.f32 v11, v10;
	v8 =	vmul.f32 v9, v8;
	v9 =	vand.u32 $0xFFFFFFFC, v12  }
0x3b8: {  	v9 =	vbroadcast v9, $0x0  }
0x3b9: {  	v8 =	vmul.f32 v10, v8;
	_ =	sdelay $0x1  }
0x3ba: {  	v7 =	vadd.f32 v8, v7;
	_ =	sdelay $0x1  }
0x3bb: {  	s24 =	simm.s32 $0x0;
	[tilespmem:$0x11280] =	vst v7  }
0x3bc: {  	s22 =	sand.u32 $0x70, s24;
	s21 =	sand.u32 $0x400, s24;
	v8 =	vld.idx.msk [tilespmem:v9+s7+$0x0], $0xffff  }
0x3bd: {  	s21 =	sor.u32 s21, s22;
	v9 =	vld.idx.msk [tilespmem:v9+s9+$0x0], $0xffff  }
0x3be: {  	v10 =	vld [tilespmem:s21+$0xF780]  }
0x3bf: {  	v11 =	vld [tilespmem:s21+$0x10780];
	_ =	sdelay $0x1  }
0x3c0: {  	s23 =	simm.s32 $0x10;
	s24 =	simm.s32 $0x80  }
0x3c1: {  	s22 =	sand.u32 $0x400, s24;
	s21 =	sand.u32 $0x70, s23  }
0x3c2: {  	s22 =	sor.u32 s22, s21  }
0x3c3: {  	v12 =	vld [tilespmem:s22+$0x10780];
	v13 =	vsub.f32 v10, v11  }
0x3c4: {  	v11 =	vld [tilespmem:s22+$0xF780]  }
0x3c5: {  	v13 =	vmul.f32 v13, v13;
	v8 =	vld.idx.msk [tilespmem:v8+s10+$0x0], $0xffff  }
0x3c6: {  	s21 =	simm.s32 $0x20;
	v10 =	vimm.f32 $0.0e+00;
	s22 =	simm.s32 $0x100;
	v9 =	vld.idx.msk [tilespmem:v9+s10+$0x0], $0xffff  }
.LBB2_67:
0x3c7: {  	s23 =	sand.u32 $0x70, s21;
	s24 =	sand.u32 $0x400, s22;
	v10 =	vadd.f32 v13, v10;
	p0 =	sne.s32 s21, $0xF0  }
.Ltmp36:
0x3c8: {  	s21 =	sadd.s32 $0x10, s21;
	s23 =	sor.u32 s24, s23;
	(pc) =	sbr.rel @p0 .LBB2_67-.Ltmp36, $4  }
0x3c9: {  	v13 =	vsub.f32 v11, v12;
	v11 =	vld [tilespmem:s23+$0xF780]  }
0x3ca: {  	v12 =	vld [tilespmem:s23+$0x10780]  }
0x3cb: {  	v13 =	vmul.f32 v13, v13  }
0x3cc: {  	s22 =	sadd.s32 $0x80, s22  }
0x3cd: {  	v14 =	vshra.s32 v8, $0x1  }
0x3ce: {  	v15 =	vmul.f32 $5.000000000e-01, v8;
	v16 =	vshra.s32 v9, $0x1;
	v17 =	vmul.f32 $5.000000000e-01, v9  }
0x3cf: {  	v14 =	vsub.s32 $0x5F3759DF, v14;
	v16 =	vsub.s32 $0x5F3759DF, v16  }
0x3d0: {  	v18 =	vmul.f32 v14, v15;
	v19 =	vmul.f32 v16, v17;
	_ =	sdelay $0x1  }
0x3d1: {  	v18 =	vmul.f32 v14, v18;
	v19 =	vmul.f32 v16, v19;
	_ =	sdelay $0x1  }
0x3d2: {  	v18 =	vsub.f32 $1.500000000e+00, v18;
	v19 =	vsub.f32 $1.500000000e+00, v19;
	_ =	sdelay $0x1  }
0x3d3: {  	v14 =	vmul.f32 v14, v18;
	v16 =	vmul.f32 v16, v19;
	_ =	sdelay $0x1  }
0x3d4: {  	v18 =	vmul.f32 v14, v15;
	v19 =	vmul.f32 v16, v17;
	_ =	sdelay $0x1  }
0x3d5: {  	v18 =	vmul.f32 v18, v14;
	v19 =	vmul.f32 v19, v16;
	_ =	sdelay $0x1  }
0x3d6: {  	v18 =	vsub.f32 $1.500000000e+00, v18;
	v19 =	vsub.f32 $1.500000000e+00, v19;
	_ =	sdelay $0x1  }
0x3d7: {  	v14 =	vmul.f32 v18, v14;
	v16 =	vmul.f32 v19, v16;
	_ =	sdelay $0x1  }
0x3d8: {  	v15 =	vmul.f32 v14, v15;
	v17 =	vmul.f32 v16, v17;
	_ =	sdelay $0x1  }
0x3d9: {  	v15 =	vmul.f32 v15, v14;
	v17 =	vmul.f32 v17, v16;
	_ =	sdelay $0x1  }
0x3da: {  	v15 =	vsub.f32 $1.500000000e+00, v15;
	v17 =	vsub.f32 $1.500000000e+00, v17  }
0x3db: {  	v11 =	vsub.f32 v11, v12  }
0x3dc: {  	v10 =	vadd.f32 v13, v10;
	v12 =	vmul.f32 v15, v14;
	v13 =	vmul.f32 v17, v16  }
0x3dd: {  	vm1 =	vgt.f32 v8, $5.000000000e-01;
	vm2 =	vgt.f32 v9, $5.000000000e-01;
	s21 =	sor.u32 $0xD, s20;
	v11 =	vmul.f32 v11, v11  }
0x3de: {  	v8 =	vnsel vm1, $0x0, v12;
	v9 =	vnsel vm2, $0x0, v13;
	v12 =	vmov s21  }
0x3df: {  	v10 =	vadd.f32 v11, v10;
	v8 =	vmul.f32 v9, v8;
	v9 =	vand.u32 $0xFFFFFFFD, v12  }
0x3e0: {  	v9 =	vbroadcast v9, $0x0  }
0x3e1: {  	v8 =	vmul.f32 v10, v8;
	_ =	sdelay $0x1  }
0x3e2: {  	v7 =	vadd.f32 v8, v7  }
0x3e3: {  	s23 =	simm.s32 $0x0  }
0x3e4: {  	s21 =	sand.u32 $0xFFFFFC00, s23;
	[tilespmem:$0x11280] =	vst v7  }
0x3e5: {  	s21 =	sadd.s32 $0x0, s21;
	v8 =	vld.idx.msk [tilespmem:v9+s7+$0x0], $0xffff  }
0x3e6: {  	s21 =	sor.u32 $0xA80, s21;
	v9 =	vld.idx.msk [tilespmem:v9+s9+$0x0], $0xffff  }
0x3e7: {  	v10 =	vld [tilespmem:s21+$0xED80]  }
0x3e8: {  	s24 =	simm.s32 $0x80;
	v11 =	vld [tilespmem:s21+$0xFD80]  }
0x3e9: {  	s21 =	sand.u32 $0xFFFFFC00, s24  }
0x3ea: {  	s21 =	sadd.s32 $0x10, s21  }
0x3eb: {  	s23 =	sor.u32 $0xA80, s21  }
0x3ec: {  	v12 =	vld [tilespmem:s23+$0xFD80]  }
0x3ed: {  	v13 =	vsub.f32 v10, v11;
	v11 =	vld [tilespmem:s23+$0xED80]  }
0x3ee: {  	v8 =	vld.idx.msk [tilespmem:v8+s10+$0x0], $0xffff  }
0x3ef: {  	s22 =	simm.s32 $0x100;
	s21 =	simm.s32 $0x10;
	v10 =	vimm.f32 $0.0e+00;
	v13 =	vmul.f32 v13, v13;
	v9 =	vld.idx.msk [tilespmem:v9+s10+$0x0], $0xffff  }
.LBB2_69:
0x3f0: {  	s23 =	sand.u32 $0xFFFFFC00, s22;
	s21 =	sadd.s32 $0x10, s21;
	p0 =	sne.s32 s22, $0x780  }
.Ltmp37:
0x3f1: {  	s22 =	sadd.s32 $0x80, s22;
	s23 =	sadd.s32 s23, s21;
	v10 =	vadd.f32 v13, v10;
	(pc) =	sbr.rel @p0 .LBB2_69-.Ltmp37, $4  }
0x3f2: {  	s23 =	sor.u32 $0xA80, s23  }
0x3f3: {  	v13 =	vsub.f32 v11, v12;
	v11 =	vld [tilespmem:s23+$0xED80]  }
0x3f4: {  	v12 =	vld [tilespmem:s23+$0xFD80]  }
0x3f5: {  	v13 =	vmul.f32 v13, v13  }
0x3f6: {  	v14 =	vshra.s32 v8, $0x1  }
0x3f7: {  	v15 =	vmul.f32 $5.000000000e-01, v8;
	v16 =	vshra.s32 v9, $0x1;
	v17 =	vmul.f32 $5.000000000e-01, v9  }
0x3f8: {  	v14 =	vsub.s32 $0x5F3759DF, v14;
	v16 =	vsub.s32 $0x5F3759DF, v16  }
0x3f9: {  	v18 =	vmul.f32 v14, v15;
	v19 =	vmul.f32 v16, v17;
	_ =	sdelay $0x1  }
0x3fa: {  	v18 =	vmul.f32 v14, v18;
	v19 =	vmul.f32 v16, v19;
	_ =	sdelay $0x1  }
0x3fb: {  	v18 =	vsub.f32 $1.500000000e+00, v18;
	v19 =	vsub.f32 $1.500000000e+00, v19;
	_ =	sdelay $0x1  }
0x3fc: {  	v14 =	vmul.f32 v14, v18;
	v16 =	vmul.f32 v16, v19;
	_ =	sdelay $0x1  }
0x3fd: {  	v18 =	vmul.f32 v14, v15;
	v19 =	vmul.f32 v16, v17;
	_ =	sdelay $0x1  }
0x3fe: {  	v18 =	vmul.f32 v18, v14;
	v19 =	vmul.f32 v19, v16;
	_ =	sdelay $0x1  }
0x3ff: {  	v18 =	vsub.f32 $1.500000000e+00, v18;
	v19 =	vsub.f32 $1.500000000e+00, v19;
	_ =	sdelay $0x1  }
0x400: {  	v14 =	vmul.f32 v18, v14;
	v16 =	vmul.f32 v19, v16;
	_ =	sdelay $0x1  }
0x401: {  	v15 =	vmul.f32 v14, v15;
	v17 =	vmul.f32 v16, v17;
	_ =	sdelay $0x1  }
0x402: {  	v15 =	vmul.f32 v15, v14;
	v17 =	vmul.f32 v17, v16;
	_ =	sdelay $0x1  }
0x403: {  	v15 =	vsub.f32 $1.500000000e+00, v15;
	v17 =	vsub.f32 $1.500000000e+00, v17  }
0x404: {  	v11 =	vsub.f32 v11, v12  }
0x405: {  	v10 =	vadd.f32 v13, v10;
	v12 =	vmul.f32 v15, v14;
	v13 =	vmul.f32 v17, v16  }
0x406: {  	vm1 =	vgt.f32 v8, $5.000000000e-01;
	vm2 =	vgt.f32 v9, $5.000000000e-01;
	s21 =	sor.u32 $0xE, s20;
	v11 =	vmul.f32 v11, v11  }
0x407: {  	v8 =	vnsel vm1, $0x0, v12;
	v9 =	vnsel vm2, $0x0, v13;
	v12 =	vmov s21  }
0x408: {  	v10 =	vadd.f32 v11, v10;
	v8 =	vmul.f32 v9, v8;
	v9 =	vand.u32 $0xFFFFFFFE, v12  }
0x409: {  	v9 =	vbroadcast v9, $0x0  }
0x40a: {  	v8 =	vmul.f32 v10, v8;
	_ =	sdelay $0x1  }
0x40b: {  	v7 =	vadd.f32 v8, v7;
	_ =	sdelay $0x1  }
0x40c: {  	s24 =	simm.s32 $0x0;
	[tilespmem:$0x11280] =	vst v7  }
0x40d: {  	s22 =	sand.u32 $0x70, s24;
	s21 =	sand.u32 $0x400, s24;
	v8 =	vld.idx.msk [tilespmem:v9+s7+$0x0], $0xffff  }
0x40e: {  	s21 =	sor.u32 s21, s22;
	v9 =	vld.idx.msk [tilespmem:v9+s9+$0x0], $0xffff  }
0x40f: {  	v10 =	vld [tilespmem:s21+$0xF880]  }
0x410: {  	v11 =	vld [tilespmem:s21+$0x10880];
	_ =	sdelay $0x1  }
0x411: {  	s23 =	simm.s32 $0x10;
	s24 =	simm.s32 $0x80  }
0x412: {  	s22 =	sand.u32 $0x400, s24;
	s21 =	sand.u32 $0x70, s23  }
0x413: {  	s22 =	sor.u32 s22, s21  }
0x414: {  	v12 =	vld [tilespmem:s22+$0x10880];
	v13 =	vsub.f32 v10, v11  }
0x415: {  	v11 =	vld [tilespmem:s22+$0xF880]  }
0x416: {  	v13 =	vmul.f32 v13, v13;
	v8 =	vld.idx.msk [tilespmem:v8+s10+$0x0], $0xffff  }
0x417: {  	s21 =	simm.s32 $0x20;
	v10 =	vimm.f32 $0.0e+00;
	s22 =	simm.s32 $0x100;
	v9 =	vld.idx.msk [tilespmem:v9+s10+$0x0], $0xffff  }
.LBB2_71:
0x418: {  	s23 =	sand.u32 $0x70, s21;
	s24 =	sand.u32 $0x400, s22;
	v10 =	vadd.f32 v13, v10;
	p0 =	sne.s32 s21, $0xF0  }
.Ltmp38:
0x419: {  	s21 =	sadd.s32 $0x10, s21;
	s23 =	sor.u32 s24, s23;
	(pc) =	sbr.rel @p0 .LBB2_71-.Ltmp38, $4  }
0x41a: {  	v13 =	vsub.f32 v11, v12;
	v11 =	vld [tilespmem:s23+$0xF880]  }
0x41b: {  	v12 =	vld [tilespmem:s23+$0x10880]  }
0x41c: {  	v13 =	vmul.f32 v13, v13  }
0x41d: {  	s22 =	sadd.s32 $0x80, s22  }
0x41e: {  	v14 =	vshra.s32 v8, $0x1  }
0x41f: {  	v15 =	vmul.f32 $5.000000000e-01, v8;
	v16 =	vshra.s32 v9, $0x1;
	v17 =	vmul.f32 $5.000000000e-01, v9  }
0x420: {  	v14 =	vsub.s32 $0x5F3759DF, v14;
	v16 =	vsub.s32 $0x5F3759DF, v16  }
0x421: {  	v18 =	vmul.f32 v14, v15;
	v19 =	vmul.f32 v16, v17;
	_ =	sdelay $0x1  }
0x422: {  	v18 =	vmul.f32 v14, v18;
	v19 =	vmul.f32 v16, v19;
	_ =	sdelay $0x1  }
0x423: {  	v18 =	vsub.f32 $1.500000000e+00, v18;
	v19 =	vsub.f32 $1.500000000e+00, v19;
	_ =	sdelay $0x1  }
0x424: {  	v14 =	vmul.f32 v14, v18;
	v16 =	vmul.f32 v16, v19;
	_ =	sdelay $0x1  }
0x425: {  	v18 =	vmul.f32 v14, v15;
	v19 =	vmul.f32 v16, v17;
	_ =	sdelay $0x1  }
0x426: {  	v18 =	vmul.f32 v18, v14;
	v19 =	vmul.f32 v19, v16;
	_ =	sdelay $0x1  }
0x427: {  	v18 =	vsub.f32 $1.500000000e+00, v18;
	v19 =	vsub.f32 $1.500000000e+00, v19;
	_ =	sdelay $0x1  }
0x428: {  	v14 =	vmul.f32 v18, v14;
	v16 =	vmul.f32 v19, v16;
	_ =	sdelay $0x1  }
0x429: {  	v15 =	vmul.f32 v14, v15;
	v17 =	vmul.f32 v16, v17;
	_ =	sdelay $0x1  }
0x42a: {  	v15 =	vmul.f32 v15, v14;
	v17 =	vmul.f32 v17, v16;
	_ =	sdelay $0x1  }
0x42b: {  	v15 =	vsub.f32 $1.500000000e+00, v15;
	v17 =	vsub.f32 $1.500000000e+00, v17  }
0x42c: {  	v11 =	vsub.f32 v11, v12  }
0x42d: {  	v10 =	vadd.f32 v13, v10;
	v12 =	vmul.f32 v15, v14;
	v13 =	vmul.f32 v17, v16  }
0x42e: {  	vm1 =	vgt.f32 v8, $5.000000000e-01;
	vm2 =	vgt.f32 v9, $5.000000000e-01;
	v11 =	vmul.f32 v11, v11  }
0x42f: {  	v8 =	vnsel vm1, $0x0, v12;
	v9 =	vnsel vm2, $0x0, v13  }
0x430: {  	v10 =	vadd.f32 v11, v10;
	v8 =	vmul.f32 v9, v8  }
0x431: {  	s20 =	sor.u32 $0xF, s20  }
0x432: {  	v9 =	vmov s20;
	v8 =	vmul.f32 v10, v8;
	_ =	sdelay $0x1  }
0x433: {  	v7 =	vadd.f32 v8, v7;
	_ =	sdelay $0x1  }
0x434: {  	s23 =	simm.s32 $0x0;
	[tilespmem:$0x11280] =	vst v7  }
0x435: {  	s20 =	sor.u32 s23, s23;
	v8 =	vld.idx.msk [tilespmem:v9+s7+$0x0], $0xffff  }
0x436: {  	s20 =	sor.u32 $0xB80, s20;
	v9 =	vld.idx.msk [tilespmem:v9+s9+$0x0], $0xffff  }
0x437: {  	v10 =	vld [tilespmem:s20+$0xED80]  }
0x438: {  	v11 =	vld [tilespmem:s20+$0xFD80];
	_ =	sdelay $0x1  }
0x439: {  	s24 =	simm.s32 $0x10;
	s21 =	simm.s32 $0x80  }
0x43a: {  	s20 =	sor.u32 s21, s24  }
0x43b: {  	s21 =	sor.u32 $0xB80, s20  }
0x43c: {  	v12 =	vld [tilespmem:s21+$0xFD80];
	v13 =	vsub.f32 v10, v11  }
0x43d: {  	v11 =	vld [tilespmem:s21+$0xED80]  }
0x43e: {  	v13 =	vmul.f32 v13, v13;
	v8 =	vld.idx.msk [tilespmem:v8+s10+$0x0], $0xffff  }
0x43f: {  	s20 =	simm.s32 $0x20;
	v10 =	vimm.f32 $0.0e+00;
	s21 =	simm.s32 $0x100;
	v9 =	vld.idx.msk [tilespmem:v9+s10+$0x0], $0xffff  }
.LBB2_73:
0x440: {  	s22 =	sor.u32 s21, s20;
	v10 =	vadd.f32 v13, v10;
	p0 =	sne.s32 s20, $0xF0  }
.Ltmp39:
0x441: {  	s20 =	sadd.s32 $0x10, s20;
	s22 =	sor.u32 $0xB80, s22;
	(pc) =	sbr.rel @p0 .LBB2_73-.Ltmp39, $4  }
0x442: {  	v13 =	vsub.f32 v11, v12;
	v11 =	vld [tilespmem:s22+$0xED80]  }
0x443: {  	v12 =	vld [tilespmem:s22+$0xFD80]  }
0x444: {  	v13 =	vmul.f32 v13, v13  }
0x445: {  	s21 =	sadd.s32 $0x80, s21  }
0x446: {  	v14 =	vshra.s32 v8, $0x1  }
0x447: {  	v15 =	vmul.f32 $5.000000000e-01, v8;
	v16 =	vshra.s32 v9, $0x1;
	v17 =	vmul.f32 $5.000000000e-01, v9  }
0x448: {  	v14 =	vsub.s32 $0x5F3759DF, v14;
	v16 =	vsub.s32 $0x5F3759DF, v16  }
0x449: {  	v18 =	vmul.f32 v14, v15;
	v19 =	vmul.f32 v16, v17;
	_ =	sdelay $0x1  }
0x44a: {  	v18 =	vmul.f32 v14, v18;
	v19 =	vmul.f32 v16, v19;
	_ =	sdelay $0x1  }
0x44b: {  	v18 =	vsub.f32 $1.500000000e+00, v18;
	v19 =	vsub.f32 $1.500000000e+00, v19;
	_ =	sdelay $0x1  }
0x44c: {  	v14 =	vmul.f32 v14, v18;
	v16 =	vmul.f32 v16, v19;
	_ =	sdelay $0x1  }
0x44d: {  	v18 =	vmul.f32 v14, v15;
	v19 =	vmul.f32 v16, v17;
	_ =	sdelay $0x1  }
0x44e: {  	v18 =	vmul.f32 v18, v14;
	v19 =	vmul.f32 v19, v16;
	_ =	sdelay $0x1  }
0x44f: {  	v18 =	vsub.f32 $1.500000000e+00, v18;
	v19 =	vsub.f32 $1.500000000e+00, v19;
	_ =	sdelay $0x1  }
0x450: {  	v14 =	vmul.f32 v18, v14;
	v16 =	vmul.f32 v19, v16;
	_ =	sdelay $0x1  }
0x451: {  	v15 =	vmul.f32 v14, v15;
	v17 =	vmul.f32 v16, v17;
	_ =	sdelay $0x1  }
0x452: {  	v15 =	vmul.f32 v15, v14;
	v17 =	vmul.f32 v17, v16;
	_ =	sdelay $0x1  }
0x453: {  	v15 =	vsub.f32 $1.500000000e+00, v15;
	v17 =	vsub.f32 $1.500000000e+00, v17  }
0x454: {  	v11 =	vsub.f32 v11, v12  }
0x455: {  	v10 =	vadd.f32 v13, v10;
	v62 =	vmul.f32 v15, v14;
	v63 =	vmul.f32 v17, v16  }
0x456: {  	vm1 =	vgt.f32 v8, $5.000000000e-01;
	vm2 =	vgt.f32 v9, $5.000000000e-01;
	v11 =	vmul.f32 v11, v11  }
0x457: {  	v8 =	vnsel vm1, $0x0, v62;
	v9 =	vnsel vm2, $0x0, v63  }
0x458: {  	s19 =	sadd.s32 $0x1, s19;
	v10 =	vadd.f32 v11, v10;
	v8 =	vmul.f32 v9, v8  }
0x459: {  	p0 =	sne.s32 s19, s17  }
.Ltmp40:
0x45a: {  	v8 =	vmul.f32 v10, v8;
	(pc) =	sbr.rel @p0 .LBB2_42-.Ltmp40, $4  }
.Ltmp41:
0x45b: {  	_ = 	snop;
	(pc) =	sbr.rel @!p0 .LBB2_75-.Ltmp41, $4  }
0x45c: {  	v7 =	vadd.f32 v8, v7  }
0x45d: {  	_ = 	snop  }
0x45e: {  	[tilespmem:$0x11280] =	vst v7  }
0x45f: {  	_ = 	snop  }
.LBB2_76:
0x460: {  	_ =	sfence.sel $0x180000  }
0x461: {  	[bflag:$0x0] =	sbarrier.arrive $0xFFFF  }
0x462: {  	_ =	strace $0x90000047  }
0x463: {  	s0 =	stileid.u32;
	[bflag:$0x2] =	sbarrier.arrive $0xFFFF  }
0x464: {  	p0 =	sne.s32 s0, $0x0;
	s0 =	rddreg [dreg:$0x4]  }
0x465: {  	s0 =	sadd.s32 @!p0 $0x100000, s0  }
0x466: {  	[sflag:s0] =	ssyncadd.tile.s32 @!p0 $0x1;
	_ =	shalt  }
.Lfunc_end2:
_tile_overlayer_lowered:
.L_overlay_start_2:
0x467: {  	(tag) =	ssettag $0x2  }
0x468: {  	s0 =	rddreg [dreg:$0x0];
	s2 =	stileid.u32  }
0x469: {  	s1 =	rddreg [dreg:$0x1];
	p0 =	sne.s32 s2, $0x0  }
0x46a: {  	s3 =	rddreg [dreg:$0x2];
	[bflag:$0x3] =	sbarrier.arrive $0xFFFF;
	s2 =	simm.s32 @!p0 $0x1C03  }
0x46b: {  	[timem:s3], [sflag:s2] =	dma.local @!p0 [hbm:s0], s1  }
0x46c: {  	s0 =	simm.s32 @!p0 $0x3  }
0x46d: {  	_ =	swait.ge @!p0 [sflag:s0], s1  }
0x46e: {  	s1 =	ssub.s32 @!p0 $0x0, s1;
	[sflag:s0] =	ssyncset.done @!p0 $0x0  }
0x46f: {  	[sflag:s0] =	ssyncadd.s32 @!p0 s1  }
0x470: {  	[bflag:$0x3] =	sbarrier.arrive $0xFFFF  }
0x471: {  	_ =	shalt  }

</sc_bundles>
